<compile_context>
chip_gen: v7x
topology: tpu7x:2x2x1
jax: 0.10.2.dev20260603
libtpu: 0.0.44.dev20260713+nightly
codegen_flags: <defaults>
</compile_context>

<pallas_src>
import jax
import jax.numpy as jnp
from jax import lax
from jax.experimental import pallas as pl
from jax.experimental.pallas import tpu as pltpu
from jax.experimental.pallas import tpu_sc as plsc

_EMB = 1024
_DFF = 2048
_E = 8
_W_IMPORTANCE = 0.01

_N = 4096
_A = 2 * _N
_TB = 256
_P = _A + _E * _TB
_NT = _P // _TB
_NW = 32
_TW = _N // _NW
_TM = 1024


def _gate_kernel(q_ref, wv_ref, bv_ref, wo_ref, bo_ref, gw_ref, gb_ref,
                 prob_ref, i1_ref, i2_ref, w1_ref, w2_ref, r1_ref, r2_ref,
                 imp_ref, counts_ref, eid_ref, carry_ref):
    t = pl.program_id(0)
    v = jnp.dot(q_ref[...], wv_ref[...], preferred_element_type=jnp.float32)
    v = v + bv_ref[...]
    att = jnp.dot(v, wo_ref[...], preferred_element_type=jnp.float32)
    att = att + bo_ref[...]
    logits = jnp.dot(att, gw_ref[...], preferred_element_type=jnp.float32)
    logits = logits + gb_ref[...]
    lmax = jnp.max(logits, axis=1, keepdims=True)
    ex = jnp.exp(logits - lmax)
    p = ex / jnp.sum(ex, axis=1, keepdims=True)
    prob_ref[...] = p

    iota = lax.broadcasted_iota(jnp.int32, p.shape, 1)
    m1 = jnp.max(p, axis=1, keepdims=True)
    i1 = jnp.min(jnp.where(p == m1, iota, _E), axis=1, keepdims=True)
    oh1 = iota == i1
    pm = jnp.where(oh1, -jnp.inf, p)
    m2 = jnp.max(pm, axis=1, keepdims=True)
    i2 = jnp.min(jnp.where(pm == m2, iota, _E), axis=1, keepdims=True)
    oh2 = iota == i2
    e21 = jnp.exp(m2 - m1)
    i1_ref[...] = i1
    i2_ref[...] = i2
    w1_ref[...] = 1.0 / (1.0 + e21)
    w2_ref[...] = e21 / (1.0 + e21)

    @pl.when(t == 0)
    def _():
        imp_ref[...] = jnp.zeros_like(imp_ref)
        carry_ref[...] = jnp.zeros_like(carry_ref)

    imp_ref[...] += jnp.sum(p, axis=0, keepdims=True)

    oh1f = oh1.astype(jnp.float32)
    oh2f = oh2.astype(jnp.float32)
    ohb = oh1f + oh2f
    tri = (lax.broadcasted_iota(jnp.int32, (_TM, _TM), 0) >=
           lax.broadcasted_iota(jnp.int32, (_TM, _TM), 1)).astype(jnp.float32)
    csum = jnp.dot(tri, ohb, preferred_element_type=jnp.float32)
    csum = csum + carry_ref[...]
    r1_ref[...] = (jnp.sum(oh1f * csum, axis=1, keepdims=True) - 1.0
                   ).astype(jnp.int32)
    r2_ref[...] = (jnp.sum(oh2f * csum, axis=1, keepdims=True) - 1.0
                   ).astype(jnp.int32)
    carry_ref[...] += jnp.sum(ohb, axis=0, keepdims=True)

    @pl.when(t == (_N // _TM) - 1)
    def _():
        cnt = carry_ref[...]
        counts_ref[...] = cnt.astype(jnp.int32)
        pc = jnp.floor((cnt + (_TB - 1)) / _TB) * _TB
        tri8 = (lax.broadcasted_iota(jnp.int32, (_E, _E), 0) <=
                lax.broadcasted_iota(jnp.int32, (_E, _E), 1)).astype(jnp.float32)
        cse = jnp.dot(pc, tri8, preferred_element_type=jnp.float32)
        ti = lax.broadcasted_iota(jnp.int32, (1, 48), 1) * _TB
        acc = jnp.zeros((1, 48), jnp.int32)
        for e in range(_E):
            acc += (ti >= cse[0, e].astype(jnp.int32)).astype(jnp.int32)
        eid_ref[...] = jnp.minimum(acc, _E - 1)


def _dispatch_kernel(i1_h, i2_h, r1_h, r2_h, counts_h, xb_h, w1_h, w2_h,
                     xs_h, ws_h, s1_h, s2_h,
                     cnt_v, base_v, iv_v, rv_v, wv_v, idx_v, xrow_v, sem):
    cid = lax.axis_index("c")
    sid = lax.axis_index("s")
    wid = sid * 2 + cid
    tokbase = wid * _TW

    pltpu.sync_copy(counts_h, cnt_v)
    c = cnt_v[...]
    pc = ((c + (_TB - 1)) >> 8) << 8
    cs = plsc.cumsum(pc)
    base_v[...] = cs - pc

    pltpu.sync_copy(i1_h.at[pl.ds(tokbase, _TW)], iv_v.at[0])
    pltpu.sync_copy(i2_h.at[pl.ds(tokbase, _TW)], iv_v.at[1])
    pltpu.sync_copy(r1_h.at[pl.ds(tokbase, _TW)], rv_v.at[0])
    pltpu.sync_copy(r2_h.at[pl.ds(tokbase, _TW)], rv_v.at[1])
    pltpu.sync_copy(w1_h.at[pl.ds(tokbase, _TW)], wv_v.at[0])
    pltpu.sync_copy(w2_h.at[pl.ds(tokbase, _TW)], wv_v.at[1])
    pltpu.sync_copy(xb_h.at[pl.ds(tokbase, _TW)], xrow_v)

    for k in range(2):
        for v in range(_TW // 16):
            e = iv_v[k, pl.ds(v * 16, 16)]
            r = rv_v[k, pl.ds(v * 16, 16)]
            b = plsc.load_gather(base_v, [e])
            idx_v[k, pl.ds(v * 16, 16)] = b + r

    copies = [
        pltpu.async_copy(xrow_v, xs_h.at[idx_v.at[0]], sem),
        pltpu.async_copy(xrow_v, xs_h.at[idx_v.at[1]], sem),
        pltpu.async_copy(wv_v.at[0], ws_h.at[idx_v.at[0]], sem),
        pltpu.async_copy(wv_v.at[1], ws_h.at[idx_v.at[1]], sem),
    ]
    for cp in copies:
        cp.wait()

    pltpu.sync_copy(idx_v.at[0], s1_h.at[wid])
    pltpu.sync_copy(idx_v.at[1], s2_h.at[wid])


def _expert_kernel(eid_ref, xs_ref, w1_ref, b1_ref, w2_ref, b2_ref, ws_ref,
                   ys_ref):
    h = jnp.dot(xs_ref[...], w1_ref[0], preferred_element_type=jnp.float32)
    h = jnp.maximum(h + b1_ref[0], 0.0).astype(jnp.bfloat16)
    part = jnp.dot(h, w2_ref[0], preferred_element_type=jnp.float32)
    ys_ref[...] = ((part + b2_ref[0]) * ws_ref[0]).astype(jnp.bfloat16)


def _combine_kernel(ys_h, s1_h, s2_h, y_h, sv_v, g1_v, g2_v, obuf_v,
                    sem0, sem1):
    cid = lax.axis_index("c")
    sid = lax.axis_index("s")
    wid = sid * 2 + cid
    tokbase = wid * _TW
    sems = (sem0, sem1)
    nv = _TW // 16
    hw = _EMB // 2

    pltpu.sync_copy(s1_h.at[wid], sv_v.at[0])
    pltpu.sync_copy(s2_h.at[wid], sv_v.at[1])

    def fire(v):
        par = v % 2
        return (
            pltpu.async_copy(
                ys_h.at[sv_v.at[0, pl.ds(v * 16, 16)]], g1_v.at[par],
                sems[par]),
            pltpu.async_copy(
                ys_h.at[sv_v.at[1, pl.ds(v * 16, 16)]], g2_v.at[par],
                sems[par]),
        )

    pend = fire(0)
    for v in range(nv):
        par = v % 2
        for cp in pend:
            cp.wait()
        if v + 1 < nv:
            pend = fire(v + 1)
        def row_body(r, _, par=par):
            def col_body(ci, _):
                for u in range(4):
                    off = ci * 64 + u * 16
                    a = plsc.bitcast(g1_v[par, r, pl.ds(off, 16)],
                                     jnp.bfloat16)
                    b = plsc.bitcast(g2_v[par, r, pl.ds(off, 16)],
                                     jnp.bfloat16)
                    obuf_v[r, pl.ds(off, 16)] = plsc.bitcast(
                        a + b, jnp.int32)
                return 0
            lax.fori_loop(0, hw // 64, col_body, 0)
            return 0
        lax.fori_loop(0, 16, row_body, 0)
        pltpu.sync_copy(obuf_v, y_h.at[pl.ds(tokbase + v * 16, 16)])


def kernel(x, q, Wq, bq, Wk, bk, Wv, bv, Wo, bo, gate_W, gate_b, W1, b1, W2, b2):
    x_shape = x.shape
    xf = x.reshape(-1, x_shape[-1])
    N, d = xf.shape
    T = N // _TM

    (gate_prob, i1, i2, w1, w2, r1, r2, imp, counts, eid_row
     ) = pl.pallas_call(
        _gate_kernel,
        grid=(T,),
        in_specs=[
            pl.BlockSpec((_TM, d), lambda t: (t, 0)),
            pl.BlockSpec((d, d), lambda t: (0, 0)),
            pl.BlockSpec((1, d), lambda t: (0, 0)),
            pl.BlockSpec((d, d), lambda t: (0, 0)),
            pl.BlockSpec((1, d), lambda t: (0, 0)),
            pl.BlockSpec((d, _E), lambda t: (0, 0)),
            pl.BlockSpec((1, _E), lambda t: (0, 0)),
        ],
        out_specs=[
            pl.BlockSpec((_TM, _E), lambda t: (t, 0)),
            pl.BlockSpec((_TM, 1), lambda t: (t, 0)),
            pl.BlockSpec((_TM, 1), lambda t: (t, 0)),
            pl.BlockSpec((_TM, 1), lambda t: (t, 0)),
            pl.BlockSpec((_TM, 1), lambda t: (t, 0)),
            pl.BlockSpec((_TM, 1), lambda t: (t, 0)),
            pl.BlockSpec((_TM, 1), lambda t: (t, 0)),
            pl.BlockSpec((1, _E), lambda t: (0, 0)),
            pl.BlockSpec((1, _E), lambda t: (0, 0)),
            pl.BlockSpec((1, 48), lambda t: (0, 0)),
        ],
        out_shape=[
            jax.ShapeDtypeStruct((N, _E), jnp.float32),
            jax.ShapeDtypeStruct((N, 1), jnp.int32),
            jax.ShapeDtypeStruct((N, 1), jnp.int32),
            jax.ShapeDtypeStruct((N, 1), jnp.float32),
            jax.ShapeDtypeStruct((N, 1), jnp.float32),
            jax.ShapeDtypeStruct((N, 1), jnp.int32),
            jax.ShapeDtypeStruct((N, 1), jnp.int32),
            jax.ShapeDtypeStruct((1, _E), jnp.float32),
            jax.ShapeDtypeStruct((1, _E), jnp.int32),
            jax.ShapeDtypeStruct((1, 48), jnp.int32),
        ],
        scratch_shapes=[pltpu.VMEM((1, _E), jnp.float32)],
    )(q, Wv, bv.reshape(1, d), Wo, bo.reshape(1, d),
      gate_W, gate_b.reshape(1, _E))

    counts16 = jnp.pad(counts.reshape(_E), (0, 8))
    xbi = lax.bitcast_convert_type(
        xf.astype(jnp.bfloat16).reshape(N, d // 2, 2), jnp.int32)

    mesh = plsc.VectorSubcoreMesh(
        core_axis_name="c", subcore_axis_name="s",
        num_cores=2, num_subcores=16)

    xs, ws, s1, s2 = pl.kernel(
        _dispatch_kernel,
        mesh=mesh,
        compiler_params=pltpu.CompilerParams(needs_layout_passes=False),
        out_type=[
            jax.ShapeDtypeStruct((_P, _EMB // 2), jnp.int32),
            jax.ShapeDtypeStruct((_P,), jnp.float32),
            jax.ShapeDtypeStruct((_NW, _TW), jnp.int32),
            jax.ShapeDtypeStruct((_NW, _TW), jnp.int32),
        ],
        scratch_types=[
            pltpu.VMEM((16,), jnp.int32),
            pltpu.VMEM((16,), jnp.int32),
            pltpu.VMEM((2, _TW), jnp.int32),
            pltpu.VMEM((2, _TW), jnp.int32),
            pltpu.VMEM((2, _TW), jnp.float32),
            pltpu.VMEM((2, _TW), jnp.int32),
            pltpu.VMEM((_TW, _EMB // 2), jnp.int32),
            pltpu.SemaphoreType.DMA,
        ],
    )(i1.reshape(N), i2.reshape(N), r1.reshape(N), r2.reshape(N),
      counts16, xbi, w1.reshape(N), w2.reshape(N))

    xs2 = lax.bitcast_convert_type(xs, jnp.bfloat16).reshape(_P, d)
    ws3 = ws.reshape(_NT, _TB, 1)
    eid = eid_row.reshape(48)
    w1b = W1.astype(jnp.bfloat16)
    w2b = W2.astype(jnp.bfloat16)
    b1r = b1.reshape(_E, 1, _DFF)
    b2r = b2.reshape(_E, 1, d)

    ys = pl.pallas_call(
        _expert_kernel,
        grid_spec=pltpu.PrefetchScalarGridSpec(
            num_scalar_prefetch=1,
            grid=(_NT,),
            in_specs=[
                pl.BlockSpec((_TB, d), lambda t, eid: (t, 0)),
                pl.BlockSpec((1, d, _DFF), lambda t, eid: (eid[t], 0, 0)),
                pl.BlockSpec((1, 1, _DFF), lambda t, eid: (eid[t], 0, 0)),
                pl.BlockSpec((1, _DFF, d), lambda t, eid: (eid[t], 0, 0)),
                pl.BlockSpec((1, 1, d), lambda t, eid: (eid[t], 0, 0)),
                pl.BlockSpec((1, _TB, 1), lambda t, eid: (t, 0, 0)),
            ],
            out_specs=pl.BlockSpec((_TB, d), lambda t, eid: (t, 0)),
        ),
        out_shape=jax.ShapeDtypeStruct((_P, d), jnp.bfloat16),
    )(eid, xs2, w1b, b1r, w2b, b2r, ws3)

    ysi = lax.bitcast_convert_type(
        ys.reshape(_P, d // 2, 2), jnp.int32)

    yi = pl.kernel(
        _combine_kernel,
        mesh=mesh,
        compiler_params=pltpu.CompilerParams(needs_layout_passes=False),
        out_type=jax.ShapeDtypeStruct((N, d // 2), jnp.int32),
        scratch_types=[
            pltpu.VMEM((2, _TW), jnp.int32),
            pltpu.VMEM((2, 16, _EMB // 2), jnp.int32),
            pltpu.VMEM((2, 16, _EMB // 2), jnp.int32),
            pltpu.VMEM((16, _EMB // 2), jnp.int32),
            pltpu.SemaphoreType.DMA,
            pltpu.SemaphoreType.DMA,
        ],
    )(ysi, s1, s2)

    y = lax.bitcast_convert_type(yi, jnp.bfloat16).reshape(N, d)
    y = y.astype(jnp.float32)

    importance = imp[0]
    importance_loss = _W_IMPORTANCE * (
        jnp.std(importance, ddof=1) / jnp.mean(importance)) ** 2
    return y.reshape(x_shape), gate_prob, importance_loss

# --- scband reference (transcript-rebuilt; emitter-appended) ---
"""Pipeline reference for scband-mo-e-28157805592688 (READ-ONLY COPY).

The authoritative reference and input builder live on the scoring server;
editing this copy changes nothing except your own understanding.
"""

import jax, jax.numpy as jnp
import numpy as np

EMB = 1024
DFF = 2048
E = 8
TOP = 2
HEADS = 16
B, S = 2, 2048
W_IMPORTANCE = 0.01


def setup_inputs(seed: int = 0) -> dict:
    key = jax.random.key(seed)
    ks = jax.random.split(key, 16)
    s = 0.02
    inp = {}
    inp["x"] = jax.random.normal(ks[0], (B, S, EMB), dtype=jnp.float32)
    inp["q"] = jax.random.normal(ks[1], (B * S, EMB), dtype=jnp.float32)
    # CrossAttention projection weights
    inp["Wq"] = jax.random.normal(ks[2], (EMB, EMB), dtype=jnp.float32) * s
    inp["bq"] = jnp.zeros((EMB,), jnp.float32)
    inp["Wk"] = jax.random.normal(ks[3], (EMB, EMB), dtype=jnp.float32) * s
    inp["bk"] = jnp.zeros((EMB,), jnp.float32)
    inp["Wv"] = jax.random.normal(ks[4], (EMB, EMB), dtype=jnp.float32) * s
    inp["bv"] = jnp.zeros((EMB,), jnp.float32)
    inp["Wo"] = jax.random.normal(ks[5], (EMB, EMB), dtype=jnp.float32) * s
    inp["bo"] = jnp.zeros((EMB,), jnp.float32)
    # gate
    inp["gate_W"] = jax.random.normal(ks[6], (EMB, E), dtype=jnp.float32) * s
    inp["gate_b"] = jnp.zeros((E,), jnp.float32)
    # expert FFN weights (one 2-layer MLP per expert)
    inp["W1"] = jax.random.normal(ks[7], (E, EMB, DFF), dtype=jnp.float32) * s
    inp["b1"] = jnp.zeros((E, DFF), jnp.float32)
    inp["W2"] = jax.random.normal(ks[8], (E, DFF, EMB), dtype=jnp.float32) * s
    inp["b2"] = jnp.zeros((E, EMB), jnp.float32)
    return inp


def reference(x, q, Wq, bq, Wk, bk, Wv, bv, Wo, bo, gate_W, gate_b, W1, b1, W2, b2):
    x_shape = x.shape
    xf = x.reshape(-1, x_shape[-1])  # [N, d]
    N, d = xf.shape
    dh = d // HEADS
    # CrossAttention with query seq-len 1 and key/value seq-len 1 per token
    qh = (xf @ Wq + bq).reshape(N, HEADS, dh)
    kh = (q @ Wk + bk).reshape(N, HEADS, dh)
    vh = (q @ Wv + bv).reshape(N, HEADS, dh)
    scores = jnp.sum(qh * kh, axis=-1, keepdims=True) / jnp.sqrt(jnp.float32(dh))  # [N,H,1]
    attn = jax.nn.softmax(scores, axis=-1)  # key dim has length 1
    att_out = (attn * vh).reshape(N, d)
    att = att_out @ Wo + bo  # [N, d]
    # gating (eval mode: no gate noise)
    gate_logits = att @ gate_W + gate_b
    gate_prob = jax.nn.softmax(gate_logits, axis=-1)  # [N, E]
    top_w, top_i = jax.lax.top_k(gate_prob, TOP)  # [N, TOP]
    top_w = jax.nn.softmax(top_w, axis=-1)
    # apply every expert to every token, then gather the routed outputs
    h = jnp.einsum('nd,edf->enf', xf, W1) + b1[:, None, :]
    h = jax.nn.relu(h)
    eo = jnp.einsum('enf,efd->end', h, W2) + b2[:, None, :]  # [E, N, d]
    rows = jnp.arange(N)
    y = jnp.zeros_like(xf)
    for k in range(TOP):
        y = y + top_w[:, k:k + 1] * eo[top_i[:, k], rows]
    importance = gate_prob.sum(axis=0)
    importance_loss = W_IMPORTANCE * (jnp.std(importance, ddof=1) / jnp.mean(importance)) ** 2
    return y.reshape(x_shape), gate_prob, importance_loss

if __name__ == "__main__":
    import jax
    _d = setup_inputs()
    print(jax.jit(kernel)(*tuple(_d.values())))

</pallas_src>

<mosaic_0001>
#map = affine_map<(d0, d1) -> (0)>
#map1 = affine_map<(d0, d1) -> (0, 0)>
module attributes {stable_mosaic.version = 14 : i64} {
  func.func @_dispatch_kernel(%arg0: i32, %arg1: i32, %arg2: memref<4096xi32, #tpu.memory_space<hbm>>, %arg3: memref<4096xi32, #tpu.memory_space<hbm>>, %arg4: memref<4096xi32, #tpu.memory_space<hbm>>, %arg5: memref<4096xi32, #tpu.memory_space<hbm>>, %arg6: memref<16xi32, #tpu.memory_space<hbm>>, %arg7: memref<4096x512xi32, #tpu.memory_space<hbm>>, %arg8: memref<4096xf32, #tpu.memory_space<hbm>>, %arg9: memref<4096xf32, #tpu.memory_space<hbm>>, %arg10: memref<10240x512xi32, #tpu.memory_space<hbm>>, %arg11: memref<10240xf32, #tpu.memory_space<hbm>>, %arg12: memref<32x128xi32, #tpu.memory_space<hbm>>, %arg13: memref<32x128xi32, #tpu.memory_space<hbm>>, %arg14: memref<16xi32, #tpu.memory_space<vmem>>, %arg15: memref<16xi32, #tpu.memory_space<vmem>>, %arg16: memref<2x128xi32, #tpu.memory_space<vmem>>, %arg17: memref<2x128xi32, #tpu.memory_space<vmem>>, %arg18: memref<2x128xf32, #tpu.memory_space<vmem>>, %arg19: memref<2x128xi32, #tpu.memory_space<vmem>>, %arg20: memref<128x512xi32, #tpu.memory_space<vmem>>, %arg21: memref<!tpu.dma_semaphore, #tpu.memory_space<semaphore_mem>>) attributes {dimension_semantics = [#tpu.dimension_semantics<core_parallel>, #tpu.dimension_semantics<subcore_parallel>], iteration_bounds = array<i64: 2, 16>, scalar_prefetch = 0 : i64, scratch_operands = 8 : i64, tpu.core_type = #tpu.core_type<sc_vector_subcore>, window_params = [{transform_indices = #map}, {transform_indices = #map}, {transform_indices = #map}, {transform_indices = #map}, {transform_indices = #map}, {transform_indices = #map1}, {transform_indices = #map}, {transform_indices = #map}, {transform_indices = #map1}, {transform_indices = #map}, {transform_indices = #map1}, {transform_indices = #map1}]} {
    %mul3A = arith.constant 2 : i32
    %mul3A_0 = arith.muli %arg1, %mul3A : i32
    %add3A = arith.addi %mul3A_0, %arg0 : i32
    %mul3A_1 = arith.constant 128 : i32
    %mul3A_2 = arith.muli %add3A, %mul3A_1 : i32
    "tpu.region"() ({
      %run_scoped3A_309 = tpu.sem_alloc : memref<!tpu.dma_semaphore, #tpu.memory_space<semaphore_mem>>
      tpu.enqueue_dma source(%arg6 : memref<16xi32, #tpu.memory_space<hbm>>) target(%arg14 : memref<16xi32, #tpu.memory_space<vmem>>) target_semaphore(%run_scoped3A_309 : memref<!tpu.dma_semaphore, #tpu.memory_space<semaphore_mem>>)
      tpu.wait_dma2 semaphore(%run_scoped3A_309 : memref<!tpu.dma_semaphore, #tpu.memory_space<semaphore_mem>>) src(%arg6 : memref<16xi32, #tpu.memory_space<hbm>>) dst(%arg14 : memref<16xi32, #tpu.memory_space<vmem>>)
      tpu.yield
    }) : () -> ()
    %get3A = arith.constant 0 : index
    %get3A_3 = tpu.vector_load %arg14[%get3A] {strides = array<i32>} : memref<16xi32, #tpu.memory_space<vmem>>, vector<16xi32>,
    %add3A_4 = arith.constant 255 : i32
    %add3A_5 = vector.broadcast %add3A_4 : i32 to vector<16xi32>
    %add3A_6 = arith.addi %get3A_3, %add3A_5 : vector<16xi32>
    %shift_right_arithmetic3A = arith.constant 8 : i32
    %shift_right_arithmetic3A_7 = vector.broadcast %shift_right_arithmetic3A : i32 to vector<16xi32>
    %shift_right_arithmetic3A_8 = arith.shrsi %add3A_6, %shift_right_arithmetic3A_7 : vector<16xi32>
    %shift_left3A = arith.constant 8 : i32
    %shift_left3A_9 = vector.broadcast %shift_left3A : i32 to vector<16xi32>
    %shift_left3A_10 = arith.shli %shift_right_arithmetic3A_8, %shift_left3A_9 : vector<16xi32>
    %broadcast_in_dim3A = arith.constant true
    %broadcast_in_dim3A_11 = vector.broadcast %broadcast_in_dim3A : i1 to vector<16xi1>
    %masked_cumsum3A = tpu.scan <sum>, %shift_left3A_10 masked %broadcast_in_dim3A_11 : vector<16xi32>, vector<16xi1> -> vector<16xi32>
    %sub3A = arith.subi %masked_cumsum3A, %shift_left3A_10 : vector<16xi32>
    %swap3A = arith.constant 0 : index
    %swap3A_12 = tpu.vector_load %arg15[%swap3A] {strides = array<i32>} : memref<16xi32, #tpu.memory_space<vmem>>, vector<16xi32>,
    tpu.vector_store %arg15[%swap3A], %sub3A {strides = array<i32>} : memref<16xi32, #tpu.memory_space<vmem>>, vector<16xi32>,
    %run_scoped3A = arith.constant 0 : i32
    "tpu.region"() ({
      %run_scoped3A_309 = tpu.sem_alloc : memref<!tpu.dma_semaphore, #tpu.memory_space<semaphore_mem>>
      %dma_start3A_310 = arith.constant 0 : i32
      %dma_start3A_311 = tpu.memref_slice %arg16[%run_scoped3A, %dma_start3A_310] : memref<2x128xi32, #tpu.memory_space<vmem>> -> memref<1x128xi32, #tpu.memory_space<vmem>>
      %dma_start3A_312 = tpu.memref_squeeze %dma_start3A_311 : memref<1x128xi32, #tpu.memory_space<vmem>> -> memref<128xi32, #tpu.memory_space<vmem>>
      %dma_start3A_313 = tpu.memref_slice %arg2[%mul3A_2] : memref<4096xi32, #tpu.memory_space<hbm>> -> memref<128xi32, #tpu.memory_space<hbm>>
      %dma_start3A_314 = arith.constant 0 : i32
      %dma_start3A_315 = tpu.memref_slice %arg16[%run_scoped3A, %dma_start3A_314] : memref<2x128xi32, #tpu.memory_space<vmem>> -> memref<1x128xi32, #tpu.memory_space<vmem>>
      %dma_start3A_316 = tpu.memref_squeeze %dma_start3A_315 : memref<1x128xi32, #tpu.memory_space<vmem>> -> memref<128xi32, #tpu.memory_space<vmem>>
      %dma_start3A_317 = tpu.memref_slice %arg2[%mul3A_2] : memref<4096xi32, #tpu.memory_space<hbm>> -> memref<128xi32, #tpu.memory_space<hbm>>
      tpu.enqueue_dma source(%dma_start3A_317 : memref<128xi32, #tpu.memory_space<hbm>>) target(%dma_start3A_316 : memref<128xi32, #tpu.memory_space<vmem>>) target_semaphore(%run_scoped3A_309 : memref<!tpu.dma_semaphore, #tpu.memory_space<semaphore_mem>>)
      %dma_wait3A_318 = arith.constant 0 : i32
      %dma_wait3A_319 = tpu.memref_slice %arg16[%run_scoped3A, %dma_wait3A_318] : memref<2x128xi32, #tpu.memory_space<vmem>> -> memref<1x128xi32, #tpu.memory_space<vmem>>
      %dma_wait3A_320 = tpu.memref_squeeze %dma_wait3A_319 : memref<1x128xi32, #tpu.memory_space<vmem>> -> memref<128xi32, #tpu.memory_space<vmem>>
      %dma_wait3A_321 = tpu.memref_slice %arg2[%mul3A_2] : memref<4096xi32, #tpu.memory_space<hbm>> -> memref<128xi32, #tpu.memory_space<hbm>>
      %dma_wait3A_322 = arith.constant 0 : i32
      %dma_wait3A_323 = tpu.memref_slice %arg16[%run_scoped3A, %dma_wait3A_322] : memref<2x128xi32, #tpu.memory_space<vmem>> -> memref<1x128xi32, #tpu.memory_space<vmem>>
      %dma_wait3A_324 = tpu.memref_squeeze %dma_wait3A_323 : memref<1x128xi32, #tpu.memory_space<vmem>> -> memref<128xi32, #tpu.memory_space<vmem>>
      %dma_wait3A_325 = tpu.memref_slice %arg2[%mul3A_2] : memref<4096xi32, #tpu.memory_space<hbm>> -> memref<128xi32, #tpu.memory_space<hbm>>
      tpu.wait_dma2 semaphore(%run_scoped3A_309 : memref<!tpu.dma_semaphore, #tpu.memory_space<semaphore_mem>>) src(%dma_wait3A_325 : memref<128xi32, #tpu.memory_space<hbm>>) dst(%dma_wait3A_324 : memref<128xi32, #tpu.memory_space<vmem>>)
      tpu.yield
    }) : () -> ()
    %run_scoped3A_13 = arith.constant 1 : i32
    "tpu.region"() ({
      %run_scoped3A_309 = tpu.sem_alloc : memref<!tpu.dma_semaphore, #tpu.memory_space<semaphore_mem>>
      %dma_start3A_310 = arith.constant 0 : i32
      %dma_start3A_311 = tpu.memref_slice %arg16[%run_scoped3A_13, %dma_start3A_310] : memref<2x128xi32, #tpu.memory_space<vmem>> -> memref<1x128xi32, #tpu.memory_space<vmem>>
      %dma_start3A_312 = tpu.memref_squeeze %dma_start3A_311 : memref<1x128xi32, #tpu.memory_space<vmem>> -> memref<128xi32, #tpu.memory_space<vmem>>
      %dma_start3A_313 = tpu.memref_slice %arg3[%mul3A_2] : memref<4096xi32, #tpu.memory_space<hbm>> -> memref<128xi32, #tpu.memory_space<hbm>>
      %dma_start3A_314 = arith.constant 0 : i32
      %dma_start3A_315 = tpu.memref_slice %arg16[%run_scoped3A_13, %dma_start3A_314] : memref<2x128xi32, #tpu.memory_space<vmem>> -> memref<1x128xi32, #tpu.memory_space<vmem>>
      %dma_start3A_316 = tpu.memref_squeeze %dma_start3A_315 : memref<1x128xi32, #tpu.memory_space<vmem>> -> memref<128xi32, #tpu.memory_space<vmem>>
      %dma_start3A_317 = tpu.memref_slice %arg3[%mul3A_2] : memref<4096xi32, #tpu.memory_space<hbm>> -> memref<128xi32, #tpu.memory_space<hbm>>
      tpu.enqueue_dma source(%dma_start3A_317 : memref<128xi32, #tpu.memory_space<hbm>>) target(%dma_start3A_316 : memref<128xi32, #tpu.memory_space<vmem>>) target_semaphore(%run_scoped3A_309 : memref<!tpu.dma_semaphore, #tpu.memory_space<semaphore_mem>>)
      %dma_wait3A_318 = arith.constant 0 : i32
      %dma_wait3A_319 = tpu.memref_slice %arg16[%run_scoped3A_13, %dma_wait3A_318] : memref<2x128xi32, #tpu.memory_space<vmem>> -> memref<1x128xi32, #tpu.memory_space<vmem>>
      %dma_wait3A_320 = tpu.memref_squeeze %dma_wait3A_319 : memref<1x128xi32, #tpu.memory_space<vmem>> -> memref<128xi32, #tpu.memory_space<vmem>>
      %dma_wait3A_321 = tpu.memref_slice %arg3[%mul3A_2] : memref<4096xi32, #tpu.memory_space<hbm>> -> memref<128xi32, #tpu.memory_space<hbm>>
      %dma_wait3A_322 = arith.constant 0 : i32
      %dma_wait3A_323 = tpu.memref_slice %arg16[%run_scoped3A_13, %dma_wait3A_322] : memref<2x128xi32, #tpu.memory_space<vmem>> -> memref<1x128xi32, #tpu.memory_space<vmem>>
      %dma_wait3A_324 = tpu.memref_squeeze %dma_wait3A_323 : memref<1x128xi32, #tpu.memory_space<vmem>> -> memref<128xi32, #tpu.memory_space<vmem>>
      %dma_wait3A_325 = tpu.memref_slice %arg3[%mul3A_2] : memref<4096xi32, #tpu.memory_space<hbm>> -> memref<128xi32, #tpu.memory_space<hbm>>
      tpu.wait_dma2 semaphore(%run_scoped3A_309 : memref<!tpu.dma_semaphore, #tpu.memory_space<semaphore_mem>>) src(%dma_wait3A_325 : memref<128xi32, #tpu.memory_space<hbm>>) dst(%dma_wait3A_324 : memref<128xi32, #tpu.memory_space<vmem>>)
      tpu.yield
    }) : () -> ()
    %run_scoped3A_14 = arith.constant 0 : i32
    "tpu.region"() ({
      %run_scoped3A_309 = tpu.sem_alloc : memref<!tpu.dma_semaphore, #tpu.memory_space<semaphore_mem>>
      %dma_start3A_310 = arith.constant 0 : i32
      %dma_start3A_311 = tpu.memref_slice %arg17[%run_scoped3A_14, %dma_start3A_310] : memref<2x128xi32, #tpu.memory_space<vmem>> -> memref<1x128xi32, #tpu.memory_space<vmem>>
      %dma_start3A_312 = tpu.memref_squeeze %dma_start3A_311 : memref<1x128xi32, #tpu.memory_space<vmem>> -> memref<128xi32, #tpu.memory_space<vmem>>
      %dma_start3A_313 = tpu.memref_slice %arg4[%mul3A_2] : memref<4096xi32, #tpu.memory_space<hbm>> -> memref<128xi32, #tpu.memory_space<hbm>>
      %dma_start3A_314 = arith.constant 0 : i32
      %dma_start3A_315 = tpu.memref_slice %arg17[%run_scoped3A_14, %dma_start3A_314] : memref<2x128xi32, #tpu.memory_space<vmem>> -> memref<1x128xi32, #tpu.memory_space<vmem>>
      %dma_start3A_316 = tpu.memref_squeeze %dma_start3A_315 : memref<1x128xi32, #tpu.memory_space<vmem>> -> memref<128xi32, #tpu.memory_space<vmem>>
      %dma_start3A_317 = tpu.memref_slice %arg4[%mul3A_2] : memref<4096xi32, #tpu.memory_space<hbm>> -> memref<128xi32, #tpu.memory_space<hbm>>
      tpu.enqueue_dma source(%dma_start3A_317 : memref<128xi32, #tpu.memory_space<hbm>>) target(%dma_start3A_316 : memref<128xi32, #tpu.memory_space<vmem>>) target_semaphore(%run_scoped3A_309 : memref<!tpu.dma_semaphore, #tpu.memory_space<semaphore_mem>>)
      %dma_wait3A_318 = arith.constant 0 : i32
      %dma_wait3A_319 = tpu.memref_slice %arg17[%run_scoped3A_14, %dma_wait3A_318] : memref<2x128xi32, #tpu.memory_space<vmem>> -> memref<1x128xi32, #tpu.memory_space<vmem>>
      %dma_wait3A_320 = tpu.memref_squeeze %dma_wait3A_319 : memref<1x128xi32, #tpu.memory_space<vmem>> -> memref<128xi32, #tpu.memory_space<vmem>>
      %dma_wait3A_321 = tpu.memref_slice %arg4[%mul3A_2] : memref<4096xi32, #tpu.memory_space<hbm>> -> memref<128xi32, #tpu.memory_space<hbm>>
      %dma_wait3A_322 = arith.constant 0 : i32
      %dma_wait3A_323 = tpu.memref_slice %arg17[%run_scoped3A_14, %dma_wait3A_322] : memref<2x128xi32, #tpu.memory_space<vmem>> -> memref<1x128xi32, #tpu.memory_space<vmem>>
      %dma_wait3A_324 = tpu.memref_squeeze %dma_wait3A_323 : memref<1x128xi32, #tpu.memory_space<vmem>> -> memref<128xi32, #tpu.memory_space<vmem>>
      %dma_wait3A_325 = tpu.memref_slice %arg4[%mul3A_2] : memref<4096xi32, #tpu.memory_space<hbm>> -> memref<128xi32, #tpu.memory_space<hbm>>
      tpu.wait_dma2 semaphore(%run_scoped3A_309 : memref<!tpu.dma_semaphore, #tpu.memory_space<semaphore_mem>>) src(%dma_wait3A_325 : memref<128xi32, #tpu.memory_space<hbm>>) dst(%dma_wait3A_324 : memref<128xi32, #tpu.memory_space<vmem>>)
      tpu.yield
    }) : () -> ()
    %run_scoped3A_15 = arith.constant 1 : i32
    "tpu.region"() ({
      %run_scoped3A_309 = tpu.sem_alloc : memref<!tpu.dma_semaphore, #tpu.memory_space<semaphore_mem>>
      %dma_start3A_310 = arith.constant 0 : i32
      %dma_start3A_311 = tpu.memref_slice %arg17[%run_scoped3A_15, %dma_start3A_310] : memref<2x128xi32, #tpu.memory_space<vmem>> -> memref<1x128xi32, #tpu.memory_space<vmem>>
      %dma_start3A_312 = tpu.memref_squeeze %dma_start3A_311 : memref<1x128xi32, #tpu.memory_space<vmem>> -> memref<128xi32, #tpu.memory_space<vmem>>
      %dma_start3A_313 = tpu.memref_slice %arg5[%mul3A_2] : memref<4096xi32, #tpu.memory_space<hbm>> -> memref<128xi32, #tpu.memory_space<hbm>>
      %dma_start3A_314 = arith.constant 0 : i32
      %dma_start3A_315 = tpu.memref_slice %arg17[%run_scoped3A_15, %dma_start3A_314] : memref<2x128xi32, #tpu.memory_space<vmem>> -> memref<1x128xi32, #tpu.memory_space<vmem>>
      %dma_start3A_316 = tpu.memref_squeeze %dma_start3A_315 : memref<1x128xi32, #tpu.memory_space<vmem>> -> memref<128xi32, #tpu.memory_space<vmem>>
      %dma_start3A_317 = tpu.memref_slice %arg5[%mul3A_2] : memref<4096xi32, #tpu.memory_space<hbm>> -> memref<128xi32, #tpu.memory_space<hbm>>
      tpu.enqueue_dma source(%dma_start3A_317 : memref<128xi32, #tpu.memory_space<hbm>>) target(%dma_start3A_316 : memref<128xi32, #tpu.memory_space<vmem>>) target_semaphore(%run_scoped3A_309 : memref<!tpu.dma_semaphore, #tpu.memory_space<semaphore_mem>>)
      %dma_wait3A_318 = arith.constant 0 : i32
      %dma_wait3A_319 = tpu.memref_slice %arg17[%run_scoped3A_15, %dma_wait3A_318] : memref<2x128xi32, #tpu.memory_space<vmem>> -> memref<1x128xi32, #tpu.memory_space<vmem>>
      %dma_wait3A_320 = tpu.memref_squeeze %dma_wait3A_319 : memref<1x128xi32, #tpu.memory_space<vmem>> -> memref<128xi32, #tpu.memory_space<vmem>>
      %dma_wait3A_321 = tpu.memref_slice %arg5[%mul3A_2] : memref<4096xi32, #tpu.memory_space<hbm>> -> memref<128xi32, #tpu.memory_space<hbm>>
      %dma_wait3A_322 = arith.constant 0 : i32
      %dma_wait3A_323 = tpu.memref_slice %arg17[%run_scoped3A_15, %dma_wait3A_322] : memref<2x128xi32, #tpu.memory_space<vmem>> -> memref<1x128xi32, #tpu.memory_space<vmem>>
      %dma_wait3A_324 = tpu.memref_squeeze %dma_wait3A_323 : memref<1x128xi32, #tpu.memory_space<vmem>> -> memref<128xi32, #tpu.memory_space<vmem>>
      %dma_wait3A_325 = tpu.memref_slice %arg5[%mul3A_2] : memref<4096xi32, #tpu.memory_space<hbm>> -> memref<128xi32, #tpu.memory_space<hbm>>
      tpu.wait_dma2 semaphore(%run_scoped3A_309 : memref<!tpu.dma_semaphore, #tpu.memory_space<semaphore_mem>>) src(%dma_wait3A_325 : memref<128xi32, #tpu.memory_space<hbm>>) dst(%dma_wait3A_324 : memref<128xi32, #tpu.memory_space<vmem>>)
      tpu.yield
    }) : () -> ()
    %run_scoped3A_16 = arith.constant 0 : i32
    "tpu.region"() ({
      %run_scoped3A_309 = tpu.sem_alloc : memref<!tpu.dma_semaphore, #tpu.memory_space<semaphore_mem>>
      %dma_start3A_310 = arith.constant 0 : i32
      %dma_start3A_311 = tpu.memref_slice %arg18[%run_scoped3A_16, %dma_start3A_310] : memref<2x128xf32, #tpu.memory_space<vmem>> -> memref<1x128xf32, #tpu.memory_space<vmem>>
      %dma_start3A_312 = tpu.memref_squeeze %dma_start3A_311 : memref<1x128xf32, #tpu.memory_space<vmem>> -> memref<128xf32, #tpu.memory_space<vmem>>
      %dma_start3A_313 = tpu.memref_slice %arg8[%mul3A_2] : memref<4096xf32, #tpu.memory_space<hbm>> -> memref<128xf32, #tpu.memory_space<hbm>>
      %dma_start3A_314 = arith.constant 0 : i32
      %dma_start3A_315 = tpu.memref_slice %arg18[%run_scoped3A_16, %dma_start3A_314] : memref<2x128xf32, #tpu.memory_space<vmem>> -> memref<1x128xf32, #tpu.memory_space<vmem>>
      %dma_start3A_316 = tpu.memref_squeeze %dma_start3A_315 : memref<1x128xf32, #tpu.memory_space<vmem>> -> memref<128xf32, #tpu.memory_space<vmem>>
      %dma_start3A_317 = tpu.memref_slice %arg8[%mul3A_2] : memref<4096xf32, #tpu.memory_space<hbm>> -> memref<128xf32, #tpu.memory_space<hbm>>
      tpu.enqueue_dma source(%dma_start3A_317 : memref<128xf32, #tpu.memory_space<hbm>>) target(%dma_start3A_316 : memref<128xf32, #tpu.memory_space<vmem>>) target_semaphore(%run_scoped3A_309 : memref<!tpu.dma_semaphore, #tpu.memory_space<semaphore_mem>>)
      %dma_wait3A_318 = arith.constant 0 : i32
      %dma_wait3A_319 = tpu.memref_slice %arg18[%run_scoped3A_16, %dma_wait3A_318] : memref<2x128xf32, #tpu.memory_space<vmem>> -> memref<1x128xf32, #tpu.memory_space<vmem>>
      %dma_wait3A_320 = tpu.memref_squeeze %dma_wait3A_319 : memref<1x128xf32, #tpu.memory_space<vmem>> -> memref<128xf32, #tpu.memory_space<vmem>>
      %dma_wait3A_321 = tpu.memref_slice %arg8[%mul3A_2] : memref<4096xf32, #tpu.memory_space<hbm>> -> memref<128xf32, #tpu.memory_space<hbm>>
      %dma_wait3A_322 = arith.constant 0 : i32
      %dma_wait3A_323 = tpu.memref_slice %arg18[%run_scoped3A_16, %dma_wait3A_322] : memref<2x128xf32, #tpu.memory_space<vmem>> -> memref<1x128xf32, #tpu.memory_space<vmem>>
      %dma_wait3A_324 = tpu.memref_squeeze %dma_wait3A_323 : memref<1x128xf32, #tpu.memory_space<vmem>> -> memref<128xf32, #tpu.memory_space<vmem>>
      %dma_wait3A_325 = tpu.memref_slice %arg8[%mul3A_2] : memref<4096xf32, #tpu.memory_space<hbm>> -> memref<128xf32, #tpu.memory_space<hbm>>
      tpu.wait_dma2 semaphore(%run_scoped3A_309 : memref<!tpu.dma_semaphore, #tpu.memory_space<semaphore_mem>>) src(%dma_wait3A_325 : memref<128xf32, #tpu.memory_space<hbm>>) dst(%dma_wait3A_324 : memref<128xf32, #tpu.memory_space<vmem>>)
      tpu.yield
    }) : () -> ()
    %run_scoped3A_17 = arith.constant 1 : i32
    "tpu.region"() ({
      %run_scoped3A_309 = tpu.sem_alloc : memref<!tpu.dma_semaphore, #tpu.memory_space<semaphore_mem>>
      %dma_start3A_310 = arith.constant 0 : i32
      %dma_start3A_311 = tpu.memref_slice %arg18[%run_scoped3A_17, %dma_start3A_310] : memref<2x128xf32, #tpu.memory_space<vmem>> -> memref<1x128xf32, #tpu.memory_space<vmem>>
      %dma_start3A_312 = tpu.memref_squeeze %dma_start3A_311 : memref<1x128xf32, #tpu.memory_space<vmem>> -> memref<128xf32, #tpu.memory_space<vmem>>
      %dma_start3A_313 = tpu.memref_slice %arg9[%mul3A_2] : memref<4096xf32, #tpu.memory_space<hbm>> -> memref<128xf32, #tpu.memory_space<hbm>>
      %dma_start3A_314 = arith.constant 0 : i32
      %dma_start3A_315 = tpu.memref_slice %arg18[%run_scoped3A_17, %dma_start3A_314] : memref<2x128xf32, #tpu.memory_space<vmem>> -> memref<1x128xf32, #tpu.memory_space<vmem>>
      %dma_start3A_316 = tpu.memref_squeeze %dma_start3A_315 : memref<1x128xf32, #tpu.memory_space<vmem>> -> memref<128xf32, #tpu.memory_space<vmem>>
      %dma_start3A_317 = tpu.memref_slice %arg9[%mul3A_2] : memref<4096xf32, #tpu.memory_space<hbm>> -> memref<128xf32, #tpu.memory_space<hbm>>
      tpu.enqueue_dma source(%dma_start3A_317 : memref<128xf32, #tpu.memory_space<hbm>>) target(%dma_start3A_316 : memref<128xf32, #tpu.memory_space<vmem>>) target_semaphore(%run_scoped3A_309 : memref<!tpu.dma_semaphore, #tpu.memory_space<semaphore_mem>>)
      %dma_wait3A_318 = arith.constant 0 : i32
      %dma_wait3A_319 = tpu.memref_slice %arg18[%run_scoped3A_17, %dma_wait3A_318] : memref<2x128xf32, #tpu.memory_space<vmem>> -> memref<1x128xf32, #tpu.memory_space<vmem>>
      %dma_wait3A_320 = tpu.memref_squeeze %dma_wait3A_319 : memref<1x128xf32, #tpu.memory_space<vmem>> -> memref<128xf32, #tpu.memory_space<vmem>>
      %dma_wait3A_321 = tpu.memref_slice %arg9[%mul3A_2] : memref<4096xf32, #tpu.memory_space<hbm>> -> memref<128xf32, #tpu.memory_space<hbm>>
      %dma_wait3A_322 = arith.constant 0 : i32
      %dma_wait3A_323 = tpu.memref_slice %arg18[%run_scoped3A_17, %dma_wait3A_322] : memref<2x128xf32, #tpu.memory_space<vmem>> -> memref<1x128xf32, #tpu.memory_space<vmem>>
      %dma_wait3A_324 = tpu.memref_squeeze %dma_wait3A_323 : memref<1x128xf32, #tpu.memory_space<vmem>> -> memref<128xf32, #tpu.memory_space<vmem>>
      %dma_wait3A_325 = tpu.memref_slice %arg9[%mul3A_2] : memref<4096xf32, #tpu.memory_space<hbm>> -> memref<128xf32, #tpu.memory_space<hbm>>
      tpu.wait_dma2 semaphore(%run_scoped3A_309 : memref<!tpu.dma_semaphore, #tpu.memory_space<semaphore_mem>>) src(%dma_wait3A_325 : memref<128xf32, #tpu.memory_space<hbm>>) dst(%dma_wait3A_324 : memref<128xf32, #tpu.memory_space<vmem>>)
      tpu.yield
    }) : () -> ()
    "tpu.region"() ({
      %run_scoped3A_309 = tpu.sem_alloc : memref<!tpu.dma_semaphore, #tpu.memory_space<semaphore_mem>>
      %dma_start3A_310 = arith.constant 0 : i32
      %dma_start3A_311 = tpu.memref_slice %arg7[%mul3A_2, %dma_start3A_310] : memref<4096x512xi32, #tpu.memory_space<hbm>> -> memref<128x512xi32, #tpu.memory_space<hbm>>
      %dma_start3A_312 = arith.constant 0 : i32
      %dma_start3A_313 = tpu.memref_slice %arg7[%mul3A_2, %dma_start3A_312] : memref<4096x512xi32, #tpu.memory_space<hbm>> -> memref<128x512xi32, #tpu.memory_space<hbm>>
      tpu.enqueue_dma source(%dma_start3A_313 : memref<128x512xi32, #tpu.memory_space<hbm>>) target(%arg20 : memref<128x512xi32, #tpu.memory_space<vmem>>) target_semaphore(%run_scoped3A_309 : memref<!tpu.dma_semaphore, #tpu.memory_space<semaphore_mem>>)
      %dma_wait3A_314 = arith.constant 0 : i32
      %dma_wait3A_315 = tpu.memref_slice %arg7[%mul3A_2, %dma_wait3A_314] : memref<4096x512xi32, #tpu.memory_space<hbm>> -> memref<128x512xi32, #tpu.memory_space<hbm>>
      %dma_wait3A_316 = arith.constant 0 : i32
      %dma_wait3A_317 = tpu.memref_slice %arg7[%mul3A_2, %dma_wait3A_316] : memref<4096x512xi32, #tpu.memory_space<hbm>> -> memref<128x512xi32, #tpu.memory_space<hbm>>
      tpu.wait_dma2 semaphore(%run_scoped3A_309 : memref<!tpu.dma_semaphore, #tpu.memory_space<semaphore_mem>>) src(%dma_wait3A_317 : memref<128x512xi32, #tpu.memory_space<hbm>>) dst(%arg20 : memref<128x512xi32, #tpu.memory_space<vmem>>)
      tpu.yield
    }) : () -> ()
    %get3A_18 = arith.constant 0 : i32
    %get3A_19 = arith.index_cast %get3A_18 : i32 to index
    %get3A_20 = arith.constant 0 : index
    %get3A_21 = tpu.vector_load %arg16[%get3A_19, %get3A_20] {strides = array<i32>} : memref<2x128xi32, #tpu.memory_space<vmem>>, vector<16xi32>,
    %get3A_22 = arith.constant 0 : i32
    %get3A_23 = arith.index_cast %get3A_22 : i32 to index
    %get3A_24 = arith.constant 0 : index
    %get3A_25 = tpu.vector_load %arg17[%get3A_23, %get3A_24] {strides = array<i32>} : memref<2x128xi32, #tpu.memory_space<vmem>>, vector<16xi32>,
    %gather3A = tpu.vector_load_idx %arg15[%get3A_21] : memref<16xi32, #tpu.memory_space<vmem>>[vector<16xi32>], vector<16xi32>,
    %add3A_26 = arith.addi %gather3A, %get3A_25 : vector<16xi32>
    %swap3A_27 = arith.constant 0 : i32
    %swap3A_28 = arith.index_cast %swap3A_27 : i32 to index
    %swap3A_29 = arith.constant 0 : index
    %swap3A_30 = tpu.vector_load %arg19[%swap3A_28, %swap3A_29] {strides = array<i32>} : memref<2x128xi32, #tpu.memory_space<vmem>>, vector<16xi32>,
    tpu.vector_store %arg19[%swap3A_28, %swap3A_29], %add3A_26 {strides = array<i32>} : memref<2x128xi32, #tpu.memory_space<vmem>>, vector<16xi32>,
    %get3A_31 = arith.constant 0 : i32
    %get3A_32 = arith.index_cast %get3A_31 : i32 to index
    %get3A_33 = arith.constant 16 : index
    %get3A_34 = tpu.vector_load %arg16[%get3A_32, %get3A_33] {strides = array<i32>} : memref<2x128xi32, #tpu.memory_space<vmem>>, vector<16xi32>,
    %get3A_35 = arith.constant 0 : i32
    %get3A_36 = arith.index_cast %get3A_35 : i32 to index
    %get3A_37 = arith.constant 16 : index
    %get3A_38 = tpu.vector_load %arg17[%get3A_36, %get3A_37] {strides = array<i32>} : memref<2x128xi32, #tpu.memory_space<vmem>>, vector<16xi32>,
    %gather3A_39 = tpu.vector_load_idx %arg15[%get3A_34] : memref<16xi32, #tpu.memory_space<vmem>>[vector<16xi32>], vector<16xi32>,
    %add3A_40 = arith.addi %gather3A_39, %get3A_38 : vector<16xi32>
    %swap3A_41 = arith.constant 0 : i32
    %swap3A_42 = arith.index_cast %swap3A_41 : i32 to index
    %swap3A_43 = arith.constant 16 : index
    %swap3A_44 = tpu.vector_load %arg19[%swap3A_42, %swap3A_43] {strides = array<i32>} : memref<2x128xi32, #tpu.memory_space<vmem>>, vector<16xi32>,
    tpu.vector_store %arg19[%swap3A_42, %swap3A_43], %add3A_40 {strides = array<i32>} : memref<2x128xi32, #tpu.memory_space<vmem>>, vector<16xi32>,
    %get3A_45 = arith.constant 0 : i32
    %get3A_46 = arith.index_cast %get3A_45 : i32 to index
    %get3A_47 = arith.constant 32 : index
    %get3A_48 = tpu.vector_load %arg16[%get3A_46, %get3A_47] {strides = array<i32>} : memref<2x128xi32, #tpu.memory_space<vmem>>, vector<16xi32>,
    %get3A_49 = arith.constant 0 : i32
    %get3A_50 = arith.index_cast %get3A_49 : i32 to index
    %get3A_51 = arith.constant 32 : index
    %get3A_52 = tpu.vector_load %arg17[%get3A_50, %get3A_51] {strides = array<i32>} : memref<2x128xi32, #tpu.memory_space<vmem>>, vector<16xi32>,
    %gather3A_53 = tpu.vector_load_idx %arg15[%get3A_48] : memref<16xi32, #tpu.memory_space<vmem>>[vector<16xi32>], vector<16xi32>,
    %add3A_54 = arith.addi %gather3A_53, %get3A_52 : vector<16xi32>
    %swap3A_55 = arith.constant 0 : i32
    %swap3A_56 = arith.index_cast %swap3A_55 : i32 to index
    %swap3A_57 = arith.constant 32 : index
    %swap3A_58 = tpu.vector_load %arg19[%swap3A_56, %swap3A_57] {strides = array<i32>} : memref<2x128xi32, #tpu.memory_space<vmem>>, vector<16xi32>,
    tpu.vector_store %arg19[%swap3A_56, %swap3A_57], %add3A_54 {strides = array<i32>} : memref<2x128xi32, #tpu.memory_space<vmem>>, vector<16xi32>,
    %get3A_59 = arith.constant 0 : i32
    %get3A_60 = arith.index_cast %get3A_59 : i32 to index
    %get3A_61 = arith.constant 48 : index
    %get3A_62 = tpu.vector_load %arg16[%get3A_60, %get3A_61] {strides = array<i32>} : memref<2x128xi32, #tpu.memory_space<vmem>>, vector<16xi32>,
    %get3A_63 = arith.constant 0 : i32
    %get3A_64 = arith.index_cast %get3A_63 : i32 to index
    %get3A_65 = arith.constant 48 : index
    %get3A_66 = tpu.vector_load %arg17[%get3A_64, %get3A_65] {strides = array<i32>} : memref<2x128xi32, #tpu.memory_space<vmem>>, vector<16xi32>,
    %gather3A_67 = tpu.vector_load_idx %arg15[%get3A_62] : memref<16xi32, #tpu.memory_space<vmem>>[vector<16xi32>], vector<16xi32>,
    %add3A_68 = arith.addi %gather3A_67, %get3A_66 : vector<16xi32>
    %swap3A_69 = arith.constant 0 : i32
    %swap3A_70 = arith.index_cast %swap3A_69 : i32 to index
    %swap3A_71 = arith.constant 48 : index
    %swap3A_72 = tpu.vector_load %arg19[%swap3A_70, %swap3A_71] {strides = array<i32>} : memref<2x128xi32, #tpu.memory_space<vmem>>, vector<16xi32>,
    tpu.vector_store %arg19[%swap3A_70, %swap3A_71], %add3A_68 {strides = array<i32>} : memref<2x128xi32, #tpu.memory_space<vmem>>, vector<16xi32>,
    %get3A_73 = arith.constant 0 : i32
    %get3A_74 = arith.index_cast %get3A_73 : i32 to index
    %get3A_75 = arith.constant 64 : index
    %get3A_76 = tpu.vector_load %arg16[%get3A_74, %get3A_75] {strides = array<i32>} : memref<2x128xi32, #tpu.memory_space<vmem>>, vector<16xi32>,
    %get3A_77 = arith.constant 0 : i32
    %get3A_78 = arith.index_cast %get3A_77 : i32 to index
    %get3A_79 = arith.constant 64 : index
    %get3A_80 = tpu.vector_load %arg17[%get3A_78, %get3A_79] {strides = array<i32>} : memref<2x128xi32, #tpu.memory_space<vmem>>, vector<16xi32>,
    %gather3A_81 = tpu.vector_load_idx %arg15[%get3A_76] : memref<16xi32, #tpu.memory_space<vmem>>[vector<16xi32>], vector<16xi32>,
    %add3A_82 = arith.addi %gather3A_81, %get3A_80 : vector<16xi32>
    %swap3A_83 = arith.constant 0 : i32
    %swap3A_84 = arith.index_cast %swap3A_83 : i32 to index
    %swap3A_85 = arith.constant 64 : index
    %swap3A_86 = tpu.vector_load %arg19[%swap3A_84, %swap3A_85] {strides = array<i32>} : memref<2x128xi32, #tpu.memory_space<vmem>>, vector<16xi32>,
    tpu.vector_store %arg19[%swap3A_84, %swap3A_85], %add3A_82 {strides = array<i32>} : memref<2x128xi32, #tpu.memory_space<vmem>>, vector<16xi32>,
    %get3A_87 = arith.constant 0 : i32
    %get3A_88 = arith.index_cast %get3A_87 : i32 to index
    %get3A_89 = arith.constant 80 : index
    %get3A_90 = tpu.vector_load %arg16[%get3A_88, %get3A_89] {strides = array<i32>} : memref<2x128xi32, #tpu.memory_space<vmem>>, vector<16xi32>,
    %get3A_91 = arith.constant 0 : i32
    %get3A_92 = arith.index_cast %get3A_91 : i32 to index
    %get3A_93 = arith.constant 80 : index
    %get3A_94 = tpu.vector_load %arg17[%get3A_92, %get3A_93] {strides = array<i32>} : memref<2x128xi32, #tpu.memory_space<vmem>>, vector<16xi32>,
    %gather3A_95 = tpu.vector_load_idx %arg15[%get3A_90] : memref<16xi32, #tpu.memory_space<vmem>>[vector<16xi32>], vector<16xi32>,
    %add3A_96 = arith.addi %gather3A_95, %get3A_94 : vector<16xi32>
    %swap3A_97 = arith.constant 0 : i32
    %swap3A_98 = arith.index_cast %swap3A_97 : i32 to index
    %swap3A_99 = arith.constant 80 : index
    %swap3A_100 = tpu.vector_load %arg19[%swap3A_98, %swap3A_99] {strides = array<i32>} : memref<2x128xi32, #tpu.memory_space<vmem>>, vector<16xi32>,
    tpu.vector_store %arg19[%swap3A_98, %swap3A_99], %add3A_96 {strides = array<i32>} : memref<2x128xi32, #tpu.memory_space<vmem>>, vector<16xi32>,
    %get3A_101 = arith.constant 0 : i32
    %get3A_102 = arith.index_cast %get3A_101 : i32 to index
    %get3A_103 = arith.constant 96 : index
    %get3A_104 = tpu.vector_load %arg16[%get3A_102, %get3A_103] {strides = array<i32>} : memref<2x128xi32, #tpu.memory_space<vmem>>, vector<16xi32>,
    %get3A_105 = arith.constant 0 : i32
    %get3A_106 = arith.index_cast %get3A_105 : i32 to index
    %get3A_107 = arith.constant 96 : index
    %get3A_108 = tpu.vector_load %arg17[%get3A_106, %get3A_107] {strides = array<i32>} : memref<2x128xi32, #tpu.memory_space<vmem>>, vector<16xi32>,
    %gather3A_109 = tpu.vector_load_idx %arg15[%get3A_104] : memref<16xi32, #tpu.memory_space<vmem>>[vector<16xi32>], vector<16xi32>,
    %add3A_110 = arith.addi %gather3A_109, %get3A_108 : vector<16xi32>
    %swap3A_111 = arith.constant 0 : i32
    %swap3A_112 = arith.index_cast %swap3A_111 : i32 to index
    %swap3A_113 = arith.constant 96 : index
    %swap3A_114 = tpu.vector_load %arg19[%swap3A_112, %swap3A_113] {strides = array<i32>} : memref<2x128xi32, #tpu.memory_space<vmem>>, vector<16xi32>,
    tpu.vector_store %arg19[%swap3A_112, %swap3A_113], %add3A_110 {strides = array<i32>} : memref<2x128xi32, #tpu.memory_space<vmem>>, vector<16xi32>,
    %get3A_115 = arith.constant 0 : i32
    %get3A_116 = arith.index_cast %get3A_115 : i32 to index
    %get3A_117 = arith.constant 112 : index
    %get3A_118 = tpu.vector_load %arg16[%get3A_116, %get3A_117] {strides = array<i32>} : memref<2x128xi32, #tpu.memory_space<vmem>>, vector<16xi32>,
    %get3A_119 = arith.constant 0 : i32
    %get3A_120 = arith.index_cast %get3A_119 : i32 to index
    %get3A_121 = arith.constant 112 : index
    %get3A_122 = tpu.vector_load %arg17[%get3A_120, %get3A_121] {strides = array<i32>} : memref<2x128xi32, #tpu.memory_space<vmem>>, vector<16xi32>,
    %gather3A_123 = tpu.vector_load_idx %arg15[%get3A_118] : memref<16xi32, #tpu.memory_space<vmem>>[vector<16xi32>], vector<16xi32>,
    %add3A_124 = arith.addi %gather3A_123, %get3A_122 : vector<16xi32>
    %swap3A_125 = arith.constant 0 : i32
    %swap3A_126 = arith.index_cast %swap3A_125 : i32 to index
    %swap3A_127 = arith.constant 112 : index
    %swap3A_128 = tpu.vector_load %arg19[%swap3A_126, %swap3A_127] {strides = array<i32>} : memref<2x128xi32, #tpu.memory_space<vmem>>, vector<16xi32>,
    tpu.vector_store %arg19[%swap3A_126, %swap3A_127], %add3A_124 {strides = array<i32>} : memref<2x128xi32, #tpu.memory_space<vmem>>, vector<16xi32>,
    %get3A_129 = arith.constant 1 : i32
    %get3A_130 = arith.index_cast %get3A_129 : i32 to index
    %get3A_131 = arith.constant 0 : index
    %get3A_132 = tpu.vector_load %arg16[%get3A_130, %get3A_131] {strides = array<i32>} : memref<2x128xi32, #tpu.memory_space<vmem>>, vector<16xi32>,
    %get3A_133 = arith.constant 1 : i32
    %get3A_134 = arith.index_cast %get3A_133 : i32 to index
    %get3A_135 = arith.constant 0 : index
    %get3A_136 = tpu.vector_load %arg17[%get3A_134, %get3A_135] {strides = array<i32>} : memref<2x128xi32, #tpu.memory_space<vmem>>, vector<16xi32>,
    %gather3A_137 = tpu.vector_load_idx %arg15[%get3A_132] : memref<16xi32, #tpu.memory_space<vmem>>[vector<16xi32>], vector<16xi32>,
    %add3A_138 = arith.addi %gather3A_137, %get3A_136 : vector<16xi32>
    %swap3A_139 = arith.constant 1 : i32
    %swap3A_140 = arith.index_cast %swap3A_139 : i32 to index
    %swap3A_141 = arith.constant 0 : index
    %swap3A_142 = tpu.vector_load %arg19[%swap3A_140, %swap3A_141] {strides = array<i32>} : memref<2x128xi32, #tpu.memory_space<vmem>>, vector<16xi32>,
    tpu.vector_store %arg19[%swap3A_140, %swap3A_141], %add3A_138 {strides = array<i32>} : memref<2x128xi32, #tpu.memory_space<vmem>>, vector<16xi32>,
    %get3A_143 = arith.constant 1 : i32
    %get3A_144 = arith.index_cast %get3A_143 : i32 to index
    %get3A_145 = arith.constant 16 : index
    %get3A_146 = tpu.vector_load %arg16[%get3A_144, %get3A_145] {strides = array<i32>} : memref<2x128xi32, #tpu.memory_space<vmem>>, vector<16xi32>,
    %get3A_147 = arith.constant 1 : i32
    %get3A_148 = arith.index_cast %get3A_147 : i32 to index
    %get3A_149 = arith.constant 16 : index
    %get3A_150 = tpu.vector_load %arg17[%get3A_148, %get3A_149] {strides = array<i32>} : memref<2x128xi32, #tpu.memory_space<vmem>>, vector<16xi32>,
    %gather3A_151 = tpu.vector_load_idx %arg15[%get3A_146] : memref<16xi32, #tpu.memory_space<vmem>>[vector<16xi32>], vector<16xi32>,
    %add3A_152 = arith.addi %gather3A_151, %get3A_150 : vector<16xi32>
    %swap3A_153 = arith.constant 1 : i32
    %swap3A_154 = arith.index_cast %swap3A_153 : i32 to index
    %swap3A_155 = arith.constant 16 : index
    %swap3A_156 = tpu.vector_load %arg19[%swap3A_154, %swap3A_155] {strides = array<i32>} : memref<2x128xi32, #tpu.memory_space<vmem>>, vector<16xi32>,
    tpu.vector_store %arg19[%swap3A_154, %swap3A_155], %add3A_152 {strides = array<i32>} : memref<2x128xi32, #tpu.memory_space<vmem>>, vector<16xi32>,
    %get3A_157 = arith.constant 1 : i32
    %get3A_158 = arith.index_cast %get3A_157 : i32 to index
    %get3A_159 = arith.constant 32 : index
    %get3A_160 = tpu.vector_load %arg16[%get3A_158, %get3A_159] {strides = array<i32>} : memref<2x128xi32, #tpu.memory_space<vmem>>, vector<16xi32>,
    %get3A_161 = arith.constant 1 : i32
    %get3A_162 = arith.index_cast %get3A_161 : i32 to index
    %get3A_163 = arith.constant 32 : index
    %get3A_164 = tpu.vector_load %arg17[%get3A_162, %get3A_163] {strides = array<i32>} : memref<2x128xi32, #tpu.memory_space<vmem>>, vector<16xi32>,
    %gather3A_165 = tpu.vector_load_idx %arg15[%get3A_160] : memref<16xi32, #tpu.memory_space<vmem>>[vector<16xi32>], vector<16xi32>,
    %add3A_166 = arith.addi %gather3A_165, %get3A_164 : vector<16xi32>
    %swap3A_167 = arith.constant 1 : i32
    %swap3A_168 = arith.index_cast %swap3A_167 : i32 to index
    %swap3A_169 = arith.constant 32 : index
    %swap3A_170 = tpu.vector_load %arg19[%swap3A_168, %swap3A_169] {strides = array<i32>} : memref<2x128xi32, #tpu.memory_space<vmem>>, vector<16xi32>,
    tpu.vector_store %arg19[%swap3A_168, %swap3A_169], %add3A_166 {strides = array<i32>} : memref<2x128xi32, #tpu.memory_space<vmem>>, vector<16xi32>,
    %get3A_171 = arith.constant 1 : i32
    %get3A_172 = arith.index_cast %get3A_171 : i32 to index
    %get3A_173 = arith.constant 48 : index
    %get3A_174 = tpu.vector_load %arg16[%get3A_172, %get3A_173] {strides = array<i32>} : memref<2x128xi32, #tpu.memory_space<vmem>>, vector<16xi32>,
    %get3A_175 = arith.constant 1 : i32
    %get3A_176 = arith.index_cast %get3A_175 : i32 to index
    %get3A_177 = arith.constant 48 : index
    %get3A_178 = tpu.vector_load %arg17[%get3A_176, %get3A_177] {strides = array<i32>} : memref<2x128xi32, #tpu.memory_space<vmem>>, vector<16xi32>,
    %gather3A_179 = tpu.vector_load_idx %arg15[%get3A_174] : memref<16xi32, #tpu.memory_space<vmem>>[vector<16xi32>], vector<16xi32>,
    %add3A_180 = arith.addi %gather3A_179, %get3A_178 : vector<16xi32>
    %swap3A_181 = arith.constant 1 : i32
    %swap3A_182 = arith.index_cast %swap3A_181 : i32 to index
    %swap3A_183 = arith.constant 48 : index
    %swap3A_184 = tpu.vector_load %arg19[%swap3A_182, %swap3A_183] {strides = array<i32>} : memref<2x128xi32, #tpu.memory_space<vmem>>, vector<16xi32>,
    tpu.vector_store %arg19[%swap3A_182, %swap3A_183], %add3A_180 {strides = array<i32>} : memref<2x128xi32, #tpu.memory_space<vmem>>, vector<16xi32>,
    %get3A_185 = arith.constant 1 : i32
    %get3A_186 = arith.index_cast %get3A_185 : i32 to index
    %get3A_187 = arith.constant 64 : index
    %get3A_188 = tpu.vector_load %arg16[%get3A_186, %get3A_187] {strides = array<i32>} : memref<2x128xi32, #tpu.memory_space<vmem>>, vector<16xi32>,
    %get3A_189 = arith.constant 1 : i32
    %get3A_190 = arith.index_cast %get3A_189 : i32 to index
    %get3A_191 = arith.constant 64 : index
    %get3A_192 = tpu.vector_load %arg17[%get3A_190, %get3A_191] {strides = array<i32>} : memref<2x128xi32, #tpu.memory_space<vmem>>, vector<16xi32>,
    %gather3A_193 = tpu.vector_load_idx %arg15[%get3A_188] : memref<16xi32, #tpu.memory_space<vmem>>[vector<16xi32>], vector<16xi32>,
    %add3A_194 = arith.addi %gather3A_193, %get3A_192 : vector<16xi32>
    %swap3A_195 = arith.constant 1 : i32
    %swap3A_196 = arith.index_cast %swap3A_195 : i32 to index
    %swap3A_197 = arith.constant 64 : index
    %swap3A_198 = tpu.vector_load %arg19[%swap3A_196, %swap3A_197] {strides = array<i32>} : memref<2x128xi32, #tpu.memory_space<vmem>>, vector<16xi32>,
    tpu.vector_store %arg19[%swap3A_196, %swap3A_197], %add3A_194 {strides = array<i32>} : memref<2x128xi32, #tpu.memory_space<vmem>>, vector<16xi32>,
    %get3A_199 = arith.constant 1 : i32
    %get3A_200 = arith.index_cast %get3A_199 : i32 to index
    %get3A_201 = arith.constant 80 : index
    %get3A_202 = tpu.vector_load %arg16[%get3A_200, %get3A_201] {strides = array<i32>} : memref<2x128xi32, #tpu.memory_space<vmem>>, vector<16xi32>,
    %get3A_203 = arith.constant 1 : i32
    %get3A_204 = arith.index_cast %get3A_203 : i32 to index
    %get3A_205 = arith.constant 80 : index
    %get3A_206 = tpu.vector_load %arg17[%get3A_204, %get3A_205] {strides = array<i32>} : memref<2x128xi32, #tpu.memory_space<vmem>>, vector<16xi32>,
    %gather3A_207 = tpu.vector_load_idx %arg15[%get3A_202] : memref<16xi32, #tpu.memory_space<vmem>>[vector<16xi32>], vector<16xi32>,
    %add3A_208 = arith.addi %gather3A_207, %get3A_206 : vector<16xi32>
    %swap3A_209 = arith.constant 1 : i32
    %swap3A_210 = arith.index_cast %swap3A_209 : i32 to index
    %swap3A_211 = arith.constant 80 : index
    %swap3A_212 = tpu.vector_load %arg19[%swap3A_210, %swap3A_211] {strides = array<i32>} : memref<2x128xi32, #tpu.memory_space<vmem>>, vector<16xi32>,
    tpu.vector_store %arg19[%swap3A_210, %swap3A_211], %add3A_208 {strides = array<i32>} : memref<2x128xi32, #tpu.memory_space<vmem>>, vector<16xi32>,
    %get3A_213 = arith.constant 1 : i32
    %get3A_214 = arith.index_cast %get3A_213 : i32 to index
    %get3A_215 = arith.constant 96 : index
    %get3A_216 = tpu.vector_load %arg16[%get3A_214, %get3A_215] {strides = array<i32>} : memref<2x128xi32, #tpu.memory_space<vmem>>, vector<16xi32>,
    %get3A_217 = arith.constant 1 : i32
    %get3A_218 = arith.index_cast %get3A_217 : i32 to index
    %get3A_219 = arith.constant 96 : index
    %get3A_220 = tpu.vector_load %arg17[%get3A_218, %get3A_219] {strides = array<i32>} : memref<2x128xi32, #tpu.memory_space<vmem>>, vector<16xi32>,
    %gather3A_221 = tpu.vector_load_idx %arg15[%get3A_216] : memref<16xi32, #tpu.memory_space<vmem>>[vector<16xi32>], vector<16xi32>,
    %add3A_222 = arith.addi %gather3A_221, %get3A_220 : vector<16xi32>
    %swap3A_223 = arith.constant 1 : i32
    %swap3A_224 = arith.index_cast %swap3A_223 : i32 to index
    %swap3A_225 = arith.constant 96 : index
    %swap3A_226 = tpu.vector_load %arg19[%swap3A_224, %swap3A_225] {strides = array<i32>} : memref<2x128xi32, #tpu.memory_space<vmem>>, vector<16xi32>,
    tpu.vector_store %arg19[%swap3A_224, %swap3A_225], %add3A_222 {strides = array<i32>} : memref<2x128xi32, #tpu.memory_space<vmem>>, vector<16xi32>,
    %get3A_227 = arith.constant 1 : i32
    %get3A_228 = arith.index_cast %get3A_227 : i32 to index
    %get3A_229 = arith.constant 112 : index
    %get3A_230 = tpu.vector_load %arg16[%get3A_228, %get3A_229] {strides = array<i32>} : memref<2x128xi32, #tpu.memory_space<vmem>>, vector<16xi32>,
    %get3A_231 = arith.constant 1 : i32
    %get3A_232 = arith.index_cast %get3A_231 : i32 to index
    %get3A_233 = arith.constant 112 : index
    %get3A_234 = tpu.vector_load %arg17[%get3A_232, %get3A_233] {strides = array<i32>} : memref<2x128xi32, #tpu.memory_space<vmem>>, vector<16xi32>,
    %gather3A_235 = tpu.vector_load_idx %arg15[%get3A_230] : memref<16xi32, #tpu.memory_space<vmem>>[vector<16xi32>], vector<16xi32>,
    %add3A_236 = arith.addi %gather3A_235, %get3A_234 : vector<16xi32>
    %swap3A_237 = arith.constant 1 : i32
    %swap3A_238 = arith.index_cast %swap3A_237 : i32 to index
    %swap3A_239 = arith.constant 112 : index
    %swap3A_240 = tpu.vector_load %arg19[%swap3A_238, %swap3A_239] {strides = array<i32>} : memref<2x128xi32, #tpu.memory_space<vmem>>, vector<16xi32>,
    tpu.vector_store %arg19[%swap3A_238, %swap3A_239], %add3A_236 {strides = array<i32>} : memref<2x128xi32, #tpu.memory_space<vmem>>, vector<16xi32>,
    %dma_start3A = arith.constant 0 : i32
    %dma_start3A_241 = arith.constant 0 : i32
    %dma_start3A_242 = tpu.memref_slice %arg19[%dma_start3A, %dma_start3A_241] : memref<2x128xi32, #tpu.memory_space<vmem>> -> memref<1x128xi32, #tpu.memory_space<vmem>>
    %dma_start3A_243 = tpu.memref_squeeze %dma_start3A_242 : memref<1x128xi32, #tpu.memory_space<vmem>> -> memref<128xi32, #tpu.memory_space<vmem>>
    %dma_start3A_244 = arith.constant 0 : i32
    %dma_start3A_245 = arith.constant 0 : i32
    %dma_start3A_246 = tpu.memref_slice %arg10[%dma_start3A_244, %dma_start3A_245] : memref<10240x512xi32, #tpu.memory_space<hbm>> -> memref<10240x512xi32, #tpu.memory_space<hbm>>
    tpu.enqueue_indirect_dma source(%arg20 : memref<128x512xi32, #tpu.memory_space<vmem>>) target(%dma_start3A_246 : memref<10240x512xi32, #tpu.memory_space<hbm>>) offsets(%dma_start3A_243 : memref<128xi32, #tpu.memory_space<vmem>>) semaphore(%arg21 : memref<!tpu.dma_semaphore, #tpu.memory_space<semaphore_mem>>)
    %dma_start3A_247 = arith.constant 1 : i32
    %dma_start3A_248 = arith.constant 0 : i32
    %dma_start3A_249 = tpu.memref_slice %arg19[%dma_start3A_247, %dma_start3A_248] : memref<2x128xi32, #tpu.memory_space<vmem>> -> memref<1x128xi32, #tpu.memory_space<vmem>>
    %dma_start3A_250 = tpu.memref_squeeze %dma_start3A_249 : memref<1x128xi32, #tpu.memory_space<vmem>> -> memref<128xi32, #tpu.memory_space<vmem>>
    %dma_start3A_251 = arith.constant 0 : i32
    %dma_start3A_252 = arith.constant 0 : i32
    %dma_start3A_253 = tpu.memref_slice %arg10[%dma_start3A_251, %dma_start3A_252] : memref<10240x512xi32, #tpu.memory_space<hbm>> -> memref<10240x512xi32, #tpu.memory_space<hbm>>
    tpu.enqueue_indirect_dma source(%arg20 : memref<128x512xi32, #tpu.memory_space<vmem>>) target(%dma_start3A_253 : memref<10240x512xi32, #tpu.memory_space<hbm>>) offsets(%dma_start3A_250 : memref<128xi32, #tpu.memory_space<vmem>>) semaphore(%arg21 : memref<!tpu.dma_semaphore, #tpu.memory_space<semaphore_mem>>)
    %dma_start3A_254 = arith.constant 0 : i32
    %dma_start3A_255 = arith.constant 0 : i32
    %dma_start3A_256 = arith.constant 0 : i32
    %dma_start3A_257 = tpu.memref_slice %arg18[%dma_start3A_254, %dma_start3A_256] : memref<2x128xf32, #tpu.memory_space<vmem>> -> memref<1x128xf32, #tpu.memory_space<vmem>>
    %dma_start3A_258 = tpu.memref_squeeze %dma_start3A_257 : memref<1x128xf32, #tpu.memory_space<vmem>> -> memref<128xf32, #tpu.memory_space<vmem>>
    %dma_start3A_259 = arith.constant 0 : i32
    %dma_start3A_260 = tpu.memref_slice %arg19[%dma_start3A_255, %dma_start3A_259] : memref<2x128xi32, #tpu.memory_space<vmem>> -> memref<1x128xi32, #tpu.memory_space<vmem>>
    %dma_start3A_261 = tpu.memref_squeeze %dma_start3A_260 : memref<1x128xi32, #tpu.memory_space<vmem>> -> memref<128xi32, #tpu.memory_space<vmem>>
    %dma_start3A_262 = arith.constant 0 : i32
    %dma_start3A_263 = tpu.memref_slice %arg11[%dma_start3A_262] : memref<10240xf32, #tpu.memory_space<hbm>> -> memref<10240xf32, #tpu.memory_space<hbm>>
    tpu.enqueue_indirect_dma source(%dma_start3A_258 : memref<128xf32, #tpu.memory_space<vmem>>) target(%dma_start3A_263 : memref<10240xf32, #tpu.memory_space<hbm>>) offsets(%dma_start3A_261 : memref<128xi32, #tpu.memory_space<vmem>>) semaphore(%arg21 : memref<!tpu.dma_semaphore, #tpu.memory_space<semaphore_mem>>)
    %dma_start3A_264 = arith.constant 1 : i32
    %dma_start3A_265 = arith.constant 1 : i32
    %dma_start3A_266 = arith.constant 0 : i32
    %dma_start3A_267 = tpu.memref_slice %arg18[%dma_start3A_264, %dma_start3A_266] : memref<2x128xf32, #tpu.memory_space<vmem>> -> memref<1x128xf32, #tpu.memory_space<vmem>>
    %dma_start3A_268 = tpu.memref_squeeze %dma_start3A_267 : memref<1x128xf32, #tpu.memory_space<vmem>> -> memref<128xf32, #tpu.memory_space<vmem>>
    %dma_start3A_269 = arith.constant 0 : i32
    %dma_start3A_270 = tpu.memref_slice %arg19[%dma_start3A_265, %dma_start3A_269] : memref<2x128xi32, #tpu.memory_space<vmem>> -> memref<1x128xi32, #tpu.memory_space<vmem>>
    %dma_start3A_271 = tpu.memref_squeeze %dma_start3A_270 : memref<1x128xi32, #tpu.memory_space<vmem>> -> memref<128xi32, #tpu.memory_space<vmem>>
    %dma_start3A_272 = arith.constant 0 : i32
    %dma_start3A_273 = tpu.memref_slice %arg11[%dma_start3A_272] : memref<10240xf32, #tpu.memory_space<hbm>> -> memref<10240xf32, #tpu.memory_space<hbm>>
    tpu.enqueue_indirect_dma source(%dma_start3A_268 : memref<128xf32, #tpu.memory_space<vmem>>) target(%dma_start3A_273 : memref<10240xf32, #tpu.memory_space<hbm>>) offsets(%dma_start3A_271 : memref<128xi32, #tpu.memory_space<vmem>>) semaphore(%arg21 : memref<!tpu.dma_semaphore, #tpu.memory_space<semaphore_mem>>)
    %dma_wait3A = arith.constant 0 : i32
    %dma_wait3A_274 = arith.constant 0 : i32
    %dma_wait3A_275 = tpu.memref_slice %arg19[%dma_wait3A, %dma_wait3A_274] : memref<2x128xi32, #tpu.memory_space<vmem>> -> memref<1x128xi32, #tpu.memory_space<vmem>>
    %dma_wait3A_276 = tpu.memref_squeeze %dma_wait3A_275 : memref<1x128xi32, #tpu.memory_space<vmem>> -> memref<128xi32, #tpu.memory_space<vmem>>
    %dma_wait3A_277 = arith.constant 0 : i32
    %dma_wait3A_278 = arith.constant 0 : i32
    %dma_wait3A_279 = tpu.memref_slice %arg10[%dma_wait3A_277, %dma_wait3A_278] : memref<10240x512xi32, #tpu.memory_space<hbm>> -> memref<10240x512xi32, #tpu.memory_space<hbm>>
    tpu.wait_indirect_dma semaphore(%arg21 : memref<!tpu.dma_semaphore, #tpu.memory_space<semaphore_mem>>) src(%arg20 : memref<128x512xi32, #tpu.memory_space<vmem>>) dst(%dma_wait3A_279 : memref<10240x512xi32, #tpu.memory_space<hbm>>)
    %dma_wait3A_280 = arith.constant 1 : i32
    %dma_wait3A_281 = arith.constant 0 : i32
    %dma_wait3A_282 = tpu.memref_slice %arg19[%dma_wait3A_280, %dma_wait3A_281] : memref<2x128xi32, #tpu.memory_space<vmem>> -> memref<1x128xi32, #tpu.memory_space<vmem>>
    %dma_wait3A_283 = tpu.memref_squeeze %dma_wait3A_282 : memref<1x128xi32, #tpu.memory_space<vmem>> -> memref<128xi32, #tpu.memory_space<vmem>>
    %dma_wait3A_284 = arith.constant 0 : i32
    %dma_wait3A_285 = arith.constant 0 : i32
    %dma_wait3A_286 = tpu.memref_slice %arg10[%dma_wait3A_284, %dma_wait3A_285] : memref<10240x512xi32, #tpu.memory_space<hbm>> -> memref<10240x512xi32, #tpu.memory_space<hbm>>
    tpu.wait_indirect_dma semaphore(%arg21 : memref<!tpu.dma_semaphore, #tpu.memory_space<semaphore_mem>>) src(%arg20 : memref<128x512xi32, #tpu.memory_space<vmem>>) dst(%dma_wait3A_286 : memref<10240x512xi32, #tpu.memory_space<hbm>>)
    %dma_wait3A_287 = arith.constant 0 : i32
    %dma_wait3A_288 = arith.constant 0 : i32
    %dma_wait3A_289 = arith.constant 0 : i32
    %dma_wait3A_290 = tpu.memref_slice %arg18[%dma_wait3A_287, %dma_wait3A_289] : memref<2x128xf32, #tpu.memory_space<vmem>> -> memref<1x128xf32, #tpu.memory_space<vmem>>
    %dma_wait3A_291 = tpu.memref_squeeze %dma_wait3A_290 : memref<1x128xf32, #tpu.memory_space<vmem>> -> memref<128xf32, #tpu.memory_space<vmem>>
    %dma_wait3A_292 = arith.constant 0 : i32
    %dma_wait3A_293 = tpu.memref_slice %arg19[%dma_wait3A_288, %dma_wait3A_292] : memref<2x128xi32, #tpu.memory_space<vmem>> -> memref<1x128xi32, #tpu.memory_space<vmem>>
    %dma_wait3A_294 = tpu.memref_squeeze %dma_wait3A_293 : memref<1x128xi32, #tpu.memory_space<vmem>> -> memref<128xi32, #tpu.memory_space<vmem>>
    %dma_wait3A_295 = arith.constant 0 : i32
    %dma_wait3A_296 = tpu.memref_slice %arg11[%dma_wait3A_295] : memref<10240xf32, #tpu.memory_space<hbm>> -> memref<10240xf32, #tpu.memory_space<hbm>>
    tpu.wait_indirect_dma semaphore(%arg21 : memref<!tpu.dma_semaphore, #tpu.memory_space<semaphore_mem>>) src(%dma_wait3A_291 : memref<128xf32, #tpu.memory_space<vmem>>) dst(%dma_wait3A_296 : memref<10240xf32, #tpu.memory_space<hbm>>)
    %dma_wait3A_297 = arith.constant 1 : i32
    %dma_wait3A_298 = arith.constant 1 : i32
    %dma_wait3A_299 = arith.constant 0 : i32
    %dma_wait3A_300 = tpu.memref_slice %arg18[%dma_wait3A_297, %dma_wait3A_299] : memref<2x128xf32, #tpu.memory_space<vmem>> -> memref<1x128xf32, #tpu.memory_space<vmem>>
    %dma_wait3A_301 = tpu.memref_squeeze %dma_wait3A_300 : memref<1x128xf32, #tpu.memory_space<vmem>> -> memref<128xf32, #tpu.memory_space<vmem>>
    %dma_wait3A_302 = arith.constant 0 : i32
    %dma_wait3A_303 = tpu.memref_slice %arg19[%dma_wait3A_298, %dma_wait3A_302] : memref<2x128xi32, #tpu.memory_space<vmem>> -> memref<1x128xi32, #tpu.memory_space<vmem>>
    %dma_wait3A_304 = tpu.memref_squeeze %dma_wait3A_303 : memref<1x128xi32, #tpu.memory_space<vmem>> -> memref<128xi32, #tpu.memory_space<vmem>>
    %dma_wait3A_305 = arith.constant 0 : i32
    %dma_wait3A_306 = tpu.memref_slice %arg11[%dma_wait3A_305] : memref<10240xf32, #tpu.memory_space<hbm>> -> memref<10240xf32, #tpu.memory_space<hbm>>
    tpu.wait_indirect_dma semaphore(%arg21 : memref<!tpu.dma_semaphore, #tpu.memory_space<semaphore_mem>>) src(%dma_wait3A_301 : memref<128xf32, #tpu.memory_space<vmem>>) dst(%dma_wait3A_306 : memref<10240xf32, #tpu.memory_space<hbm>>)
    %run_scoped3A_307 = arith.constant 0 : i32
    "tpu.region"() ({
      %run_scoped3A_309 = tpu.sem_alloc : memref<!tpu.dma_semaphore, #tpu.memory_space<semaphore_mem>>
      %dma_start3A_310 = arith.constant 0 : i32
      %dma_start3A_311 = tpu.memref_slice %arg19[%run_scoped3A_307, %dma_start3A_310] : memref<2x128xi32, #tpu.memory_space<vmem>> -> memref<1x128xi32, #tpu.memory_space<vmem>>
      %dma_start3A_312 = tpu.memref_squeeze %dma_start3A_311 : memref<1x128xi32, #tpu.memory_space<vmem>> -> memref<128xi32, #tpu.memory_space<vmem>>
      %dma_start3A_313 = arith.constant 0 : i32
      %dma_start3A_314 = tpu.memref_slice %arg12[%add3A, %dma_start3A_313] : memref<32x128xi32, #tpu.memory_space<hbm>> -> memref<1x128xi32, #tpu.memory_space<hbm>>
      %dma_start3A_315 = tpu.memref_squeeze %dma_start3A_314 : memref<1x128xi32, #tpu.memory_space<hbm>> -> memref<128xi32, #tpu.memory_space<hbm>>
      %dma_start3A_316 = arith.constant 0 : i32
      %dma_start3A_317 = tpu.memref_slice %arg12[%add3A, %dma_start3A_316] : memref<32x128xi32, #tpu.memory_space<hbm>> -> memref<1x128xi32, #tpu.memory_space<hbm>>
      %dma_start3A_318 = tpu.memref_squeeze %dma_start3A_317 : memref<1x128xi32, #tpu.memory_space<hbm>> -> memref<128xi32, #tpu.memory_space<hbm>>
      %dma_start3A_319 = arith.constant 0 : i32
      %dma_start3A_320 = tpu.memref_slice %arg19[%run_scoped3A_307, %dma_start3A_319] : memref<2x128xi32, #tpu.memory_space<vmem>> -> memref<1x128xi32, #tpu.memory_space<vmem>>
      %dma_start3A_321 = tpu.memref_squeeze %dma_start3A_320 : memref<1x128xi32, #tpu.memory_space<vmem>> -> memref<128xi32, #tpu.memory_space<vmem>>
      tpu.enqueue_dma source(%dma_start3A_321 : memref<128xi32, #tpu.memory_space<vmem>>) target(%dma_start3A_318 : memref<128xi32, #tpu.memory_space<hbm>>) target_semaphore(%run_scoped3A_309 : memref<!tpu.dma_semaphore, #tpu.memory_space<semaphore_mem>>)
      %dma_wait3A_322 = arith.constant 0 : i32
      %dma_wait3A_323 = tpu.memref_slice %arg19[%run_scoped3A_307, %dma_wait3A_322] : memref<2x128xi32, #tpu.memory_space<vmem>> -> memref<1x128xi32, #tpu.memory_space<vmem>>
      %dma_wait3A_324 = tpu.memref_squeeze %dma_wait3A_323 : memref<1x128xi32, #tpu.memory_space<vmem>> -> memref<128xi32, #tpu.memory_space<vmem>>
      %dma_wait3A_325 = arith.constant 0 : i32
      %dma_wait3A_326 = tpu.memref_slice %arg12[%add3A, %dma_wait3A_325] : memref<32x128xi32, #tpu.memory_space<hbm>> -> memref<1x128xi32, #tpu.memory_space<hbm>>
      %dma_wait3A_327 = tpu.memref_squeeze %dma_wait3A_326 : memref<1x128xi32, #tpu.memory_space<hbm>> -> memref<128xi32, #tpu.memory_space<hbm>>
      %dma_wait3A_328 = arith.constant 0 : i32
      %dma_wait3A_329 = tpu.memref_slice %arg12[%add3A, %dma_wait3A_328] : memref<32x128xi32, #tpu.memory_space<hbm>> -> memref<1x128xi32, #tpu.memory_space<hbm>>
      %dma_wait3A_330 = tpu.memref_squeeze %dma_wait3A_329 : memref<1x128xi32, #tpu.memory_space<hbm>> -> memref<128xi32, #tpu.memory_space<hbm>>
      %dma_wait3A_331 = arith.constant 0 : i32
      %dma_wait3A_332 = tpu.memref_slice %arg19[%run_scoped3A_307, %dma_wait3A_331] : memref<2x128xi32, #tpu.memory_space<vmem>> -> memref<1x128xi32, #tpu.memory_space<vmem>>
      %dma_wait3A_333 = tpu.memref_squeeze %dma_wait3A_332 : memref<1x128xi32, #tpu.memory_space<vmem>> -> memref<128xi32, #tpu.memory_space<vmem>>
      tpu.wait_dma2 semaphore(%run_scoped3A_309 : memref<!tpu.dma_semaphore, #tpu.memory_space<semaphore_mem>>) src(%dma_wait3A_333 : memref<128xi32, #tpu.memory_space<vmem>>) dst(%dma_wait3A_330 : memref<128xi32, #tpu.memory_space<hbm>>)
      tpu.yield
    }) : () -> ()
    %run_scoped3A_308 = arith.constant 1 : i32
    "tpu.region"() ({
      %run_scoped3A_309 = tpu.sem_alloc : memref<!tpu.dma_semaphore, #tpu.memory_space<semaphore_mem>>
      %dma_start3A_310 = arith.constant 0 : i32
      %dma_start3A_311 = tpu.memref_slice %arg19[%run_scoped3A_308, %dma_start3A_310] : memref<2x128xi32, #tpu.memory_space<vmem>> -> memref<1x128xi32, #tpu.memory_space<vmem>>
      %dma_start3A_312 = tpu.memref_squeeze %dma_start3A_311 : memref<1x128xi32, #tpu.memory_space<vmem>> -> memref<128xi32, #tpu.memory_space<vmem>>
      %dma_start3A_313 = arith.constant 0 : i32
      %dma_start3A_314 = tpu.memref_slice %arg13[%add3A, %dma_start3A_313] : memref<32x128xi32, #tpu.memory_space<hbm>> -> memref<1x128xi32, #tpu.memory_space<hbm>>
      %dma_start3A_315 = tpu.memref_squeeze %dma_start3A_314 : memref<1x128xi32, #tpu.memory_space<hbm>> -> memref<128xi32, #tpu.memory_space<hbm>>
      %dma_start3A_316 = arith.constant 0 : i32
      %dma_start3A_317 = tpu.memref_slice %arg13[%add3A, %dma_start3A_316] : memref<32x128xi32, #tpu.memory_space<hbm>> -> memref<1x128xi32, #tpu.memory_space<hbm>>
      %dma_start3A_318 = tpu.memref_squeeze %dma_start3A_317 : memref<1x128xi32, #tpu.memory_space<hbm>> -> memref<128xi32, #tpu.memory_space<hbm>>
      %dma_start3A_319 = arith.constant 0 : i32
      %dma_start3A_320 = tpu.memref_slice %arg19[%run_scoped3A_308, %dma_start3A_319] : memref<2x128xi32, #tpu.memory_space<vmem>> -> memref<1x128xi32, #tpu.memory_space<vmem>>
      %dma_start3A_321 = tpu.memref_squeeze %dma_start3A_320 : memref<1x128xi32, #tpu.memory_space<vmem>> -> memref<128xi32, #tpu.memory_space<vmem>>
      tpu.enqueue_dma source(%dma_start3A_321 : memref<128xi32, #tpu.memory_space<vmem>>) target(%dma_start3A_318 : memref<128xi32, #tpu.memory_space<hbm>>) target_semaphore(%run_scoped3A_309 : memref<!tpu.dma_semaphore, #tpu.memory_space<semaphore_mem>>)
      %dma_wait3A_322 = arith.constant 0 : i32
      %dma_wait3A_323 = tpu.memref_slice %arg19[%run_scoped3A_308, %dma_wait3A_322] : memref<2x128xi32, #tpu.memory_space<vmem>> -> memref<1x128xi32, #tpu.memory_space<vmem>>
      %dma_wait3A_324 = tpu.memref_squeeze %dma_wait3A_323 : memref<1x128xi32, #tpu.memory_space<vmem>> -> memref<128xi32, #tpu.memory_space<vmem>>
      %dma_wait3A_325 = arith.constant 0 : i32
      %dma_wait3A_326 = tpu.memref_slice %arg13[%add3A, %dma_wait3A_325] : memref<32x128xi32, #tpu.memory_space<hbm>> -> memref<1x128xi32, #tpu.memory_space<hbm>>
      %dma_wait3A_327 = tpu.memref_squeeze %dma_wait3A_326 : memref<1x128xi32, #tpu.memory_space<hbm>> -> memref<128xi32, #tpu.memory_space<hbm>>
      %dma_wait3A_328 = arith.constant 0 : i32
      %dma_wait3A_329 = tpu.memref_slice %arg13[%add3A, %dma_wait3A_328] : memref<32x128xi32, #tpu.memory_space<hbm>> -> memref<1x128xi32, #tpu.memory_space<hbm>>
      %dma_wait3A_330 = tpu.memref_squeeze %dma_wait3A_329 : memref<1x128xi32, #tpu.memory_space<hbm>> -> memref<128xi32, #tpu.memory_space<hbm>>
      %dma_wait3A_331 = arith.constant 0 : i32
      %dma_wait3A_332 = tpu.memref_slice %arg19[%run_scoped3A_308, %dma_wait3A_331] : memref<2x128xi32, #tpu.memory_space<vmem>> -> memref<1x128xi32, #tpu.memory_space<vmem>>
      %dma_wait3A_333 = tpu.memref_squeeze %dma_wait3A_332 : memref<1x128xi32, #tpu.memory_space<vmem>> -> memref<128xi32, #tpu.memory_space<vmem>>
      tpu.wait_dma2 semaphore(%run_scoped3A_309 : memref<!tpu.dma_semaphore, #tpu.memory_space<semaphore_mem>>) src(%dma_wait3A_333 : memref<128xi32, #tpu.memory_space<vmem>>) dst(%dma_wait3A_330 : memref<128xi32, #tpu.memory_space<hbm>>)
      tpu.yield
    }) : () -> ()
    return
  }
}

#map = affine_map<(d0, d1) -> (0, 0)>
module attributes {stable_mosaic.version = 14 : i64} {
  func.func @_combine_kernel(%arg0: i32, %arg1: i32, %arg2: memref<10240x512xi32, #tpu.memory_space<hbm>>, %arg3: memref<32x128xi32, #tpu.memory_space<hbm>>, %arg4: memref<32x128xi32, #tpu.memory_space<hbm>>, %arg5: memref<4096x512xi32, #tpu.memory_space<hbm>>, %arg6: memref<2x128xi32, #tpu.memory_space<vmem>>, %arg7: memref<2x16x512xi32, #tpu.memory_space<vmem>>, %arg8: memref<2x16x512xi32, #tpu.memory_space<vmem>>, %arg9: memref<16x512xi32, #tpu.memory_space<vmem>>, %arg10: memref<!tpu.dma_semaphore, #tpu.memory_space<semaphore_mem>>, %arg11: memref<!tpu.dma_semaphore, #tpu.memory_space<semaphore_mem>>) attributes {dimension_semantics = [#tpu.dimension_semantics<core_parallel>, #tpu.dimension_semantics<subcore_parallel>], iteration_bounds = array<i64: 2, 16>, scalar_prefetch = 0 : i64, scratch_operands = 6 : i64, tpu.core_type = #tpu.core_type<sc_vector_subcore>, window_params = [{transform_indices = #map}, {transform_indices = #map}, {transform_indices = #map}, {transform_indices = #map}]} {
    %mul3A = arith.constant 2 : i32
    %mul3A_0 = arith.muli %arg1, %mul3A : i32
    %add3A = arith.addi %mul3A_0, %arg0 : i32
    %mul3A_1 = arith.constant 128 : i32
    %mul3A_2 = arith.muli %add3A, %mul3A_1 : i32
    %run_scoped3A = arith.constant 0 : i32
    "tpu.region"() ({
      %run_scoped3A_457 = tpu.sem_alloc : memref<!tpu.dma_semaphore, #tpu.memory_space<semaphore_mem>>
      %dma_start3A_458 = arith.constant 0 : i32
      %dma_start3A_459 = tpu.memref_slice %arg6[%run_scoped3A, %dma_start3A_458] : memref<2x128xi32, #tpu.memory_space<vmem>> -> memref<1x128xi32, #tpu.memory_space<vmem>>
      %dma_start3A_460 = tpu.memref_squeeze %dma_start3A_459 : memref<1x128xi32, #tpu.memory_space<vmem>> -> memref<128xi32, #tpu.memory_space<vmem>>
      %dma_start3A_461 = arith.constant 0 : i32
      %dma_start3A_462 = tpu.memref_slice %arg3[%add3A, %dma_start3A_461] : memref<32x128xi32, #tpu.memory_space<hbm>> -> memref<1x128xi32, #tpu.memory_space<hbm>>
      %dma_start3A_463 = tpu.memref_squeeze %dma_start3A_462 : memref<1x128xi32, #tpu.memory_space<hbm>> -> memref<128xi32, #tpu.memory_space<hbm>>
      %dma_start3A_464 = arith.constant 0 : i32
      %dma_start3A_465 = tpu.memref_slice %arg6[%run_scoped3A, %dma_start3A_464] : memref<2x128xi32, #tpu.memory_space<vmem>> -> memref<1x128xi32, #tpu.memory_space<vmem>>
      %dma_start3A_466 = tpu.memref_squeeze %dma_start3A_465 : memref<1x128xi32, #tpu.memory_space<vmem>> -> memref<128xi32, #tpu.memory_space<vmem>>
      %dma_start3A_467 = arith.constant 0 : i32
      %dma_start3A_468 = tpu.memref_slice %arg3[%add3A, %dma_start3A_467] : memref<32x128xi32, #tpu.memory_space<hbm>> -> memref<1x128xi32, #tpu.memory_space<hbm>>
      %dma_start3A_469 = tpu.memref_squeeze %dma_start3A_468 : memref<1x128xi32, #tpu.memory_space<hbm>> -> memref<128xi32, #tpu.memory_space<hbm>>
      tpu.enqueue_dma source(%dma_start3A_469 : memref<128xi32, #tpu.memory_space<hbm>>) target(%dma_start3A_466 : memref<128xi32, #tpu.memory_space<vmem>>) target_semaphore(%run_scoped3A_457 : memref<!tpu.dma_semaphore, #tpu.memory_space<semaphore_mem>>)
      %dma_wait3A_470 = arith.constant 0 : i32
      %dma_wait3A_471 = tpu.memref_slice %arg6[%run_scoped3A, %dma_wait3A_470] : memref<2x128xi32, #tpu.memory_space<vmem>> -> memref<1x128xi32, #tpu.memory_space<vmem>>
      %dma_wait3A_472 = tpu.memref_squeeze %dma_wait3A_471 : memref<1x128xi32, #tpu.memory_space<vmem>> -> memref<128xi32, #tpu.memory_space<vmem>>
      %dma_wait3A_473 = arith.constant 0 : i32
      %dma_wait3A_474 = tpu.memref_slice %arg3[%add3A, %dma_wait3A_473] : memref<32x128xi32, #tpu.memory_space<hbm>> -> memref<1x128xi32, #tpu.memory_space<hbm>>
      %dma_wait3A_475 = tpu.memref_squeeze %dma_wait3A_474 : memref<1x128xi32, #tpu.memory_space<hbm>> -> memref<128xi32, #tpu.memory_space<hbm>>
      %dma_wait3A_476 = arith.constant 0 : i32
      %dma_wait3A_477 = tpu.memref_slice %arg6[%run_scoped3A, %dma_wait3A_476] : memref<2x128xi32, #tpu.memory_space<vmem>> -> memref<1x128xi32, #tpu.memory_space<vmem>>
      %dma_wait3A_478 = tpu.memref_squeeze %dma_wait3A_477 : memref<1x128xi32, #tpu.memory_space<vmem>> -> memref<128xi32, #tpu.memory_space<vmem>>
      %dma_wait3A_479 = arith.constant 0 : i32
      %dma_wait3A_480 = tpu.memref_slice %arg3[%add3A, %dma_wait3A_479] : memref<32x128xi32, #tpu.memory_space<hbm>> -> memref<1x128xi32, #tpu.memory_space<hbm>>
      %dma_wait3A_481 = tpu.memref_squeeze %dma_wait3A_480 : memref<1x128xi32, #tpu.memory_space<hbm>> -> memref<128xi32, #tpu.memory_space<hbm>>
      tpu.wait_dma2 semaphore(%run_scoped3A_457 : memref<!tpu.dma_semaphore, #tpu.memory_space<semaphore_mem>>) src(%dma_wait3A_481 : memref<128xi32, #tpu.memory_space<hbm>>) dst(%dma_wait3A_478 : memref<128xi32, #tpu.memory_space<vmem>>)
      tpu.yield
    }) : () -> ()
    %run_scoped3A_3 = arith.constant 1 : i32
    "tpu.region"() ({
      %run_scoped3A_457 = tpu.sem_alloc : memref<!tpu.dma_semaphore, #tpu.memory_space<semaphore_mem>>
      %dma_start3A_458 = arith.constant 0 : i32
      %dma_start3A_459 = tpu.memref_slice %arg6[%run_scoped3A_3, %dma_start3A_458] : memref<2x128xi32, #tpu.memory_space<vmem>> -> memref<1x128xi32, #tpu.memory_space<vmem>>
      %dma_start3A_460 = tpu.memref_squeeze %dma_start3A_459 : memref<1x128xi32, #tpu.memory_space<vmem>> -> memref<128xi32, #tpu.memory_space<vmem>>
      %dma_start3A_461 = arith.constant 0 : i32
      %dma_start3A_462 = tpu.memref_slice %arg4[%add3A, %dma_start3A_461] : memref<32x128xi32, #tpu.memory_space<hbm>> -> memref<1x128xi32, #tpu.memory_space<hbm>>
      %dma_start3A_463 = tpu.memref_squeeze %dma_start3A_462 : memref<1x128xi32, #tpu.memory_space<hbm>> -> memref<128xi32, #tpu.memory_space<hbm>>
      %dma_start3A_464 = arith.constant 0 : i32
      %dma_start3A_465 = tpu.memref_slice %arg6[%run_scoped3A_3, %dma_start3A_464] : memref<2x128xi32, #tpu.memory_space<vmem>> -> memref<1x128xi32, #tpu.memory_space<vmem>>
      %dma_start3A_466 = tpu.memref_squeeze %dma_start3A_465 : memref<1x128xi32, #tpu.memory_space<vmem>> -> memref<128xi32, #tpu.memory_space<vmem>>
      %dma_start3A_467 = arith.constant 0 : i32
      %dma_start3A_468 = tpu.memref_slice %arg4[%add3A, %dma_start3A_467] : memref<32x128xi32, #tpu.memory_space<hbm>> -> memref<1x128xi32, #tpu.memory_space<hbm>>
      %dma_start3A_469 = tpu.memref_squeeze %dma_start3A_468 : memref<1x128xi32, #tpu.memory_space<hbm>> -> memref<128xi32, #tpu.memory_space<hbm>>
      tpu.enqueue_dma source(%dma_start3A_469 : memref<128xi32, #tpu.memory_space<hbm>>) target(%dma_start3A_466 : memref<128xi32, #tpu.memory_space<vmem>>) target_semaphore(%run_scoped3A_457 : memref<!tpu.dma_semaphore, #tpu.memory_space<semaphore_mem>>)
      %dma_wait3A_470 = arith.constant 0 : i32
      %dma_wait3A_471 = tpu.memref_slice %arg6[%run_scoped3A_3, %dma_wait3A_470] : memref<2x128xi32, #tpu.memory_space<vmem>> -> memref<1x128xi32, #tpu.memory_space<vmem>>
      %dma_wait3A_472 = tpu.memref_squeeze %dma_wait3A_471 : memref<1x128xi32, #tpu.memory_space<vmem>> -> memref<128xi32, #tpu.memory_space<vmem>>
      %dma_wait3A_473 = arith.constant 0 : i32
      %dma_wait3A_474 = tpu.memref_slice %arg4[%add3A, %dma_wait3A_473] : memref<32x128xi32, #tpu.memory_space<hbm>> -> memref<1x128xi32, #tpu.memory_space<hbm>>
      %dma_wait3A_475 = tpu.memref_squeeze %dma_wait3A_474 : memref<1x128xi32, #tpu.memory_space<hbm>> -> memref<128xi32, #tpu.memory_space<hbm>>
      %dma_wait3A_476 = arith.constant 0 : i32
      %dma_wait3A_477 = tpu.memref_slice %arg6[%run_scoped3A_3, %dma_wait3A_476] : memref<2x128xi32, #tpu.memory_space<vmem>> -> memref<1x128xi32, #tpu.memory_space<vmem>>
      %dma_wait3A_478 = tpu.memref_squeeze %dma_wait3A_477 : memref<1x128xi32, #tpu.memory_space<vmem>> -> memref<128xi32, #tpu.memory_space<vmem>>
      %dma_wait3A_479 = arith.constant 0 : i32
      %dma_wait3A_480 = tpu.memref_slice %arg4[%add3A, %dma_wait3A_479] : memref<32x128xi32, #tpu.memory_space<hbm>> -> memref<1x128xi32, #tpu.memory_space<hbm>>
      %dma_wait3A_481 = tpu.memref_squeeze %dma_wait3A_480 : memref<1x128xi32, #tpu.memory_space<hbm>> -> memref<128xi32, #tpu.memory_space<hbm>>
      tpu.wait_dma2 semaphore(%run_scoped3A_457 : memref<!tpu.dma_semaphore, #tpu.memory_space<semaphore_mem>>) src(%dma_wait3A_481 : memref<128xi32, #tpu.memory_space<hbm>>) dst(%dma_wait3A_478 : memref<128xi32, #tpu.memory_space<vmem>>)
      tpu.yield
    }) : () -> ()
    %dma_start3A = arith.constant 0 : i32
    %dma_start3A_4 = arith.constant 0 : i32
    %dma_start3A_5 = arith.constant 0 : i32
    %dma_start3A_6 = arith.constant 0 : i32
    %dma_start3A_7 = tpu.memref_slice %arg7[%dma_start3A_4, %dma_start3A_5, %dma_start3A_6] : memref<2x16x512xi32, #tpu.memory_space<vmem>> -> memref<1x16x512xi32, #tpu.memory_space<vmem>>
    %dma_start3A_8 = tpu.memref_squeeze %dma_start3A_7 : memref<1x16x512xi32, #tpu.memory_space<vmem>> -> memref<16x512xi32, #tpu.memory_space<vmem>>
    %dma_start3A_9 = arith.constant 0 : i32
    %dma_start3A_10 = tpu.memref_slice %arg6[%dma_start3A, %dma_start3A_9] : memref<2x128xi32, #tpu.memory_space<vmem>> -> memref<1x16xi32, #tpu.memory_space<vmem>>
    %dma_start3A_11 = tpu.memref_squeeze %dma_start3A_10 : memref<1x16xi32, #tpu.memory_space<vmem>> -> memref<16xi32, #tpu.memory_space<vmem>>
    %dma_start3A_12 = arith.constant 0 : i32
    %dma_start3A_13 = arith.constant 0 : i32
    %dma_start3A_14 = tpu.memref_slice %arg2[%dma_start3A_12, %dma_start3A_13] : memref<10240x512xi32, #tpu.memory_space<hbm>> -> memref<10240x512xi32, #tpu.memory_space<hbm>>
    tpu.enqueue_indirect_dma source(%dma_start3A_14 : memref<10240x512xi32, #tpu.memory_space<hbm>>) target(%dma_start3A_8 : memref<16x512xi32, #tpu.memory_space<vmem>>) offsets(%dma_start3A_11 : memref<16xi32, #tpu.memory_space<vmem>>) semaphore(%arg10 : memref<!tpu.dma_semaphore, #tpu.memory_space<semaphore_mem>>)
    %dma_start3A_15 = arith.constant 1 : i32
    %dma_start3A_16 = arith.constant 0 : i32
    %dma_start3A_17 = arith.constant 0 : i32
    %dma_start3A_18 = arith.constant 0 : i32
    %dma_start3A_19 = tpu.memref_slice %arg8[%dma_start3A_16, %dma_start3A_17, %dma_start3A_18] : memref<2x16x512xi32, #tpu.memory_space<vmem>> -> memref<1x16x512xi32, #tpu.memory_space<vmem>>
    %dma_start3A_20 = tpu.memref_squeeze %dma_start3A_19 : memref<1x16x512xi32, #tpu.memory_space<vmem>> -> memref<16x512xi32, #tpu.memory_space<vmem>>
    %dma_start3A_21 = arith.constant 0 : i32
    %dma_start3A_22 = tpu.memref_slice %arg6[%dma_start3A_15, %dma_start3A_21] : memref<2x128xi32, #tpu.memory_space<vmem>> -> memref<1x16xi32, #tpu.memory_space<vmem>>
    %dma_start3A_23 = tpu.memref_squeeze %dma_start3A_22 : memref<1x16xi32, #tpu.memory_space<vmem>> -> memref<16xi32, #tpu.memory_space<vmem>>
    %dma_start3A_24 = arith.constant 0 : i32
    %dma_start3A_25 = arith.constant 0 : i32
    %dma_start3A_26 = tpu.memref_slice %arg2[%dma_start3A_24, %dma_start3A_25] : memref<10240x512xi32, #tpu.memory_space<hbm>> -> memref<10240x512xi32, #tpu.memory_space<hbm>>
    tpu.enqueue_indirect_dma source(%dma_start3A_26 : memref<10240x512xi32, #tpu.memory_space<hbm>>) target(%dma_start3A_20 : memref<16x512xi32, #tpu.memory_space<vmem>>) offsets(%dma_start3A_23 : memref<16xi32, #tpu.memory_space<vmem>>) semaphore(%arg10 : memref<!tpu.dma_semaphore, #tpu.memory_space<semaphore_mem>>)
    %dma_wait3A = arith.constant 0 : i32
    %dma_wait3A_27 = arith.constant 0 : i32
    %dma_wait3A_28 = arith.constant 0 : i32
    %dma_wait3A_29 = arith.constant 0 : i32
    %dma_wait3A_30 = tpu.memref_slice %arg7[%dma_wait3A_27, %dma_wait3A_28, %dma_wait3A_29] : memref<2x16x512xi32, #tpu.memory_space<vmem>> -> memref<1x16x512xi32, #tpu.memory_space<vmem>>
    %dma_wait3A_31 = tpu.memref_squeeze %dma_wait3A_30 : memref<1x16x512xi32, #tpu.memory_space<vmem>> -> memref<16x512xi32, #tpu.memory_space<vmem>>
    %dma_wait3A_32 = arith.constant 0 : i32
    %dma_wait3A_33 = tpu.memref_slice %arg6[%dma_wait3A, %dma_wait3A_32] : memref<2x128xi32, #tpu.memory_space<vmem>> -> memref<1x16xi32, #tpu.memory_space<vmem>>
    %dma_wait3A_34 = tpu.memref_squeeze %dma_wait3A_33 : memref<1x16xi32, #tpu.memory_space<vmem>> -> memref<16xi32, #tpu.memory_space<vmem>>
    %dma_wait3A_35 = arith.constant 0 : i32
    %dma_wait3A_36 = arith.constant 0 : i32
    %dma_wait3A_37 = tpu.memref_slice %arg2[%dma_wait3A_35, %dma_wait3A_36] : memref<10240x512xi32, #tpu.memory_space<hbm>> -> memref<10240x512xi32, #tpu.memory_space<hbm>>
    tpu.wait_indirect_dma semaphore(%arg10 : memref<!tpu.dma_semaphore, #tpu.memory_space<semaphore_mem>>) src(%dma_wait3A_37 : memref<10240x512xi32, #tpu.memory_space<hbm>>) dst(%dma_wait3A_31 : memref<16x512xi32, #tpu.memory_space<vmem>>)
    %dma_wait3A_38 = arith.constant 1 : i32
    %dma_wait3A_39 = arith.constant 0 : i32
    %dma_wait3A_40 = arith.constant 0 : i32
    %dma_wait3A_41 = arith.constant 0 : i32
    %dma_wait3A_42 = tpu.memref_slice %arg8[%dma_wait3A_39, %dma_wait3A_40, %dma_wait3A_41] : memref<2x16x512xi32, #tpu.memory_space<vmem>> -> memref<1x16x512xi32, #tpu.memory_space<vmem>>
    %dma_wait3A_43 = tpu.memref_squeeze %dma_wait3A_42 : memref<1x16x512xi32, #tpu.memory_space<vmem>> -> memref<16x512xi32, #tpu.memory_space<vmem>>
    %dma_wait3A_44 = arith.constant 0 : i32
    %dma_wait3A_45 = tpu.memref_slice %arg6[%dma_wait3A_38, %dma_wait3A_44] : memref<2x128xi32, #tpu.memory_space<vmem>> -> memref<1x16xi32, #tpu.memory_space<vmem>>
    %dma_wait3A_46 = tpu.memref_squeeze %dma_wait3A_45 : memref<1x16xi32, #tpu.memory_space<vmem>> -> memref<16xi32, #tpu.memory_space<vmem>>
    %dma_wait3A_47 = arith.constant 0 : i32
    %dma_wait3A_48 = arith.constant 0 : i32
    %dma_wait3A_49 = tpu.memref_slice %arg2[%dma_wait3A_47, %dma_wait3A_48] : memref<10240x512xi32, #tpu.memory_space<hbm>> -> memref<10240x512xi32, #tpu.memory_space<hbm>>
    tpu.wait_indirect_dma semaphore(%arg10 : memref<!tpu.dma_semaphore, #tpu.memory_space<semaphore_mem>>) src(%dma_wait3A_49 : memref<10240x512xi32, #tpu.memory_space<hbm>>) dst(%dma_wait3A_43 : memref<16x512xi32, #tpu.memory_space<vmem>>)
    %dma_start3A_50 = arith.constant 0 : i32
    %dma_start3A_51 = arith.constant 1 : i32
    %dma_start3A_52 = arith.constant 0 : i32
    %dma_start3A_53 = arith.constant 0 : i32
    %dma_start3A_54 = tpu.memref_slice %arg7[%dma_start3A_51, %dma_start3A_52, %dma_start3A_53] : memref<2x16x512xi32, #tpu.memory_space<vmem>> -> memref<1x16x512xi32, #tpu.memory_space<vmem>>
    %dma_start3A_55 = tpu.memref_squeeze %dma_start3A_54 : memref<1x16x512xi32, #tpu.memory_space<vmem>> -> memref<16x512xi32, #tpu.memory_space<vmem>>
    %dma_start3A_56 = arith.constant 16 : i32
    %dma_start3A_57 = tpu.memref_slice %arg6[%dma_start3A_50, %dma_start3A_56] : memref<2x128xi32, #tpu.memory_space<vmem>> -> memref<1x16xi32, #tpu.memory_space<vmem>>
    %dma_start3A_58 = tpu.memref_squeeze %dma_start3A_57 : memref<1x16xi32, #tpu.memory_space<vmem>> -> memref<16xi32, #tpu.memory_space<vmem>>
    %dma_start3A_59 = arith.constant 0 : i32
    %dma_start3A_60 = arith.constant 0 : i32
    %dma_start3A_61 = tpu.memref_slice %arg2[%dma_start3A_59, %dma_start3A_60] : memref<10240x512xi32, #tpu.memory_space<hbm>> -> memref<10240x512xi32, #tpu.memory_space<hbm>>
    tpu.enqueue_indirect_dma source(%dma_start3A_61 : memref<10240x512xi32, #tpu.memory_space<hbm>>) target(%dma_start3A_55 : memref<16x512xi32, #tpu.memory_space<vmem>>) offsets(%dma_start3A_58 : memref<16xi32, #tpu.memory_space<vmem>>) semaphore(%arg11 : memref<!tpu.dma_semaphore, #tpu.memory_space<semaphore_mem>>)
    %dma_start3A_62 = arith.constant 1 : i32
    %dma_start3A_63 = arith.constant 1 : i32
    %dma_start3A_64 = arith.constant 0 : i32
    %dma_start3A_65 = arith.constant 0 : i32
    %dma_start3A_66 = tpu.memref_slice %arg8[%dma_start3A_63, %dma_start3A_64, %dma_start3A_65] : memref<2x16x512xi32, #tpu.memory_space<vmem>> -> memref<1x16x512xi32, #tpu.memory_space<vmem>>
    %dma_start3A_67 = tpu.memref_squeeze %dma_start3A_66 : memref<1x16x512xi32, #tpu.memory_space<vmem>> -> memref<16x512xi32, #tpu.memory_space<vmem>>
    %dma_start3A_68 = arith.constant 16 : i32
    %dma_start3A_69 = tpu.memref_slice %arg6[%dma_start3A_62, %dma_start3A_68] : memref<2x128xi32, #tpu.memory_space<vmem>> -> memref<1x16xi32, #tpu.memory_space<vmem>>
    %dma_start3A_70 = tpu.memref_squeeze %dma_start3A_69 : memref<1x16xi32, #tpu.memory_space<vmem>> -> memref<16xi32, #tpu.memory_space<vmem>>
    %dma_start3A_71 = arith.constant 0 : i32
    %dma_start3A_72 = arith.constant 0 : i32
    %dma_start3A_73 = tpu.memref_slice %arg2[%dma_start3A_71, %dma_start3A_72] : memref<10240x512xi32, #tpu.memory_space<hbm>> -> memref<10240x512xi32, #tpu.memory_space<hbm>>
    tpu.enqueue_indirect_dma source(%dma_start3A_73 : memref<10240x512xi32, #tpu.memory_space<hbm>>) target(%dma_start3A_67 : memref<16x512xi32, #tpu.memory_space<vmem>>) offsets(%dma_start3A_70 : memref<16xi32, #tpu.memory_space<vmem>>) semaphore(%arg11 : memref<!tpu.dma_semaphore, #tpu.memory_space<semaphore_mem>>)
    %scan3A = arith.constant 0 : i32
    %scan3A_74 = arith.constant 0 : i32
    %scan3A_75 = arith.constant 16 : i32
    %scan3A_76 = arith.addi %scan3A_74, %scan3A_75 : i32
    %scan3A_77 = arith.constant 1 : i32
    %scan3A_78 = scf.for %scan3A_457 = %scan3A_74 to %scan3A_76 step %scan3A_77 iter_args(%scan3A_458 = %scan3A) -> (i32)  : i32 {
      %scan3A_459 = arith.constant 0 : i32
      %scan3A_460 = arith.constant 0 : i32
      %scan3A_461 = arith.constant 8 : i32
      %scan3A_462 = arith.addi %scan3A_460, %scan3A_461 : i32
      %scan3A_463 = arith.constant 1 : i32
      %scan3A_464 = scf.for %scan3A_467 = %scan3A_460 to %scan3A_462 step %scan3A_463 iter_args(%scan3A_468 = %scan3A_459) -> (i32)  : i32 {
        %mul3A_469 = arith.constant 64 : i32
        %mul3A_470 = arith.muli %scan3A_467, %mul3A_469 : i32
        %add3A_471 = arith.constant 0 : i32
        %add3A_472 = arith.addi %mul3A_470, %add3A_471 : i32
        %get3A = arith.constant 0 : i32
        %get3A_473 = arith.index_cast %get3A : i32 to index
        %get3A_474 = arith.index_cast %scan3A_457 : i32 to index
        %get3A_475 = arith.index_cast %add3A_472 : i32 to index
        %get3A_476 = tpu.vector_load %arg7[%get3A_473, %get3A_474, %get3A_475] {strides = array<i32>} : memref<2x16x512xi32, #tpu.memory_space<vmem>>, vector<16xi32>,
        %bitcast3A = vector.bitcast %get3A_476 : vector<16xi32> to vector<32xbf16>
        %get3A_477 = arith.constant 0 : i32
        %get3A_478 = arith.index_cast %get3A_477 : i32 to index
        %get3A_479 = arith.index_cast %scan3A_457 : i32 to index
        %get3A_480 = arith.index_cast %add3A_472 : i32 to index
        %get3A_481 = tpu.vector_load %arg8[%get3A_478, %get3A_479, %get3A_480] {strides = array<i32>} : memref<2x16x512xi32, #tpu.memory_space<vmem>>, vector<16xi32>,
        %bitcast3A_482 = vector.bitcast %get3A_481 : vector<16xi32> to vector<32xbf16>
        %add3A_483 = arith.addf %bitcast3A, %bitcast3A_482 : vector<32xbf16>
        %bitcast3A_484 = vector.bitcast %add3A_483 : vector<32xbf16> to vector<16xi32>
        %swap3A = arith.index_cast %scan3A_457 : i32 to index
        %swap3A_485 = arith.index_cast %add3A_472 : i32 to index
        %swap3A_486 = tpu.vector_load %arg9[%swap3A, %swap3A_485] {strides = array<i32>} : memref<16x512xi32, #tpu.memory_space<vmem>>, vector<16xi32>,
        tpu.vector_store %arg9[%swap3A, %swap3A_485], %bitcast3A_484 {strides = array<i32>} : memref<16x512xi32, #tpu.memory_space<vmem>>, vector<16xi32>,
        %mul3A_487 = arith.constant 64 : i32
        %mul3A_488 = arith.muli %scan3A_467, %mul3A_487 : i32
        %add3A_489 = arith.constant 16 : i32
        %add3A_490 = arith.addi %mul3A_488, %add3A_489 : i32
        %get3A_491 = arith.constant 0 : i32
        %get3A_492 = arith.index_cast %get3A_491 : i32 to index
        %get3A_493 = arith.index_cast %scan3A_457 : i32 to index
        %get3A_494 = arith.index_cast %add3A_490 : i32 to index
        %get3A_495 = tpu.vector_load %arg7[%get3A_492, %get3A_493, %get3A_494] {strides = array<i32>} : memref<2x16x512xi32, #tpu.memory_space<vmem>>, vector<16xi32>,
        %bitcast3A_496 = vector.bitcast %get3A_495 : vector<16xi32> to vector<32xbf16>
        %get3A_497 = arith.constant 0 : i32
        %get3A_498 = arith.index_cast %get3A_497 : i32 to index
        %get3A_499 = arith.index_cast %scan3A_457 : i32 to index
        %get3A_500 = arith.index_cast %add3A_490 : i32 to index
        %get3A_501 = tpu.vector_load %arg8[%get3A_498, %get3A_499, %get3A_500] {strides = array<i32>} : memref<2x16x512xi32, #tpu.memory_space<vmem>>, vector<16xi32>,
        %bitcast3A_502 = vector.bitcast %get3A_501 : vector<16xi32> to vector<32xbf16>
        %add3A_503 = arith.addf %bitcast3A_496, %bitcast3A_502 : vector<32xbf16>
        %bitcast3A_504 = vector.bitcast %add3A_503 : vector<32xbf16> to vector<16xi32>
        %swap3A_505 = arith.index_cast %scan3A_457 : i32 to index
        %swap3A_506 = arith.index_cast %add3A_490 : i32 to index
        %swap3A_507 = tpu.vector_load %arg9[%swap3A_505, %swap3A_506] {strides = array<i32>} : memref<16x512xi32, #tpu.memory_space<vmem>>, vector<16xi32>,
        tpu.vector_store %arg9[%swap3A_505, %swap3A_506], %bitcast3A_504 {strides = array<i32>} : memref<16x512xi32, #tpu.memory_space<vmem>>, vector<16xi32>,
        %mul3A_508 = arith.constant 64 : i32
        %mul3A_509 = arith.muli %scan3A_467, %mul3A_508 : i32
        %add3A_510 = arith.constant 32 : i32
        %add3A_511 = arith.addi %mul3A_509, %add3A_510 : i32
        %get3A_512 = arith.constant 0 : i32
        %get3A_513 = arith.index_cast %get3A_512 : i32 to index
        %get3A_514 = arith.index_cast %scan3A_457 : i32 to index
        %get3A_515 = arith.index_cast %add3A_511 : i32 to index
        %get3A_516 = tpu.vector_load %arg7[%get3A_513, %get3A_514, %get3A_515] {strides = array<i32>} : memref<2x16x512xi32, #tpu.memory_space<vmem>>, vector<16xi32>,
        %bitcast3A_517 = vector.bitcast %get3A_516 : vector<16xi32> to vector<32xbf16>
        %get3A_518 = arith.constant 0 : i32
        %get3A_519 = arith.index_cast %get3A_518 : i32 to index
        %get3A_520 = arith.index_cast %scan3A_457 : i32 to index
        %get3A_521 = arith.index_cast %add3A_511 : i32 to index
        %get3A_522 = tpu.vector_load %arg8[%get3A_519, %get3A_520, %get3A_521] {strides = array<i32>} : memref<2x16x512xi32, #tpu.memory_space<vmem>>, vector<16xi32>,
        %bitcast3A_523 = vector.bitcast %get3A_522 : vector<16xi32> to vector<32xbf16>
        %add3A_524 = arith.addf %bitcast3A_517, %bitcast3A_523 : vector<32xbf16>
        %bitcast3A_525 = vector.bitcast %add3A_524 : vector<32xbf16> to vector<16xi32>
        %swap3A_526 = arith.index_cast %scan3A_457 : i32 to index
        %swap3A_527 = arith.index_cast %add3A_511 : i32 to index
        %swap3A_528 = tpu.vector_load %arg9[%swap3A_526, %swap3A_527] {strides = array<i32>} : memref<16x512xi32, #tpu.memory_space<vmem>>, vector<16xi32>,
        tpu.vector_store %arg9[%swap3A_526, %swap3A_527], %bitcast3A_525 {strides = array<i32>} : memref<16x512xi32, #tpu.memory_space<vmem>>, vector<16xi32>,
        %mul3A_529 = arith.constant 64 : i32
        %mul3A_530 = arith.muli %scan3A_467, %mul3A_529 : i32
        %add3A_531 = arith.constant 48 : i32
        %add3A_532 = arith.addi %mul3A_530, %add3A_531 : i32
        %get3A_533 = arith.constant 0 : i32
        %get3A_534 = arith.index_cast %get3A_533 : i32 to index
        %get3A_535 = arith.index_cast %scan3A_457 : i32 to index
        %get3A_536 = arith.index_cast %add3A_532 : i32 to index
        %get3A_537 = tpu.vector_load %arg7[%get3A_534, %get3A_535, %get3A_536] {strides = array<i32>} : memref<2x16x512xi32, #tpu.memory_space<vmem>>, vector<16xi32>,
        %bitcast3A_538 = vector.bitcast %get3A_537 : vector<16xi32> to vector<32xbf16>
        %get3A_539 = arith.constant 0 : i32
        %get3A_540 = arith.index_cast %get3A_539 : i32 to index
        %get3A_541 = arith.index_cast %scan3A_457 : i32 to index
        %get3A_542 = arith.index_cast %add3A_532 : i32 to index
        %get3A_543 = tpu.vector_load %arg8[%get3A_540, %get3A_541, %get3A_542] {strides = array<i32>} : memref<2x16x512xi32, #tpu.memory_space<vmem>>, vector<16xi32>,
        %bitcast3A_544 = vector.bitcast %get3A_543 : vector<16xi32> to vector<32xbf16>
        %add3A_545 = arith.addf %bitcast3A_538, %bitcast3A_544 : vector<32xbf16>
        %bitcast3A_546 = vector.bitcast %add3A_545 : vector<32xbf16> to vector<16xi32>
        %swap3A_547 = arith.index_cast %scan3A_457 : i32 to index
        %swap3A_548 = arith.index_cast %add3A_532 : i32 to index
        %swap3A_549 = tpu.vector_load %arg9[%swap3A_547, %swap3A_548] {strides = array<i32>} : memref<16x512xi32, #tpu.memory_space<vmem>>, vector<16xi32>,
        tpu.vector_store %arg9[%swap3A_547, %swap3A_548], %bitcast3A_546 {strides = array<i32>} : memref<16x512xi32, #tpu.memory_space<vmem>>, vector<16xi32>,
        %scan3A_550 = arith.constant 0 : i32
        scf.yield %scan3A_550 : i32
      }
      %scan3A_465 = arith.constant 8 : i32
      %scan3A_466 = arith.constant 0 : i32
      scf.yield %scan3A_466 : i32
    }
    %scan3A_79 = arith.constant 16 : i32
    %add3A_80 = arith.constant 0 : i32
    %add3A_81 = arith.addi %mul3A_2, %add3A_80 : i32
    "tpu.region"() ({
      %run_scoped3A_457 = tpu.sem_alloc : memref<!tpu.dma_semaphore, #tpu.memory_space<semaphore_mem>>
      %dma_start3A_458 = arith.constant 0 : i32
      %dma_start3A_459 = tpu.memref_slice %arg5[%add3A_81, %dma_start3A_458] : memref<4096x512xi32, #tpu.memory_space<hbm>> -> memref<16x512xi32, #tpu.memory_space<hbm>>
      %dma_start3A_460 = arith.constant 0 : i32
      %dma_start3A_461 = tpu.memref_slice %arg5[%add3A_81, %dma_start3A_460] : memref<4096x512xi32, #tpu.memory_space<hbm>> -> memref<16x512xi32, #tpu.memory_space<hbm>>
      tpu.enqueue_dma source(%arg9 : memref<16x512xi32, #tpu.memory_space<vmem>>) target(%dma_start3A_461 : memref<16x512xi32, #tpu.memory_space<hbm>>) target_semaphore(%run_scoped3A_457 : memref<!tpu.dma_semaphore, #tpu.memory_space<semaphore_mem>>)
      %dma_wait3A_462 = arith.constant 0 : i32
      %dma_wait3A_463 = tpu.memref_slice %arg5[%add3A_81, %dma_wait3A_462] : memref<4096x512xi32, #tpu.memory_space<hbm>> -> memref<16x512xi32, #tpu.memory_space<hbm>>
      %dma_wait3A_464 = arith.constant 0 : i32
      %dma_wait3A_465 = tpu.memref_slice %arg5[%add3A_81, %dma_wait3A_464] : memref<4096x512xi32, #tpu.memory_space<hbm>> -> memref<16x512xi32, #tpu.memory_space<hbm>>
      tpu.wait_dma2 semaphore(%run_scoped3A_457 : memref<!tpu.dma_semaphore, #tpu.memory_space<semaphore_mem>>) src(%arg9 : memref<16x512xi32, #tpu.memory_space<vmem>>) dst(%dma_wait3A_465 : memref<16x512xi32, #tpu.memory_space<hbm>>)
      tpu.yield
    }) : () -> ()
    %dma_wait3A_82 = arith.constant 0 : i32
    %dma_wait3A_83 = arith.constant 1 : i32
    %dma_wait3A_84 = arith.constant 0 : i32
    %dma_wait3A_85 = arith.constant 0 : i32
    %dma_wait3A_86 = tpu.memref_slice %arg7[%dma_wait3A_83, %dma_wait3A_84, %dma_wait3A_85] : memref<2x16x512xi32, #tpu.memory_space<vmem>> -> memref<1x16x512xi32, #tpu.memory_space<vmem>>
    %dma_wait3A_87 = tpu.memref_squeeze %dma_wait3A_86 : memref<1x16x512xi32, #tpu.memory_space<vmem>> -> memref<16x512xi32, #tpu.memory_space<vmem>>
    %dma_wait3A_88 = arith.constant 16 : i32
    %dma_wait3A_89 = tpu.memref_slice %arg6[%dma_wait3A_82, %dma_wait3A_88] : memref<2x128xi32, #tpu.memory_space<vmem>> -> memref<1x16xi32, #tpu.memory_space<vmem>>
    %dma_wait3A_90 = tpu.memref_squeeze %dma_wait3A_89 : memref<1x16xi32, #tpu.memory_space<vmem>> -> memref<16xi32, #tpu.memory_space<vmem>>
    %dma_wait3A_91 = arith.constant 0 : i32
    %dma_wait3A_92 = arith.constant 0 : i32
    %dma_wait3A_93 = tpu.memref_slice %arg2[%dma_wait3A_91, %dma_wait3A_92] : memref<10240x512xi32, #tpu.memory_space<hbm>> -> memref<10240x512xi32, #tpu.memory_space<hbm>>
    tpu.wait_indirect_dma semaphore(%arg11 : memref<!tpu.dma_semaphore, #tpu.memory_space<semaphore_mem>>) src(%dma_wait3A_93 : memref<10240x512xi32, #tpu.memory_space<hbm>>) dst(%dma_wait3A_87 : memref<16x512xi32, #tpu.memory_space<vmem>>)
    %dma_wait3A_94 = arith.constant 1 : i32
    %dma_wait3A_95 = arith.constant 1 : i32
    %dma_wait3A_96 = arith.constant 0 : i32
    %dma_wait3A_97 = arith.constant 0 : i32
    %dma_wait3A_98 = tpu.memref_slice %arg8[%dma_wait3A_95, %dma_wait3A_96, %dma_wait3A_97] : memref<2x16x512xi32, #tpu.memory_space<vmem>> -> memref<1x16x512xi32, #tpu.memory_space<vmem>>
    %dma_wait3A_99 = tpu.memref_squeeze %dma_wait3A_98 : memref<1x16x512xi32, #tpu.memory_space<vmem>> -> memref<16x512xi32, #tpu.memory_space<vmem>>
    %dma_wait3A_100 = arith.constant 16 : i32
    %dma_wait3A_101 = tpu.memref_slice %arg6[%dma_wait3A_94, %dma_wait3A_100] : memref<2x128xi32, #tpu.memory_space<vmem>> -> memref<1x16xi32, #tpu.memory_space<vmem>>
    %dma_wait3A_102 = tpu.memref_squeeze %dma_wait3A_101 : memref<1x16xi32, #tpu.memory_space<vmem>> -> memref<16xi32, #tpu.memory_space<vmem>>
    %dma_wait3A_103 = arith.constant 0 : i32
    %dma_wait3A_104 = arith.constant 0 : i32
    %dma_wait3A_105 = tpu.memref_slice %arg2[%dma_wait3A_103, %dma_wait3A_104] : memref<10240x512xi32, #tpu.memory_space<hbm>> -> memref<10240x512xi32, #tpu.memory_space<hbm>>
    tpu.wait_indirect_dma semaphore(%arg11 : memref<!tpu.dma_semaphore, #tpu.memory_space<semaphore_mem>>) src(%dma_wait3A_105 : memref<10240x512xi32, #tpu.memory_space<hbm>>) dst(%dma_wait3A_99 : memref<16x512xi32, #tpu.memory_space<vmem>>)
    %dma_start3A_106 = arith.constant 0 : i32
    %dma_start3A_107 = arith.constant 0 : i32
    %dma_start3A_108 = arith.constant 0 : i32
    %dma_start3A_109 = arith.constant 0 : i32
    %dma_start3A_110 = tpu.memref_slice %arg7[%dma_start3A_107, %dma_start3A_108, %dma_start3A_109] : memref<2x16x512xi32, #tpu.memory_space<vmem>> -> memref<1x16x512xi32, #tpu.memory_space<vmem>>
    %dma_start3A_111 = tpu.memref_squeeze %dma_start3A_110 : memref<1x16x512xi32, #tpu.memory_space<vmem>> -> memref<16x512xi32, #tpu.memory_space<vmem>>
    %dma_start3A_112 = arith.constant 32 : i32
    %dma_start3A_113 = tpu.memref_slice %arg6[%dma_start3A_106, %dma_start3A_112] : memref<2x128xi32, #tpu.memory_space<vmem>> -> memref<1x16xi32, #tpu.memory_space<vmem>>
    %dma_start3A_114 = tpu.memref_squeeze %dma_start3A_113 : memref<1x16xi32, #tpu.memory_space<vmem>> -> memref<16xi32, #tpu.memory_space<vmem>>
    %dma_start3A_115 = arith.constant 0 : i32
    %dma_start3A_116 = arith.constant 0 : i32
    %dma_start3A_117 = tpu.memref_slice %arg2[%dma_start3A_115, %dma_start3A_116] : memref<10240x512xi32, #tpu.memory_space<hbm>> -> memref<10240x512xi32, #tpu.memory_space<hbm>>
    tpu.enqueue_indirect_dma source(%dma_start3A_117 : memref<10240x512xi32, #tpu.memory_space<hbm>>) target(%dma_start3A_111 : memref<16x512xi32, #tpu.memory_space<vmem>>) offsets(%dma_start3A_114 : memref<16xi32, #tpu.memory_space<vmem>>) semaphore(%arg10 : memref<!tpu.dma_semaphore, #tpu.memory_space<semaphore_mem>>)
    %dma_start3A_118 = arith.constant 1 : i32
    %dma_start3A_119 = arith.constant 0 : i32
    %dma_start3A_120 = arith.constant 0 : i32
    %dma_start3A_121 = arith.constant 0 : i32
    %dma_start3A_122 = tpu.memref_slice %arg8[%dma_start3A_119, %dma_start3A_120, %dma_start3A_121] : memref<2x16x512xi32, #tpu.memory_space<vmem>> -> memref<1x16x512xi32, #tpu.memory_space<vmem>>
    %dma_start3A_123 = tpu.memref_squeeze %dma_start3A_122 : memref<1x16x512xi32, #tpu.memory_space<vmem>> -> memref<16x512xi32, #tpu.memory_space<vmem>>
    %dma_start3A_124 = arith.constant 32 : i32
    %dma_start3A_125 = tpu.memref_slice %arg6[%dma_start3A_118, %dma_start3A_124] : memref<2x128xi32, #tpu.memory_space<vmem>> -> memref<1x16xi32, #tpu.memory_space<vmem>>
    %dma_start3A_126 = tpu.memref_squeeze %dma_start3A_125 : memref<1x16xi32, #tpu.memory_space<vmem>> -> memref<16xi32, #tpu.memory_space<vmem>>
    %dma_start3A_127 = arith.constant 0 : i32
    %dma_start3A_128 = arith.constant 0 : i32
    %dma_start3A_129 = tpu.memref_slice %arg2[%dma_start3A_127, %dma_start3A_128] : memref<10240x512xi32, #tpu.memory_space<hbm>> -> memref<10240x512xi32, #tpu.memory_space<hbm>>
    tpu.enqueue_indirect_dma source(%dma_start3A_129 : memref<10240x512xi32, #tpu.memory_space<hbm>>) target(%dma_start3A_123 : memref<16x512xi32, #tpu.memory_space<vmem>>) offsets(%dma_start3A_126 : memref<16xi32, #tpu.memory_space<vmem>>) semaphore(%arg10 : memref<!tpu.dma_semaphore, #tpu.memory_space<semaphore_mem>>)
    %scan3A_130 = arith.constant 0 : i32
    %scan3A_131 = arith.constant 0 : i32
    %scan3A_132 = arith.constant 16 : i32
    %scan3A_133 = arith.addi %scan3A_131, %scan3A_132 : i32
    %scan3A_134 = arith.constant 1 : i32
    %scan3A_135 = scf.for %scan3A_457 = %scan3A_131 to %scan3A_133 step %scan3A_134 iter_args(%scan3A_458 = %scan3A_130) -> (i32)  : i32 {
      %scan3A_459 = arith.constant 0 : i32
      %scan3A_460 = arith.constant 0 : i32
      %scan3A_461 = arith.constant 8 : i32
      %scan3A_462 = arith.addi %scan3A_460, %scan3A_461 : i32
      %scan3A_463 = arith.constant 1 : i32
      %scan3A_464 = scf.for %scan3A_467 = %scan3A_460 to %scan3A_462 step %scan3A_463 iter_args(%scan3A_468 = %scan3A_459) -> (i32)  : i32 {
        %mul3A_469 = arith.constant 64 : i32
        %mul3A_470 = arith.muli %scan3A_467, %mul3A_469 : i32
        %add3A_471 = arith.constant 0 : i32
        %add3A_472 = arith.addi %mul3A_470, %add3A_471 : i32
        %get3A = arith.constant 1 : i32
        %get3A_473 = arith.index_cast %get3A : i32 to index
        %get3A_474 = arith.index_cast %scan3A_457 : i32 to index
        %get3A_475 = arith.index_cast %add3A_472 : i32 to index
        %get3A_476 = tpu.vector_load %arg7[%get3A_473, %get3A_474, %get3A_475] {strides = array<i32>} : memref<2x16x512xi32, #tpu.memory_space<vmem>>, vector<16xi32>,
        %bitcast3A = vector.bitcast %get3A_476 : vector<16xi32> to vector<32xbf16>
        %get3A_477 = arith.constant 1 : i32
        %get3A_478 = arith.index_cast %get3A_477 : i32 to index
        %get3A_479 = arith.index_cast %scan3A_457 : i32 to index
        %get3A_480 = arith.index_cast %add3A_472 : i32 to index
        %get3A_481 = tpu.vector_load %arg8[%get3A_478, %get3A_479, %get3A_480] {strides = array<i32>} : memref<2x16x512xi32, #tpu.memory_space<vmem>>, vector<16xi32>,
        %bitcast3A_482 = vector.bitcast %get3A_481 : vector<16xi32> to vector<32xbf16>
        %add3A_483 = arith.addf %bitcast3A, %bitcast3A_482 : vector<32xbf16>
        %bitcast3A_484 = vector.bitcast %add3A_483 : vector<32xbf16> to vector<16xi32>
        %swap3A = arith.index_cast %scan3A_457 : i32 to index
        %swap3A_485 = arith.index_cast %add3A_472 : i32 to index
        %swap3A_486 = tpu.vector_load %arg9[%swap3A, %swap3A_485] {strides = array<i32>} : memref<16x512xi32, #tpu.memory_space<vmem>>, vector<16xi32>,
        tpu.vector_store %arg9[%swap3A, %swap3A_485], %bitcast3A_484 {strides = array<i32>} : memref<16x512xi32, #tpu.memory_space<vmem>>, vector<16xi32>,
        %mul3A_487 = arith.constant 64 : i32
        %mul3A_488 = arith.muli %scan3A_467, %mul3A_487 : i32
        %add3A_489 = arith.constant 16 : i32
        %add3A_490 = arith.addi %mul3A_488, %add3A_489 : i32
        %get3A_491 = arith.constant 1 : i32
        %get3A_492 = arith.index_cast %get3A_491 : i32 to index
        %get3A_493 = arith.index_cast %scan3A_457 : i32 to index
        %get3A_494 = arith.index_cast %add3A_490 : i32 to index
        %get3A_495 = tpu.vector_load %arg7[%get3A_492, %get3A_493, %get3A_494] {strides = array<i32>} : memref<2x16x512xi32, #tpu.memory_space<vmem>>, vector<16xi32>,
        %bitcast3A_496 = vector.bitcast %get3A_495 : vector<16xi32> to vector<32xbf16>
        %get3A_497 = arith.constant 1 : i32
        %get3A_498 = arith.index_cast %get3A_497 : i32 to index
        %get3A_499 = arith.index_cast %scan3A_457 : i32 to index
        %get3A_500 = arith.index_cast %add3A_490 : i32 to index
        %get3A_501 = tpu.vector_load %arg8[%get3A_498, %get3A_499, %get3A_500] {strides = array<i32>} : memref<2x16x512xi32, #tpu.memory_space<vmem>>, vector<16xi32>,
        %bitcast3A_502 = vector.bitcast %get3A_501 : vector<16xi32> to vector<32xbf16>
        %add3A_503 = arith.addf %bitcast3A_496, %bitcast3A_502 : vector<32xbf16>
        %bitcast3A_504 = vector.bitcast %add3A_503 : vector<32xbf16> to vector<16xi32>
        %swap3A_505 = arith.index_cast %scan3A_457 : i32 to index
        %swap3A_506 = arith.index_cast %add3A_490 : i32 to index
        %swap3A_507 = tpu.vector_load %arg9[%swap3A_505, %swap3A_506] {strides = array<i32>} : memref<16x512xi32, #tpu.memory_space<vmem>>, vector<16xi32>,
        tpu.vector_store %arg9[%swap3A_505, %swap3A_506], %bitcast3A_504 {strides = array<i32>} : memref<16x512xi32, #tpu.memory_space<vmem>>, vector<16xi32>,
        %mul3A_508 = arith.constant 64 : i32
        %mul3A_509 = arith.muli %scan3A_467, %mul3A_508 : i32
        %add3A_510 = arith.constant 32 : i32
        %add3A_511 = arith.addi %mul3A_509, %add3A_510 : i32
        %get3A_512 = arith.constant 1 : i32
        %get3A_513 = arith.index_cast %get3A_512 : i32 to index
        %get3A_514 = arith.index_cast %scan3A_457 : i32 to index
        %get3A_515 = arith.index_cast %add3A_511 : i32 to index
        %get3A_516 = tpu.vector_load %arg7[%get3A_513, %get3A_514, %get3A_515] {strides = array<i32>} : memref<2x16x512xi32, #tpu.memory_space<vmem>>, vector<16xi32>,
        %bitcast3A_517 = vector.bitcast %get3A_516 : vector<16xi32> to vector<32xbf16>
        %get3A_518 = arith.constant 1 : i32
        %get3A_519 = arith.index_cast %get3A_518 : i32 to index
        %get3A_520 = arith.index_cast %scan3A_457 : i32 to index
        %get3A_521 = arith.index_cast %add3A_511 : i32 to index
        %get3A_522 = tpu.vector_load %arg8[%get3A_519, %get3A_520, %get3A_521] {strides = array<i32>} : memref<2x16x512xi32, #tpu.memory_space<vmem>>, vector<16xi32>,
        %bitcast3A_523 = vector.bitcast %get3A_522 : vector<16xi32> to vector<32xbf16>
        %add3A_524 = arith.addf %bitcast3A_517, %bitcast3A_523 : vector<32xbf16>
        %bitcast3A_525 = vector.bitcast %add3A_524 : vector<32xbf16> to vector<16xi32>
        %swap3A_526 = arith.index_cast %scan3A_457 : i32 to index
        %swap3A_527 = arith.index_cast %add3A_511 : i32 to index
        %swap3A_528 = tpu.vector_load %arg9[%swap3A_526, %swap3A_527] {strides = array<i32>} : memref<16x512xi32, #tpu.memory_space<vmem>>, vector<16xi32>,
        tpu.vector_store %arg9[%swap3A_526, %swap3A_527], %bitcast3A_525 {strides = array<i32>} : memref<16x512xi32, #tpu.memory_space<vmem>>, vector<16xi32>,
        %mul3A_529 = arith.constant 64 : i32
        %mul3A_530 = arith.muli %scan3A_467, %mul3A_529 : i32
        %add3A_531 = arith.constant 48 : i32
        %add3A_532 = arith.addi %mul3A_530, %add3A_531 : i32
        %get3A_533 = arith.constant 1 : i32
        %get3A_534 = arith.index_cast %get3A_533 : i32 to index
        %get3A_535 = arith.index_cast %scan3A_457 : i32 to index
        %get3A_536 = arith.index_cast %add3A_532 : i32 to index
        %get3A_537 = tpu.vector_load %arg7[%get3A_534, %get3A_535, %get3A_536] {strides = array<i32>} : memref<2x16x512xi32, #tpu.memory_space<vmem>>, vector<16xi32>,
        %bitcast3A_538 = vector.bitcast %get3A_537 : vector<16xi32> to vector<32xbf16>
        %get3A_539 = arith.constant 1 : i32
        %get3A_540 = arith.index_cast %get3A_539 : i32 to index
        %get3A_541 = arith.index_cast %scan3A_457 : i32 to index
        %get3A_542 = arith.index_cast %add3A_532 : i32 to index
        %get3A_543 = tpu.vector_load %arg8[%get3A_540, %get3A_541, %get3A_542] {strides = array<i32>} : memref<2x16x512xi32, #tpu.memory_space<vmem>>, vector<16xi32>,
        %bitcast3A_544 = vector.bitcast %get3A_543 : vector<16xi32> to vector<32xbf16>
        %add3A_545 = arith.addf %bitcast3A_538, %bitcast3A_544 : vector<32xbf16>
        %bitcast3A_546 = vector.bitcast %add3A_545 : vector<32xbf16> to vector<16xi32>
        %swap3A_547 = arith.index_cast %scan3A_457 : i32 to index
        %swap3A_548 = arith.index_cast %add3A_532 : i32 to index
        %swap3A_549 = tpu.vector_load %arg9[%swap3A_547, %swap3A_548] {strides = array<i32>} : memref<16x512xi32, #tpu.memory_space<vmem>>, vector<16xi32>,
        tpu.vector_store %arg9[%swap3A_547, %swap3A_548], %bitcast3A_546 {strides = array<i32>} : memref<16x512xi32, #tpu.memory_space<vmem>>, vector<16xi32>,
        %scan3A_550 = arith.constant 0 : i32
        scf.yield %scan3A_550 : i32
      }
      %scan3A_465 = arith.constant 8 : i32
      %scan3A_466 = arith.constant 0 : i32
      scf.yield %scan3A_466 : i32
    }
    %scan3A_136 = arith.constant 16 : i32
    %add3A_137 = arith.constant 16 : i32
    %add3A_138 = arith.addi %mul3A_2, %add3A_137 : i32
    "tpu.region"() ({
      %run_scoped3A_457 = tpu.sem_alloc : memref<!tpu.dma_semaphore, #tpu.memory_space<semaphore_mem>>
      %dma_start3A_458 = arith.constant 0 : i32
      %dma_start3A_459 = tpu.memref_slice %arg5[%add3A_138, %dma_start3A_458] : memref<4096x512xi32, #tpu.memory_space<hbm>> -> memref<16x512xi32, #tpu.memory_space<hbm>>
      %dma_start3A_460 = arith.constant 0 : i32
      %dma_start3A_461 = tpu.memref_slice %arg5[%add3A_138, %dma_start3A_460] : memref<4096x512xi32, #tpu.memory_space<hbm>> -> memref<16x512xi32, #tpu.memory_space<hbm>>
      tpu.enqueue_dma source(%arg9 : memref<16x512xi32, #tpu.memory_space<vmem>>) target(%dma_start3A_461 : memref<16x512xi32, #tpu.memory_space<hbm>>) target_semaphore(%run_scoped3A_457 : memref<!tpu.dma_semaphore, #tpu.memory_space<semaphore_mem>>)
      %dma_wait3A_462 = arith.constant 0 : i32
      %dma_wait3A_463 = tpu.memref_slice %arg5[%add3A_138, %dma_wait3A_462] : memref<4096x512xi32, #tpu.memory_space<hbm>> -> memref<16x512xi32, #tpu.memory_space<hbm>>
      %dma_wait3A_464 = arith.constant 0 : i32
      %dma_wait3A_465 = tpu.memref_slice %arg5[%add3A_138, %dma_wait3A_464] : memref<4096x512xi32, #tpu.memory_space<hbm>> -> memref<16x512xi32, #tpu.memory_space<hbm>>
      tpu.wait_dma2 semaphore(%run_scoped3A_457 : memref<!tpu.dma_semaphore, #tpu.memory_space<semaphore_mem>>) src(%arg9 : memref<16x512xi32, #tpu.memory_space<vmem>>) dst(%dma_wait3A_465 : memref<16x512xi32, #tpu.memory_space<hbm>>)
      tpu.yield
    }) : () -> ()
    %dma_wait3A_139 = arith.constant 0 : i32
    %dma_wait3A_140 = arith.constant 0 : i32
    %dma_wait3A_141 = arith.constant 0 : i32
    %dma_wait3A_142 = arith.constant 0 : i32
    %dma_wait3A_143 = tpu.memref_slice %arg7[%dma_wait3A_140, %dma_wait3A_141, %dma_wait3A_142] : memref<2x16x512xi32, #tpu.memory_space<vmem>> -> memref<1x16x512xi32, #tpu.memory_space<vmem>>
    %dma_wait3A_144 = tpu.memref_squeeze %dma_wait3A_143 : memref<1x16x512xi32, #tpu.memory_space<vmem>> -> memref<16x512xi32, #tpu.memory_space<vmem>>
    %dma_wait3A_145 = arith.constant 32 : i32
    %dma_wait3A_146 = tpu.memref_slice %arg6[%dma_wait3A_139, %dma_wait3A_145] : memref<2x128xi32, #tpu.memory_space<vmem>> -> memref<1x16xi32, #tpu.memory_space<vmem>>
    %dma_wait3A_147 = tpu.memref_squeeze %dma_wait3A_146 : memref<1x16xi32, #tpu.memory_space<vmem>> -> memref<16xi32, #tpu.memory_space<vmem>>
    %dma_wait3A_148 = arith.constant 0 : i32
    %dma_wait3A_149 = arith.constant 0 : i32
    %dma_wait3A_150 = tpu.memref_slice %arg2[%dma_wait3A_148, %dma_wait3A_149] : memref<10240x512xi32, #tpu.memory_space<hbm>> -> memref<10240x512xi32, #tpu.memory_space<hbm>>
    tpu.wait_indirect_dma semaphore(%arg10 : memref<!tpu.dma_semaphore, #tpu.memory_space<semaphore_mem>>) src(%dma_wait3A_150 : memref<10240x512xi32, #tpu.memory_space<hbm>>) dst(%dma_wait3A_144 : memref<16x512xi32, #tpu.memory_space<vmem>>)
    %dma_wait3A_151 = arith.constant 1 : i32
    %dma_wait3A_152 = arith.constant 0 : i32
    %dma_wait3A_153 = arith.constant 0 : i32
    %dma_wait3A_154 = arith.constant 0 : i32
    %dma_wait3A_155 = tpu.memref_slice %arg8[%dma_wait3A_152, %dma_wait3A_153, %dma_wait3A_154] : memref<2x16x512xi32, #tpu.memory_space<vmem>> -> memref<1x16x512xi32, #tpu.memory_space<vmem>>
    %dma_wait3A_156 = tpu.memref_squeeze %dma_wait3A_155 : memref<1x16x512xi32, #tpu.memory_space<vmem>> -> memref<16x512xi32, #tpu.memory_space<vmem>>
    %dma_wait3A_157 = arith.constant 32 : i32
    %dma_wait3A_158 = tpu.memref_slice %arg6[%dma_wait3A_151, %dma_wait3A_157] : memref<2x128xi32, #tpu.memory_space<vmem>> -> memref<1x16xi32, #tpu.memory_space<vmem>>
    %dma_wait3A_159 = tpu.memref_squeeze %dma_wait3A_158 : memref<1x16xi32, #tpu.memory_space<vmem>> -> memref<16xi32, #tpu.memory_space<vmem>>
    %dma_wait3A_160 = arith.constant 0 : i32
    %dma_wait3A_161 = arith.constant 0 : i32
    %dma_wait3A_162 = tpu.memref_slice %arg2[%dma_wait3A_160, %dma_wait3A_161] : memref<10240x512xi32, #tpu.memory_space<hbm>> -> memref<10240x512xi32, #tpu.memory_space<hbm>>
    tpu.wait_indirect_dma semaphore(%arg10 : memref<!tpu.dma_semaphore, #tpu.memory_space<semaphore_mem>>) src(%dma_wait3A_162 : memref<10240x512xi32, #tpu.memory_space<hbm>>) dst(%dma_wait3A_156 : memref<16x512xi32, #tpu.memory_space<vmem>>)
    %dma_start3A_163 = arith.constant 0 : i32
    %dma_start3A_164 = arith.constant 1 : i32
    %dma_start3A_165 = arith.constant 0 : i32
    %dma_start3A_166 = arith.constant 0 : i32
    %dma_start3A_167 = tpu.memref_slice %arg7[%dma_start3A_164, %dma_start3A_165, %dma_start3A_166] : memref<2x16x512xi32, #tpu.memory_space<vmem>> -> memref<1x16x512xi32, #tpu.memory_space<vmem>>
    %dma_start3A_168 = tpu.memref_squeeze %dma_start3A_167 : memref<1x16x512xi32, #tpu.memory_space<vmem>> -> memref<16x512xi32, #tpu.memory_space<vmem>>
    %dma_start3A_169 = arith.constant 48 : i32
    %dma_start3A_170 = tpu.memref_slice %arg6[%dma_start3A_163, %dma_start3A_169] : memref<2x128xi32, #tpu.memory_space<vmem>> -> memref<1x16xi32, #tpu.memory_space<vmem>>
    %dma_start3A_171 = tpu.memref_squeeze %dma_start3A_170 : memref<1x16xi32, #tpu.memory_space<vmem>> -> memref<16xi32, #tpu.memory_space<vmem>>
    %dma_start3A_172 = arith.constant 0 : i32
    %dma_start3A_173 = arith.constant 0 : i32
    %dma_start3A_174 = tpu.memref_slice %arg2[%dma_start3A_172, %dma_start3A_173] : memref<10240x512xi32, #tpu.memory_space<hbm>> -> memref<10240x512xi32, #tpu.memory_space<hbm>>
    tpu.enqueue_indirect_dma source(%dma_start3A_174 : memref<10240x512xi32, #tpu.memory_space<hbm>>) target(%dma_start3A_168 : memref<16x512xi32, #tpu.memory_space<vmem>>) offsets(%dma_start3A_171 : memref<16xi32, #tpu.memory_space<vmem>>) semaphore(%arg11 : memref<!tpu.dma_semaphore, #tpu.memory_space<semaphore_mem>>)
    %dma_start3A_175 = arith.constant 1 : i32
    %dma_start3A_176 = arith.constant 1 : i32
    %dma_start3A_177 = arith.constant 0 : i32
    %dma_start3A_178 = arith.constant 0 : i32
    %dma_start3A_179 = tpu.memref_slice %arg8[%dma_start3A_176, %dma_start3A_177, %dma_start3A_178] : memref<2x16x512xi32, #tpu.memory_space<vmem>> -> memref<1x16x512xi32, #tpu.memory_space<vmem>>
    %dma_start3A_180 = tpu.memref_squeeze %dma_start3A_179 : memref<1x16x512xi32, #tpu.memory_space<vmem>> -> memref<16x512xi32, #tpu.memory_space<vmem>>
    %dma_start3A_181 = arith.constant 48 : i32
    %dma_start3A_182 = tpu.memref_slice %arg6[%dma_start3A_175, %dma_start3A_181] : memref<2x128xi32, #tpu.memory_space<vmem>> -> memref<1x16xi32, #tpu.memory_space<vmem>>
    %dma_start3A_183 = tpu.memref_squeeze %dma_start3A_182 : memref<1x16xi32, #tpu.memory_space<vmem>> -> memref<16xi32, #tpu.memory_space<vmem>>
    %dma_start3A_184 = arith.constant 0 : i32
    %dma_start3A_185 = arith.constant 0 : i32
    %dma_start3A_186 = tpu.memref_slice %arg2[%dma_start3A_184, %dma_start3A_185] : memref<10240x512xi32, #tpu.memory_space<hbm>> -> memref<10240x512xi32, #tpu.memory_space<hbm>>
    tpu.enqueue_indirect_dma source(%dma_start3A_186 : memref<10240x512xi32, #tpu.memory_space<hbm>>) target(%dma_start3A_180 : memref<16x512xi32, #tpu.memory_space<vmem>>) offsets(%dma_start3A_183 : memref<16xi32, #tpu.memory_space<vmem>>) semaphore(%arg11 : memref<!tpu.dma_semaphore, #tpu.memory_space<semaphore_mem>>)
    %scan3A_187 = arith.constant 0 : i32
    %scan3A_188 = arith.constant 0 : i32
    %scan3A_189 = arith.constant 16 : i32
    %scan3A_190 = arith.addi %scan3A_188, %scan3A_189 : i32
    %scan3A_191 = arith.constant 1 : i32
    %scan3A_192 = scf.for %scan3A_457 = %scan3A_188 to %scan3A_190 step %scan3A_191 iter_args(%scan3A_458 = %scan3A_187) -> (i32)  : i32 {
      %scan3A_459 = arith.constant 0 : i32
      %scan3A_460 = arith.constant 0 : i32
      %scan3A_461 = arith.constant 8 : i32
      %scan3A_462 = arith.addi %scan3A_460, %scan3A_461 : i32
      %scan3A_463 = arith.constant 1 : i32
      %scan3A_464 = scf.for %scan3A_467 = %scan3A_460 to %scan3A_462 step %scan3A_463 iter_args(%scan3A_468 = %scan3A_459) -> (i32)  : i32 {
        %mul3A_469 = arith.constant 64 : i32
        %mul3A_470 = arith.muli %scan3A_467, %mul3A_469 : i32
        %add3A_471 = arith.constant 0 : i32
        %add3A_472 = arith.addi %mul3A_470, %add3A_471 : i32
        %get3A = arith.constant 0 : i32
        %get3A_473 = arith.index_cast %get3A : i32 to index
        %get3A_474 = arith.index_cast %scan3A_457 : i32 to index
        %get3A_475 = arith.index_cast %add3A_472 : i32 to index
        %get3A_476 = tpu.vector_load %arg7[%get3A_473, %get3A_474, %get3A_475] {strides = array<i32>} : memref<2x16x512xi32, #tpu.memory_space<vmem>>, vector<16xi32>,
        %bitcast3A = vector.bitcast %get3A_476 : vector<16xi32> to vector<32xbf16>
        %get3A_477 = arith.constant 0 : i32
        %get3A_478 = arith.index_cast %get3A_477 : i32 to index
        %get3A_479 = arith.index_cast %scan3A_457 : i32 to index
        %get3A_480 = arith.index_cast %add3A_472 : i32 to index
        %get3A_481 = tpu.vector_load %arg8[%get3A_478, %get3A_479, %get3A_480] {strides = array<i32>} : memref<2x16x512xi32, #tpu.memory_space<vmem>>, vector<16xi32>,
        %bitcast3A_482 = vector.bitcast %get3A_481 : vector<16xi32> to vector<32xbf16>
        %add3A_483 = arith.addf %bitcast3A, %bitcast3A_482 : vector<32xbf16>
        %bitcast3A_484 = vector.bitcast %add3A_483 : vector<32xbf16> to vector<16xi32>
        %swap3A = arith.index_cast %scan3A_457 : i32 to index
        %swap3A_485 = arith.index_cast %add3A_472 : i32 to index
        %swap3A_486 = tpu.vector_load %arg9[%swap3A, %swap3A_485] {strides = array<i32>} : memref<16x512xi32, #tpu.memory_space<vmem>>, vector<16xi32>,
        tpu.vector_store %arg9[%swap3A, %swap3A_485], %bitcast3A_484 {strides = array<i32>} : memref<16x512xi32, #tpu.memory_space<vmem>>, vector<16xi32>,
        %mul3A_487 = arith.constant 64 : i32
        %mul3A_488 = arith.muli %scan3A_467, %mul3A_487 : i32
        %add3A_489 = arith.constant 16 : i32
        %add3A_490 = arith.addi %mul3A_488, %add3A_489 : i32
        %get3A_491 = arith.constant 0 : i32
        %get3A_492 = arith.index_cast %get3A_491 : i32 to index
        %get3A_493 = arith.index_cast %scan3A_457 : i32 to index
        %get3A_494 = arith.index_cast %add3A_490 : i32 to index
        %get3A_495 = tpu.vector_load %arg7[%get3A_492, %get3A_493, %get3A_494] {strides = array<i32>} : memref<2x16x512xi32, #tpu.memory_space<vmem>>, vector<16xi32>,
        %bitcast3A_496 = vector.bitcast %get3A_495 : vector<16xi32> to vector<32xbf16>
        %get3A_497 = arith.constant 0 : i32
        %get3A_498 = arith.index_cast %get3A_497 : i32 to index
        %get3A_499 = arith.index_cast %scan3A_457 : i32 to index
        %get3A_500 = arith.index_cast %add3A_490 : i32 to index
        %get3A_501 = tpu.vector_load %arg8[%get3A_498, %get3A_499, %get3A_500] {strides = array<i32>} : memref<2x16x512xi32, #tpu.memory_space<vmem>>, vector<16xi32>,
        %bitcast3A_502 = vector.bitcast %get3A_501 : vector<16xi32> to vector<32xbf16>
        %add3A_503 = arith.addf %bitcast3A_496, %bitcast3A_502 : vector<32xbf16>
        %bitcast3A_504 = vector.bitcast %add3A_503 : vector<32xbf16> to vector<16xi32>
        %swap3A_505 = arith.index_cast %scan3A_457 : i32 to index
        %swap3A_506 = arith.index_cast %add3A_490 : i32 to index
        %swap3A_507 = tpu.vector_load %arg9[%swap3A_505, %swap3A_506] {strides = array<i32>} : memref<16x512xi32, #tpu.memory_space<vmem>>, vector<16xi32>,
        tpu.vector_store %arg9[%swap3A_505, %swap3A_506], %bitcast3A_504 {strides = array<i32>} : memref<16x512xi32, #tpu.memory_space<vmem>>, vector<16xi32>,
        %mul3A_508 = arith.constant 64 : i32
        %mul3A_509 = arith.muli %scan3A_467, %mul3A_508 : i32
        %add3A_510 = arith.constant 32 : i32
        %add3A_511 = arith.addi %mul3A_509, %add3A_510 : i32
        %get3A_512 = arith.constant 0 : i32
        %get3A_513 = arith.index_cast %get3A_512 : i32 to index
        %get3A_514 = arith.index_cast %scan3A_457 : i32 to index
        %get3A_515 = arith.index_cast %add3A_511 : i32 to index
        %get3A_516 = tpu.vector_load %arg7[%get3A_513, %get3A_514, %get3A_515] {strides = array<i32>} : memref<2x16x512xi32, #tpu.memory_space<vmem>>, vector<16xi32>,
        %bitcast3A_517 = vector.bitcast %get3A_516 : vector<16xi32> to vector<32xbf16>
        %get3A_518 = arith.constant 0 : i32
        %get3A_519 = arith.index_cast %get3A_518 : i32 to index
        %get3A_520 = arith.index_cast %scan3A_457 : i32 to index
        %get3A_521 = arith.index_cast %add3A_511 : i32 to index
        %get3A_522 = tpu.vector_load %arg8[%get3A_519, %get3A_520, %get3A_521] {strides = array<i32>} : memref<2x16x512xi32, #tpu.memory_space<vmem>>, vector<16xi32>,
        %bitcast3A_523 = vector.bitcast %get3A_522 : vector<16xi32> to vector<32xbf16>
        %add3A_524 = arith.addf %bitcast3A_517, %bitcast3A_523 : vector<32xbf16>
        %bitcast3A_525 = vector.bitcast %add3A_524 : vector<32xbf16> to vector<16xi32>
        %swap3A_526 = arith.index_cast %scan3A_457 : i32 to index
        %swap3A_527 = arith.index_cast %add3A_511 : i32 to index
        %swap3A_528 = tpu.vector_load %arg9[%swap3A_526, %swap3A_527] {strides = array<i32>} : memref<16x512xi32, #tpu.memory_space<vmem>>, vector<16xi32>,
        tpu.vector_store %arg9[%swap3A_526, %swap3A_527], %bitcast3A_525 {strides = array<i32>} : memref<16x512xi32, #tpu.memory_space<vmem>>, vector<16xi32>,
        %mul3A_529 = arith.constant 64 : i32
        %mul3A_530 = arith.muli %scan3A_467, %mul3A_529 : i32
        %add3A_531 = arith.constant 48 : i32
        %add3A_532 = arith.addi %mul3A_530, %add3A_531 : i32
        %get3A_533 = arith.constant 0 : i32
        %get3A_534 = arith.index_cast %get3A_533 : i32 to index
        %get3A_535 = arith.index_cast %scan3A_457 : i32 to index
        %get3A_536 = arith.index_cast %add3A_532 : i32 to index
        %get3A_537 = tpu.vector_load %arg7[%get3A_534, %get3A_535, %get3A_536] {strides = array<i32>} : memref<2x16x512xi32, #tpu.memory_space<vmem>>, vector<16xi32>,
        %bitcast3A_538 = vector.bitcast %get3A_537 : vector<16xi32> to vector<32xbf16>
        %get3A_539 = arith.constant 0 : i32
        %get3A_540 = arith.index_cast %get3A_539 : i32 to index
        %get3A_541 = arith.index_cast %scan3A_457 : i32 to index
        %get3A_542 = arith.index_cast %add3A_532 : i32 to index
        %get3A_543 = tpu.vector_load %arg8[%get3A_540, %get3A_541, %get3A_542] {strides = array<i32>} : memref<2x16x512xi32, #tpu.memory_space<vmem>>, vector<16xi32>,
        %bitcast3A_544 = vector.bitcast %get3A_543 : vector<16xi32> to vector<32xbf16>
        %add3A_545 = arith.addf %bitcast3A_538, %bitcast3A_544 : vector<32xbf16>
        %bitcast3A_546 = vector.bitcast %add3A_545 : vector<32xbf16> to vector<16xi32>
        %swap3A_547 = arith.index_cast %scan3A_457 : i32 to index
        %swap3A_548 = arith.index_cast %add3A_532 : i32 to index
        %swap3A_549 = tpu.vector_load %arg9[%swap3A_547, %swap3A_548] {strides = array<i32>} : memref<16x512xi32, #tpu.memory_space<vmem>>, vector<16xi32>,
        tpu.vector_store %arg9[%swap3A_547, %swap3A_548], %bitcast3A_546 {strides = array<i32>} : memref<16x512xi32, #tpu.memory_space<vmem>>, vector<16xi32>,
        %scan3A_550 = arith.constant 0 : i32
        scf.yield %scan3A_550 : i32
      }
      %scan3A_465 = arith.constant 8 : i32
      %scan3A_466 = arith.constant 0 : i32
      scf.yield %scan3A_466 : i32
    }
    %scan3A_193 = arith.constant 16 : i32
    %add3A_194 = arith.constant 32 : i32
    %add3A_195 = arith.addi %mul3A_2, %add3A_194 : i32
    "tpu.region"() ({
      %run_scoped3A_457 = tpu.sem_alloc : memref<!tpu.dma_semaphore, #tpu.memory_space<semaphore_mem>>
      %dma_start3A_458 = arith.constant 0 : i32
      %dma_start3A_459 = tpu.memref_slice %arg5[%add3A_195, %dma_start3A_458] : memref<4096x512xi32, #tpu.memory_space<hbm>> -> memref<16x512xi32, #tpu.memory_space<hbm>>
      %dma_start3A_460 = arith.constant 0 : i32
      %dma_start3A_461 = tpu.memref_slice %arg5[%add3A_195, %dma_start3A_460] : memref<4096x512xi32, #tpu.memory_space<hbm>> -> memref<16x512xi32, #tpu.memory_space<hbm>>
      tpu.enqueue_dma source(%arg9 : memref<16x512xi32, #tpu.memory_space<vmem>>) target(%dma_start3A_461 : memref<16x512xi32, #tpu.memory_space<hbm>>) target_semaphore(%run_scoped3A_457 : memref<!tpu.dma_semaphore, #tpu.memory_space<semaphore_mem>>)
      %dma_wait3A_462 = arith.constant 0 : i32
      %dma_wait3A_463 = tpu.memref_slice %arg5[%add3A_195, %dma_wait3A_462] : memref<4096x512xi32, #tpu.memory_space<hbm>> -> memref<16x512xi32, #tpu.memory_space<hbm>>
      %dma_wait3A_464 = arith.constant 0 : i32
      %dma_wait3A_465 = tpu.memref_slice %arg5[%add3A_195, %dma_wait3A_464] : memref<4096x512xi32, #tpu.memory_space<hbm>> -> memref<16x512xi32, #tpu.memory_space<hbm>>
      tpu.wait_dma2 semaphore(%run_scoped3A_457 : memref<!tpu.dma_semaphore, #tpu.memory_space<semaphore_mem>>) src(%arg9 : memref<16x512xi32, #tpu.memory_space<vmem>>) dst(%dma_wait3A_465 : memref<16x512xi32, #tpu.memory_space<hbm>>)
      tpu.yield
    }) : () -> ()
    %dma_wait3A_196 = arith.constant 0 : i32
    %dma_wait3A_197 = arith.constant 1 : i32
    %dma_wait3A_198 = arith.constant 0 : i32
    %dma_wait3A_199 = arith.constant 0 : i32
    %dma_wait3A_200 = tpu.memref_slice %arg7[%dma_wait3A_197, %dma_wait3A_198, %dma_wait3A_199] : memref<2x16x512xi32, #tpu.memory_space<vmem>> -> memref<1x16x512xi32, #tpu.memory_space<vmem>>
    %dma_wait3A_201 = tpu.memref_squeeze %dma_wait3A_200 : memref<1x16x512xi32, #tpu.memory_space<vmem>> -> memref<16x512xi32, #tpu.memory_space<vmem>>
    %dma_wait3A_202 = arith.constant 48 : i32
    %dma_wait3A_203 = tpu.memref_slice %arg6[%dma_wait3A_196, %dma_wait3A_202] : memref<2x128xi32, #tpu.memory_space<vmem>> -> memref<1x16xi32, #tpu.memory_space<vmem>>
    %dma_wait3A_204 = tpu.memref_squeeze %dma_wait3A_203 : memref<1x16xi32, #tpu.memory_space<vmem>> -> memref<16xi32, #tpu.memory_space<vmem>>
    %dma_wait3A_205 = arith.constant 0 : i32
    %dma_wait3A_206 = arith.constant 0 : i32
    %dma_wait3A_207 = tpu.memref_slice %arg2[%dma_wait3A_205, %dma_wait3A_206] : memref<10240x512xi32, #tpu.memory_space<hbm>> -> memref<10240x512xi32, #tpu.memory_space<hbm>>
    tpu.wait_indirect_dma semaphore(%arg11 : memref<!tpu.dma_semaphore, #tpu.memory_space<semaphore_mem>>) src(%dma_wait3A_207 : memref<10240x512xi32, #tpu.memory_space<hbm>>) dst(%dma_wait3A_201 : memref<16x512xi32, #tpu.memory_space<vmem>>)
    %dma_wait3A_208 = arith.constant 1 : i32
    %dma_wait3A_209 = arith.constant 1 : i32
    %dma_wait3A_210 = arith.constant 0 : i32
    %dma_wait3A_211 = arith.constant 0 : i32
    %dma_wait3A_212 = tpu.memref_slice %arg8[%dma_wait3A_209, %dma_wait3A_210, %dma_wait3A_211] : memref<2x16x512xi32, #tpu.memory_space<vmem>> -> memref<1x16x512xi32, #tpu.memory_space<vmem>>
    %dma_wait3A_213 = tpu.memref_squeeze %dma_wait3A_212 : memref<1x16x512xi32, #tpu.memory_space<vmem>> -> memref<16x512xi32, #tpu.memory_space<vmem>>
    %dma_wait3A_214 = arith.constant 48 : i32
    %dma_wait3A_215 = tpu.memref_slice %arg6[%dma_wait3A_208, %dma_wait3A_214] : memref<2x128xi32, #tpu.memory_space<vmem>> -> memref<1x16xi32, #tpu.memory_space<vmem>>
    %dma_wait3A_216 = tpu.memref_squeeze %dma_wait3A_215 : memref<1x16xi32, #tpu.memory_space<vmem>> -> memref<16xi32, #tpu.memory_space<vmem>>
    %dma_wait3A_217 = arith.constant 0 : i32
    %dma_wait3A_218 = arith.constant 0 : i32
    %dma_wait3A_219 = tpu.memref_slice %arg2[%dma_wait3A_217, %dma_wait3A_218] : memref<10240x512xi32, #tpu.memory_space<hbm>> -> memref<10240x512xi32, #tpu.memory_space<hbm>>
    tpu.wait_indirect_dma semaphore(%arg11 : memref<!tpu.dma_semaphore, #tpu.memory_space<semaphore_mem>>) src(%dma_wait3A_219 : memref<10240x512xi32, #tpu.memory_space<hbm>>) dst(%dma_wait3A_213 : memref<16x512xi32, #tpu.memory_space<vmem>>)
    %dma_start3A_220 = arith.constant 0 : i32
    %dma_start3A_221 = arith.constant 0 : i32
    %dma_start3A_222 = arith.constant 0 : i32
    %dma_start3A_223 = arith.constant 0 : i32
    %dma_start3A_224 = tpu.memref_slice %arg7[%dma_start3A_221, %dma_start3A_222, %dma_start3A_223] : memref<2x16x512xi32, #tpu.memory_space<vmem>> -> memref<1x16x512xi32, #tpu.memory_space<vmem>>
    %dma_start3A_225 = tpu.memref_squeeze %dma_start3A_224 : memref<1x16x512xi32, #tpu.memory_space<vmem>> -> memref<16x512xi32, #tpu.memory_space<vmem>>
    %dma_start3A_226 = arith.constant 64 : i32
    %dma_start3A_227 = tpu.memref_slice %arg6[%dma_start3A_220, %dma_start3A_226] : memref<2x128xi32, #tpu.memory_space<vmem>> -> memref<1x16xi32, #tpu.memory_space<vmem>>
    %dma_start3A_228 = tpu.memref_squeeze %dma_start3A_227 : memref<1x16xi32, #tpu.memory_space<vmem>> -> memref<16xi32, #tpu.memory_space<vmem>>
    %dma_start3A_229 = arith.constant 0 : i32
    %dma_start3A_230 = arith.constant 0 : i32
    %dma_start3A_231 = tpu.memref_slice %arg2[%dma_start3A_229, %dma_start3A_230] : memref<10240x512xi32, #tpu.memory_space<hbm>> -> memref<10240x512xi32, #tpu.memory_space<hbm>>
    tpu.enqueue_indirect_dma source(%dma_start3A_231 : memref<10240x512xi32, #tpu.memory_space<hbm>>) target(%dma_start3A_225 : memref<16x512xi32, #tpu.memory_space<vmem>>) offsets(%dma_start3A_228 : memref<16xi32, #tpu.memory_space<vmem>>) semaphore(%arg10 : memref<!tpu.dma_semaphore, #tpu.memory_space<semaphore_mem>>)
    %dma_start3A_232 = arith.constant 1 : i32
    %dma_start3A_233 = arith.constant 0 : i32
    %dma_start3A_234 = arith.constant 0 : i32
    %dma_start3A_235 = arith.constant 0 : i32
    %dma_start3A_236 = tpu.memref_slice %arg8[%dma_start3A_233, %dma_start3A_234, %dma_start3A_235] : memref<2x16x512xi32, #tpu.memory_space<vmem>> -> memref<1x16x512xi32, #tpu.memory_space<vmem>>
    %dma_start3A_237 = tpu.memref_squeeze %dma_start3A_236 : memref<1x16x512xi32, #tpu.memory_space<vmem>> -> memref<16x512xi32, #tpu.memory_space<vmem>>
    %dma_start3A_238 = arith.constant 64 : i32
    %dma_start3A_239 = tpu.memref_slice %arg6[%dma_start3A_232, %dma_start3A_238] : memref<2x128xi32, #tpu.memory_space<vmem>> -> memref<1x16xi32, #tpu.memory_space<vmem>>
    %dma_start3A_240 = tpu.memref_squeeze %dma_start3A_239 : memref<1x16xi32, #tpu.memory_space<vmem>> -> memref<16xi32, #tpu.memory_space<vmem>>
    %dma_start3A_241 = arith.constant 0 : i32
    %dma_start3A_242 = arith.constant 0 : i32
    %dma_start3A_243 = tpu.memref_slice %arg2[%dma_start3A_241, %dma_start3A_242] : memref<10240x512xi32, #tpu.memory_space<hbm>> -> memref<10240x512xi32, #tpu.memory_space<hbm>>
    tpu.enqueue_indirect_dma source(%dma_start3A_243 : memref<10240x512xi32, #tpu.memory_space<hbm>>) target(%dma_start3A_237 : memref<16x512xi32, #tpu.memory_space<vmem>>) offsets(%dma_start3A_240 : memref<16xi32, #tpu.memory_space<vmem>>) semaphore(%arg10 : memref<!tpu.dma_semaphore, #tpu.memory_space<semaphore_mem>>)
    %scan3A_244 = arith.constant 0 : i32
    %scan3A_245 = arith.constant 0 : i32
    %scan3A_246 = arith.constant 16 : i32
    %scan3A_247 = arith.addi %scan3A_245, %scan3A_246 : i32
    %scan3A_248 = arith.constant 1 : i32
    %scan3A_249 = scf.for %scan3A_457 = %scan3A_245 to %scan3A_247 step %scan3A_248 iter_args(%scan3A_458 = %scan3A_244) -> (i32)  : i32 {
      %scan3A_459 = arith.constant 0 : i32
      %scan3A_460 = arith.constant 0 : i32
      %scan3A_461 = arith.constant 8 : i32
      %scan3A_462 = arith.addi %scan3A_460, %scan3A_461 : i32
      %scan3A_463 = arith.constant 1 : i32
      %scan3A_464 = scf.for %scan3A_467 = %scan3A_460 to %scan3A_462 step %scan3A_463 iter_args(%scan3A_468 = %scan3A_459) -> (i32)  : i32 {
        %mul3A_469 = arith.constant 64 : i32
        %mul3A_470 = arith.muli %scan3A_467, %mul3A_469 : i32
        %add3A_471 = arith.constant 0 : i32
        %add3A_472 = arith.addi %mul3A_470, %add3A_471 : i32
        %get3A = arith.constant 1 : i32
        %get3A_473 = arith.index_cast %get3A : i32 to index
        %get3A_474 = arith.index_cast %scan3A_457 : i32 to index
        %get3A_475 = arith.index_cast %add3A_472 : i32 to index
        %get3A_476 = tpu.vector_load %arg7[%get3A_473, %get3A_474, %get3A_475] {strides = array<i32>} : memref<2x16x512xi32, #tpu.memory_space<vmem>>, vector<16xi32>,
        %bitcast3A = vector.bitcast %get3A_476 : vector<16xi32> to vector<32xbf16>
        %get3A_477 = arith.constant 1 : i32
        %get3A_478 = arith.index_cast %get3A_477 : i32 to index
        %get3A_479 = arith.index_cast %scan3A_457 : i32 to index
        %get3A_480 = arith.index_cast %add3A_472 : i32 to index
        %get3A_481 = tpu.vector_load %arg8[%get3A_478, %get3A_479, %get3A_480] {strides = array<i32>} : memref<2x16x512xi32, #tpu.memory_space<vmem>>, vector<16xi32>,
        %bitcast3A_482 = vector.bitcast %get3A_481 : vector<16xi32> to vector<32xbf16>
        %add3A_483 = arith.addf %bitcast3A, %bitcast3A_482 : vector<32xbf16>
        %bitcast3A_484 = vector.bitcast %add3A_483 : vector<32xbf16> to vector<16xi32>
        %swap3A = arith.index_cast %scan3A_457 : i32 to index
        %swap3A_485 = arith.index_cast %add3A_472 : i32 to index
        %swap3A_486 = tpu.vector_load %arg9[%swap3A, %swap3A_485] {strides = array<i32>} : memref<16x512xi32, #tpu.memory_space<vmem>>, vector<16xi32>,
        tpu.vector_store %arg9[%swap3A, %swap3A_485], %bitcast3A_484 {strides = array<i32>} : memref<16x512xi32, #tpu.memory_space<vmem>>, vector<16xi32>,
        %mul3A_487 = arith.constant 64 : i32
        %mul3A_488 = arith.muli %scan3A_467, %mul3A_487 : i32
        %add3A_489 = arith.constant 16 : i32
        %add3A_490 = arith.addi %mul3A_488, %add3A_489 : i32
        %get3A_491 = arith.constant 1 : i32
        %get3A_492 = arith.index_cast %get3A_491 : i32 to index
        %get3A_493 = arith.index_cast %scan3A_457 : i32 to index
        %get3A_494 = arith.index_cast %add3A_490 : i32 to index
        %get3A_495 = tpu.vector_load %arg7[%get3A_492, %get3A_493, %get3A_494] {strides = array<i32>} : memref<2x16x512xi32, #tpu.memory_space<vmem>>, vector<16xi32>,
        %bitcast3A_496 = vector.bitcast %get3A_495 : vector<16xi32> to vector<32xbf16>
        %get3A_497 = arith.constant 1 : i32
        %get3A_498 = arith.index_cast %get3A_497 : i32 to index
        %get3A_499 = arith.index_cast %scan3A_457 : i32 to index
        %get3A_500 = arith.index_cast %add3A_490 : i32 to index
        %get3A_501 = tpu.vector_load %arg8[%get3A_498, %get3A_499, %get3A_500] {strides = array<i32>} : memref<2x16x512xi32, #tpu.memory_space<vmem>>, vector<16xi32>,
        %bitcast3A_502 = vector.bitcast %get3A_501 : vector<16xi32> to vector<32xbf16>
        %add3A_503 = arith.addf %bitcast3A_496, %bitcast3A_502 : vector<32xbf16>
        %bitcast3A_504 = vector.bitcast %add3A_503 : vector<32xbf16> to vector<16xi32>
        %swap3A_505 = arith.index_cast %scan3A_457 : i32 to index
        %swap3A_506 = arith.index_cast %add3A_490 : i32 to index
        %swap3A_507 = tpu.vector_load %arg9[%swap3A_505, %swap3A_506] {strides = array<i32>} : memref<16x512xi32, #tpu.memory_space<vmem>>, vector<16xi32>,
        tpu.vector_store %arg9[%swap3A_505, %swap3A_506], %bitcast3A_504 {strides = array<i32>} : memref<16x512xi32, #tpu.memory_space<vmem>>, vector<16xi32>,
        %mul3A_508 = arith.constant 64 : i32
        %mul3A_509 = arith.muli %scan3A_467, %mul3A_508 : i32
        %add3A_510 = arith.constant 32 : i32
        %add3A_511 = arith.addi %mul3A_509, %add3A_510 : i32
        %get3A_512 = arith.constant 1 : i32
        %get3A_513 = arith.index_cast %get3A_512 : i32 to index
        %get3A_514 = arith.index_cast %scan3A_457 : i32 to index
        %get3A_515 = arith.index_cast %add3A_511 : i32 to index
        %get3A_516 = tpu.vector_load %arg7[%get3A_513, %get3A_514, %get3A_515] {strides = array<i32>} : memref<2x16x512xi32, #tpu.memory_space<vmem>>, vector<16xi32>,
        %bitcast3A_517 = vector.bitcast %get3A_516 : vector<16xi32> to vector<32xbf16>
        %get3A_518 = arith.constant 1 : i32
        %get3A_519 = arith.index_cast %get3A_518 : i32 to index
        %get3A_520 = arith.index_cast %scan3A_457 : i32 to index
        %get3A_521 = arith.index_cast %add3A_511 : i32 to index
        %get3A_522 = tpu.vector_load %arg8[%get3A_519, %get3A_520, %get3A_521] {strides = array<i32>} : memref<2x16x512xi32, #tpu.memory_space<vmem>>, vector<16xi32>,
        %bitcast3A_523 = vector.bitcast %get3A_522 : vector<16xi32> to vector<32xbf16>
        %add3A_524 = arith.addf %bitcast3A_517, %bitcast3A_523 : vector<32xbf16>
        %bitcast3A_525 = vector.bitcast %add3A_524 : vector<32xbf16> to vector<16xi32>
        %swap3A_526 = arith.index_cast %scan3A_457 : i32 to index
        %swap3A_527 = arith.index_cast %add3A_511 : i32 to index
        %swap3A_528 = tpu.vector_load %arg9[%swap3A_526, %swap3A_527] {strides = array<i32>} : memref<16x512xi32, #tpu.memory_space<vmem>>, vector<16xi32>,
        tpu.vector_store %arg9[%swap3A_526, %swap3A_527], %bitcast3A_525 {strides = array<i32>} : memref<16x512xi32, #tpu.memory_space<vmem>>, vector<16xi32>,
        %mul3A_529 = arith.constant 64 : i32
        %mul3A_530 = arith.muli %scan3A_467, %mul3A_529 : i32
        %add3A_531 = arith.constant 48 : i32
        %add3A_532 = arith.addi %mul3A_530, %add3A_531 : i32
        %get3A_533 = arith.constant 1 : i32
        %get3A_534 = arith.index_cast %get3A_533 : i32 to index
        %get3A_535 = arith.index_cast %scan3A_457 : i32 to index
        %get3A_536 = arith.index_cast %add3A_532 : i32 to index
        %get3A_537 = tpu.vector_load %arg7[%get3A_534, %get3A_535, %get3A_536] {strides = array<i32>} : memref<2x16x512xi32, #tpu.memory_space<vmem>>, vector<16xi32>,
        %bitcast3A_538 = vector.bitcast %get3A_537 : vector<16xi32> to vector<32xbf16>
        %get3A_539 = arith.constant 1 : i32
        %get3A_540 = arith.index_cast %get3A_539 : i32 to index
        %get3A_541 = arith.index_cast %scan3A_457 : i32 to index
        %get3A_542 = arith.index_cast %add3A_532 : i32 to index
        %get3A_543 = tpu.vector_load %arg8[%get3A_540, %get3A_541, %get3A_542] {strides = array<i32>} : memref<2x16x512xi32, #tpu.memory_space<vmem>>, vector<16xi32>,
        %bitcast3A_544 = vector.bitcast %get3A_543 : vector<16xi32> to vector<32xbf16>
        %add3A_545 = arith.addf %bitcast3A_538, %bitcast3A_544 : vector<32xbf16>
        %bitcast3A_546 = vector.bitcast %add3A_545 : vector<32xbf16> to vector<16xi32>
        %swap3A_547 = arith.index_cast %scan3A_457 : i32 to index
        %swap3A_548 = arith.index_cast %add3A_532 : i32 to index
        %swap3A_549 = tpu.vector_load %arg9[%swap3A_547, %swap3A_548] {strides = array<i32>} : memref<16x512xi32, #tpu.memory_space<vmem>>, vector<16xi32>,
        tpu.vector_store %arg9[%swap3A_547, %swap3A_548], %bitcast3A_546 {strides = array<i32>} : memref<16x512xi32, #tpu.memory_space<vmem>>, vector<16xi32>,
        %scan3A_550 = arith.constant 0 : i32
        scf.yield %scan3A_550 : i32
      }
      %scan3A_465 = arith.constant 8 : i32
      %scan3A_466 = arith.constant 0 : i32
      scf.yield %scan3A_466 : i32
    }
    %scan3A_250 = arith.constant 16 : i32
    %add3A_251 = arith.constant 48 : i32
    %add3A_252 = arith.addi %mul3A_2, %add3A_251 : i32
    "tpu.region"() ({
      %run_scoped3A_457 = tpu.sem_alloc : memref<!tpu.dma_semaphore, #tpu.memory_space<semaphore_mem>>
      %dma_start3A_458 = arith.constant 0 : i32
      %dma_start3A_459 = tpu.memref_slice %arg5[%add3A_252, %dma_start3A_458] : memref<4096x512xi32, #tpu.memory_space<hbm>> -> memref<16x512xi32, #tpu.memory_space<hbm>>
      %dma_start3A_460 = arith.constant 0 : i32
      %dma_start3A_461 = tpu.memref_slice %arg5[%add3A_252, %dma_start3A_460] : memref<4096x512xi32, #tpu.memory_space<hbm>> -> memref<16x512xi32, #tpu.memory_space<hbm>>
      tpu.enqueue_dma source(%arg9 : memref<16x512xi32, #tpu.memory_space<vmem>>) target(%dma_start3A_461 : memref<16x512xi32, #tpu.memory_space<hbm>>) target_semaphore(%run_scoped3A_457 : memref<!tpu.dma_semaphore, #tpu.memory_space<semaphore_mem>>)
      %dma_wait3A_462 = arith.constant 0 : i32
      %dma_wait3A_463 = tpu.memref_slice %arg5[%add3A_252, %dma_wait3A_462] : memref<4096x512xi32, #tpu.memory_space<hbm>> -> memref<16x512xi32, #tpu.memory_space<hbm>>
      %dma_wait3A_464 = arith.constant 0 : i32
      %dma_wait3A_465 = tpu.memref_slice %arg5[%add3A_252, %dma_wait3A_464] : memref<4096x512xi32, #tpu.memory_space<hbm>> -> memref<16x512xi32, #tpu.memory_space<hbm>>
      tpu.wait_dma2 semaphore(%run_scoped3A_457 : memref<!tpu.dma_semaphore, #tpu.memory_space<semaphore_mem>>) src(%arg9 : memref<16x512xi32, #tpu.memory_space<vmem>>) dst(%dma_wait3A_465 : memref<16x512xi32, #tpu.memory_space<hbm>>)
      tpu.yield
    }) : () -> ()
    %dma_wait3A_253 = arith.constant 0 : i32
    %dma_wait3A_254 = arith.constant 0 : i32
    %dma_wait3A_255 = arith.constant 0 : i32
    %dma_wait3A_256 = arith.constant 0 : i32
    %dma_wait3A_257 = tpu.memref_slice %arg7[%dma_wait3A_254, %dma_wait3A_255, %dma_wait3A_256] : memref<2x16x512xi32, #tpu.memory_space<vmem>> -> memref<1x16x512xi32, #tpu.memory_space<vmem>>
    %dma_wait3A_258 = tpu.memref_squeeze %dma_wait3A_257 : memref<1x16x512xi32, #tpu.memory_space<vmem>> -> memref<16x512xi32, #tpu.memory_space<vmem>>
    %dma_wait3A_259 = arith.constant 64 : i32
    %dma_wait3A_260 = tpu.memref_slice %arg6[%dma_wait3A_253, %dma_wait3A_259] : memref<2x128xi32, #tpu.memory_space<vmem>> -> memref<1x16xi32, #tpu.memory_space<vmem>>
    %dma_wait3A_261 = tpu.memref_squeeze %dma_wait3A_260 : memref<1x16xi32, #tpu.memory_space<vmem>> -> memref<16xi32, #tpu.memory_space<vmem>>
    %dma_wait3A_262 = arith.constant 0 : i32
    %dma_wait3A_263 = arith.constant 0 : i32
    %dma_wait3A_264 = tpu.memref_slice %arg2[%dma_wait3A_262, %dma_wait3A_263] : memref<10240x512xi32, #tpu.memory_space<hbm>> -> memref<10240x512xi32, #tpu.memory_space<hbm>>
    tpu.wait_indirect_dma semaphore(%arg10 : memref<!tpu.dma_semaphore, #tpu.memory_space<semaphore_mem>>) src(%dma_wait3A_264 : memref<10240x512xi32, #tpu.memory_space<hbm>>) dst(%dma_wait3A_258 : memref<16x512xi32, #tpu.memory_space<vmem>>)
    %dma_wait3A_265 = arith.constant 1 : i32
    %dma_wait3A_266 = arith.constant 0 : i32
    %dma_wait3A_267 = arith.constant 0 : i32
    %dma_wait3A_268 = arith.constant 0 : i32
    %dma_wait3A_269 = tpu.memref_slice %arg8[%dma_wait3A_266, %dma_wait3A_267, %dma_wait3A_268] : memref<2x16x512xi32, #tpu.memory_space<vmem>> -> memref<1x16x512xi32, #tpu.memory_space<vmem>>
    %dma_wait3A_270 = tpu.memref_squeeze %dma_wait3A_269 : memref<1x16x512xi32, #tpu.memory_space<vmem>> -> memref<16x512xi32, #tpu.memory_space<vmem>>
    %dma_wait3A_271 = arith.constant 64 : i32
    %dma_wait3A_272 = tpu.memref_slice %arg6[%dma_wait3A_265, %dma_wait3A_271] : memref<2x128xi32, #tpu.memory_space<vmem>> -> memref<1x16xi32, #tpu.memory_space<vmem>>
    %dma_wait3A_273 = tpu.memref_squeeze %dma_wait3A_272 : memref<1x16xi32, #tpu.memory_space<vmem>> -> memref<16xi32, #tpu.memory_space<vmem>>
    %dma_wait3A_274 = arith.constant 0 : i32
    %dma_wait3A_275 = arith.constant 0 : i32
    %dma_wait3A_276 = tpu.memref_slice %arg2[%dma_wait3A_274, %dma_wait3A_275] : memref<10240x512xi32, #tpu.memory_space<hbm>> -> memref<10240x512xi32, #tpu.memory_space<hbm>>
    tpu.wait_indirect_dma semaphore(%arg10 : memref<!tpu.dma_semaphore, #tpu.memory_space<semaphore_mem>>) src(%dma_wait3A_276 : memref<10240x512xi32, #tpu.memory_space<hbm>>) dst(%dma_wait3A_270 : memref<16x512xi32, #tpu.memory_space<vmem>>)
    %dma_start3A_277 = arith.constant 0 : i32
    %dma_start3A_278 = arith.constant 1 : i32
    %dma_start3A_279 = arith.constant 0 : i32
    %dma_start3A_280 = arith.constant 0 : i32
    %dma_start3A_281 = tpu.memref_slice %arg7[%dma_start3A_278, %dma_start3A_279, %dma_start3A_280] : memref<2x16x512xi32, #tpu.memory_space<vmem>> -> memref<1x16x512xi32, #tpu.memory_space<vmem>>
    %dma_start3A_282 = tpu.memref_squeeze %dma_start3A_281 : memref<1x16x512xi32, #tpu.memory_space<vmem>> -> memref<16x512xi32, #tpu.memory_space<vmem>>
    %dma_start3A_283 = arith.constant 80 : i32
    %dma_start3A_284 = tpu.memref_slice %arg6[%dma_start3A_277, %dma_start3A_283] : memref<2x128xi32, #tpu.memory_space<vmem>> -> memref<1x16xi32, #tpu.memory_space<vmem>>
    %dma_start3A_285 = tpu.memref_squeeze %dma_start3A_284 : memref<1x16xi32, #tpu.memory_space<vmem>> -> memref<16xi32, #tpu.memory_space<vmem>>
    %dma_start3A_286 = arith.constant 0 : i32
    %dma_start3A_287 = arith.constant 0 : i32
    %dma_start3A_288 = tpu.memref_slice %arg2[%dma_start3A_286, %dma_start3A_287] : memref<10240x512xi32, #tpu.memory_space<hbm>> -> memref<10240x512xi32, #tpu.memory_space<hbm>>
    tpu.enqueue_indirect_dma source(%dma_start3A_288 : memref<10240x512xi32, #tpu.memory_space<hbm>>) target(%dma_start3A_282 : memref<16x512xi32, #tpu.memory_space<vmem>>) offsets(%dma_start3A_285 : memref<16xi32, #tpu.memory_space<vmem>>) semaphore(%arg11 : memref<!tpu.dma_semaphore, #tpu.memory_space<semaphore_mem>>)
    %dma_start3A_289 = arith.constant 1 : i32
    %dma_start3A_290 = arith.constant 1 : i32
    %dma_start3A_291 = arith.constant 0 : i32
    %dma_start3A_292 = arith.constant 0 : i32
    %dma_start3A_293 = tpu.memref_slice %arg8[%dma_start3A_290, %dma_start3A_291, %dma_start3A_292] : memref<2x16x512xi32, #tpu.memory_space<vmem>> -> memref<1x16x512xi32, #tpu.memory_space<vmem>>
    %dma_start3A_294 = tpu.memref_squeeze %dma_start3A_293 : memref<1x16x512xi32, #tpu.memory_space<vmem>> -> memref<16x512xi32, #tpu.memory_space<vmem>>
    %dma_start3A_295 = arith.constant 80 : i32
    %dma_start3A_296 = tpu.memref_slice %arg6[%dma_start3A_289, %dma_start3A_295] : memref<2x128xi32, #tpu.memory_space<vmem>> -> memref<1x16xi32, #tpu.memory_space<vmem>>
    %dma_start3A_297 = tpu.memref_squeeze %dma_start3A_296 : memref<1x16xi32, #tpu.memory_space<vmem>> -> memref<16xi32, #tpu.memory_space<vmem>>
    %dma_start3A_298 = arith.constant 0 : i32
    %dma_start3A_299 = arith.constant 0 : i32
    %dma_start3A_300 = tpu.memref_slice %arg2[%dma_start3A_298, %dma_start3A_299] : memref<10240x512xi32, #tpu.memory_space<hbm>> -> memref<10240x512xi32, #tpu.memory_space<hbm>>
    tpu.enqueue_indirect_dma source(%dma_start3A_300 : memref<10240x512xi32, #tpu.memory_space<hbm>>) target(%dma_start3A_294 : memref<16x512xi32, #tpu.memory_space<vmem>>) offsets(%dma_start3A_297 : memref<16xi32, #tpu.memory_space<vmem>>) semaphore(%arg11 : memref<!tpu.dma_semaphore, #tpu.memory_space<semaphore_mem>>)
    %scan3A_301 = arith.constant 0 : i32
    %scan3A_302 = arith.constant 0 : i32
    %scan3A_303 = arith.constant 16 : i32
    %scan3A_304 = arith.addi %scan3A_302, %scan3A_303 : i32
    %scan3A_305 = arith.constant 1 : i32
    %scan3A_306 = scf.for %scan3A_457 = %scan3A_302 to %scan3A_304 step %scan3A_305 iter_args(%scan3A_458 = %scan3A_301) -> (i32)  : i32 {
      %scan3A_459 = arith.constant 0 : i32
      %scan3A_460 = arith.constant 0 : i32
      %scan3A_461 = arith.constant 8 : i32
      %scan3A_462 = arith.addi %scan3A_460, %scan3A_461 : i32
      %scan3A_463 = arith.constant 1 : i32
      %scan3A_464 = scf.for %scan3A_467 = %scan3A_460 to %scan3A_462 step %scan3A_463 iter_args(%scan3A_468 = %scan3A_459) -> (i32)  : i32 {
        %mul3A_469 = arith.constant 64 : i32
        %mul3A_470 = arith.muli %scan3A_467, %mul3A_469 : i32
        %add3A_471 = arith.constant 0 : i32
        %add3A_472 = arith.addi %mul3A_470, %add3A_471 : i32
        %get3A = arith.constant 0 : i32
        %get3A_473 = arith.index_cast %get3A : i32 to index
        %get3A_474 = arith.index_cast %scan3A_457 : i32 to index
        %get3A_475 = arith.index_cast %add3A_472 : i32 to index
        %get3A_476 = tpu.vector_load %arg7[%get3A_473, %get3A_474, %get3A_475] {strides = array<i32>} : memref<2x16x512xi32, #tpu.memory_space<vmem>>, vector<16xi32>,
        %bitcast3A = vector.bitcast %get3A_476 : vector<16xi32> to vector<32xbf16>
        %get3A_477 = arith.constant 0 : i32
        %get3A_478 = arith.index_cast %get3A_477 : i32 to index
        %get3A_479 = arith.index_cast %scan3A_457 : i32 to index
        %get3A_480 = arith.index_cast %add3A_472 : i32 to index
        %get3A_481 = tpu.vector_load %arg8[%get3A_478, %get3A_479, %get3A_480] {strides = array<i32>} : memref<2x16x512xi32, #tpu.memory_space<vmem>>, vector<16xi32>,
        %bitcast3A_482 = vector.bitcast %get3A_481 : vector<16xi32> to vector<32xbf16>
        %add3A_483 = arith.addf %bitcast3A, %bitcast3A_482 : vector<32xbf16>
        %bitcast3A_484 = vector.bitcast %add3A_483 : vector<32xbf16> to vector<16xi32>
        %swap3A = arith.index_cast %scan3A_457 : i32 to index
        %swap3A_485 = arith.index_cast %add3A_472 : i32 to index
        %swap3A_486 = tpu.vector_load %arg9[%swap3A, %swap3A_485] {strides = array<i32>} : memref<16x512xi32, #tpu.memory_space<vmem>>, vector<16xi32>,
        tpu.vector_store %arg9[%swap3A, %swap3A_485], %bitcast3A_484 {strides = array<i32>} : memref<16x512xi32, #tpu.memory_space<vmem>>, vector<16xi32>,
        %mul3A_487 = arith.constant 64 : i32
        %mul3A_488 = arith.muli %scan3A_467, %mul3A_487 : i32
        %add3A_489 = arith.constant 16 : i32
        %add3A_490 = arith.addi %mul3A_488, %add3A_489 : i32
        %get3A_491 = arith.constant 0 : i32
        %get3A_492 = arith.index_cast %get3A_491 : i32 to index
        %get3A_493 = arith.index_cast %scan3A_457 : i32 to index
        %get3A_494 = arith.index_cast %add3A_490 : i32 to index
        %get3A_495 = tpu.vector_load %arg7[%get3A_492, %get3A_493, %get3A_494] {strides = array<i32>} : memref<2x16x512xi32, #tpu.memory_space<vmem>>, vector<16xi32>,
        %bitcast3A_496 = vector.bitcast %get3A_495 : vector<16xi32> to vector<32xbf16>
        %get3A_497 = arith.constant 0 : i32
        %get3A_498 = arith.index_cast %get3A_497 : i32 to index
        %get3A_499 = arith.index_cast %scan3A_457 : i32 to index
        %get3A_500 = arith.index_cast %add3A_490 : i32 to index
        %get3A_501 = tpu.vector_load %arg8[%get3A_498, %get3A_499, %get3A_500] {strides = array<i32>} : memref<2x16x512xi32, #tpu.memory_space<vmem>>, vector<16xi32>,
        %bitcast3A_502 = vector.bitcast %get3A_501 : vector<16xi32> to vector<32xbf16>
        %add3A_503 = arith.addf %bitcast3A_496, %bitcast3A_502 : vector<32xbf16>
        %bitcast3A_504 = vector.bitcast %add3A_503 : vector<32xbf16> to vector<16xi32>
        %swap3A_505 = arith.index_cast %scan3A_457 : i32 to index
        %swap3A_506 = arith.index_cast %add3A_490 : i32 to index
        %swap3A_507 = tpu.vector_load %arg9[%swap3A_505, %swap3A_506] {strides = array<i32>} : memref<16x512xi32, #tpu.memory_space<vmem>>, vector<16xi32>,
        tpu.vector_store %arg9[%swap3A_505, %swap3A_506], %bitcast3A_504 {strides = array<i32>} : memref<16x512xi32, #tpu.memory_space<vmem>>, vector<16xi32>,
        %mul3A_508 = arith.constant 64 : i32
        %mul3A_509 = arith.muli %scan3A_467, %mul3A_508 : i32
        %add3A_510 = arith.constant 32 : i32
        %add3A_511 = arith.addi %mul3A_509, %add3A_510 : i32
        %get3A_512 = arith.constant 0 : i32
        %get3A_513 = arith.index_cast %get3A_512 : i32 to index
        %get3A_514 = arith.index_cast %scan3A_457 : i32 to index
        %get3A_515 = arith.index_cast %add3A_511 : i32 to index
        %get3A_516 = tpu.vector_load %arg7[%get3A_513, %get3A_514, %get3A_515] {strides = array<i32>} : memref<2x16x512xi32, #tpu.memory_space<vmem>>, vector<16xi32>,
        %bitcast3A_517 = vector.bitcast %get3A_516 : vector<16xi32> to vector<32xbf16>
        %get3A_518 = arith.constant 0 : i32
        %get3A_519 = arith.index_cast %get3A_518 : i32 to index
        %get3A_520 = arith.index_cast %scan3A_457 : i32 to index
        %get3A_521 = arith.index_cast %add3A_511 : i32 to index
        %get3A_522 = tpu.vector_load %arg8[%get3A_519, %get3A_520, %get3A_521] {strides = array<i32>} : memref<2x16x512xi32, #tpu.memory_space<vmem>>, vector<16xi32>,
        %bitcast3A_523 = vector.bitcast %get3A_522 : vector<16xi32> to vector<32xbf16>
        %add3A_524 = arith.addf %bitcast3A_517, %bitcast3A_523 : vector<32xbf16>
        %bitcast3A_525 = vector.bitcast %add3A_524 : vector<32xbf16> to vector<16xi32>
        %swap3A_526 = arith.index_cast %scan3A_457 : i32 to index
        %swap3A_527 = arith.index_cast %add3A_511 : i32 to index
        %swap3A_528 = tpu.vector_load %arg9[%swap3A_526, %swap3A_527] {strides = array<i32>} : memref<16x512xi32, #tpu.memory_space<vmem>>, vector<16xi32>,
        tpu.vector_store %arg9[%swap3A_526, %swap3A_527], %bitcast3A_525 {strides = array<i32>} : memref<16x512xi32, #tpu.memory_space<vmem>>, vector<16xi32>,
        %mul3A_529 = arith.constant 64 : i32
        %mul3A_530 = arith.muli %scan3A_467, %mul3A_529 : i32
        %add3A_531 = arith.constant 48 : i32
        %add3A_532 = arith.addi %mul3A_530, %add3A_531 : i32
        %get3A_533 = arith.constant 0 : i32
        %get3A_534 = arith.index_cast %get3A_533 : i32 to index
        %get3A_535 = arith.index_cast %scan3A_457 : i32 to index
        %get3A_536 = arith.index_cast %add3A_532 : i32 to index
        %get3A_537 = tpu.vector_load %arg7[%get3A_534, %get3A_535, %get3A_536] {strides = array<i32>} : memref<2x16x512xi32, #tpu.memory_space<vmem>>, vector<16xi32>,
        %bitcast3A_538 = vector.bitcast %get3A_537 : vector<16xi32> to vector<32xbf16>
        %get3A_539 = arith.constant 0 : i32
        %get3A_540 = arith.index_cast %get3A_539 : i32 to index
        %get3A_541 = arith.index_cast %scan3A_457 : i32 to index
        %get3A_542 = arith.index_cast %add3A_532 : i32 to index
        %get3A_543 = tpu.vector_load %arg8[%get3A_540, %get3A_541, %get3A_542] {strides = array<i32>} : memref<2x16x512xi32, #tpu.memory_space<vmem>>, vector<16xi32>,
        %bitcast3A_544 = vector.bitcast %get3A_543 : vector<16xi32> to vector<32xbf16>
        %add3A_545 = arith.addf %bitcast3A_538, %bitcast3A_544 : vector<32xbf16>
        %bitcast3A_546 = vector.bitcast %add3A_545 : vector<32xbf16> to vector<16xi32>
        %swap3A_547 = arith.index_cast %scan3A_457 : i32 to index
        %swap3A_548 = arith.index_cast %add3A_532 : i32 to index
        %swap3A_549 = tpu.vector_load %arg9[%swap3A_547, %swap3A_548] {strides = array<i32>} : memref<16x512xi32, #tpu.memory_space<vmem>>, vector<16xi32>,
        tpu.vector_store %arg9[%swap3A_547, %swap3A_548], %bitcast3A_546 {strides = array<i32>} : memref<16x512xi32, #tpu.memory_space<vmem>>, vector<16xi32>,
        %scan3A_550 = arith.constant 0 : i32
        scf.yield %scan3A_550 : i32
      }
      %scan3A_465 = arith.constant 8 : i32
      %scan3A_466 = arith.constant 0 : i32
      scf.yield %scan3A_466 : i32
    }
    %scan3A_307 = arith.constant 16 : i32
    %add3A_308 = arith.constant 64 : i32
    %add3A_309 = arith.addi %mul3A_2, %add3A_308 : i32
    "tpu.region"() ({
      %run_scoped3A_457 = tpu.sem_alloc : memref<!tpu.dma_semaphore, #tpu.memory_space<semaphore_mem>>
      %dma_start3A_458 = arith.constant 0 : i32
      %dma_start3A_459 = tpu.memref_slice %arg5[%add3A_309, %dma_start3A_458] : memref<4096x512xi32, #tpu.memory_space<hbm>> -> memref<16x512xi32, #tpu.memory_space<hbm>>
      %dma_start3A_460 = arith.constant 0 : i32
      %dma_start3A_461 = tpu.memref_slice %arg5[%add3A_309, %dma_start3A_460] : memref<4096x512xi32, #tpu.memory_space<hbm>> -> memref<16x512xi32, #tpu.memory_space<hbm>>
      tpu.enqueue_dma source(%arg9 : memref<16x512xi32, #tpu.memory_space<vmem>>) target(%dma_start3A_461 : memref<16x512xi32, #tpu.memory_space<hbm>>) target_semaphore(%run_scoped3A_457 : memref<!tpu.dma_semaphore, #tpu.memory_space<semaphore_mem>>)
      %dma_wait3A_462 = arith.constant 0 : i32
      %dma_wait3A_463 = tpu.memref_slice %arg5[%add3A_309, %dma_wait3A_462] : memref<4096x512xi32, #tpu.memory_space<hbm>> -> memref<16x512xi32, #tpu.memory_space<hbm>>
      %dma_wait3A_464 = arith.constant 0 : i32
      %dma_wait3A_465 = tpu.memref_slice %arg5[%add3A_309, %dma_wait3A_464] : memref<4096x512xi32, #tpu.memory_space<hbm>> -> memref<16x512xi32, #tpu.memory_space<hbm>>
      tpu.wait_dma2 semaphore(%run_scoped3A_457 : memref<!tpu.dma_semaphore, #tpu.memory_space<semaphore_mem>>) src(%arg9 : memref<16x512xi32, #tpu.memory_space<vmem>>) dst(%dma_wait3A_465 : memref<16x512xi32, #tpu.memory_space<hbm>>)
      tpu.yield
    }) : () -> ()
    %dma_wait3A_310 = arith.constant 0 : i32
    %dma_wait3A_311 = arith.constant 1 : i32
    %dma_wait3A_312 = arith.constant 0 : i32
    %dma_wait3A_313 = arith.constant 0 : i32
    %dma_wait3A_314 = tpu.memref_slice %arg7[%dma_wait3A_311, %dma_wait3A_312, %dma_wait3A_313] : memref<2x16x512xi32, #tpu.memory_space<vmem>> -> memref<1x16x512xi32, #tpu.memory_space<vmem>>
    %dma_wait3A_315 = tpu.memref_squeeze %dma_wait3A_314 : memref<1x16x512xi32, #tpu.memory_space<vmem>> -> memref<16x512xi32, #tpu.memory_space<vmem>>
    %dma_wait3A_316 = arith.constant 80 : i32
    %dma_wait3A_317 = tpu.memref_slice %arg6[%dma_wait3A_310, %dma_wait3A_316] : memref<2x128xi32, #tpu.memory_space<vmem>> -> memref<1x16xi32, #tpu.memory_space<vmem>>
    %dma_wait3A_318 = tpu.memref_squeeze %dma_wait3A_317 : memref<1x16xi32, #tpu.memory_space<vmem>> -> memref<16xi32, #tpu.memory_space<vmem>>
    %dma_wait3A_319 = arith.constant 0 : i32
    %dma_wait3A_320 = arith.constant 0 : i32
    %dma_wait3A_321 = tpu.memref_slice %arg2[%dma_wait3A_319, %dma_wait3A_320] : memref<10240x512xi32, #tpu.memory_space<hbm>> -> memref<10240x512xi32, #tpu.memory_space<hbm>>
    tpu.wait_indirect_dma semaphore(%arg11 : memref<!tpu.dma_semaphore, #tpu.memory_space<semaphore_mem>>) src(%dma_wait3A_321 : memref<10240x512xi32, #tpu.memory_space<hbm>>) dst(%dma_wait3A_315 : memref<16x512xi32, #tpu.memory_space<vmem>>)
    %dma_wait3A_322 = arith.constant 1 : i32
    %dma_wait3A_323 = arith.constant 1 : i32
    %dma_wait3A_324 = arith.constant 0 : i32
    %dma_wait3A_325 = arith.constant 0 : i32
    %dma_wait3A_326 = tpu.memref_slice %arg8[%dma_wait3A_323, %dma_wait3A_324, %dma_wait3A_325] : memref<2x16x512xi32, #tpu.memory_space<vmem>> -> memref<1x16x512xi32, #tpu.memory_space<vmem>>
    %dma_wait3A_327 = tpu.memref_squeeze %dma_wait3A_326 : memref<1x16x512xi32, #tpu.memory_space<vmem>> -> memref<16x512xi32, #tpu.memory_space<vmem>>
    %dma_wait3A_328 = arith.constant 80 : i32
    %dma_wait3A_329 = tpu.memref_slice %arg6[%dma_wait3A_322, %dma_wait3A_328] : memref<2x128xi32, #tpu.memory_space<vmem>> -> memref<1x16xi32, #tpu.memory_space<vmem>>
    %dma_wait3A_330 = tpu.memref_squeeze %dma_wait3A_329 : memref<1x16xi32, #tpu.memory_space<vmem>> -> memref<16xi32, #tpu.memory_space<vmem>>
    %dma_wait3A_331 = arith.constant 0 : i32
    %dma_wait3A_332 = arith.constant 0 : i32
    %dma_wait3A_333 = tpu.memref_slice %arg2[%dma_wait3A_331, %dma_wait3A_332] : memref<10240x512xi32, #tpu.memory_space<hbm>> -> memref<10240x512xi32, #tpu.memory_space<hbm>>
    tpu.wait_indirect_dma semaphore(%arg11 : memref<!tpu.dma_semaphore, #tpu.memory_space<semaphore_mem>>) src(%dma_wait3A_333 : memref<10240x512xi32, #tpu.memory_space<hbm>>) dst(%dma_wait3A_327 : memref<16x512xi32, #tpu.memory_space<vmem>>)
    %dma_start3A_334 = arith.constant 0 : i32
    %dma_start3A_335 = arith.constant 0 : i32
    %dma_start3A_336 = arith.constant 0 : i32
    %dma_start3A_337 = arith.constant 0 : i32
    %dma_start3A_338 = tpu.memref_slice %arg7[%dma_start3A_335, %dma_start3A_336, %dma_start3A_337] : memref<2x16x512xi32, #tpu.memory_space<vmem>> -> memref<1x16x512xi32, #tpu.memory_space<vmem>>
    %dma_start3A_339 = tpu.memref_squeeze %dma_start3A_338 : memref<1x16x512xi32, #tpu.memory_space<vmem>> -> memref<16x512xi32, #tpu.memory_space<vmem>>
    %dma_start3A_340 = arith.constant 96 : i32
    %dma_start3A_341 = tpu.memref_slice %arg6[%dma_start3A_334, %dma_start3A_340] : memref<2x128xi32, #tpu.memory_space<vmem>> -> memref<1x16xi32, #tpu.memory_space<vmem>>
    %dma_start3A_342 = tpu.memref_squeeze %dma_start3A_341 : memref<1x16xi32, #tpu.memory_space<vmem>> -> memref<16xi32, #tpu.memory_space<vmem>>
    %dma_start3A_343 = arith.constant 0 : i32
    %dma_start3A_344 = arith.constant 0 : i32
    %dma_start3A_345 = tpu.memref_slice %arg2[%dma_start3A_343, %dma_start3A_344] : memref<10240x512xi32, #tpu.memory_space<hbm>> -> memref<10240x512xi32, #tpu.memory_space<hbm>>
    tpu.enqueue_indirect_dma source(%dma_start3A_345 : memref<10240x512xi32, #tpu.memory_space<hbm>>) target(%dma_start3A_339 : memref<16x512xi32, #tpu.memory_space<vmem>>) offsets(%dma_start3A_342 : memref<16xi32, #tpu.memory_space<vmem>>) semaphore(%arg10 : memref<!tpu.dma_semaphore, #tpu.memory_space<semaphore_mem>>)
    %dma_start3A_346 = arith.constant 1 : i32
    %dma_start3A_347 = arith.constant 0 : i32
    %dma_start3A_348 = arith.constant 0 : i32
    %dma_start3A_349 = arith.constant 0 : i32
    %dma_start3A_350 = tpu.memref_slice %arg8[%dma_start3A_347, %dma_start3A_348, %dma_start3A_349] : memref<2x16x512xi32, #tpu.memory_space<vmem>> -> memref<1x16x512xi32, #tpu.memory_space<vmem>>
    %dma_start3A_351 = tpu.memref_squeeze %dma_start3A_350 : memref<1x16x512xi32, #tpu.memory_space<vmem>> -> memref<16x512xi32, #tpu.memory_space<vmem>>
    %dma_start3A_352 = arith.constant 96 : i32
    %dma_start3A_353 = tpu.memref_slice %arg6[%dma_start3A_346, %dma_start3A_352] : memref<2x128xi32, #tpu.memory_space<vmem>> -> memref<1x16xi32, #tpu.memory_space<vmem>>
    %dma_start3A_354 = tpu.memref_squeeze %dma_start3A_353 : memref<1x16xi32, #tpu.memory_space<vmem>> -> memref<16xi32, #tpu.memory_space<vmem>>
    %dma_start3A_355 = arith.constant 0 : i32
    %dma_start3A_356 = arith.constant 0 : i32
    %dma_start3A_357 = tpu.memref_slice %arg2[%dma_start3A_355, %dma_start3A_356] : memref<10240x512xi32, #tpu.memory_space<hbm>> -> memref<10240x512xi32, #tpu.memory_space<hbm>>
    tpu.enqueue_indirect_dma source(%dma_start3A_357 : memref<10240x512xi32, #tpu.memory_space<hbm>>) target(%dma_start3A_351 : memref<16x512xi32, #tpu.memory_space<vmem>>) offsets(%dma_start3A_354 : memref<16xi32, #tpu.memory_space<vmem>>) semaphore(%arg10 : memref<!tpu.dma_semaphore, #tpu.memory_space<semaphore_mem>>)
    %scan3A_358 = arith.constant 0 : i32
    %scan3A_359 = arith.constant 0 : i32
    %scan3A_360 = arith.constant 16 : i32
    %scan3A_361 = arith.addi %scan3A_359, %scan3A_360 : i32
    %scan3A_362 = arith.constant 1 : i32
    %scan3A_363 = scf.for %scan3A_457 = %scan3A_359 to %scan3A_361 step %scan3A_362 iter_args(%scan3A_458 = %scan3A_358) -> (i32)  : i32 {
      %scan3A_459 = arith.constant 0 : i32
      %scan3A_460 = arith.constant 0 : i32
      %scan3A_461 = arith.constant 8 : i32
      %scan3A_462 = arith.addi %scan3A_460, %scan3A_461 : i32
      %scan3A_463 = arith.constant 1 : i32
      %scan3A_464 = scf.for %scan3A_467 = %scan3A_460 to %scan3A_462 step %scan3A_463 iter_args(%scan3A_468 = %scan3A_459) -> (i32)  : i32 {
        %mul3A_469 = arith.constant 64 : i32
        %mul3A_470 = arith.muli %scan3A_467, %mul3A_469 : i32
        %add3A_471 = arith.constant 0 : i32
        %add3A_472 = arith.addi %mul3A_470, %add3A_471 : i32
        %get3A = arith.constant 1 : i32
        %get3A_473 = arith.index_cast %get3A : i32 to index
        %get3A_474 = arith.index_cast %scan3A_457 : i32 to index
        %get3A_475 = arith.index_cast %add3A_472 : i32 to index
        %get3A_476 = tpu.vector_load %arg7[%get3A_473, %get3A_474, %get3A_475] {strides = array<i32>} : memref<2x16x512xi32, #tpu.memory_space<vmem>>, vector<16xi32>,
        %bitcast3A = vector.bitcast %get3A_476 : vector<16xi32> to vector<32xbf16>
        %get3A_477 = arith.constant 1 : i32
        %get3A_478 = arith.index_cast %get3A_477 : i32 to index
        %get3A_479 = arith.index_cast %scan3A_457 : i32 to index
        %get3A_480 = arith.index_cast %add3A_472 : i32 to index
        %get3A_481 = tpu.vector_load %arg8[%get3A_478, %get3A_479, %get3A_480] {strides = array<i32>} : memref<2x16x512xi32, #tpu.memory_space<vmem>>, vector<16xi32>,
        %bitcast3A_482 = vector.bitcast %get3A_481 : vector<16xi32> to vector<32xbf16>
        %add3A_483 = arith.addf %bitcast3A, %bitcast3A_482 : vector<32xbf16>
        %bitcast3A_484 = vector.bitcast %add3A_483 : vector<32xbf16> to vector<16xi32>
        %swap3A = arith.index_cast %scan3A_457 : i32 to index
        %swap3A_485 = arith.index_cast %add3A_472 : i32 to index
        %swap3A_486 = tpu.vector_load %arg9[%swap3A, %swap3A_485] {strides = array<i32>} : memref<16x512xi32, #tpu.memory_space<vmem>>, vector<16xi32>,
        tpu.vector_store %arg9[%swap3A, %swap3A_485], %bitcast3A_484 {strides = array<i32>} : memref<16x512xi32, #tpu.memory_space<vmem>>, vector<16xi32>,
        %mul3A_487 = arith.constant 64 : i32
        %mul3A_488 = arith.muli %scan3A_467, %mul3A_487 : i32
        %add3A_489 = arith.constant 16 : i32
        %add3A_490 = arith.addi %mul3A_488, %add3A_489 : i32
        %get3A_491 = arith.constant 1 : i32
        %get3A_492 = arith.index_cast %get3A_491 : i32 to index
        %get3A_493 = arith.index_cast %scan3A_457 : i32 to index
        %get3A_494 = arith.index_cast %add3A_490 : i32 to index
        %get3A_495 = tpu.vector_load %arg7[%get3A_492, %get3A_493, %get3A_494] {strides = array<i32>} : memref<2x16x512xi32, #tpu.memory_space<vmem>>, vector<16xi32>,
        %bitcast3A_496 = vector.bitcast %get3A_495 : vector<16xi32> to vector<32xbf16>
        %get3A_497 = arith.constant 1 : i32
        %get3A_498 = arith.index_cast %get3A_497 : i32 to index
        %get3A_499 = arith.index_cast %scan3A_457 : i32 to index
        %get3A_500 = arith.index_cast %add3A_490 : i32 to index
        %get3A_501 = tpu.vector_load %arg8[%get3A_498, %get3A_499, %get3A_500] {strides = array<i32>} : memref<2x16x512xi32, #tpu.memory_space<vmem>>, vector<16xi32>,
        %bitcast3A_502 = vector.bitcast %get3A_501 : vector<16xi32> to vector<32xbf16>
        %add3A_503 = arith.addf %bitcast3A_496, %bitcast3A_502 : vector<32xbf16>
        %bitcast3A_504 = vector.bitcast %add3A_503 : vector<32xbf16> to vector<16xi32>
        %swap3A_505 = arith.index_cast %scan3A_457 : i32 to index
        %swap3A_506 = arith.index_cast %add3A_490 : i32 to index
        %swap3A_507 = tpu.vector_load %arg9[%swap3A_505, %swap3A_506] {strides = array<i32>} : memref<16x512xi32, #tpu.memory_space<vmem>>, vector<16xi32>,
        tpu.vector_store %arg9[%swap3A_505, %swap3A_506], %bitcast3A_504 {strides = array<i32>} : memref<16x512xi32, #tpu.memory_space<vmem>>, vector<16xi32>,
        %mul3A_508 = arith.constant 64 : i32
        %mul3A_509 = arith.muli %scan3A_467, %mul3A_508 : i32
        %add3A_510 = arith.constant 32 : i32
        %add3A_511 = arith.addi %mul3A_509, %add3A_510 : i32
        %get3A_512 = arith.constant 1 : i32
        %get3A_513 = arith.index_cast %get3A_512 : i32 to index
        %get3A_514 = arith.index_cast %scan3A_457 : i32 to index
        %get3A_515 = arith.index_cast %add3A_511 : i32 to index
        %get3A_516 = tpu.vector_load %arg7[%get3A_513, %get3A_514, %get3A_515] {strides = array<i32>} : memref<2x16x512xi32, #tpu.memory_space<vmem>>, vector<16xi32>,
        %bitcast3A_517 = vector.bitcast %get3A_516 : vector<16xi32> to vector<32xbf16>
        %get3A_518 = arith.constant 1 : i32
        %get3A_519 = arith.index_cast %get3A_518 : i32 to index
        %get3A_520 = arith.index_cast %scan3A_457 : i32 to index
        %get3A_521 = arith.index_cast %add3A_511 : i32 to index
        %get3A_522 = tpu.vector_load %arg8[%get3A_519, %get3A_520, %get3A_521] {strides = array<i32>} : memref<2x16x512xi32, #tpu.memory_space<vmem>>, vector<16xi32>,
        %bitcast3A_523 = vector.bitcast %get3A_522 : vector<16xi32> to vector<32xbf16>
        %add3A_524 = arith.addf %bitcast3A_517, %bitcast3A_523 : vector<32xbf16>
        %bitcast3A_525 = vector.bitcast %add3A_524 : vector<32xbf16> to vector<16xi32>
        %swap3A_526 = arith.index_cast %scan3A_457 : i32 to index
        %swap3A_527 = arith.index_cast %add3A_511 : i32 to index
        %swap3A_528 = tpu.vector_load %arg9[%swap3A_526, %swap3A_527] {strides = array<i32>} : memref<16x512xi32, #tpu.memory_space<vmem>>, vector<16xi32>,
        tpu.vector_store %arg9[%swap3A_526, %swap3A_527], %bitcast3A_525 {strides = array<i32>} : memref<16x512xi32, #tpu.memory_space<vmem>>, vector<16xi32>,
        %mul3A_529 = arith.constant 64 : i32
        %mul3A_530 = arith.muli %scan3A_467, %mul3A_529 : i32
        %add3A_531 = arith.constant 48 : i32
        %add3A_532 = arith.addi %mul3A_530, %add3A_531 : i32
        %get3A_533 = arith.constant 1 : i32
        %get3A_534 = arith.index_cast %get3A_533 : i32 to index
        %get3A_535 = arith.index_cast %scan3A_457 : i32 to index
        %get3A_536 = arith.index_cast %add3A_532 : i32 to index
        %get3A_537 = tpu.vector_load %arg7[%get3A_534, %get3A_535, %get3A_536] {strides = array<i32>} : memref<2x16x512xi32, #tpu.memory_space<vmem>>, vector<16xi32>,
        %bitcast3A_538 = vector.bitcast %get3A_537 : vector<16xi32> to vector<32xbf16>
        %get3A_539 = arith.constant 1 : i32
        %get3A_540 = arith.index_cast %get3A_539 : i32 to index
        %get3A_541 = arith.index_cast %scan3A_457 : i32 to index
        %get3A_542 = arith.index_cast %add3A_532 : i32 to index
        %get3A_543 = tpu.vector_load %arg8[%get3A_540, %get3A_541, %get3A_542] {strides = array<i32>} : memref<2x16x512xi32, #tpu.memory_space<vmem>>, vector<16xi32>,
        %bitcast3A_544 = vector.bitcast %get3A_543 : vector<16xi32> to vector<32xbf16>
        %add3A_545 = arith.addf %bitcast3A_538, %bitcast3A_544 : vector<32xbf16>
        %bitcast3A_546 = vector.bitcast %add3A_545 : vector<32xbf16> to vector<16xi32>
        %swap3A_547 = arith.index_cast %scan3A_457 : i32 to index
        %swap3A_548 = arith.index_cast %add3A_532 : i32 to index
        %swap3A_549 = tpu.vector_load %arg9[%swap3A_547, %swap3A_548] {strides = array<i32>} : memref<16x512xi32, #tpu.memory_space<vmem>>, vector<16xi32>,
        tpu.vector_store %arg9[%swap3A_547, %swap3A_548], %bitcast3A_546 {strides = array<i32>} : memref<16x512xi32, #tpu.memory_space<vmem>>, vector<16xi32>,
        %scan3A_550 = arith.constant 0 : i32
        scf.yield %scan3A_550 : i32
      }
      %scan3A_465 = arith.constant 8 : i32
      %scan3A_466 = arith.constant 0 : i32
      scf.yield %scan3A_466 : i32
    }
    %scan3A_364 = arith.constant 16 : i32
    %add3A_365 = arith.constant 80 : i32
    %add3A_366 = arith.addi %mul3A_2, %add3A_365 : i32
    "tpu.region"() ({
      %run_scoped3A_457 = tpu.sem_alloc : memref<!tpu.dma_semaphore, #tpu.memory_space<semaphore_mem>>
      %dma_start3A_458 = arith.constant 0 : i32
      %dma_start3A_459 = tpu.memref_slice %arg5[%add3A_366, %dma_start3A_458] : memref<4096x512xi32, #tpu.memory_space<hbm>> -> memref<16x512xi32, #tpu.memory_space<hbm>>
      %dma_start3A_460 = arith.constant 0 : i32
      %dma_start3A_461 = tpu.memref_slice %arg5[%add3A_366, %dma_start3A_460] : memref<4096x512xi32, #tpu.memory_space<hbm>> -> memref<16x512xi32, #tpu.memory_space<hbm>>
      tpu.enqueue_dma source(%arg9 : memref<16x512xi32, #tpu.memory_space<vmem>>) target(%dma_start3A_461 : memref<16x512xi32, #tpu.memory_space<hbm>>) target_semaphore(%run_scoped3A_457 : memref<!tpu.dma_semaphore, #tpu.memory_space<semaphore_mem>>)
      %dma_wait3A_462 = arith.constant 0 : i32
      %dma_wait3A_463 = tpu.memref_slice %arg5[%add3A_366, %dma_wait3A_462] : memref<4096x512xi32, #tpu.memory_space<hbm>> -> memref<16x512xi32, #tpu.memory_space<hbm>>
      %dma_wait3A_464 = arith.constant 0 : i32
      %dma_wait3A_465 = tpu.memref_slice %arg5[%add3A_366, %dma_wait3A_464] : memref<4096x512xi32, #tpu.memory_space<hbm>> -> memref<16x512xi32, #tpu.memory_space<hbm>>
      tpu.wait_dma2 semaphore(%run_scoped3A_457 : memref<!tpu.dma_semaphore, #tpu.memory_space<semaphore_mem>>) src(%arg9 : memref<16x512xi32, #tpu.memory_space<vmem>>) dst(%dma_wait3A_465 : memref<16x512xi32, #tpu.memory_space<hbm>>)
      tpu.yield
    }) : () -> ()
    %dma_wait3A_367 = arith.constant 0 : i32
    %dma_wait3A_368 = arith.constant 0 : i32
    %dma_wait3A_369 = arith.constant 0 : i32
    %dma_wait3A_370 = arith.constant 0 : i32
    %dma_wait3A_371 = tpu.memref_slice %arg7[%dma_wait3A_368, %dma_wait3A_369, %dma_wait3A_370] : memref<2x16x512xi32, #tpu.memory_space<vmem>> -> memref<1x16x512xi32, #tpu.memory_space<vmem>>
    %dma_wait3A_372 = tpu.memref_squeeze %dma_wait3A_371 : memref<1x16x512xi32, #tpu.memory_space<vmem>> -> memref<16x512xi32, #tpu.memory_space<vmem>>
    %dma_wait3A_373 = arith.constant 96 : i32
    %dma_wait3A_374 = tpu.memref_slice %arg6[%dma_wait3A_367, %dma_wait3A_373] : memref<2x128xi32, #tpu.memory_space<vmem>> -> memref<1x16xi32, #tpu.memory_space<vmem>>
    %dma_wait3A_375 = tpu.memref_squeeze %dma_wait3A_374 : memref<1x16xi32, #tpu.memory_space<vmem>> -> memref<16xi32, #tpu.memory_space<vmem>>
    %dma_wait3A_376 = arith.constant 0 : i32
    %dma_wait3A_377 = arith.constant 0 : i32
    %dma_wait3A_378 = tpu.memref_slice %arg2[%dma_wait3A_376, %dma_wait3A_377] : memref<10240x512xi32, #tpu.memory_space<hbm>> -> memref<10240x512xi32, #tpu.memory_space<hbm>>
    tpu.wait_indirect_dma semaphore(%arg10 : memref<!tpu.dma_semaphore, #tpu.memory_space<semaphore_mem>>) src(%dma_wait3A_378 : memref<10240x512xi32, #tpu.memory_space<hbm>>) dst(%dma_wait3A_372 : memref<16x512xi32, #tpu.memory_space<vmem>>)
    %dma_wait3A_379 = arith.constant 1 : i32
    %dma_wait3A_380 = arith.constant 0 : i32
    %dma_wait3A_381 = arith.constant 0 : i32
    %dma_wait3A_382 = arith.constant 0 : i32
    %dma_wait3A_383 = tpu.memref_slice %arg8[%dma_wait3A_380, %dma_wait3A_381, %dma_wait3A_382] : memref<2x16x512xi32, #tpu.memory_space<vmem>> -> memref<1x16x512xi32, #tpu.memory_space<vmem>>
    %dma_wait3A_384 = tpu.memref_squeeze %dma_wait3A_383 : memref<1x16x512xi32, #tpu.memory_space<vmem>> -> memref<16x512xi32, #tpu.memory_space<vmem>>
    %dma_wait3A_385 = arith.constant 96 : i32
    %dma_wait3A_386 = tpu.memref_slice %arg6[%dma_wait3A_379, %dma_wait3A_385] : memref<2x128xi32, #tpu.memory_space<vmem>> -> memref<1x16xi32, #tpu.memory_space<vmem>>
    %dma_wait3A_387 = tpu.memref_squeeze %dma_wait3A_386 : memref<1x16xi32, #tpu.memory_space<vmem>> -> memref<16xi32, #tpu.memory_space<vmem>>
    %dma_wait3A_388 = arith.constant 0 : i32
    %dma_wait3A_389 = arith.constant 0 : i32
    %dma_wait3A_390 = tpu.memref_slice %arg2[%dma_wait3A_388, %dma_wait3A_389] : memref<10240x512xi32, #tpu.memory_space<hbm>> -> memref<10240x512xi32, #tpu.memory_space<hbm>>
    tpu.wait_indirect_dma semaphore(%arg10 : memref<!tpu.dma_semaphore, #tpu.memory_space<semaphore_mem>>) src(%dma_wait3A_390 : memref<10240x512xi32, #tpu.memory_space<hbm>>) dst(%dma_wait3A_384 : memref<16x512xi32, #tpu.memory_space<vmem>>)
    %dma_start3A_391 = arith.constant 0 : i32
    %dma_start3A_392 = arith.constant 1 : i32
    %dma_start3A_393 = arith.constant 0 : i32
    %dma_start3A_394 = arith.constant 0 : i32
    %dma_start3A_395 = tpu.memref_slice %arg7[%dma_start3A_392, %dma_start3A_393, %dma_start3A_394] : memref<2x16x512xi32, #tpu.memory_space<vmem>> -> memref<1x16x512xi32, #tpu.memory_space<vmem>>
    %dma_start3A_396 = tpu.memref_squeeze %dma_start3A_395 : memref<1x16x512xi32, #tpu.memory_space<vmem>> -> memref<16x512xi32, #tpu.memory_space<vmem>>
    %dma_start3A_397 = arith.constant 112 : i32
    %dma_start3A_398 = tpu.memref_slice %arg6[%dma_start3A_391, %dma_start3A_397] : memref<2x128xi32, #tpu.memory_space<vmem>> -> memref<1x16xi32, #tpu.memory_space<vmem>>
    %dma_start3A_399 = tpu.memref_squeeze %dma_start3A_398 : memref<1x16xi32, #tpu.memory_space<vmem>> -> memref<16xi32, #tpu.memory_space<vmem>>
    %dma_start3A_400 = arith.constant 0 : i32
    %dma_start3A_401 = arith.constant 0 : i32
    %dma_start3A_402 = tpu.memref_slice %arg2[%dma_start3A_400, %dma_start3A_401] : memref<10240x512xi32, #tpu.memory_space<hbm>> -> memref<10240x512xi32, #tpu.memory_space<hbm>>
    tpu.enqueue_indirect_dma source(%dma_start3A_402 : memref<10240x512xi32, #tpu.memory_space<hbm>>) target(%dma_start3A_396 : memref<16x512xi32, #tpu.memory_space<vmem>>) offsets(%dma_start3A_399 : memref<16xi32, #tpu.memory_space<vmem>>) semaphore(%arg11 : memref<!tpu.dma_semaphore, #tpu.memory_space<semaphore_mem>>)
    %dma_start3A_403 = arith.constant 1 : i32
    %dma_start3A_404 = arith.constant 1 : i32
    %dma_start3A_405 = arith.constant 0 : i32
    %dma_start3A_406 = arith.constant 0 : i32
    %dma_start3A_407 = tpu.memref_slice %arg8[%dma_start3A_404, %dma_start3A_405, %dma_start3A_406] : memref<2x16x512xi32, #tpu.memory_space<vmem>> -> memref<1x16x512xi32, #tpu.memory_space<vmem>>
    %dma_start3A_408 = tpu.memref_squeeze %dma_start3A_407 : memref<1x16x512xi32, #tpu.memory_space<vmem>> -> memref<16x512xi32, #tpu.memory_space<vmem>>
    %dma_start3A_409 = arith.constant 112 : i32
    %dma_start3A_410 = tpu.memref_slice %arg6[%dma_start3A_403, %dma_start3A_409] : memref<2x128xi32, #tpu.memory_space<vmem>> -> memref<1x16xi32, #tpu.memory_space<vmem>>
    %dma_start3A_411 = tpu.memref_squeeze %dma_start3A_410 : memref<1x16xi32, #tpu.memory_space<vmem>> -> memref<16xi32, #tpu.memory_space<vmem>>
    %dma_start3A_412 = arith.constant 0 : i32
    %dma_start3A_413 = arith.constant 0 : i32
    %dma_start3A_414 = tpu.memref_slice %arg2[%dma_start3A_412, %dma_start3A_413] : memref<10240x512xi32, #tpu.memory_space<hbm>> -> memref<10240x512xi32, #tpu.memory_space<hbm>>
    tpu.enqueue_indirect_dma source(%dma_start3A_414 : memref<10240x512xi32, #tpu.memory_space<hbm>>) target(%dma_start3A_408 : memref<16x512xi32, #tpu.memory_space<vmem>>) offsets(%dma_start3A_411 : memref<16xi32, #tpu.memory_space<vmem>>) semaphore(%arg11 : memref<!tpu.dma_semaphore, #tpu.memory_space<semaphore_mem>>)
    %scan3A_415 = arith.constant 0 : i32
    %scan3A_416 = arith.constant 0 : i32
    %scan3A_417 = arith.constant 16 : i32
    %scan3A_418 = arith.addi %scan3A_416, %scan3A_417 : i32
    %scan3A_419 = arith.constant 1 : i32
    %scan3A_420 = scf.for %scan3A_457 = %scan3A_416 to %scan3A_418 step %scan3A_419 iter_args(%scan3A_458 = %scan3A_415) -> (i32)  : i32 {
      %scan3A_459 = arith.constant 0 : i32
      %scan3A_460 = arith.constant 0 : i32
      %scan3A_461 = arith.constant 8 : i32
      %scan3A_462 = arith.addi %scan3A_460, %scan3A_461 : i32
      %scan3A_463 = arith.constant 1 : i32
      %scan3A_464 = scf.for %scan3A_467 = %scan3A_460 to %scan3A_462 step %scan3A_463 iter_args(%scan3A_468 = %scan3A_459) -> (i32)  : i32 {
        %mul3A_469 = arith.constant 64 : i32
        %mul3A_470 = arith.muli %scan3A_467, %mul3A_469 : i32
        %add3A_471 = arith.constant 0 : i32
        %add3A_472 = arith.addi %mul3A_470, %add3A_471 : i32
        %get3A = arith.constant 0 : i32
        %get3A_473 = arith.index_cast %get3A : i32 to index
        %get3A_474 = arith.index_cast %scan3A_457 : i32 to index
        %get3A_475 = arith.index_cast %add3A_472 : i32 to index
        %get3A_476 = tpu.vector_load %arg7[%get3A_473, %get3A_474, %get3A_475] {strides = array<i32>} : memref<2x16x512xi32, #tpu.memory_space<vmem>>, vector<16xi32>,
        %bitcast3A = vector.bitcast %get3A_476 : vector<16xi32> to vector<32xbf16>
        %get3A_477 = arith.constant 0 : i32
        %get3A_478 = arith.index_cast %get3A_477 : i32 to index
        %get3A_479 = arith.index_cast %scan3A_457 : i32 to index
        %get3A_480 = arith.index_cast %add3A_472 : i32 to index
        %get3A_481 = tpu.vector_load %arg8[%get3A_478, %get3A_479, %get3A_480] {strides = array<i32>} : memref<2x16x512xi32, #tpu.memory_space<vmem>>, vector<16xi32>,
        %bitcast3A_482 = vector.bitcast %get3A_481 : vector<16xi32> to vector<32xbf16>
        %add3A_483 = arith.addf %bitcast3A, %bitcast3A_482 : vector<32xbf16>
        %bitcast3A_484 = vector.bitcast %add3A_483 : vector<32xbf16> to vector<16xi32>
        %swap3A = arith.index_cast %scan3A_457 : i32 to index
        %swap3A_485 = arith.index_cast %add3A_472 : i32 to index
        %swap3A_486 = tpu.vector_load %arg9[%swap3A, %swap3A_485] {strides = array<i32>} : memref<16x512xi32, #tpu.memory_space<vmem>>, vector<16xi32>,
        tpu.vector_store %arg9[%swap3A, %swap3A_485], %bitcast3A_484 {strides = array<i32>} : memref<16x512xi32, #tpu.memory_space<vmem>>, vector<16xi32>,
        %mul3A_487 = arith.constant 64 : i32
        %mul3A_488 = arith.muli %scan3A_467, %mul3A_487 : i32
        %add3A_489 = arith.constant 16 : i32
        %add3A_490 = arith.addi %mul3A_488, %add3A_489 : i32
        %get3A_491 = arith.constant 0 : i32
        %get3A_492 = arith.index_cast %get3A_491 : i32 to index
        %get3A_493 = arith.index_cast %scan3A_457 : i32 to index
        %get3A_494 = arith.index_cast %add3A_490 : i32 to index
        %get3A_495 = tpu.vector_load %arg7[%get3A_492, %get3A_493, %get3A_494] {strides = array<i32>} : memref<2x16x512xi32, #tpu.memory_space<vmem>>, vector<16xi32>,
        %bitcast3A_496 = vector.bitcast %get3A_495 : vector<16xi32> to vector<32xbf16>
        %get3A_497 = arith.constant 0 : i32
        %get3A_498 = arith.index_cast %get3A_497 : i32 to index
        %get3A_499 = arith.index_cast %scan3A_457 : i32 to index
        %get3A_500 = arith.index_cast %add3A_490 : i32 to index
        %get3A_501 = tpu.vector_load %arg8[%get3A_498, %get3A_499, %get3A_500] {strides = array<i32>} : memref<2x16x512xi32, #tpu.memory_space<vmem>>, vector<16xi32>,
        %bitcast3A_502 = vector.bitcast %get3A_501 : vector<16xi32> to vector<32xbf16>
        %add3A_503 = arith.addf %bitcast3A_496, %bitcast3A_502 : vector<32xbf16>
        %bitcast3A_504 = vector.bitcast %add3A_503 : vector<32xbf16> to vector<16xi32>
        %swap3A_505 = arith.index_cast %scan3A_457 : i32 to index
        %swap3A_506 = arith.index_cast %add3A_490 : i32 to index
        %swap3A_507 = tpu.vector_load %arg9[%swap3A_505, %swap3A_506] {strides = array<i32>} : memref<16x512xi32, #tpu.memory_space<vmem>>, vector<16xi32>,
        tpu.vector_store %arg9[%swap3A_505, %swap3A_506], %bitcast3A_504 {strides = array<i32>} : memref<16x512xi32, #tpu.memory_space<vmem>>, vector<16xi32>,
        %mul3A_508 = arith.constant 64 : i32
        %mul3A_509 = arith.muli %scan3A_467, %mul3A_508 : i32
        %add3A_510 = arith.constant 32 : i32
        %add3A_511 = arith.addi %mul3A_509, %add3A_510 : i32
        %get3A_512 = arith.constant 0 : i32
        %get3A_513 = arith.index_cast %get3A_512 : i32 to index
        %get3A_514 = arith.index_cast %scan3A_457 : i32 to index
        %get3A_515 = arith.index_cast %add3A_511 : i32 to index
        %get3A_516 = tpu.vector_load %arg7[%get3A_513, %get3A_514, %get3A_515] {strides = array<i32>} : memref<2x16x512xi32, #tpu.memory_space<vmem>>, vector<16xi32>,
        %bitcast3A_517 = vector.bitcast %get3A_516 : vector<16xi32> to vector<32xbf16>
        %get3A_518 = arith.constant 0 : i32
        %get3A_519 = arith.index_cast %get3A_518 : i32 to index
        %get3A_520 = arith.index_cast %scan3A_457 : i32 to index
        %get3A_521 = arith.index_cast %add3A_511 : i32 to index
        %get3A_522 = tpu.vector_load %arg8[%get3A_519, %get3A_520, %get3A_521] {strides = array<i32>} : memref<2x16x512xi32, #tpu.memory_space<vmem>>, vector<16xi32>,
        %bitcast3A_523 = vector.bitcast %get3A_522 : vector<16xi32> to vector<32xbf16>
        %add3A_524 = arith.addf %bitcast3A_517, %bitcast3A_523 : vector<32xbf16>
        %bitcast3A_525 = vector.bitcast %add3A_524 : vector<32xbf16> to vector<16xi32>
        %swap3A_526 = arith.index_cast %scan3A_457 : i32 to index
        %swap3A_527 = arith.index_cast %add3A_511 : i32 to index
        %swap3A_528 = tpu.vector_load %arg9[%swap3A_526, %swap3A_527] {strides = array<i32>} : memref<16x512xi32, #tpu.memory_space<vmem>>, vector<16xi32>,
        tpu.vector_store %arg9[%swap3A_526, %swap3A_527], %bitcast3A_525 {strides = array<i32>} : memref<16x512xi32, #tpu.memory_space<vmem>>, vector<16xi32>,
        %mul3A_529 = arith.constant 64 : i32
        %mul3A_530 = arith.muli %scan3A_467, %mul3A_529 : i32
        %add3A_531 = arith.constant 48 : i32
        %add3A_532 = arith.addi %mul3A_530, %add3A_531 : i32
        %get3A_533 = arith.constant 0 : i32
        %get3A_534 = arith.index_cast %get3A_533 : i32 to index
        %get3A_535 = arith.index_cast %scan3A_457 : i32 to index
        %get3A_536 = arith.index_cast %add3A_532 : i32 to index
        %get3A_537 = tpu.vector_load %arg7[%get3A_534, %get3A_535, %get3A_536] {strides = array<i32>} : memref<2x16x512xi32, #tpu.memory_space<vmem>>, vector<16xi32>,
        %bitcast3A_538 = vector.bitcast %get3A_537 : vector<16xi32> to vector<32xbf16>
        %get3A_539 = arith.constant 0 : i32
        %get3A_540 = arith.index_cast %get3A_539 : i32 to index
        %get3A_541 = arith.index_cast %scan3A_457 : i32 to index
        %get3A_542 = arith.index_cast %add3A_532 : i32 to index
        %get3A_543 = tpu.vector_load %arg8[%get3A_540, %get3A_541, %get3A_542] {strides = array<i32>} : memref<2x16x512xi32, #tpu.memory_space<vmem>>, vector<16xi32>,
        %bitcast3A_544 = vector.bitcast %get3A_543 : vector<16xi32> to vector<32xbf16>
        %add3A_545 = arith.addf %bitcast3A_538, %bitcast3A_544 : vector<32xbf16>
        %bitcast3A_546 = vector.bitcast %add3A_545 : vector<32xbf16> to vector<16xi32>
        %swap3A_547 = arith.index_cast %scan3A_457 : i32 to index
        %swap3A_548 = arith.index_cast %add3A_532 : i32 to index
        %swap3A_549 = tpu.vector_load %arg9[%swap3A_547, %swap3A_548] {strides = array<i32>} : memref<16x512xi32, #tpu.memory_space<vmem>>, vector<16xi32>,
        tpu.vector_store %arg9[%swap3A_547, %swap3A_548], %bitcast3A_546 {strides = array<i32>} : memref<16x512xi32, #tpu.memory_space<vmem>>, vector<16xi32>,
        %scan3A_550 = arith.constant 0 : i32
        scf.yield %scan3A_550 : i32
      }
      %scan3A_465 = arith.constant 8 : i32
      %scan3A_466 = arith.constant 0 : i32
      scf.yield %scan3A_466 : i32
    }
    %scan3A_421 = arith.constant 16 : i32
    %add3A_422 = arith.constant 96 : i32
    %add3A_423 = arith.addi %mul3A_2, %add3A_422 : i32
    "tpu.region"() ({
      %run_scoped3A_457 = tpu.sem_alloc : memref<!tpu.dma_semaphore, #tpu.memory_space<semaphore_mem>>
      %dma_start3A_458 = arith.constant 0 : i32
      %dma_start3A_459 = tpu.memref_slice %arg5[%add3A_423, %dma_start3A_458] : memref<4096x512xi32, #tpu.memory_space<hbm>> -> memref<16x512xi32, #tpu.memory_space<hbm>>
      %dma_start3A_460 = arith.constant 0 : i32
      %dma_start3A_461 = tpu.memref_slice %arg5[%add3A_423, %dma_start3A_460] : memref<4096x512xi32, #tpu.memory_space<hbm>> -> memref<16x512xi32, #tpu.memory_space<hbm>>
      tpu.enqueue_dma source(%arg9 : memref<16x512xi32, #tpu.memory_space<vmem>>) target(%dma_start3A_461 : memref<16x512xi32, #tpu.memory_space<hbm>>) target_semaphore(%run_scoped3A_457 : memref<!tpu.dma_semaphore, #tpu.memory_space<semaphore_mem>>)
      %dma_wait3A_462 = arith.constant 0 : i32
      %dma_wait3A_463 = tpu.memref_slice %arg5[%add3A_423, %dma_wait3A_462] : memref<4096x512xi32, #tpu.memory_space<hbm>> -> memref<16x512xi32, #tpu.memory_space<hbm>>
      %dma_wait3A_464 = arith.constant 0 : i32
      %dma_wait3A_465 = tpu.memref_slice %arg5[%add3A_423, %dma_wait3A_464] : memref<4096x512xi32, #tpu.memory_space<hbm>> -> memref<16x512xi32, #tpu.memory_space<hbm>>
      tpu.wait_dma2 semaphore(%run_scoped3A_457 : memref<!tpu.dma_semaphore, #tpu.memory_space<semaphore_mem>>) src(%arg9 : memref<16x512xi32, #tpu.memory_space<vmem>>) dst(%dma_wait3A_465 : memref<16x512xi32, #tpu.memory_space<hbm>>)
      tpu.yield
    }) : () -> ()
    %dma_wait3A_424 = arith.constant 0 : i32
    %dma_wait3A_425 = arith.constant 1 : i32
    %dma_wait3A_426 = arith.constant 0 : i32
    %dma_wait3A_427 = arith.constant 0 : i32
    %dma_wait3A_428 = tpu.memref_slice %arg7[%dma_wait3A_425, %dma_wait3A_426, %dma_wait3A_427] : memref<2x16x512xi32, #tpu.memory_space<vmem>> -> memref<1x16x512xi32, #tpu.memory_space<vmem>>
    %dma_wait3A_429 = tpu.memref_squeeze %dma_wait3A_428 : memref<1x16x512xi32, #tpu.memory_space<vmem>> -> memref<16x512xi32, #tpu.memory_space<vmem>>
    %dma_wait3A_430 = arith.constant 112 : i32
    %dma_wait3A_431 = tpu.memref_slice %arg6[%dma_wait3A_424, %dma_wait3A_430] : memref<2x128xi32, #tpu.memory_space<vmem>> -> memref<1x16xi32, #tpu.memory_space<vmem>>
    %dma_wait3A_432 = tpu.memref_squeeze %dma_wait3A_431 : memref<1x16xi32, #tpu.memory_space<vmem>> -> memref<16xi32, #tpu.memory_space<vmem>>
    %dma_wait3A_433 = arith.constant 0 : i32
    %dma_wait3A_434 = arith.constant 0 : i32
    %dma_wait3A_435 = tpu.memref_slice %arg2[%dma_wait3A_433, %dma_wait3A_434] : memref<10240x512xi32, #tpu.memory_space<hbm>> -> memref<10240x512xi32, #tpu.memory_space<hbm>>
    tpu.wait_indirect_dma semaphore(%arg11 : memref<!tpu.dma_semaphore, #tpu.memory_space<semaphore_mem>>) src(%dma_wait3A_435 : memref<10240x512xi32, #tpu.memory_space<hbm>>) dst(%dma_wait3A_429 : memref<16x512xi32, #tpu.memory_space<vmem>>)
    %dma_wait3A_436 = arith.constant 1 : i32
    %dma_wait3A_437 = arith.constant 1 : i32
    %dma_wait3A_438 = arith.constant 0 : i32
    %dma_wait3A_439 = arith.constant 0 : i32
    %dma_wait3A_440 = tpu.memref_slice %arg8[%dma_wait3A_437, %dma_wait3A_438, %dma_wait3A_439] : memref<2x16x512xi32, #tpu.memory_space<vmem>> -> memref<1x16x512xi32, #tpu.memory_space<vmem>>
    %dma_wait3A_441 = tpu.memref_squeeze %dma_wait3A_440 : memref<1x16x512xi32, #tpu.memory_space<vmem>> -> memref<16x512xi32, #tpu.memory_space<vmem>>
    %dma_wait3A_442 = arith.constant 112 : i32
    %dma_wait3A_443 = tpu.memref_slice %arg6[%dma_wait3A_436, %dma_wait3A_442] : memref<2x128xi32, #tpu.memory_space<vmem>> -> memref<1x16xi32, #tpu.memory_space<vmem>>
    %dma_wait3A_444 = tpu.memref_squeeze %dma_wait3A_443 : memref<1x16xi32, #tpu.memory_space<vmem>> -> memref<16xi32, #tpu.memory_space<vmem>>
    %dma_wait3A_445 = arith.constant 0 : i32
    %dma_wait3A_446 = arith.constant 0 : i32
    %dma_wait3A_447 = tpu.memref_slice %arg2[%dma_wait3A_445, %dma_wait3A_446] : memref<10240x512xi32, #tpu.memory_space<hbm>> -> memref<10240x512xi32, #tpu.memory_space<hbm>>
    tpu.wait_indirect_dma semaphore(%arg11 : memref<!tpu.dma_semaphore, #tpu.memory_space<semaphore_mem>>) src(%dma_wait3A_447 : memref<10240x512xi32, #tpu.memory_space<hbm>>) dst(%dma_wait3A_441 : memref<16x512xi32, #tpu.memory_space<vmem>>)
    %scan3A_448 = arith.constant 0 : i32
    %scan3A_449 = arith.constant 0 : i32
    %scan3A_450 = arith.constant 16 : i32
    %scan3A_451 = arith.addi %scan3A_449, %scan3A_450 : i32
    %scan3A_452 = arith.constant 1 : i32
    %scan3A_453 = scf.for %scan3A_457 = %scan3A_449 to %scan3A_451 step %scan3A_452 iter_args(%scan3A_458 = %scan3A_448) -> (i32)  : i32 {
      %scan3A_459 = arith.constant 0 : i32
      %scan3A_460 = arith.constant 0 : i32
      %scan3A_461 = arith.constant 8 : i32
      %scan3A_462 = arith.addi %scan3A_460, %scan3A_461 : i32
      %scan3A_463 = arith.constant 1 : i32
      %scan3A_464 = scf.for %scan3A_467 = %scan3A_460 to %scan3A_462 step %scan3A_463 iter_args(%scan3A_468 = %scan3A_459) -> (i32)  : i32 {
        %mul3A_469 = arith.constant 64 : i32
        %mul3A_470 = arith.muli %scan3A_467, %mul3A_469 : i32
        %add3A_471 = arith.constant 0 : i32
        %add3A_472 = arith.addi %mul3A_470, %add3A_471 : i32
        %get3A = arith.constant 1 : i32
        %get3A_473 = arith.index_cast %get3A : i32 to index
        %get3A_474 = arith.index_cast %scan3A_457 : i32 to index
        %get3A_475 = arith.index_cast %add3A_472 : i32 to index
        %get3A_476 = tpu.vector_load %arg7[%get3A_473, %get3A_474, %get3A_475] {strides = array<i32>} : memref<2x16x512xi32, #tpu.memory_space<vmem>>, vector<16xi32>,
        %bitcast3A = vector.bitcast %get3A_476 : vector<16xi32> to vector<32xbf16>
        %get3A_477 = arith.constant 1 : i32
        %get3A_478 = arith.index_cast %get3A_477 : i32 to index
        %get3A_479 = arith.index_cast %scan3A_457 : i32 to index
        %get3A_480 = arith.index_cast %add3A_472 : i32 to index
        %get3A_481 = tpu.vector_load %arg8[%get3A_478, %get3A_479, %get3A_480] {strides = array<i32>} : memref<2x16x512xi32, #tpu.memory_space<vmem>>, vector<16xi32>,
        %bitcast3A_482 = vector.bitcast %get3A_481 : vector<16xi32> to vector<32xbf16>
        %add3A_483 = arith.addf %bitcast3A, %bitcast3A_482 : vector<32xbf16>
        %bitcast3A_484 = vector.bitcast %add3A_483 : vector<32xbf16> to vector<16xi32>
        %swap3A = arith.index_cast %scan3A_457 : i32 to index
        %swap3A_485 = arith.index_cast %add3A_472 : i32 to index
        %swap3A_486 = tpu.vector_load %arg9[%swap3A, %swap3A_485] {strides = array<i32>} : memref<16x512xi32, #tpu.memory_space<vmem>>, vector<16xi32>,
        tpu.vector_store %arg9[%swap3A, %swap3A_485], %bitcast3A_484 {strides = array<i32>} : memref<16x512xi32, #tpu.memory_space<vmem>>, vector<16xi32>,
        %mul3A_487 = arith.constant 64 : i32
        %mul3A_488 = arith.muli %scan3A_467, %mul3A_487 : i32
        %add3A_489 = arith.constant 16 : i32
        %add3A_490 = arith.addi %mul3A_488, %add3A_489 : i32
        %get3A_491 = arith.constant 1 : i32
        %get3A_492 = arith.index_cast %get3A_491 : i32 to index
        %get3A_493 = arith.index_cast %scan3A_457 : i32 to index
        %get3A_494 = arith.index_cast %add3A_490 : i32 to index
        %get3A_495 = tpu.vector_load %arg7[%get3A_492, %get3A_493, %get3A_494] {strides = array<i32>} : memref<2x16x512xi32, #tpu.memory_space<vmem>>, vector<16xi32>,
        %bitcast3A_496 = vector.bitcast %get3A_495 : vector<16xi32> to vector<32xbf16>
        %get3A_497 = arith.constant 1 : i32
        %get3A_498 = arith.index_cast %get3A_497 : i32 to index
        %get3A_499 = arith.index_cast %scan3A_457 : i32 to index
        %get3A_500 = arith.index_cast %add3A_490 : i32 to index
        %get3A_501 = tpu.vector_load %arg8[%get3A_498, %get3A_499, %get3A_500] {strides = array<i32>} : memref<2x16x512xi32, #tpu.memory_space<vmem>>, vector<16xi32>,
        %bitcast3A_502 = vector.bitcast %get3A_501 : vector<16xi32> to vector<32xbf16>
        %add3A_503 = arith.addf %bitcast3A_496, %bitcast3A_502 : vector<32xbf16>
        %bitcast3A_504 = vector.bitcast %add3A_503 : vector<32xbf16> to vector<16xi32>
        %swap3A_505 = arith.index_cast %scan3A_457 : i32 to index
        %swap3A_506 = arith.index_cast %add3A_490 : i32 to index
        %swap3A_507 = tpu.vector_load %arg9[%swap3A_505, %swap3A_506] {strides = array<i32>} : memref<16x512xi32, #tpu.memory_space<vmem>>, vector<16xi32>,
        tpu.vector_store %arg9[%swap3A_505, %swap3A_506], %bitcast3A_504 {strides = array<i32>} : memref<16x512xi32, #tpu.memory_space<vmem>>, vector<16xi32>,
        %mul3A_508 = arith.constant 64 : i32
        %mul3A_509 = arith.muli %scan3A_467, %mul3A_508 : i32
        %add3A_510 = arith.constant 32 : i32
        %add3A_511 = arith.addi %mul3A_509, %add3A_510 : i32
        %get3A_512 = arith.constant 1 : i32
        %get3A_513 = arith.index_cast %get3A_512 : i32 to index
        %get3A_514 = arith.index_cast %scan3A_457 : i32 to index
        %get3A_515 = arith.index_cast %add3A_511 : i32 to index
        %get3A_516 = tpu.vector_load %arg7[%get3A_513, %get3A_514, %get3A_515] {strides = array<i32>} : memref<2x16x512xi32, #tpu.memory_space<vmem>>, vector<16xi32>,
        %bitcast3A_517 = vector.bitcast %get3A_516 : vector<16xi32> to vector<32xbf16>
        %get3A_518 = arith.constant 1 : i32
        %get3A_519 = arith.index_cast %get3A_518 : i32 to index
        %get3A_520 = arith.index_cast %scan3A_457 : i32 to index
        %get3A_521 = arith.index_cast %add3A_511 : i32 to index
        %get3A_522 = tpu.vector_load %arg8[%get3A_519, %get3A_520, %get3A_521] {strides = array<i32>} : memref<2x16x512xi32, #tpu.memory_space<vmem>>, vector<16xi32>,
        %bitcast3A_523 = vector.bitcast %get3A_522 : vector<16xi32> to vector<32xbf16>
        %add3A_524 = arith.addf %bitcast3A_517, %bitcast3A_523 : vector<32xbf16>
        %bitcast3A_525 = vector.bitcast %add3A_524 : vector<32xbf16> to vector<16xi32>
        %swap3A_526 = arith.index_cast %scan3A_457 : i32 to index
        %swap3A_527 = arith.index_cast %add3A_511 : i32 to index
        %swap3A_528 = tpu.vector_load %arg9[%swap3A_526, %swap3A_527] {strides = array<i32>} : memref<16x512xi32, #tpu.memory_space<vmem>>, vector<16xi32>,
        tpu.vector_store %arg9[%swap3A_526, %swap3A_527], %bitcast3A_525 {strides = array<i32>} : memref<16x512xi32, #tpu.memory_space<vmem>>, vector<16xi32>,
        %mul3A_529 = arith.constant 64 : i32
        %mul3A_530 = arith.muli %scan3A_467, %mul3A_529 : i32
        %add3A_531 = arith.constant 48 : i32
        %add3A_532 = arith.addi %mul3A_530, %add3A_531 : i32
        %get3A_533 = arith.constant 1 : i32
        %get3A_534 = arith.index_cast %get3A_533 : i32 to index
        %get3A_535 = arith.index_cast %scan3A_457 : i32 to index
        %get3A_536 = arith.index_cast %add3A_532 : i32 to index
        %get3A_537 = tpu.vector_load %arg7[%get3A_534, %get3A_535, %get3A_536] {strides = array<i32>} : memref<2x16x512xi32, #tpu.memory_space<vmem>>, vector<16xi32>,
        %bitcast3A_538 = vector.bitcast %get3A_537 : vector<16xi32> to vector<32xbf16>
        %get3A_539 = arith.constant 1 : i32
        %get3A_540 = arith.index_cast %get3A_539 : i32 to index
        %get3A_541 = arith.index_cast %scan3A_457 : i32 to index
        %get3A_542 = arith.index_cast %add3A_532 : i32 to index
        %get3A_543 = tpu.vector_load %arg8[%get3A_540, %get3A_541, %get3A_542] {strides = array<i32>} : memref<2x16x512xi32, #tpu.memory_space<vmem>>, vector<16xi32>,
        %bitcast3A_544 = vector.bitcast %get3A_543 : vector<16xi32> to vector<32xbf16>
        %add3A_545 = arith.addf %bitcast3A_538, %bitcast3A_544 : vector<32xbf16>
        %bitcast3A_546 = vector.bitcast %add3A_545 : vector<32xbf16> to vector<16xi32>
        %swap3A_547 = arith.index_cast %scan3A_457 : i32 to index
        %swap3A_548 = arith.index_cast %add3A_532 : i32 to index
        %swap3A_549 = tpu.vector_load %arg9[%swap3A_547, %swap3A_548] {strides = array<i32>} : memref<16x512xi32, #tpu.memory_space<vmem>>, vector<16xi32>,
        tpu.vector_store %arg9[%swap3A_547, %swap3A_548], %bitcast3A_546 {strides = array<i32>} : memref<16x512xi32, #tpu.memory_space<vmem>>, vector<16xi32>,
        %scan3A_550 = arith.constant 0 : i32
        scf.yield %scan3A_550 : i32
      }
      %scan3A_465 = arith.constant 8 : i32
      %scan3A_466 = arith.constant 0 : i32
      scf.yield %scan3A_466 : i32
    }
    %scan3A_454 = arith.constant 16 : i32
    %add3A_455 = arith.constant 112 : i32
    %add3A_456 = arith.addi %mul3A_2, %add3A_455 : i32
    "tpu.region"() ({
      %run_scoped3A_457 = tpu.sem_alloc : memref<!tpu.dma_semaphore, #tpu.memory_space<semaphore_mem>>
      %dma_start3A_458 = arith.constant 0 : i32
      %dma_start3A_459 = tpu.memref_slice %arg5[%add3A_456, %dma_start3A_458] : memref<4096x512xi32, #tpu.memory_space<hbm>> -> memref<16x512xi32, #tpu.memory_space<hbm>>
      %dma_start3A_460 = arith.constant 0 : i32
      %dma_start3A_461 = tpu.memref_slice %arg5[%add3A_456, %dma_start3A_460] : memref<4096x512xi32, #tpu.memory_space<hbm>> -> memref<16x512xi32, #tpu.memory_space<hbm>>
      tpu.enqueue_dma source(%arg9 : memref<16x512xi32, #tpu.memory_space<vmem>>) target(%dma_start3A_461 : memref<16x512xi32, #tpu.memory_space<hbm>>) target_semaphore(%run_scoped3A_457 : memref<!tpu.dma_semaphore, #tpu.memory_space<semaphore_mem>>)
      %dma_wait3A_462 = arith.constant 0 : i32
      %dma_wait3A_463 = tpu.memref_slice %arg5[%add3A_456, %dma_wait3A_462] : memref<4096x512xi32, #tpu.memory_space<hbm>> -> memref<16x512xi32, #tpu.memory_space<hbm>>
      %dma_wait3A_464 = arith.constant 0 : i32
      %dma_wait3A_465 = tpu.memref_slice %arg5[%add3A_456, %dma_wait3A_464] : memref<4096x512xi32, #tpu.memory_space<hbm>> -> memref<16x512xi32, #tpu.memory_space<hbm>>
      tpu.wait_dma2 semaphore(%run_scoped3A_457 : memref<!tpu.dma_semaphore, #tpu.memory_space<semaphore_mem>>) src(%arg9 : memref<16x512xi32, #tpu.memory_space<vmem>>) dst(%dma_wait3A_465 : memref<16x512xi32, #tpu.memory_space<hbm>>)
      tpu.yield
    }) : () -> ()
    return
  }
}

module attributes {stable_mosaic.version = 14 : i64} {
  func.func @_gate_kernel(%arg0: i32, %arg1: memref<1024x1024xf32, #tpu.memory_space<vmem>>, %arg2: memref<1024x1024xf32, #tpu.memory_space<vmem>>, %arg3: memref<1x1024xf32, #tpu.memory_space<vmem>>, %arg4: memref<1024x1024xf32, #tpu.memory_space<vmem>>, %arg5: memref<1x1024xf32, #tpu.memory_space<vmem>>, %arg6: memref<1024x8xf32, #tpu.memory_space<vmem>>, %arg7: memref<1x8xf32, #tpu.memory_space<vmem>>, %arg8: memref<1024x8xf32, #tpu.memory_space<vmem>>, %arg9: memref<1024x1xi32, #tpu.memory_space<vmem>>, %arg10: memref<1024x1xi32, #tpu.memory_space<vmem>>, %arg11: memref<1024x1xf32, #tpu.memory_space<vmem>>, %arg12: memref<1024x1xf32, #tpu.memory_space<vmem>>, %arg13: memref<1024x1xi32, #tpu.memory_space<vmem>>, %arg14: memref<1024x1xi32, #tpu.memory_space<vmem>>, %arg15: memref<1x8xf32, #tpu.memory_space<vmem>>, %arg16: memref<1x8xi32, #tpu.memory_space<vmem>>, %arg17: memref<1x48xi32, #tpu.memory_space<vmem>>, %arg18: memref<1x8xf32, #tpu.memory_space<vmem>>) attributes {dimension_semantics = [#tpu.dimension_semantics<arbitrary>], iteration_bounds = array<i64: 4>, scalar_prefetch = 0 : i64, scratch_operands = 1 : i64, tpu.core_type = #tpu.core_type<tc>, window_params = [{transform_indices = @transform_0, window_bounds = array<i64: 1024, 1024>}, {pipeline_mode = #tpu.pipeline_mode<synchronous>, transform_indices = @transform_1, window_bounds = array<i64: 1024, 1024>}, {pipeline_mode = #tpu.pipeline_mode<synchronous>, transform_indices = @transform_2, window_bounds = array<i64: 1, 1024>}, {pipeline_mode = #tpu.pipeline_mode<synchronous>, transform_indices = @transform_3, window_bounds = array<i64: 1024, 1024>}, {pipeline_mode = #tpu.pipeline_mode<synchronous>, transform_indices = @transform_4, window_bounds = array<i64: 1, 1024>}, {pipeline_mode = #tpu.pipeline_mode<synchronous>, transform_indices = @transform_5, window_bounds = array<i64: 1024, 8>}, {pipeline_mode = #tpu.pipeline_mode<synchronous>, transform_indices = @transform_6, window_bounds = array<i64: 1, 8>}, {transform_indices = @transform_7, window_bounds = array<i64: 1024, 8>}, {transform_indices = @transform_8, window_bounds = array<i64: 1024, 1>}, {transform_indices = @transform_9, window_bounds = array<i64: 1024, 1>}, {transform_indices = @transform_10, window_bounds = array<i64: 1024, 1>}, {transform_indices = @transform_11, window_bounds = array<i64: 1024, 1>}, {transform_indices = @transform_12, window_bounds = array<i64: 1024, 1>}, {transform_indices = @transform_13, window_bounds = array<i64: 1024, 1>}, {pipeline_mode = #tpu.pipeline_mode<synchronous>, transform_indices = @transform_14, window_bounds = array<i64: 1, 8>}, {pipeline_mode = #tpu.pipeline_mode<synchronous>, transform_indices = @transform_15, window_bounds = array<i64: 1, 8>}, {pipeline_mode = #tpu.pipeline_mode<synchronous>, transform_indices = @transform_16, window_bounds = array<i64: 1, 48>}]} {
    %get3A = arith.constant 0 : index
    %get3A_0 = arith.constant 0 : index
    %get3A_1 = vector.load %arg1[%get3A, %get3A_0] : memref<1024x1024xf32, #tpu.memory_space<vmem>>, vector<1024x1024xf32>
    %get3A_2 = arith.constant 0 : index
    %get3A_3 = arith.constant 0 : index
    %get3A_4 = vector.load %arg2[%get3A_2, %get3A_3] : memref<1024x1024xf32, #tpu.memory_space<vmem>>, vector<1024x1024xf32>
    %dot_general3A = arith.constant dense<0.000000e+00> : vector<1024x1024xf32>
    %dot_general3A_5 = tpu.matmul %get3A_1, %get3A_4, %dot_general3A {dimension_numbers = #tpu.dot_dimension_numbers<[1], [0], [0], [1], [0, 0, 1, 1], [], []>, transpose_lhs_hint = false} : vector<1024x1024xf32>, vector<1024x1024xf32>, vector<1024x1024xf32> -> vector<1024x1024xf32>
    %get3A_6 = arith.constant 0 : index
    %get3A_7 = arith.constant 0 : index
    %get3A_8 = vector.load %arg3[%get3A_6, %get3A_7] : memref<1x1024xf32, #tpu.memory_space<vmem>>, vector<1x1024xf32>
    %add3A = vector.broadcast %get3A_8 : vector<1x1024xf32> to vector<1024x1024xf32>
    %add3A_9 = arith.addf %dot_general3A_5, %add3A : vector<1024x1024xf32>
    %get3A_10 = arith.constant 0 : index
    %get3A_11 = arith.constant 0 : index
    %get3A_12 = vector.load %arg4[%get3A_10, %get3A_11] : memref<1024x1024xf32, #tpu.memory_space<vmem>>, vector<1024x1024xf32>
    %dot_general3A_13 = arith.constant dense<0.000000e+00> : vector<1024x1024xf32>
    %dot_general3A_14 = tpu.matmul %add3A_9, %get3A_12, %dot_general3A_13 {dimension_numbers = #tpu.dot_dimension_numbers<[1], [0], [0], [1], [0, 0, 1, 1], [], []>, transpose_lhs_hint = false} : vector<1024x1024xf32>, vector<1024x1024xf32>, vector<1024x1024xf32> -> vector<1024x1024xf32>
    %get3A_15 = arith.constant 0 : index
    %get3A_16 = arith.constant 0 : index
    %get3A_17 = vector.load %arg5[%get3A_15, %get3A_16] : memref<1x1024xf32, #tpu.memory_space<vmem>>, vector<1x1024xf32>
    %add3A_18 = vector.broadcast %get3A_17 : vector<1x1024xf32> to vector<1024x1024xf32>
    %add3A_19 = arith.addf %dot_general3A_14, %add3A_18 : vector<1024x1024xf32>
    %get3A_20 = arith.constant 0 : index
    %get3A_21 = arith.constant 0 : index
    %get3A_22 = vector.load %arg6[%get3A_20, %get3A_21] : memref<1024x8xf32, #tpu.memory_space<vmem>>, vector<1024x8xf32>
    %dot_general3A_23 = arith.constant dense<0.000000e+00> : vector<1024x8xf32>
    %dot_general3A_24 = tpu.matmul %add3A_19, %get3A_22, %dot_general3A_23 {dimension_numbers = #tpu.dot_dimension_numbers<[1], [0], [0], [1], [0, 0, 1, 1], [], []>, transpose_lhs_hint = false} : vector<1024x1024xf32>, vector<1024x8xf32>, vector<1024x8xf32> -> vector<1024x8xf32>
    %get3A_25 = arith.constant 0 : index
    %get3A_26 = arith.constant 0 : index
    %get3A_27 = vector.load %arg7[%get3A_25, %get3A_26] : memref<1x8xf32, #tpu.memory_space<vmem>>, vector<1x8xf32>
    %add3A_28 = vector.broadcast %get3A_27 : vector<1x8xf32> to vector<1024x8xf32>
    %add3A_29 = arith.addf %dot_general3A_24, %add3A_28 : vector<1024x8xf32>
    %reduce_max3A = arith.constant dense<0xFF800000> : vector<1024xf32>
    %reduce_max3A_30 = vector.multi_reduction <maximumf>, %add3A_29, %reduce_max3A [1] : vector<1024x8xf32> to vector<1024xf32>
    %broadcast_in_dim3A = vector.shape_cast %reduce_max3A_30 : vector<1024xf32> to vector<1024x1xf32>
    %sub3A = vector.broadcast %broadcast_in_dim3A : vector<1024x1xf32> to vector<1024x8xf32>
    %sub3A_31 = arith.subf %add3A_29, %sub3A : vector<1024x8xf32>
    %exp3A = math.exp %sub3A_31 : vector<1024x8xf32>
    %reduce_sum3A = arith.constant dense<0.000000e+00> : vector<1024xf32>
    %reduce_sum3A_32 = vector.multi_reduction <add>, %exp3A, %reduce_sum3A [1] : vector<1024x8xf32> to vector<1024xf32>
    %broadcast_in_dim3A_33 = vector.shape_cast %reduce_sum3A_32 : vector<1024xf32> to vector<1024x1xf32>
    %div3A = vector.broadcast %broadcast_in_dim3A_33 : vector<1024x1xf32> to vector<1024x8xf32>
    %div3A_34 = arith.divf %exp3A, %div3A : vector<1024x8xf32>
    %swap3A = arith.constant 0 : index
    %swap3A_35 = arith.constant 0 : index
    %swap3A_36 = vector.load %arg8[%swap3A, %swap3A_35] : memref<1024x8xf32, #tpu.memory_space<vmem>>, vector<1024x8xf32>
    tpu.vector_store %arg8[%swap3A, %swap3A_35], %div3A_34 {strides = array<i32>} : memref<1024x8xf32, #tpu.memory_space<vmem>>, vector<1024x8xf32>,
    %iota3A = tpu.iota {dimensions = array<i32: 1>} : vector<1024x8xi32>
    %reduce_max3A_37 = arith.constant dense<0xFF800000> : vector<1024xf32>
    %reduce_max3A_38 = vector.multi_reduction <maximumf>, %div3A_34, %reduce_max3A_37 [1] : vector<1024x8xf32> to vector<1024xf32>
    %broadcast_in_dim3A_39 = vector.shape_cast %reduce_max3A_38 : vector<1024xf32> to vector<1024x1xf32>
    %eq3A = vector.broadcast %broadcast_in_dim3A_39 : vector<1024x1xf32> to vector<1024x8xf32>
    %eq3A_40 = arith.cmpf oeq, %div3A_34, %eq3A : vector<1024x8xf32>
    %jit3A = arith.constant 8 : i32
    %broadcast_in_dim3A_41 = vector.broadcast %jit3A : i32 to vector<1024x8xi32>
    %select_n3A = arith.select %eq3A_40, %iota3A, %broadcast_in_dim3A_41 : vector<1024x8xi1>, vector<1024x8xi32>
    %reduce_min3A = arith.constant dense<2147483647> : vector<1024xi32>
    %reduce_min3A_42 = vector.multi_reduction <minsi>, %select_n3A, %reduce_min3A [1] : vector<1024x8xi32> to vector<1024xi32>
    %broadcast_in_dim3A_43 = vector.shape_cast %reduce_min3A_42 : vector<1024xi32> to vector<1024x1xi32>
    %eq3A_44 = vector.broadcast %broadcast_in_dim3A_43 : vector<1024x1xi32> to vector<1024x8xi32>
    %eq3A_45 = arith.cmpi eq, %iota3A, %eq3A_44 : vector<1024x8xi32>
    %jit3A_46 = arith.constant 0xFF800000 : f32
    %broadcast_in_dim3A_47 = vector.broadcast %jit3A_46 : f32 to vector<1024x8xf32>
    %select_n3A_48 = arith.select %eq3A_45, %broadcast_in_dim3A_47, %div3A_34 : vector<1024x8xi1>, vector<1024x8xf32>
    %reduce_max3A_49 = arith.constant dense<0xFF800000> : vector<1024xf32>
    %reduce_max3A_50 = vector.multi_reduction <maximumf>, %select_n3A_48, %reduce_max3A_49 [1] : vector<1024x8xf32> to vector<1024xf32>
    %broadcast_in_dim3A_51 = vector.shape_cast %reduce_max3A_50 : vector<1024xf32> to vector<1024x1xf32>
    %eq3A_52 = vector.broadcast %broadcast_in_dim3A_51 : vector<1024x1xf32> to vector<1024x8xf32>
    %eq3A_53 = arith.cmpf oeq, %select_n3A_48, %eq3A_52 : vector<1024x8xf32>
    %jit3A_54 = arith.constant 8 : i32
    %broadcast_in_dim3A_55 = vector.broadcast %jit3A_54 : i32 to vector<1024x8xi32>
    %select_n3A_56 = arith.select %eq3A_53, %iota3A, %broadcast_in_dim3A_55 : vector<1024x8xi1>, vector<1024x8xi32>
    %reduce_min3A_57 = arith.constant dense<2147483647> : vector<1024xi32>
    %reduce_min3A_58 = vector.multi_reduction <minsi>, %select_n3A_56, %reduce_min3A_57 [1] : vector<1024x8xi32> to vector<1024xi32>
    %broadcast_in_dim3A_59 = vector.shape_cast %reduce_min3A_58 : vector<1024xi32> to vector<1024x1xi32>
    %eq3A_60 = vector.broadcast %broadcast_in_dim3A_59 : vector<1024x1xi32> to vector<1024x8xi32>
    %eq3A_61 = arith.cmpi eq, %iota3A, %eq3A_60 : vector<1024x8xi32>
    %sub3A_62 = arith.subf %broadcast_in_dim3A_51, %broadcast_in_dim3A_39 : vector<1024x1xf32>
    %exp3A_63 = math.exp %sub3A_62 : vector<1024x1xf32>
    %swap3A_64 = arith.constant 0 : index
    %swap3A_65 = arith.constant 0 : index
    %swap3A_66 = vector.load %arg9[%swap3A_64, %swap3A_65] : memref<1024x1xi32, #tpu.memory_space<vmem>>, vector<1024x1xi32>
    tpu.vector_store %arg9[%swap3A_64, %swap3A_65], %broadcast_in_dim3A_43 {strides = array<i32>} : memref<1024x1xi32, #tpu.memory_space<vmem>>, vector<1024x1xi32>,
    %swap3A_67 = arith.constant 0 : index
    %swap3A_68 = arith.constant 0 : index
    %swap3A_69 = vector.load %arg10[%swap3A_67, %swap3A_68] : memref<1024x1xi32, #tpu.memory_space<vmem>>, vector<1024x1xi32>
    tpu.vector_store %arg10[%swap3A_67, %swap3A_68], %broadcast_in_dim3A_59 {strides = array<i32>} : memref<1024x1xi32, #tpu.memory_space<vmem>>, vector<1024x1xi32>,
    %add3A_70 = arith.constant 1.000000e+00 : f32
    %add3A_71 = vector.broadcast %add3A_70 : f32 to vector<1024x1xf32>
    %add3A_72 = arith.addf %add3A_71, %exp3A_63 : vector<1024x1xf32>
    %div3A_73 = arith.constant 1.000000e+00 : f32
    %div3A_74 = vector.broadcast %div3A_73 : f32 to vector<1024x1xf32>
    %div3A_75 = arith.divf %div3A_74, %add3A_72 : vector<1024x1xf32>
    %swap3A_76 = arith.constant 0 : index
    %swap3A_77 = arith.constant 0 : index
    %swap3A_78 = vector.load %arg11[%swap3A_76, %swap3A_77] : memref<1024x1xf32, #tpu.memory_space<vmem>>, vector<1024x1xf32>
    tpu.vector_store %arg11[%swap3A_76, %swap3A_77], %div3A_75 {strides = array<i32>} : memref<1024x1xf32, #tpu.memory_space<vmem>>, vector<1024x1xf32>,
    %add3A_79 = arith.constant 1.000000e+00 : f32
    %add3A_80 = vector.broadcast %add3A_79 : f32 to vector<1024x1xf32>
    %add3A_81 = arith.addf %add3A_80, %exp3A_63 : vector<1024x1xf32>
    %div3A_82 = arith.divf %exp3A_63, %add3A_81 : vector<1024x1xf32>
    %swap3A_83 = arith.constant 0 : index
    %swap3A_84 = arith.constant 0 : index
    %swap3A_85 = vector.load %arg12[%swap3A_83, %swap3A_84] : memref<1024x1xf32, #tpu.memory_space<vmem>>, vector<1024x1xf32>
    tpu.vector_store %arg12[%swap3A_83, %swap3A_84], %div3A_82 {strides = array<i32>} : memref<1024x1xf32, #tpu.memory_space<vmem>>, vector<1024x1xf32>,
    %eq3A_86 = arith.constant 0 : i32
    %eq3A_87 = arith.cmpi eq, %arg0, %eq3A_86 : i32
    %convert_element_type3A = arith.extui %eq3A_87 : i1 to i32
    %cond3A = arith.constant 0 : i32
    %cond3A_88 = arith.cmpi ne, %convert_element_type3A, %cond3A : i32
    scf.if %cond3A_88 {
      %broadcast_in_dim3A_151 = arith.constant 0.000000e+00 : f32
      %broadcast_in_dim3A_152 = vector.broadcast %broadcast_in_dim3A_151 : f32 to vector<1x8xf32>
      %swap3A_153 = arith.constant 0 : index
      %swap3A_154 = arith.constant 0 : index
      %swap3A_155 = vector.load %arg15[%swap3A_153, %swap3A_154] : memref<1x8xf32, #tpu.memory_space<vmem>>, vector<1x8xf32>
      tpu.vector_store %arg15[%swap3A_153, %swap3A_154], %broadcast_in_dim3A_152 {strides = array<i32>} : memref<1x8xf32, #tpu.memory_space<vmem>>, vector<1x8xf32>,
      %broadcast_in_dim3A_156 = arith.constant 0.000000e+00 : f32
      %broadcast_in_dim3A_157 = vector.broadcast %broadcast_in_dim3A_156 : f32 to vector<1x8xf32>
      %swap3A_158 = arith.constant 0 : index
      %swap3A_159 = arith.constant 0 : index
      %swap3A_160 = vector.load %arg18[%swap3A_158, %swap3A_159] : memref<1x8xf32, #tpu.memory_space<vmem>>, vector<1x8xf32>
      tpu.vector_store %arg18[%swap3A_158, %swap3A_159], %broadcast_in_dim3A_157 {strides = array<i32>} : memref<1x8xf32, #tpu.memory_space<vmem>>, vector<1x8xf32>,
    } else {
    }
    %get3A_89 = arith.constant 0 : index
    %get3A_90 = arith.constant 0 : index
    %get3A_91 = vector.load %arg15[%get3A_89, %get3A_90] : memref<1x8xf32, #tpu.memory_space<vmem>>, vector<1x8xf32>
    %reduce_sum3A_92 = arith.constant dense<0.000000e+00> : vector<8xf32>
    %reduce_sum3A_93 = vector.multi_reduction <add>, %div3A_34, %reduce_sum3A_92 [0] : vector<1024x8xf32> to vector<8xf32>
    %broadcast_in_dim3A_94 = vector.shape_cast %reduce_sum3A_93 : vector<8xf32> to vector<1x8xf32>
    %add3A_95 = arith.addf %get3A_91, %broadcast_in_dim3A_94 : vector<1x8xf32>
    %swap3A_96 = arith.constant 0 : index
    %swap3A_97 = arith.constant 0 : index
    %swap3A_98 = vector.load %arg15[%swap3A_96, %swap3A_97] : memref<1x8xf32, #tpu.memory_space<vmem>>, vector<1x8xf32>
    tpu.vector_store %arg15[%swap3A_96, %swap3A_97], %add3A_95 {strides = array<i32>} : memref<1x8xf32, #tpu.memory_space<vmem>>, vector<1x8xf32>,
    %convert_element_type3A_99 = arith.extui %eq3A_45 : vector<1024x8xi1> to vector<1024x8xi32>
    %convert_element_type3A_100 = arith.sitofp %convert_element_type3A_99 : vector<1024x8xi32> to vector<1024x8xf32>
    %convert_element_type3A_101 = arith.extui %eq3A_61 : vector<1024x8xi1> to vector<1024x8xi32>
    %convert_element_type3A_102 = arith.sitofp %convert_element_type3A_101 : vector<1024x8xi32> to vector<1024x8xf32>
    %add3A_103 = arith.addf %convert_element_type3A_100, %convert_element_type3A_102 : vector<1024x8xf32>
    %iota3A_104 = tpu.iota {dimensions = array<i32: 0>} : vector<1024x1024xi32>
    %iota3A_105 = tpu.iota {dimensions = array<i32: 1>} : vector<1024x1024xi32>
    %ge3A = arith.cmpi sge, %iota3A_104, %iota3A_105 : vector<1024x1024xi32>
    %convert_element_type3A_106 = arith.extui %ge3A : vector<1024x1024xi1> to vector<1024x1024xi32>
    %convert_element_type3A_107 = arith.sitofp %convert_element_type3A_106 : vector<1024x1024xi32> to vector<1024x1024xf32>
    %dot_general3A_108 = arith.constant dense<0.000000e+00> : vector<1024x8xf32>
    %dot_general3A_109 = tpu.matmul %convert_element_type3A_107, %add3A_103, %dot_general3A_108 {dimension_numbers = #tpu.dot_dimension_numbers<[1], [0], [0], [1], [0, 0, 1, 1], [], []>, transpose_lhs_hint = false} : vector<1024x1024xf32>, vector<1024x8xf32>, vector<1024x8xf32> -> vector<1024x8xf32>
    %get3A_110 = arith.constant 0 : index
    %get3A_111 = arith.constant 0 : index
    %get3A_112 = vector.load %arg18[%get3A_110, %get3A_111] : memref<1x8xf32, #tpu.memory_space<vmem>>, vector<1x8xf32>
    %add3A_113 = vector.broadcast %get3A_112 : vector<1x8xf32> to vector<1024x8xf32>
    %add3A_114 = arith.addf %dot_general3A_109, %add3A_113 : vector<1024x8xf32>
    %mul3A = arith.mulf %convert_element_type3A_100, %add3A_114 : vector<1024x8xf32>
    %reduce_sum3A_115 = arith.constant dense<0.000000e+00> : vector<1024xf32>
    %reduce_sum3A_116 = vector.multi_reduction <add>, %mul3A, %reduce_sum3A_115 [1] : vector<1024x8xf32> to vector<1024xf32>
    %broadcast_in_dim3A_117 = vector.shape_cast %reduce_sum3A_116 : vector<1024xf32> to vector<1024x1xf32>
    %sub3A_118 = arith.constant 1.000000e+00 : f32
    %sub3A_119 = vector.broadcast %sub3A_118 : f32 to vector<1024x1xf32>
    %sub3A_120 = arith.subf %broadcast_in_dim3A_117, %sub3A_119 : vector<1024x1xf32>
    %convert_element_type3A_121 = arith.fptosi %sub3A_120 : vector<1024x1xf32> to vector<1024x1xi32>
    %swap3A_122 = arith.constant 0 : index
    %swap3A_123 = arith.constant 0 : index
    %swap3A_124 = vector.load %arg13[%swap3A_122, %swap3A_123] : memref<1024x1xi32, #tpu.memory_space<vmem>>, vector<1024x1xi32>
    tpu.vector_store %arg13[%swap3A_122, %swap3A_123], %convert_element_type3A_121 {strides = array<i32>} : memref<1024x1xi32, #tpu.memory_space<vmem>>, vector<1024x1xi32>,
    %mul3A_125 = arith.mulf %convert_element_type3A_102, %add3A_114 : vector<1024x8xf32>
    %reduce_sum3A_126 = arith.constant dense<0.000000e+00> : vector<1024xf32>
    %reduce_sum3A_127 = vector.multi_reduction <add>, %mul3A_125, %reduce_sum3A_126 [1] : vector<1024x8xf32> to vector<1024xf32>
    %broadcast_in_dim3A_128 = vector.shape_cast %reduce_sum3A_127 : vector<1024xf32> to vector<1024x1xf32>
    %sub3A_129 = arith.constant 1.000000e+00 : f32
    %sub3A_130 = vector.broadcast %sub3A_129 : f32 to vector<1024x1xf32>
    %sub3A_131 = arith.subf %broadcast_in_dim3A_128, %sub3A_130 : vector<1024x1xf32>
    %convert_element_type3A_132 = arith.fptosi %sub3A_131 : vector<1024x1xf32> to vector<1024x1xi32>
    %swap3A_133 = arith.constant 0 : index
    %swap3A_134 = arith.constant 0 : index
    %swap3A_135 = vector.load %arg14[%swap3A_133, %swap3A_134] : memref<1024x1xi32, #tpu.memory_space<vmem>>, vector<1024x1xi32>
    tpu.vector_store %arg14[%swap3A_133, %swap3A_134], %convert_element_type3A_132 {strides = array<i32>} : memref<1024x1xi32, #tpu.memory_space<vmem>>, vector<1024x1xi32>,
    %get3A_136 = arith.constant 0 : index
    %get3A_137 = arith.constant 0 : index
    %get3A_138 = vector.load %arg18[%get3A_136, %get3A_137] : memref<1x8xf32, #tpu.memory_space<vmem>>, vector<1x8xf32>
    %reduce_sum3A_139 = arith.constant dense<0.000000e+00> : vector<8xf32>
    %reduce_sum3A_140 = vector.multi_reduction <add>, %add3A_103, %reduce_sum3A_139 [0] : vector<1024x8xf32> to vector<8xf32>
    %broadcast_in_dim3A_141 = vector.shape_cast %reduce_sum3A_140 : vector<8xf32> to vector<1x8xf32>
    %add3A_142 = arith.addf %get3A_138, %broadcast_in_dim3A_141 : vector<1x8xf32>
    %swap3A_143 = arith.constant 0 : index
    %swap3A_144 = arith.constant 0 : index
    %swap3A_145 = vector.load %arg18[%swap3A_143, %swap3A_144] : memref<1x8xf32, #tpu.memory_space<vmem>>, vector<1x8xf32>
    tpu.vector_store %arg18[%swap3A_143, %swap3A_144], %add3A_142 {strides = array<i32>} : memref<1x8xf32, #tpu.memory_space<vmem>>, vector<1x8xf32>,
    %eq3A_146 = arith.constant 3 : i32
    %eq3A_147 = arith.cmpi eq, %arg0, %eq3A_146 : i32
    %convert_element_type3A_148 = arith.extui %eq3A_147 : i1 to i32
    %cond3A_149 = arith.constant 0 : i32
    %cond3A_150 = arith.cmpi ne, %convert_element_type3A_148, %cond3A_149 : i32
    scf.if %cond3A_150 {
      %get3A_151 = arith.constant 0 : index
      %get3A_152 = arith.constant 0 : index
      %get3A_153 = vector.load %arg18[%get3A_151, %get3A_152] : memref<1x8xf32, #tpu.memory_space<vmem>>, vector<1x8xf32>
      %convert_element_type3A_154 = arith.fptosi %get3A_153 : vector<1x8xf32> to vector<1x8xi32>
      %swap3A_155 = arith.constant 0 : index
      %swap3A_156 = arith.constant 0 : index
      %swap3A_157 = vector.load %arg16[%swap3A_155, %swap3A_156] : memref<1x8xi32, #tpu.memory_space<vmem>>, vector<1x8xi32>
      tpu.vector_store %arg16[%swap3A_155, %swap3A_156], %convert_element_type3A_154 {strides = array<i32>} : memref<1x8xi32, #tpu.memory_space<vmem>>, vector<1x8xi32>,
      %add3A_158 = arith.constant 2.550000e+02 : f32
      %add3A_159 = vector.broadcast %add3A_158 : f32 to vector<1x8xf32>
      %add3A_160 = arith.addf %get3A_153, %add3A_159 : vector<1x8xf32>
      %div3A_161 = arith.constant 2.560000e+02 : f32
      %div3A_162 = vector.broadcast %div3A_161 : f32 to vector<1x8xf32>
      %div3A_163 = arith.divf %add3A_160, %div3A_162 : vector<1x8xf32>
      %floor3A = math.floor %div3A_163 : vector<1x8xf32>
      %mul3A_164 = arith.constant 2.560000e+02 : f32
      %mul3A_165 = vector.broadcast %mul3A_164 : f32 to vector<1x8xf32>
      %mul3A_166 = arith.mulf %floor3A, %mul3A_165 : vector<1x8xf32>
      %iota3A_167 = tpu.iota {dimensions = array<i32: 0>} : vector<8x8xi32>
      %iota3A_168 = tpu.iota {dimensions = array<i32: 1>} : vector<8x8xi32>
      %le3A = arith.cmpi sle, %iota3A_167, %iota3A_168 : vector<8x8xi32>
      %convert_element_type3A_169 = arith.extui %le3A : vector<8x8xi1> to vector<8x8xi32>
      %convert_element_type3A_170 = arith.sitofp %convert_element_type3A_169 : vector<8x8xi32> to vector<8x8xf32>
      %dot_general3A_171 = arith.constant dense<0.000000e+00> : vector<1x8xf32>
      %dot_general3A_172 = tpu.matmul %mul3A_166, %convert_element_type3A_170, %dot_general3A_171 {dimension_numbers = #tpu.dot_dimension_numbers<[1], [0], [0], [1], [0, 0, 1, 1], [], []>, transpose_lhs_hint = false} : vector<1x8xf32>, vector<8x8xf32>, vector<1x8xf32> -> vector<1x8xf32>
      %iota3A_173 = tpu.iota {dimensions = array<i32: 1>} : vector<1x48xi32>
      %mul3A_174 = arith.constant 256 : i32
      %mul3A_175 = vector.broadcast %mul3A_174 : i32 to vector<1x48xi32>
      %mul3A_176 = arith.muli %iota3A_173, %mul3A_175 : vector<1x48xi32>
      %broadcast_in_dim3A_177 = arith.constant 0 : i32
      %broadcast_in_dim3A_178 = vector.broadcast %broadcast_in_dim3A_177 : i32 to vector<1x48xi32>
      %slice3A = vector.extract_strided_slice %dot_general3A_172 {offsets = [0, 0], sizes = [1, 1], strides = [1, 1]} : vector<1x8xf32> to vector<1x1xf32>
      %squeeze3A = vector.extract %slice3A[0, 0] : f32 from vector<1x1xf32>
      %convert_element_type3A_179 = arith.fptosi %squeeze3A : f32 to i32
      %ge3A_180 = vector.broadcast %convert_element_type3A_179 : i32 to vector<1x48xi32>
      %ge3A_181 = arith.cmpi sge, %mul3A_176, %ge3A_180 : vector<1x48xi32>
      %convert_element_type3A_182 = arith.extui %ge3A_181 : vector<1x48xi1> to vector<1x48xi32>
      %add3A_183 = arith.addi %broadcast_in_dim3A_178, %convert_element_type3A_182 : vector<1x48xi32>
      %slice3A_184 = vector.extract_strided_slice %dot_general3A_172 {offsets = [0, 1], sizes = [1, 1], strides = [1, 1]} : vector<1x8xf32> to vector<1x1xf32>
      %squeeze3A_185 = vector.extract %slice3A_184[0, 0] : f32 from vector<1x1xf32>
      %convert_element_type3A_186 = arith.fptosi %squeeze3A_185 : f32 to i32
      %ge3A_187 = vector.broadcast %convert_element_type3A_186 : i32 to vector<1x48xi32>
      %ge3A_188 = arith.cmpi sge, %mul3A_176, %ge3A_187 : vector<1x48xi32>
      %convert_element_type3A_189 = arith.extui %ge3A_188 : vector<1x48xi1> to vector<1x48xi32>
      %add3A_190 = arith.addi %add3A_183, %convert_element_type3A_189 : vector<1x48xi32>
      %slice3A_191 = vector.extract_strided_slice %dot_general3A_172 {offsets = [0, 2], sizes = [1, 1], strides = [1, 1]} : vector<1x8xf32> to vector<1x1xf32>
      %squeeze3A_192 = vector.extract %slice3A_191[0, 0] : f32 from vector<1x1xf32>
      %convert_element_type3A_193 = arith.fptosi %squeeze3A_192 : f32 to i32
      %ge3A_194 = vector.broadcast %convert_element_type3A_193 : i32 to vector<1x48xi32>
      %ge3A_195 = arith.cmpi sge, %mul3A_176, %ge3A_194 : vector<1x48xi32>
      %convert_element_type3A_196 = arith.extui %ge3A_195 : vector<1x48xi1> to vector<1x48xi32>
      %add3A_197 = arith.addi %add3A_190, %convert_element_type3A_196 : vector<1x48xi32>
      %slice3A_198 = vector.extract_strided_slice %dot_general3A_172 {offsets = [0, 3], sizes = [1, 1], strides = [1, 1]} : vector<1x8xf32> to vector<1x1xf32>
      %squeeze3A_199 = vector.extract %slice3A_198[0, 0] : f32 from vector<1x1xf32>
      %convert_element_type3A_200 = arith.fptosi %squeeze3A_199 : f32 to i32
      %ge3A_201 = vector.broadcast %convert_element_type3A_200 : i32 to vector<1x48xi32>
      %ge3A_202 = arith.cmpi sge, %mul3A_176, %ge3A_201 : vector<1x48xi32>
      %convert_element_type3A_203 = arith.extui %ge3A_202 : vector<1x48xi1> to vector<1x48xi32>
      %add3A_204 = arith.addi %add3A_197, %convert_element_type3A_203 : vector<1x48xi32>
      %slice3A_205 = vector.extract_strided_slice %dot_general3A_172 {offsets = [0, 4], sizes = [1, 1], strides = [1, 1]} : vector<1x8xf32> to vector<1x1xf32>
      %squeeze3A_206 = vector.extract %slice3A_205[0, 0] : f32 from vector<1x1xf32>
      %convert_element_type3A_207 = arith.fptosi %squeeze3A_206 : f32 to i32
      %ge3A_208 = vector.broadcast %convert_element_type3A_207 : i32 to vector<1x48xi32>
      %ge3A_209 = arith.cmpi sge, %mul3A_176, %ge3A_208 : vector<1x48xi32>
      %convert_element_type3A_210 = arith.extui %ge3A_209 : vector<1x48xi1> to vector<1x48xi32>
      %add3A_211 = arith.addi %add3A_204, %convert_element_type3A_210 : vector<1x48xi32>
      %slice3A_212 = vector.extract_strided_slice %dot_general3A_172 {offsets = [0, 5], sizes = [1, 1], strides = [1, 1]} : vector<1x8xf32> to vector<1x1xf32>
      %squeeze3A_213 = vector.extract %slice3A_212[0, 0] : f32 from vector<1x1xf32>
      %convert_element_type3A_214 = arith.fptosi %squeeze3A_213 : f32 to i32
      %ge3A_215 = vector.broadcast %convert_element_type3A_214 : i32 to vector<1x48xi32>
      %ge3A_216 = arith.cmpi sge, %mul3A_176, %ge3A_215 : vector<1x48xi32>
      %convert_element_type3A_217 = arith.extui %ge3A_216 : vector<1x48xi1> to vector<1x48xi32>
      %add3A_218 = arith.addi %add3A_211, %convert_element_type3A_217 : vector<1x48xi32>
      %slice3A_219 = vector.extract_strided_slice %dot_general3A_172 {offsets = [0, 6], sizes = [1, 1], strides = [1, 1]} : vector<1x8xf32> to vector<1x1xf32>
      %squeeze3A_220 = vector.extract %slice3A_219[0, 0] : f32 from vector<1x1xf32>
      %convert_element_type3A_221 = arith.fptosi %squeeze3A_220 : f32 to i32
      %ge3A_222 = vector.broadcast %convert_element_type3A_221 : i32 to vector<1x48xi32>
      %ge3A_223 = arith.cmpi sge, %mul3A_176, %ge3A_222 : vector<1x48xi32>
      %convert_element_type3A_224 = arith.extui %ge3A_223 : vector<1x48xi1> to vector<1x48xi32>
      %add3A_225 = arith.addi %add3A_218, %convert_element_type3A_224 : vector<1x48xi32>
      %slice3A_226 = vector.extract_strided_slice %dot_general3A_172 {offsets = [0, 7], sizes = [1, 1], strides = [1, 1]} : vector<1x8xf32> to vector<1x1xf32>
      %squeeze3A_227 = vector.extract %slice3A_226[0, 0] : f32 from vector<1x1xf32>
      %convert_element_type3A_228 = arith.fptosi %squeeze3A_227 : f32 to i32
      %ge3A_229 = vector.broadcast %convert_element_type3A_228 : i32 to vector<1x48xi32>
      %ge3A_230 = arith.cmpi sge, %mul3A_176, %ge3A_229 : vector<1x48xi32>
      %convert_element_type3A_231 = arith.extui %ge3A_230 : vector<1x48xi1> to vector<1x48xi32>
      %add3A_232 = arith.addi %add3A_225, %convert_element_type3A_231 : vector<1x48xi32>
      %min3A = arith.constant 7 : i32
      %min3A_233 = vector.broadcast %min3A : i32 to vector<1x48xi32>
      %min3A_234 = arith.minsi %add3A_232, %min3A_233 : vector<1x48xi32>
      %swap3A_235 = arith.constant 0 : index
      %swap3A_236 = arith.constant 0 : index
      %swap3A_237 = vector.load %arg17[%swap3A_235, %swap3A_236] : memref<1x48xi32, #tpu.memory_space<vmem>>, vector<1x48xi32>
      tpu.vector_store %arg17[%swap3A_235, %swap3A_236], %min3A_234 {strides = array<i32>} : memref<1x48xi32, #tpu.memory_space<vmem>>, vector<1x48xi32>,
    } else {
    }
    return
  }
  func.func @transform_0(%arg0: i32) -> (i32, i32) {
    %c0_i32 = arith.constant 0 : i32
    %c0_i32_0 = arith.constant 0 : i32
    return %arg0, %c0_i32 : i32, i32
  }
  func.func @transform_1(%arg0: i32) -> (i32, i32) {
    %c0_i32 = arith.constant 0 : i32
    %c0_i32_0 = arith.constant 0 : i32
    %c0_i32_1 = arith.constant 0 : i32
    return %c0_i32, %c0_i32_0 : i32, i32
  }
  func.func @transform_2(%arg0: i32) -> (i32, i32) {
    %c0_i32 = arith.constant 0 : i32
    %c0_i32_0 = arith.constant 0 : i32
    %c0_i32_1 = arith.constant 0 : i32
    return %c0_i32, %c0_i32_0 : i32, i32
  }
  func.func @transform_3(%arg0: i32) -> (i32, i32) {
    %c0_i32 = arith.constant 0 : i32
    %c0_i32_0 = arith.constant 0 : i32
    %c0_i32_1 = arith.constant 0 : i32
    return %c0_i32, %c0_i32_0 : i32, i32
  }
  func.func @transform_4(%arg0: i32) -> (i32, i32) {
    %c0_i32 = arith.constant 0 : i32
    %c0_i32_0 = arith.constant 0 : i32
    %c0_i32_1 = arith.constant 0 : i32
    return %c0_i32, %c0_i32_0 : i32, i32
  }
  func.func @transform_5(%arg0: i32) -> (i32, i32) {
    %c0_i32 = arith.constant 0 : i32
    %c0_i32_0 = arith.constant 0 : i32
    %c0_i32_1 = arith.constant 0 : i32
    return %c0_i32, %c0_i32_0 : i32, i32
  }
  func.func @transform_6(%arg0: i32) -> (i32, i32) {
    %c0_i32 = arith.constant 0 : i32
    %c0_i32_0 = arith.constant 0 : i32
    %c0_i32_1 = arith.constant 0 : i32
    return %c0_i32, %c0_i32_0 : i32, i32
  }
  func.func @transform_7(%arg0: i32) -> (i32, i32) {
    %c0_i32 = arith.constant 0 : i32
    %c0_i32_0 = arith.constant 0 : i32
    return %arg0, %c0_i32 : i32, i32
  }
  func.func @transform_8(%arg0: i32) -> (i32, i32) {
    %c0_i32 = arith.constant 0 : i32
    %c0_i32_0 = arith.constant 0 : i32
    return %arg0, %c0_i32 : i32, i32
  }
  func.func @transform_9(%arg0: i32) -> (i32, i32) {
    %c0_i32 = arith.constant 0 : i32
    %c0_i32_0 = arith.constant 0 : i32
    return %arg0, %c0_i32 : i32, i32
  }
  func.func @transform_10(%arg0: i32) -> (i32, i32) {
    %c0_i32 = arith.constant 0 : i32
    %c0_i32_0 = arith.constant 0 : i32
    return %arg0, %c0_i32 : i32, i32
  }
  func.func @transform_11(%arg0: i32) -> (i32, i32) {
    %c0_i32 = arith.constant 0 : i32
    %c0_i32_0 = arith.constant 0 : i32
    return %arg0, %c0_i32 : i32, i32
  }
  func.func @transform_12(%arg0: i32) -> (i32, i32) {
    %c0_i32 = arith.constant 0 : i32
    %c0_i32_0 = arith.constant 0 : i32
    return %arg0, %c0_i32 : i32, i32
  }
  func.func @transform_13(%arg0: i32) -> (i32, i32) {
    %c0_i32 = arith.constant 0 : i32
    %c0_i32_0 = arith.constant 0 : i32
    return %arg0, %c0_i32 : i32, i32
  }
  func.func @transform_14(%arg0: i32) -> (i32, i32) {
    %c0_i32 = arith.constant 0 : i32
    %c0_i32_0 = arith.constant 0 : i32
    %c0_i32_1 = arith.constant 0 : i32
    return %c0_i32, %c0_i32_0 : i32, i32
  }
  func.func @transform_15(%arg0: i32) -> (i32, i32) {
    %c0_i32 = arith.constant 0 : i32
    %c0_i32_0 = arith.constant 0 : i32
    %c0_i32_1 = arith.constant 0 : i32
    return %c0_i32, %c0_i32_0 : i32, i32
  }
  func.func @transform_16(%arg0: i32) -> (i32, i32) {
    %c0_i32 = arith.constant 0 : i32
    %c0_i32_0 = arith.constant 0 : i32
    %c0_i32_1 = arith.constant 0 : i32
    return %c0_i32, %c0_i32_0 : i32, i32
  }
}

module attributes {stable_mosaic.version = 14 : i64} {
  func.func @_expert_kernel(%arg0: i32, %arg1: memref<48xi32, #tpu.memory_space<smem>>, %arg2: memref<256x1024xbf16, #tpu.memory_space<vmem>>, %arg3: memref<1x1024x2048xbf16, #tpu.memory_space<vmem>>, %arg4: memref<1x1x2048xf32, #tpu.memory_space<vmem>>, %arg5: memref<1x2048x1024xbf16, #tpu.memory_space<vmem>>, %arg6: memref<1x1x1024xf32, #tpu.memory_space<vmem>>, %arg7: memref<1x256x1xf32, #tpu.memory_space<vmem>>, %arg8: memref<256x1024xbf16, #tpu.memory_space<vmem>>) attributes {dimension_semantics = [#tpu.dimension_semantics<arbitrary>], iteration_bounds = array<i64: 40>, scalar_prefetch = 1 : i64, scratch_operands = 0 : i64, tpu.core_type = #tpu.core_type<tc>, window_params = [{transform_indices = @transform_0, window_bounds = array<i64: 256, 1024>}, {transform_indices = @transform_1, window_bounds = array<i64: 1, 1024, 2048>}, {transform_indices = @transform_2, window_bounds = array<i64: 1, 1, 2048>}, {transform_indices = @transform_3, window_bounds = array<i64: 1, 2048, 1024>}, {transform_indices = @transform_4, window_bounds = array<i64: 1, 1, 1024>}, {transform_indices = @transform_5, window_bounds = array<i64: 1, 256, 1>}, {transform_indices = @transform_6, window_bounds = array<i64: 256, 1024>}]} {
    %get3A = arith.constant 0 : index
    %get3A_0 = arith.constant 0 : index
    %get3A_1 = vector.load %arg2[%get3A, %get3A_0] : memref<256x1024xbf16, #tpu.memory_space<vmem>>, vector<256x1024xbf16>
    %get3A_2 = arith.constant 0 : index
    %get3A_3 = arith.constant 0 : index
    %get3A_4 = arith.constant 0 : index
    %get3A_5 = vector.load %arg3[%get3A_2, %get3A_3, %get3A_4] : memref<1x1024x2048xbf16, #tpu.memory_space<vmem>>, vector<1x1024x2048xbf16>
    %get3A_6 = vector.shape_cast %get3A_5 : vector<1x1024x2048xbf16> to vector<1024x2048xbf16>
    %dot_general3A = arith.constant dense<0.000000e+00> : vector<256x2048xf32>
    %dot_general3A_7 = tpu.matmul %get3A_1, %get3A_6, %dot_general3A {dimension_numbers = #tpu.dot_dimension_numbers<[1], [0], [0], [1], [0, 0, 1, 1], [], []>, transpose_lhs_hint = false} : vector<256x1024xbf16>, vector<1024x2048xbf16>, vector<256x2048xf32> -> vector<256x2048xf32>
    %get3A_8 = arith.constant 0 : index
    %get3A_9 = arith.constant 0 : index
    %get3A_10 = arith.constant 0 : index
    %get3A_11 = vector.load %arg4[%get3A_8, %get3A_9, %get3A_10] : memref<1x1x2048xf32, #tpu.memory_space<vmem>>, vector<1x1x2048xf32>
    %get3A_12 = vector.shape_cast %get3A_11 : vector<1x1x2048xf32> to vector<1x2048xf32>
    %add3A = vector.broadcast %get3A_12 : vector<1x2048xf32> to vector<256x2048xf32>
    %add3A_13 = arith.addf %dot_general3A_7, %add3A : vector<256x2048xf32>
    %max3A = arith.constant 0.000000e+00 : f32
    %max3A_14 = vector.broadcast %max3A : f32 to vector<256x2048xf32>
    %max3A_15 = arith.maximumf %add3A_13, %max3A_14 : vector<256x2048xf32>
    %convert_element_type3A = arith.truncf %max3A_15 : vector<256x2048xf32> to vector<256x2048xbf16>
    %get3A_16 = arith.constant 0 : index
    %get3A_17 = arith.constant 0 : index
    %get3A_18 = arith.constant 0 : index
    %get3A_19 = vector.load %arg5[%get3A_16, %get3A_17, %get3A_18] : memref<1x2048x1024xbf16, #tpu.memory_space<vmem>>, vector<1x2048x1024xbf16>
    %get3A_20 = vector.shape_cast %get3A_19 : vector<1x2048x1024xbf16> to vector<2048x1024xbf16>
    %dot_general3A_21 = arith.constant dense<0.000000e+00> : vector<256x1024xf32>
    %dot_general3A_22 = tpu.matmul %convert_element_type3A, %get3A_20, %dot_general3A_21 {dimension_numbers = #tpu.dot_dimension_numbers<[1], [0], [0], [1], [0, 0, 1, 1], [], []>, transpose_lhs_hint = false} : vector<256x2048xbf16>, vector<2048x1024xbf16>, vector<256x1024xf32> -> vector<256x1024xf32>
    %get3A_23 = arith.constant 0 : index
    %get3A_24 = arith.constant 0 : index
    %get3A_25 = arith.constant 0 : index
    %get3A_26 = vector.load %arg6[%get3A_23, %get3A_24, %get3A_25] : memref<1x1x1024xf32, #tpu.memory_space<vmem>>, vector<1x1x1024xf32>
    %get3A_27 = vector.shape_cast %get3A_26 : vector<1x1x1024xf32> to vector<1x1024xf32>
    %add3A_28 = vector.broadcast %get3A_27 : vector<1x1024xf32> to vector<256x1024xf32>
    %add3A_29 = arith.addf %dot_general3A_22, %add3A_28 : vector<256x1024xf32>
    %get3A_30 = arith.constant 0 : index
    %get3A_31 = arith.constant 0 : index
    %get3A_32 = arith.constant 0 : index
    %get3A_33 = vector.load %arg7[%get3A_30, %get3A_31, %get3A_32] : memref<1x256x1xf32, #tpu.memory_space<vmem>>, vector<1x256x1xf32>
    %get3A_34 = vector.shape_cast %get3A_33 : vector<1x256x1xf32> to vector<256x1xf32>
    %mul3A = vector.broadcast %get3A_34 : vector<256x1xf32> to vector<256x1024xf32>
    %mul3A_35 = arith.mulf %add3A_29, %mul3A : vector<256x1024xf32>
    %convert_element_type3A_36 = arith.truncf %mul3A_35 : vector<256x1024xf32> to vector<256x1024xbf16>
    %swap3A = arith.constant 0 : index
    %swap3A_37 = arith.constant 0 : index
    %swap3A_38 = vector.load %arg8[%swap3A, %swap3A_37] : memref<256x1024xbf16, #tpu.memory_space<vmem>>, vector<256x1024xbf16>
    tpu.vector_store %arg8[%swap3A, %swap3A_37], %convert_element_type3A_36 {strides = array<i32>} : memref<256x1024xbf16, #tpu.memory_space<vmem>>, vector<256x1024xbf16>,
    return
  }
  func.func @transform_0(%arg0: i32, %arg1: memref<48xi32, #tpu.memory_space<smem>>) -> (i32, i32) {
    %c0_i32 = arith.constant 0 : i32
    %c0_i32_0 = arith.constant 0 : i32
    return %arg0, %c0_i32 : i32, i32
  }
  func.func @transform_1(%arg0: i32, %arg1: memref<48xi32, #tpu.memory_space<smem>>) -> (i32, i32, i32) {
    %get3A = arith.index_cast %arg0 : i32 to index
    %get3A_0 = memref.load %arg1[%get3A] : memref<48xi32, #tpu.memory_space<smem>>
    %c0_i32 = arith.constant 0 : i32
    %c0_i32_1 = arith.constant 0 : i32
    %c0_i32_2 = arith.constant 0 : i32
    return %get3A_0, %c0_i32, %c0_i32_1 : i32, i32, i32
  }
  func.func @transform_2(%arg0: i32, %arg1: memref<48xi32, #tpu.memory_space<smem>>) -> (i32, i32, i32) {
    %get3A = arith.index_cast %arg0 : i32 to index
    %get3A_0 = memref.load %arg1[%get3A] : memref<48xi32, #tpu.memory_space<smem>>
    %c0_i32 = arith.constant 0 : i32
    %c0_i32_1 = arith.constant 0 : i32
    %c0_i32_2 = arith.constant 0 : i32
    return %get3A_0, %c0_i32, %c0_i32_1 : i32, i32, i32
  }
  func.func @transform_3(%arg0: i32, %arg1: memref<48xi32, #tpu.memory_space<smem>>) -> (i32, i32, i32) {
    %get3A = arith.index_cast %arg0 : i32 to index
    %get3A_0 = memref.load %arg1[%get3A] : memref<48xi32, #tpu.memory_space<smem>>
    %c0_i32 = arith.constant 0 : i32
    %c0_i32_1 = arith.constant 0 : i32
    %c0_i32_2 = arith.constant 0 : i32
    return %get3A_0, %c0_i32, %c0_i32_1 : i32, i32, i32
  }
  func.func @transform_4(%arg0: i32, %arg1: memref<48xi32, #tpu.memory_space<smem>>) -> (i32, i32, i32) {
    %get3A = arith.index_cast %arg0 : i32 to index
    %get3A_0 = memref.load %arg1[%get3A] : memref<48xi32, #tpu.memory_space<smem>>
    %c0_i32 = arith.constant 0 : i32
    %c0_i32_1 = arith.constant 0 : i32
    %c0_i32_2 = arith.constant 0 : i32
    return %get3A_0, %c0_i32, %c0_i32_1 : i32, i32, i32
  }
  func.func @transform_5(%arg0: i32, %arg1: memref<48xi32, #tpu.memory_space<smem>>) -> (i32, i32, i32) {
    %c0_i32 = arith.constant 0 : i32
    %c0_i32_0 = arith.constant 0 : i32
    %c0_i32_1 = arith.constant 0 : i32
    return %arg0, %c0_i32, %c0_i32_0 : i32, i32, i32
  }
  func.func @transform_6(%arg0: i32, %arg1: memref<48xi32, #tpu.memory_space<smem>>) -> (i32, i32) {
    %c0_i32 = arith.constant 0 : i32
    %c0_i32_0 = arith.constant 0 : i32
    return %arg0, %c0_i32 : i32, i32
  }
}

</mosaic_0001>

<sc_bundles>
// kernel: kernel.6.cloned.1.call-start
scs
__scs_entry_jumppad:
0x0: {  	(pc) =	sbr.rel $0x88, $3  }
0x1: {  	(tag) =	ssettag $0x0;
	lr =	simm.s32 $0x1  }
0x2: {  	[smem:$0x3F95] =	sst lr;
	_ =	strace $0xD0000000  }
0x3: {  	_ = 	snop  }
0x4: {  	_ = 	snop  }
0x5: {  	_ = 	snop  }
0x6: {  	_ = 	snop  }
0x7: {  	_ = 	snop  }
__scs_overlays_trampoline_lowered:
0x8: {  	[smem:$0x3FA4] =	sst s0  }
0x9: {  	[smem:$0x3FA5] =	sst s1  }
0xa: {  	[smem:$0x3FA6] =	sst s2  }
0xb: {  	[smem:$0x3FA7] =	sst s3  }
0xc: {  	[smem:$0x3FA8] =	sst s4  }
0xd: {  	[smem:$0x3FA9] =	sst s5  }
0xe: {  	[smem:$0x3FAA] =	sst s6  }
0xf: {  	[smem:$0x3FAB] =	sst s7  }
0x10: {  	[smem:$0x3FAC] =	sst s8  }
0x11: {  	[smem:$0x3FAD] =	sst s9;
	s0 =	simm.s32 @!p0 $0x0  }
0x12: {  	s1 =	sld [smem:$0x3F93];
	s0 =	simm.s32 @p0 $0x1  }
0x13: {  	[smem:$0x3FAE] =	sst s0;
	s0 =	simm.s32 @!p1 $0x0  }
0x14: {  	s2 =	sld [smem:$0x3F92];
	s0 =	simm.s32 @p1 $0x1  }
0x15: {  	[smem:$0x3FAF] =	sst s0;
	s0 =	simm.s32 @!p2 $0x0  }
0x16: {  	s3 =	sld [smem:$0x3FDB];
	s0 =	simm.s32 @p2 $0x1  }
0x17: {  	s4 =	simm.s32 $0x1BF5;
	[smem:$0x3FB1] =	sst s0  }
0x18: {  	s0 =	sld [smem:$0x3F94];
	_ =	swait.ge [sflag:s4], $0x0  }
0x19: {  	s7 =	sld [smem:$0x3F95]  }
0x1a: {  	s8 =	sadd.s32 $0xFFFFE003, lr  }
0x1b: {  	s9 =	sadd.s32 $0xFFFFFEF7, lr;
	s5 =	simm.s32 $0xFFFFFFFF;
	p2 =	slt.u32 s8, $0xFFFFF086  }
0x1c: {  	p1 =	slt.u32 s9, $0xF7A;
	s5 =	simm.s32 @!p2 $0x0  }
0x1d: {  	s5 =	simm.s32 @p1 $0x1;
	p0 =	seq.s32 s7, s2  }
0x1e: {  	s7 =	smul.u32 @!p0 $0xF7A, s2;
	p2 =	seq.s32 @!p0 s5, $0x0  }
0x1f: {  	s9 =	smul.u32 $0xF7A, s1;
	s8 =	simm.s32 @!p0 $0x1BF5;
	p2 =	por !p2, p0  }
0x20: {  	[sflag:s8] =	ssyncset.s32 @!p0 $0xFFFFF086;
	s6 =	sadd.s32 @!p0 s3, s7;
	s7 =	simm.s32 @!p0 $0x108  }
0x21: {  	s3 =	sadd.s32 s3, s9;
	s6 =	sadd.s32 @!p0 $0x88, s6;
	s7 =	simm.s32 @p2 $0x1082  }
0x22: {  	[simem:s7], [sflag:s8] =	dma.local @!p0 [hbm:s6], $0xF7A  }
0x23: {  	s9 =	sor.u32 $0xD0000000, s2;
	s6 =	simm.s32 $0x108;
	_ =	swait.ge @!p0 [sflag:s8], $0x0  }
0x24: {  	s3 =	sadd.s32 $0x88, s3;
	s6 =	simm.s32 @!p1 $0x1082;
	[sflag:s4] =	ssyncset.s32 $0xFFFFF086  }
0x25: {  	[simem:s6], [sflag:s4] =	dma.local [hbm:s3], $0xF7A  }
0x26: {  	[smem:$0x3F95] =	sst s1;
	(tag) =	ssettag s2;
	_ =	strace s9  }
0x27: {  	s1 =	sld [smem:$0x3FA5]  }
0x28: {  	s2 =	sld [smem:$0x3FA6]  }
0x29: {  	s4 =	sld [smem:$0x3FA8]  }
0x2a: {  	p0 =	seq.s32 s5, $0x0;
	s5 =	sld [smem:$0x3FA9]  }
0x2b: {  	s6 =	sld [smem:$0x3FAA]  }
0x2c: {  	s7 =	sld [smem:$0x3FAB]  }
0x2d: {  	s3 =	simm.s32 $0x108;
	s8 =	sld [smem:$0x3FAC]  }
0x2e: {  	s3 =	simm.s32 @!p0 $0x1082;
	s9 =	sld [smem:$0x3FAD]  }
0x2f: {  	lr =	sadd.s32 s0, s3;
	s0 =	sld [smem:$0x3FA4]  }
0x30: {  	s3 =	sld [smem:$0x3FA7]  }
0x31: {  	[smem:$0x3FB0] =	sst s10  }
0x32: {  	s10 =	sld [smem:$0x3FAE];
	_ =	sdelay $0x3  }
0x33: {  	p0 =	seq.s32 s10, $0x1;
	s10 =	sld [smem:$0x3FB0];
	_ =	sdelay $0x3  }
0x34: {  	[smem:$0x3FB0] =	sst s10  }
0x35: {  	s10 =	sld [smem:$0x3FAF];
	_ =	sdelay $0x3  }
0x36: {  	p1 =	seq.s32 s10, $0x1;
	s10 =	sld [smem:$0x3FB0];
	_ =	sdelay $0x3  }
0x37: {  	[smem:$0x3FB0] =	sst s10  }
0x38: {  	s10 =	sld [smem:$0x3FB1]  }
0x39: {  	_ = 	snop;
	(pc) =	sbr.ind lr, $3  }
0x3a: {  	_ = 	snop  }
0x3b: {  	_ = 	snop  }
0x3c: {  	p2 =	seq.s32 s10, $0x1;
	s10 =	sld [smem:$0x3FB0]  }
0x3d: {  	_ =	shalt  }
0x3e: {  	_ =	shalt  }
0x3f: {  	_ =	shalt  }
0x40: {  	_ =	shalt  }
0x41: {  	_ =	shalt  }
0x42: {  	_ =	shalt  }
0x43: {  	_ =	shalt  }
0x44: {  	_ =	shalt  }
0x45: {  	_ =	shalt  }
0x46: {  	_ =	shalt  }
0x47: {  	_ =	shalt  }
0x48: {  	_ =	shalt  }
0x49: {  	_ =	shalt  }
0x4a: {  	_ =	shalt  }
0x4b: {  	_ =	shalt  }
0x4c: {  	_ =	shalt  }
0x4d: {  	_ =	shalt  }
0x4e: {  	_ =	shalt  }
0x4f: {  	_ =	shalt  }
0x50: {  	_ =	shalt  }
0x51: {  	_ =	shalt  }
0x52: {  	_ =	shalt  }
0x53: {  	_ =	shalt  }
0x54: {  	_ =	shalt  }
0x55: {  	_ =	shalt  }
0x56: {  	_ =	shalt  }
0x57: {  	_ =	shalt  }
0x58: {  	_ =	shalt  }
0x59: {  	_ =	shalt  }
0x5a: {  	_ =	shalt  }
0x5b: {  	_ =	shalt  }
0x5c: {  	_ =	shalt  }
0x5d: {  	_ =	shalt  }
0x5e: {  	_ =	shalt  }
0x5f: {  	_ =	shalt  }
0x60: {  	_ =	shalt  }
0x61: {  	_ =	shalt  }
0x62: {  	_ =	shalt  }
0x63: {  	_ =	shalt  }
0x64: {  	_ =	shalt  }
0x65: {  	_ =	shalt  }
0x66: {  	_ =	shalt  }
0x67: {  	_ =	shalt  }
0x68: {  	_ =	shalt  }
0x69: {  	_ =	shalt  }
0x6a: {  	_ =	shalt  }
0x6b: {  	_ =	shalt  }
0x6c: {  	_ =	shalt  }
0x6d: {  	_ =	shalt  }
0x6e: {  	_ =	shalt  }
0x6f: {  	_ =	shalt  }
0x70: {  	_ =	shalt  }
0x71: {  	_ =	shalt  }
0x72: {  	_ =	shalt  }
0x73: {  	_ =	shalt  }
0x74: {  	_ =	shalt  }
0x75: {  	_ =	shalt  }
0x76: {  	_ =	shalt  }
0x77: {  	_ =	shalt  }
0x78: {  	_ =	shalt  }
0x79: {  	_ =	shalt  }
0x7a: {  	_ =	shalt  }
0x7b: {  	_ =	shalt  }
0x7c: {  	_ =	shalt  }
0x7d: {  	_ =	shalt  }
0x7e: {  	_ =	shalt  }
0x7f: {  	_ =	shalt  }
0x80: {  	_ =	shalt  }
0x81: {  	_ =	shalt  }
0x82: {  	_ =	shalt  }
0x83: {  	_ =	shalt  }
0x84: {  	_ =	shalt  }
0x85: {  	_ =	shalt  }
0x86: {  	_ =	shalt  }
0x87: {  	_ =	shalt  }
.Lfunc_end0:
.L_simem_size_0:
called_computation.2_lowered:
.L_overlay_start_0:
0x88: {  	s2 =	sld [smem:$0x3FD9]  }
0x89: {  	s3 =	sld [smem:$0x3FFE];
	_ =	sdelay $0x1  }
0x8a: {  	s1 =	srdreg.scid  }
0x8b: {  	s0 =	sand.u32 $0x1, s1  }
0x8c: {  	s14 =	sshll.u32 s0, $0xA;
	s2 =	sadd.s32 s3, s2  }
0x8d: {  	s2 =	sadd.s32 s2, s14  }
0x8e: {  	[smem:$0x3FBC] =	sst s2  }
0x8f: {  	_ = 	snop  }
0x90: {  	s2 =	sld [smem:$0x3FD0];
	_ =	sdelay $0x2  }
0x91: {  	s15 =	simm.s32 $0xA;
	s4 =	simm.s32 $0x10  }
0x92: {  	[smem:s4], [sflag:s15] =	dma.local [hbm:s2], $0x1  }
0x93: {  	_ =	swait.eq [sflag:s15], $0x1  }
0x94: {  	[sflag:s15] =	ssyncset.done $0x0  }
0x95: {  	s16 =	sld [smem:$0x10];
	[sflag:s15] =	ssyncadd.s32 $0xFFFFFFFF  }
0x96: {  	s17 =	sld [smem:$0x11];
	(tm) =	ssettm $0x1  }
0x97: {  	s18 =	sld [smem:$0x3FFB];
	_ =	sdelay $0x3  }
0x98: {  	_ =	strace s18  }
0x99: {  	s4 =	sld [smem:$0x3FFC];
	_ =	sdelay $0x3  }
0x9a: {  	_ =	strace s4  }
0x9b: {  	s4 =	sld [smem:$0x3FFD];
	_ =	sdelay $0x3  }
0x9c: {  	_ =	strace s4  }
0x9d: {  	_ =	strace $0x8FFFFFFF  }
0x9e: {  	s19 =	sld [smem:$0x3FDB];
	_ =	sdelay $0x1  }
0x9f: {  	s5 =	simm.s32 $_scs_section_size  }
0xa0: {  	s6 =	simm.s32 $_size__tile_overlayer_lowered;
	s7 =	simm.s32 $_tile_overlayer_lowered  }
0xa1: {  	s22 =	simm.s32 $0x1BFF;
	s21 =	sshll.u32 s7, $0x1;
	s4 =	sadd.s32 s5, s19  }
0xa2: {  	s8 =	simm.s32 $0x0;
	s20 =	sshll.u32 s6, $0x1;
	s6 =	sadd.s32 s21, s4  }
0xa3: {  	[timem:s8], [sflag:s22] =	dma.local [hbm:s6], s20  }
0xa4: {  	_ =	swait.ge [sflag:s22], s20  }
0xa5: {  	s5 =	ssub.s32 $0x0, s20;
	[sflag:s22] =	ssyncset.done $0x0  }
0xa6: {  	[sflag:s22] =	ssyncadd.s32 s5;
	_ =	sdelay $0x1  }
0xa7: {  	s23 =	simm.s32 $0x1B8B  }
0xa8: {  	_ =	swait.ge [sflag:s23], $0x1  }
0xa9: {  	[sflag:s23] =	ssyncset.done $0x0  }
0xaa: {  	s25 =	simm.s32 $0x1B8E;
	s24 =	sld [smem:$0x3FFE];
	[sflag:s23] =	ssyncadd.s32 $0xFFFFFFFF  }
0xab: {  	s26 =	simm.s32 $execute0_lowered;
	[smem:$0x3FD2] =	sst s25  }
0xac: {  	s6 =	sshll.u32 s26, $0x1;
	_ =	strace $0x80000046;
	[dreg:$0x1] =	wrdreg $0xFFFFFFFF  }
0xad: {  	s28 =	simm.s32 $_size_execute0_lowered;
	s4 =	sadd.s32 s4, s6;
	[dreg:$0x0] =	wrdreg $0x0  }
0xae: {  	s6 =	sshll.u32 s28, $0x1;
	[dreg:$0x2] =	wrdreg s4  }
0xaf: {  	[dreg:$0x3] =	wrdreg s6  }
0xb0: {  	[dreg:$0x4] =	wrdreg $0xC0  }
0xb1: {  	_ =	task [dreg:s8], $0x5FFFF  }
0xb2: {  	[dreg:$0x1] =	wrdreg $0xFFFFFFFF  }
0xb3: {  	[dreg:$0x0] =	wrdreg $0x60  }
0xb4: {  	[dreg:$0x2] =	wrdreg s24  }
0xb5: {  	[dreg:$0x3] =	wrdreg s16  }
0xb6: {  	[dreg:$0x4] =	wrdreg s17  }
0xb7: {  	[dreg:$0x5] =	wrdreg $0x9  }
0xb8: {  	_ =	task.clear_ibuf [dreg:s8], $0x6FFFF;
	_ =	strace $0x90000046  }
0xb9: {  	s29 =	simm.s32 $0x9;
	_ =	strace $0x80000048  }
0xba: {  	_ =	swait.ge [sflag:s29], $0x1  }
0xbb: {  	[sflag:s29] =	ssyncadd.s32 $0xFFFFFFFF  }
0xbc: {  	_ =	strace $0x90000048  }
0xbd: {  	_ =	sfence  }
0xbe: {  	s30 =	sld [smem:$0x0];
	_ =	sdelay $0x2  }
0xbf: {  	s31 =	sshll.u32 s1, $0xD;
	s1 =	sshrl.u32 s1, $0x2  }
0xc0: {  	s3 =	sand.u32 $0x4000, s31;
	s1 =	sadd.s32 s1, s30  }
0xc1: {  	s0 =	sor.u32 s3, s0;
	s1 =	sshll.u32 s1, $0x11  }
0xc2: {  	s0 =	sor.u32 s1, s0  }
0xc3: {  	s0 =	sadd.s32 $0x8F2B, s0  }
0xc4: {  	[sflag:s0] =	ssyncadd.remote.s32 $0x1  }
0xc5: {  	_ =	sfence.sel $0xFFFF  }
0xc6: {  	[dreg:$0x0] =	wrdreg $0xFFFFFFFF;
	(pc) =	sbr.abs _section_cstart, $3  }
0xc7: {  	[dreg:$0x1] =	wrdreg $0xFFFFFFFF  }
0xc8: {  	_ =	task.clear_ibuf [dreg:s8], $0x2FFFF;
	_ =	strace $0x9FFFFFFF  }
0xc9: {  	(tm) =	ssettm $0x7FFFFFFF  }
tec
execute0_lowered:
.L_overlay_start_1:
0x0: {  	(tag) =	ssettag $0x1  }
0x1: {  	s0 =	rddreg [dreg:$0x0]  }
0x2: {  	s1 =	rddreg [dreg:$0x1];
	s2 =	srdreg.scid  }
0x3: {  	s3 =	stileid.u32;
	s23 =	simm.s32 $0x100;
	s24 =	simm.s32 $0x180  }
0x4: {  	s25 =	simm.s32 $0x200;
	s26 =	simm.s32 $0x280;
	s11 =	simm.s32 $0x80  }
0x5: {  	s28 =	simm.s32 $0x2500;
	s29 =	simm.s32 $0x2D00;
	s30 =	simm.s32 $0x3500  }
0x6: {  	s31 =	simm.s32 $0x3D00;
	s8 =	simm.s32 $0x5D00;
	s9 =	simm.s32 $0x6500  }
0x7: {  	s12 =	simm.s32 $0x6D00;
	s4 =	sshll.u32 s3, $0x1;
	s3 =	simm.s32 $0x0  }
0x8: {  	s13 =	simm.s32 $0x7500;
	s6 =	sadd.s32 $0x11800, s0;
	[smem:$0x7FF] =	sst s3  }
0x9: {  	s2 =	sand.u32 $0x1, s2;
	_ =	strace $0x80000047;
	[dreg:$0x4] =	wrdreg s6  }
0xa: {  	s10 =	simm.s32 $0xB500;
	s4 =	sor.u32 s2, s4;
	[dreg:$0xe] =	wrdreg s23  }
0xb: {  	s2 =	ssub.s32 $0x2, s2;
	s5 =	sshll.u32 s4, $0x4;
	[dreg:$0xf] =	wrdreg s24  }
0xc: {  	s7 =	sshll.u32 s4, $0xD;
	s4 =	sadd.s32 $0x11A00, s0;
	[dreg:$0x10] =	wrdreg s25  }
0xd: {  	[dreg:$0x11] =	wrdreg s26;
	s5 =	sadd.s32 s5, s0;
	s1 =	sadd.s32 s1, s7  }
0xe: {  	s21 =	sshrl.u32 s2, $0x1;
	s14 =	sadd.s32 $0x11000, s5;
	[dreg:$0xb] =	wrdreg s1  }
0xf: {  	s25 =	simm.s32 $0x1500;
	s15 =	sadd.s32 $0x11200, s5;
	[dreg:$0x5] =	wrdreg s14  }
0x10: {  	s26 =	simm.s32 $0x1D00;
	s16 =	sadd.s32 $0x11400, s5;
	[dreg:$0x6] =	wrdreg s15  }
0x11: {  	s24 =	simm.s32 $0xC500;
	s17 =	sadd.s32 $0x11600, s5;
	[dreg:$0x7] =	wrdreg s16  }
0x12: {  	s2 =	ssub.s32 s2, s21;
	s18 =	sadd.s32 $0x10C00, s5;
	[dreg:$0x8] =	wrdreg s17  }
0x13: {  	s7 =	simm.s32 $0x2;
	s19 =	sadd.s32 $0x10E00, s5;
	[dreg:$0x9] =	wrdreg s18  }
0x14: {  	s21 =	simm.s32 $0x1;
	s20 =	sadd.s32 $0xB1A00, s5;
	[dreg:$0xa] =	wrdreg s19  }
0x15: {  	s22 =	sadd.s32 $0xB1C00, s5;
	s5 =	sadd.s32 $0x11B00, s0;
	[dreg:$0xc] =	wrdreg s20  }
0x16: {  	v2 =	vlaneseq.u32;
	s6 =	smax.u32 s2, $0x1;
	[dreg:$0xd] =	wrdreg s22;
	s14 =	simm.s32 $0x7D00  }
0x17: {  	vm0 =	vmmov $0xffff;
	v1 =	vshrl.u32 v2, $0x3;
	s15 =	simm.s32 $0x8500;
	s16 =	simm.s32 $0x8D00;
	s17 =	simm.s32 $0x9500  }
0x18: {  	v0 =	vand.u32 $0x7, v2;
	v2 =	vor.u32 $0x8, v2;
	v1 =	vmul.u32 $0x8, v1;
	s18 =	simm.s32 $0x9D00;
	s19 =	simm.s32 $0xA500;
	s20 =	simm.s32 $0xAD00  }
.LBB2_1:
0x19: {  	s22 =	rddreg [dreg:$0x4]  }
0x1a: {  	[tilespmem:s3], [sflag:$0x2] =	stream.linear.gather [hbm4b:s22+s3], $0x80, $0x38;
	[tilespmem:$0x10500] =	vst v63  }
0x1b: {  	_ =	swait.ge [sflag:s7], $0x80  }
0x1c: {  	[sflag:s7] =	ssyncset.done $0x0  }
0x1d: {  	[sflag:s7] =	ssyncadd.s32 $0xFFFFFF80  }
0x1e: {  	v3 =	vld [tilespmem:$0x0];
	_ =	sdelay $0x4  }
0x1f: {  	v3 =	vadd.s32 $0xFF, v3  }
0x20: {  	v3 =	vand.u32 $0xFFFFFF00, v3  }
0x21: {  	(xrf0) =	vadd.scan.msk.s32 $0xffff, v3;
	_ =	sdelay $0x5  }
0x22: {  	v4, _, _ =	vpop (xrf0)  }
0x23: {  	s2 =	rddreg [dreg:$0x5];
	v3 =	vsub.s32 v4, v3  }
0x24: {  	s23 =	rddreg [dreg:$0xe];
	[tilespmem:$0x80] =	vst v3  }
0x25: {  	[tilespmem:s23], [sflag:$0x2] =	stream.linear.gather [hbm4b:s2+s3], $0x80, $0x38;
	[tilespmem:$0x10500] =	vst v63  }
0x26: {  	_ =	swait.ge [sflag:s7], $0x80  }
0x27: {  	s23 =	rddreg [dreg:$0x6];
	[sflag:s7] =	ssyncset.done $0x0  }
0x28: {  	s0 =	rddreg [dreg:$0xf];
	[sflag:s7] =	ssyncadd.s32 $0xFFFFFF80  }
0x29: {  	[tilespmem:s0], [sflag:$0x2] =	stream.linear.gather [hbm4b:s23+s3], $0x80, $0x38;
	[tilespmem:$0x10500] =	vst v63  }
0x2a: {  	_ =	swait.ge [sflag:s7], $0x80  }
0x2b: {  	s1 =	rddreg [dreg:$0x7];
	[sflag:s7] =	ssyncset.done $0x0  }
0x2c: {  	s2 =	rddreg [dreg:$0x10];
	[sflag:s7] =	ssyncadd.s32 $0xFFFFFF80  }
0x2d: {  	[tilespmem:s2], [sflag:$0x2] =	stream.linear.gather [hbm4b:s1+s3], $0x80, $0x38;
	[tilespmem:$0x10500] =	vst v63  }
0x2e: {  	_ =	swait.ge [sflag:s7], $0x80  }
0x2f: {  	s23 =	rddreg [dreg:$0x8];
	[sflag:s7] =	ssyncset.done $0x0  }
0x30: {  	s0 =	rddreg [dreg:$0x11];
	[sflag:s7] =	ssyncadd.s32 $0xFFFFFF80  }
0x31: {  	[tilespmem:s0], [sflag:$0x2] =	stream.linear.gather [hbm4b:s23+s3], $0x80, $0x38;
	[tilespmem:$0x10500] =	vst v63  }
0x32: {  	_ =	swait.ge [sflag:s7], $0x80  }
0x33: {  	[sflag:s7] =	ssyncset.done $0x0  }
0x34: {  	s0 =	simm.s32 $0x300;
	s1 =	rddreg [dreg:$0x9];
	[sflag:s7] =	ssyncadd.s32 $0xFFFFFF80  }
0x35: {  	[tilespmem:s0], [sflag:$0x2] =	stream.linear.gather [hbm4b:s1+s3], $0x80, $0x38;
	[tilespmem:$0x10500] =	vst v63  }
0x36: {  	_ =	swait.ge [sflag:s7], $0x80  }
0x37: {  	[sflag:s7] =	ssyncset.done $0x0  }
0x38: {  	s23 =	simm.s32 $0x380;
	s2 =	rddreg [dreg:$0xa];
	[sflag:s7] =	ssyncadd.s32 $0xFFFFFF80  }
0x39: {  	[tilespmem:s23], [sflag:$0x2] =	stream.linear.gather [hbm4b:s2+s3], $0x80, $0x38;
	[tilespmem:$0x10500] =	vst v63  }
0x3a: {  	_ =	swait.ge [sflag:s7], $0x80  }
0x3b: {  	[sflag:s7] =	ssyncset.done $0x0  }
0x3c: {  	s2 =	simm.s32 $0x500;
	s1 =	rddreg [dreg:$0xb];
	[sflag:s7] =	ssyncadd.s32 $0xFFFFFF80  }
0x3d: {  	[tilespmem:s2], [sflag:$0x2] =	stream.linear.gather [hbm4b:s1+s3], $0x10000, $0x38;
	[tilespmem:$0x10500] =	vst v63  }
0x3e: {  	_ =	swait.ge [sflag:s7], $0x10000  }
0x3f: {  	[sflag:s7] =	ssyncset.done $0x0  }
0x40: {  	[sflag:s7] =	ssyncadd.s32 $0xFFFF0000  }
0x41: {  	v3 =	vld [tilespmem:$0x100];
	_ =	sdelay $0x5  }
0x42: {  	v19 =	vld [tilespmem:$0x200]  }
0x43: {  	v5 =	vld [tilespmem:$0x110]  }
0x44: {  	v3 =	vld.idx.msk [tilespmem:v3+s11+$0x0], $0xffff;
	_ =	sdelay $0x4  }
0x45: {  	v20 =	vld [tilespmem:$0x210];
	v3 =	vadd.s32 v19, v3  }
0x46: {  	v6 =	vld [tilespmem:$0x120];
	[tilespmem:$0x400] =	vst v3  }
0x47: {  	v5 =	vld.idx.msk [tilespmem:v5+s11+$0x0], $0xffff;
	_ =	sdelay $0x4  }
0x48: {  	v21 =	vld [tilespmem:$0x220];
	v4 =	vadd.s32 v20, v5  }
0x49: {  	v22 =	vld [tilespmem:$0x130];
	[tilespmem:$0x410] =	vst v4  }
0x4a: {  	v6 =	vld.idx.msk [tilespmem:v6+s11+$0x0], $0xffff;
	_ =	sdelay $0x4  }
0x4b: {  	v23 =	vld [tilespmem:$0x230];
	v5 =	vadd.s32 v21, v6  }
0x4c: {  	v24 =	vld [tilespmem:$0x140];
	[tilespmem:$0x420] =	vst v5  }
0x4d: {  	v4 =	vld.idx.msk [tilespmem:v22+s11+$0x0], $0xffff;
	_ =	sdelay $0x4  }
0x4e: {  	v25 =	vld [tilespmem:$0x240];
	v4 =	vadd.s32 v23, v4  }
0x4f: {  	v26 =	vld [tilespmem:$0x150];
	[tilespmem:$0x430] =	vst v4  }
0x50: {  	v5 =	vld.idx.msk [tilespmem:v24+s11+$0x0], $0xffff;
	_ =	sdelay $0x4  }
0x51: {  	v27 =	vld [tilespmem:$0x250];
	v5 =	vadd.s32 v25, v5  }
0x52: {  	v28 =	vld [tilespmem:$0x160];
	[tilespmem:$0x440] =	vst v5  }
0x53: {  	v4 =	vld.idx.msk [tilespmem:v26+s11+$0x0], $0xffff;
	_ =	sdelay $0x4  }
0x54: {  	v29 =	vld [tilespmem:$0x260];
	v4 =	vadd.s32 v27, v4  }
0x55: {  	v30 =	vld [tilespmem:$0x170];
	[tilespmem:$0x450] =	vst v4  }
0x56: {  	v5 =	vld.idx.msk [tilespmem:v28+s11+$0x0], $0xffff;
	_ =	sdelay $0x4  }
0x57: {  	v31 =	vld [tilespmem:$0x270];
	v5 =	vadd.s32 v29, v5  }
0x58: {  	v32 =	vld [tilespmem:$0x180];
	[tilespmem:$0x460] =	vst v5  }
0x59: {  	v4 =	vld.idx.msk [tilespmem:v30+s11+$0x0], $0xffff;
	_ =	sdelay $0x4  }
0x5a: {  	v33 =	vld [tilespmem:$0x280];
	v4 =	vadd.s32 v31, v4  }
0x5b: {  	v34 =	vld [tilespmem:$0x190];
	[tilespmem:$0x470] =	vst v4  }
0x5c: {  	v5 =	vld.idx.msk [tilespmem:v32+s11+$0x0], $0xffff;
	_ =	sdelay $0x4  }
0x5d: {  	v35 =	vld [tilespmem:$0x290];
	v5 =	vadd.s32 v33, v5  }
0x5e: {  	v36 =	vld [tilespmem:$0x1A0];
	[tilespmem:$0x480] =	vst v5  }
0x5f: {  	v4 =	vld.idx.msk [tilespmem:v34+s11+$0x0], $0xffff;
	_ =	sdelay $0x4  }
0x60: {  	v37 =	vld [tilespmem:$0x2A0];
	v4 =	vadd.s32 v35, v4  }
0x61: {  	v38 =	vld [tilespmem:$0x1B0];
	[tilespmem:$0x490] =	vst v4  }
0x62: {  	v5 =	vld.idx.msk [tilespmem:v36+s11+$0x0], $0xffff;
	_ =	sdelay $0x4  }
0x63: {  	v39 =	vld [tilespmem:$0x2B0];
	v5 =	vadd.s32 v37, v5  }
0x64: {  	v40 =	vld [tilespmem:$0x1C0];
	[tilespmem:$0x4A0] =	vst v5  }
0x65: {  	v4 =	vld.idx.msk [tilespmem:v38+s11+$0x0], $0xffff;
	_ =	sdelay $0x4  }
0x66: {  	v41 =	vld [tilespmem:$0x2C0];
	v4 =	vadd.s32 v39, v4  }
0x67: {  	v42 =	vld [tilespmem:$0x1D0];
	[tilespmem:$0x4B0] =	vst v4  }
0x68: {  	v5 =	vld.idx.msk [tilespmem:v40+s11+$0x0], $0xffff;
	_ =	sdelay $0x4  }
0x69: {  	v43 =	vld [tilespmem:$0x2D0];
	v5 =	vadd.s32 v41, v5  }
0x6a: {  	v44 =	vld [tilespmem:$0x1E0];
	[tilespmem:$0x4C0] =	vst v5  }
0x6b: {  	v4 =	vld.idx.msk [tilespmem:v42+s11+$0x0], $0xffff;
	_ =	sdelay $0x4  }
0x6c: {  	v45 =	vld [tilespmem:$0x2E0];
	v4 =	vadd.s32 v43, v4  }
0x6d: {  	v46 =	vld [tilespmem:$0x1F0];
	[tilespmem:$0x4D0] =	vst v4  }
0x6e: {  	v5 =	vld.idx.msk [tilespmem:v44+s11+$0x0], $0xffff;
	_ =	sdelay $0x3  }
0x6f: {  	v7 =	vshll.u32 v3, $0x2  }
0x70: {  	v3 =	vand.u32 $0x7, v3;
	v47 =	vand.u32 $0xFFFFFFE0, v7;
	v5 =	vadd.s32 v45, v5  }
0x71: {  	v48 =	vld [tilespmem:$0x2F0];
	v3 =	vor.u32 v3, v47;
	[tilespmem:$0x4E0] =	vst v5  }
0x72: {  	v6 =	vperm.xlane v3, v0;
	v4 =	vld.idx.msk [tilespmem:v46+s11+$0x0], $0xffff;
	_ =	sdelay $0x1  }
0x73: {  	v6 =	vadd.s32 v1, v6;
	_ =	sdelay $0x1  }
0x74: {  	v3 =	vperm.xlane v3, v2  }
0x75: {  	v4 =	vadd.s32 v48, v4  }
0x76: {  	s22 =	simm.s32 $0x500;
	v3 =	vadd.s32 v1, v3;
	[tilespmem:$0x4F0] =	vst v4  }
0x77: {  	[hbm4b:s4+s3] =	stream.indirect_vreg.scatter [tilespmem:s22], [sflag:$0x1], $0x80, v6, vm0, $0xb8;
	[tilespmem:$0x10500] =	vst v63  }
0x78: {  	s22 =	simm.s32 $0xD00  }
0x79: {  	[hbm4b:s5+s3] =	stream.indirect_vreg.scatter [tilespmem:s22], [sflag:$0x1], $0x80, v6, vm0, $0xb8;
	[tilespmem:$0x10500] =	vst v63  }
0x7a: {  	_ = 	snop  }
0x7b: {  	[hbm4b:s4+s3] =	stream.indirect_vreg.scatter [tilespmem:s25], [sflag:$0x1], $0x80, v3, vm0, $0xb8;
	[tilespmem:$0x10500] =	vst v63  }
0x7c: {  	_ = 	snop  }
0x7d: {  	[hbm4b:s5+s3] =	stream.indirect_vreg.scatter [tilespmem:s26], [sflag:$0x1], $0x80, v3, vm0, $0xb8;
	[tilespmem:$0x10500] =	vst v63  }
0x7e: {  	v3 =	vld [tilespmem:$0x410];
	_ =	sdelay $0x4  }
0x7f: {  	v49 =	vshll.u32 v3, $0x2  }
0x80: {  	v3 =	vand.u32 $0x7, v3;
	v4 =	vand.u32 $0xFFFFFFE0, v49  }
0x81: {  	v3 =	vor.u32 v3, v4  }
0x82: {  	v4 =	vperm.xlane v3, v0;
	_ =	sdelay $0x1  }
0x83: {  	v4 =	vadd.s32 v1, v4;
	_ =	sdelay $0x1  }
0x84: {  	v3 =	vperm.xlane v3, v2;
	_ =	sdelay $0x1  }
0x85: {  	v3 =	vadd.s32 v1, v3  }
0x86: {  	[hbm4b:s4+s3] =	stream.indirect_vreg.scatter [tilespmem:s28], [sflag:$0x1], $0x80, v4, vm0, $0xb8;
	[tilespmem:$0x10500] =	vst v63  }
0x87: {  	_ = 	snop  }
0x88: {  	[hbm4b:s5+s3] =	stream.indirect_vreg.scatter [tilespmem:s29], [sflag:$0x1], $0x80, v4, vm0, $0xb8;
	[tilespmem:$0x10500] =	vst v63  }
0x89: {  	_ = 	snop  }
0x8a: {  	[hbm4b:s4+s3] =	stream.indirect_vreg.scatter [tilespmem:s30], [sflag:$0x1], $0x80, v3, vm0, $0xb8;
	[tilespmem:$0x10500] =	vst v63  }
0x8b: {  	_ = 	snop  }
0x8c: {  	[hbm4b:s5+s3] =	stream.indirect_vreg.scatter [tilespmem:s31], [sflag:$0x1], $0x80, v3, vm0, $0xb8;
	[tilespmem:$0x10500] =	vst v63  }
0x8d: {  	v3 =	vld [tilespmem:$0x420];
	_ =	sdelay $0x4  }
0x8e: {  	v50 =	vshll.u32 v3, $0x2  }
0x8f: {  	v3 =	vand.u32 $0x7, v3;
	v4 =	vand.u32 $0xFFFFFFE0, v50  }
0x90: {  	v3 =	vor.u32 v3, v4  }
0x91: {  	v4 =	vperm.xlane v3, v0;
	_ =	sdelay $0x1  }
0x92: {  	v4 =	vadd.s32 v1, v4;
	_ =	sdelay $0x1  }
0x93: {  	v3 =	vperm.xlane v3, v2;
	_ =	sdelay $0x1  }
0x94: {  	s1 =	simm.s32 $0x4500;
	v3 =	vadd.s32 v1, v3  }
0x95: {  	[hbm4b:s4+s3] =	stream.indirect_vreg.scatter [tilespmem:s1], [sflag:$0x1], $0x80, v4, vm0, $0xb8;
	[tilespmem:$0x10500] =	vst v63  }
0x96: {  	s23 =	simm.s32 $0x4D00  }
0x97: {  	[hbm4b:s5+s3] =	stream.indirect_vreg.scatter [tilespmem:s23], [sflag:$0x1], $0x80, v4, vm0, $0xb8;
	[tilespmem:$0x10500] =	vst v63  }
0x98: {  	s2 =	simm.s32 $0x5500  }
0x99: {  	[hbm4b:s4+s3] =	stream.indirect_vreg.scatter [tilespmem:s2], [sflag:$0x1], $0x80, v3, vm0, $0xb8;
	[tilespmem:$0x10500] =	vst v63  }
0x9a: {  	_ = 	snop  }
0x9b: {  	[hbm4b:s5+s3] =	stream.indirect_vreg.scatter [tilespmem:s8], [sflag:$0x1], $0x80, v3, vm0, $0xb8;
	[tilespmem:$0x10500] =	vst v63  }
0x9c: {  	v3 =	vld [tilespmem:$0x430];
	_ =	sdelay $0x4  }
0x9d: {  	v51 =	vshll.u32 v3, $0x2  }
0x9e: {  	v3 =	vand.u32 $0x7, v3;
	v4 =	vand.u32 $0xFFFFFFE0, v51  }
0x9f: {  	v3 =	vor.u32 v3, v4  }
0xa0: {  	v4 =	vperm.xlane v3, v0;
	_ =	sdelay $0x1  }
0xa1: {  	v4 =	vadd.s32 v1, v4;
	_ =	sdelay $0x1  }
0xa2: {  	v3 =	vperm.xlane v3, v2;
	_ =	sdelay $0x1  }
0xa3: {  	v3 =	vadd.s32 v1, v3  }
0xa4: {  	[hbm4b:s4+s3] =	stream.indirect_vreg.scatter [tilespmem:s9], [sflag:$0x1], $0x80, v4, vm0, $0xb8;
	[tilespmem:$0x10500] =	vst v63  }
0xa5: {  	_ = 	snop  }
0xa6: {  	[hbm4b:s5+s3] =	stream.indirect_vreg.scatter [tilespmem:s12], [sflag:$0x1], $0x80, v4, vm0, $0xb8;
	[tilespmem:$0x10500] =	vst v63  }
0xa7: {  	_ = 	snop  }
0xa8: {  	[hbm4b:s4+s3] =	stream.indirect_vreg.scatter [tilespmem:s13], [sflag:$0x1], $0x80, v3, vm0, $0xb8;
	[tilespmem:$0x10500] =	vst v63  }
0xa9: {  	_ = 	snop  }
0xaa: {  	[hbm4b:s5+s3] =	stream.indirect_vreg.scatter [tilespmem:s14], [sflag:$0x1], $0x80, v3, vm0, $0xb8;
	[tilespmem:$0x10500] =	vst v63  }
0xab: {  	v3 =	vld [tilespmem:$0x440];
	_ =	sdelay $0x4  }
0xac: {  	v52 =	vshll.u32 v3, $0x2  }
0xad: {  	v3 =	vand.u32 $0x7, v3;
	v4 =	vand.u32 $0xFFFFFFE0, v52  }
0xae: {  	v3 =	vor.u32 v3, v4  }
0xaf: {  	v4 =	vperm.xlane v3, v0;
	_ =	sdelay $0x1  }
0xb0: {  	v4 =	vadd.s32 v1, v4;
	_ =	sdelay $0x1  }
0xb1: {  	v3 =	vperm.xlane v3, v2;
	_ =	sdelay $0x1  }
0xb2: {  	v3 =	vadd.s32 v1, v3  }
0xb3: {  	[hbm4b:s4+s3] =	stream.indirect_vreg.scatter [tilespmem:s15], [sflag:$0x1], $0x80, v4, vm0, $0xb8;
	[tilespmem:$0x10500] =	vst v63  }
0xb4: {  	_ = 	snop  }
0xb5: {  	[hbm4b:s5+s3] =	stream.indirect_vreg.scatter [tilespmem:s16], [sflag:$0x1], $0x80, v4, vm0, $0xb8;
	[tilespmem:$0x10500] =	vst v63  }
0xb6: {  	_ = 	snop  }
0xb7: {  	[hbm4b:s4+s3] =	stream.indirect_vreg.scatter [tilespmem:s17], [sflag:$0x1], $0x80, v3, vm0, $0xb8;
	[tilespmem:$0x10500] =	vst v63  }
0xb8: {  	_ = 	snop  }
0xb9: {  	[hbm4b:s5+s3] =	stream.indirect_vreg.scatter [tilespmem:s18], [sflag:$0x1], $0x80, v3, vm0, $0xb8;
	[tilespmem:$0x10500] =	vst v63  }
0xba: {  	v3 =	vld [tilespmem:$0x450];
	_ =	sdelay $0x4  }
0xbb: {  	v53 =	vshll.u32 v3, $0x2  }
0xbc: {  	v3 =	vand.u32 $0x7, v3;
	v4 =	vand.u32 $0xFFFFFFE0, v53  }
0xbd: {  	v3 =	vor.u32 v3, v4  }
0xbe: {  	v4 =	vperm.xlane v3, v0;
	_ =	sdelay $0x1  }
0xbf: {  	v4 =	vadd.s32 v1, v4;
	_ =	sdelay $0x1  }
0xc0: {  	v3 =	vperm.xlane v3, v2;
	_ =	sdelay $0x1  }
0xc1: {  	v3 =	vadd.s32 v1, v3  }
0xc2: {  	[hbm4b:s4+s3] =	stream.indirect_vreg.scatter [tilespmem:s19], [sflag:$0x1], $0x80, v4, vm0, $0xb8;
	[tilespmem:$0x10500] =	vst v63  }
0xc3: {  	_ = 	snop  }
0xc4: {  	[hbm4b:s5+s3] =	stream.indirect_vreg.scatter [tilespmem:s20], [sflag:$0x1], $0x80, v4, vm0, $0xb8;
	[tilespmem:$0x10500] =	vst v63  }
0xc5: {  	_ = 	snop  }
0xc6: {  	[hbm4b:s4+s3] =	stream.indirect_vreg.scatter [tilespmem:s10], [sflag:$0x1], $0x80, v3, vm0, $0xb8;
	[tilespmem:$0x10500] =	vst v63  }
0xc7: {  	s23 =	simm.s32 $0xBD00  }
0xc8: {  	[hbm4b:s5+s3] =	stream.indirect_vreg.scatter [tilespmem:s23], [sflag:$0x1], $0x80, v3, vm0, $0xb8;
	[tilespmem:$0x10500] =	vst v63  }
0xc9: {  	v3 =	vld [tilespmem:$0x460];
	_ =	sdelay $0x4  }
0xca: {  	v54 =	vshll.u32 v3, $0x2  }
0xcb: {  	v3 =	vand.u32 $0x7, v3;
	v4 =	vand.u32 $0xFFFFFFE0, v54  }
0xcc: {  	v3 =	vor.u32 v3, v4  }
0xcd: {  	v4 =	vperm.xlane v3, v0;
	_ =	sdelay $0x1  }
0xce: {  	v4 =	vadd.s32 v1, v4;
	_ =	sdelay $0x1  }
0xcf: {  	v3 =	vperm.xlane v3, v2;
	_ =	sdelay $0x1  }
0xd0: {  	v3 =	vadd.s32 v1, v3  }
0xd1: {  	[hbm4b:s4+s3] =	stream.indirect_vreg.scatter [tilespmem:s24], [sflag:$0x1], $0x80, v4, vm0, $0xb8;
	[tilespmem:$0x10500] =	vst v63  }
0xd2: {  	s0 =	simm.s32 $0xCD00  }
0xd3: {  	[hbm4b:s5+s3] =	stream.indirect_vreg.scatter [tilespmem:s0], [sflag:$0x1], $0x80, v4, vm0, $0xb8;
	[tilespmem:$0x10500] =	vst v63  }
0xd4: {  	s0 =	simm.s32 $0xD500  }
0xd5: {  	[hbm4b:s4+s3] =	stream.indirect_vreg.scatter [tilespmem:s0], [sflag:$0x1], $0x80, v3, vm0, $0xb8;
	[tilespmem:$0x10500] =	vst v63  }
0xd6: {  	s0 =	simm.s32 $0xDD00  }
0xd7: {  	[hbm4b:s5+s3] =	stream.indirect_vreg.scatter [tilespmem:s0], [sflag:$0x1], $0x80, v3, vm0, $0xb8;
	[tilespmem:$0x10500] =	vst v63  }
0xd8: {  	v3 =	vld [tilespmem:$0x470];
	_ =	sdelay $0x4  }
0xd9: {  	v55 =	vshll.u32 v3, $0x2  }
0xda: {  	v3 =	vand.u32 $0x7, v3;
	v4 =	vand.u32 $0xFFFFFFE0, v55  }
0xdb: {  	v3 =	vor.u32 v3, v4  }
0xdc: {  	v4 =	vperm.xlane v3, v0;
	_ =	sdelay $0x1  }
0xdd: {  	v4 =	vadd.s32 v1, v4;
	_ =	sdelay $0x1  }
0xde: {  	v3 =	vperm.xlane v3, v2;
	_ =	sdelay $0x1  }
0xdf: {  	s0 =	simm.s32 $0xE500;
	v3 =	vadd.s32 v1, v3  }
0xe0: {  	[hbm4b:s4+s3] =	stream.indirect_vreg.scatter [tilespmem:s0], [sflag:$0x1], $0x80, v4, vm0, $0xb8;
	[tilespmem:$0x10500] =	vst v63  }
0xe1: {  	s0 =	simm.s32 $0xED00  }
0xe2: {  	[hbm4b:s5+s3] =	stream.indirect_vreg.scatter [tilespmem:s0], [sflag:$0x1], $0x80, v4, vm0, $0xb8;
	[tilespmem:$0x10500] =	vst v63  }
0xe3: {  	s0 =	simm.s32 $0xF500  }
0xe4: {  	[hbm4b:s4+s3] =	stream.indirect_vreg.scatter [tilespmem:s0], [sflag:$0x1], $0x80, v3, vm0, $0xb8;
	[tilespmem:$0x10500] =	vst v63  }
0xe5: {  	s0 =	simm.s32 $0xFD00  }
0xe6: {  	[hbm4b:s5+s3] =	stream.indirect_vreg.scatter [tilespmem:s0], [sflag:$0x1], $0x80, v3, vm0, $0xb8;
	[tilespmem:$0x10500] =	vst v63  }
0xe7: {  	v3 =	vld [tilespmem:$0x480];
	_ =	sdelay $0x4  }
0xe8: {  	v56 =	vshll.u32 v3, $0x2  }
0xe9: {  	v3 =	vand.u32 $0x7, v3;
	v4 =	vand.u32 $0xFFFFFFE0, v56  }
0xea: {  	v3 =	vor.u32 v3, v4  }
0xeb: {  	v4 =	vperm.xlane v3, v0;
	_ =	sdelay $0x1  }
0xec: {  	v4 =	vadd.s32 v1, v4;
	_ =	sdelay $0x1  }
0xed: {  	v3 =	vperm.xlane v3, v2;
	_ =	sdelay $0x1  }
0xee: {  	s0 =	simm.s32 $0x500;
	v3 =	vadd.s32 v1, v3  }
0xef: {  	[hbm4b:s4+s3] =	stream.indirect_vreg.scatter [tilespmem:s0], [sflag:$0x1], $0x80, v4, vm0, $0xb8;
	[tilespmem:$0x10500] =	vst v63  }
0xf0: {  	_ = 	snop  }
0xf1: {  	[hbm4b:s5+s3] =	stream.indirect_vreg.scatter [tilespmem:s22], [sflag:$0x1], $0x80, v4, vm0, $0xb8;
	[tilespmem:$0x10500] =	vst v63  }
0xf2: {  	_ = 	snop  }
0xf3: {  	[hbm4b:s4+s3] =	stream.indirect_vreg.scatter [tilespmem:s25], [sflag:$0x1], $0x80, v3, vm0, $0xb8;
	[tilespmem:$0x10500] =	vst v63  }
0xf4: {  	_ = 	snop  }
0xf5: {  	[hbm4b:s5+s3] =	stream.indirect_vreg.scatter [tilespmem:s26], [sflag:$0x1], $0x80, v3, vm0, $0xb8;
	[tilespmem:$0x10500] =	vst v63  }
0xf6: {  	v3 =	vld [tilespmem:$0x490];
	_ =	sdelay $0x4  }
0xf7: {  	v57 =	vshll.u32 v3, $0x2  }
0xf8: {  	v3 =	vand.u32 $0x7, v3;
	v4 =	vand.u32 $0xFFFFFFE0, v57  }
0xf9: {  	v3 =	vor.u32 v3, v4  }
0xfa: {  	v4 =	vperm.xlane v3, v0;
	_ =	sdelay $0x1  }
0xfb: {  	v4 =	vadd.s32 v1, v4;
	_ =	sdelay $0x1  }
0xfc: {  	v3 =	vperm.xlane v3, v2;
	_ =	sdelay $0x1  }
0xfd: {  	v3 =	vadd.s32 v1, v3  }
0xfe: {  	[hbm4b:s4+s3] =	stream.indirect_vreg.scatter [tilespmem:s28], [sflag:$0x1], $0x80, v4, vm0, $0xb8;
	[tilespmem:$0x10500] =	vst v63  }
0xff: {  	_ = 	snop  }
0x100: {  	[hbm4b:s5+s3] =	stream.indirect_vreg.scatter [tilespmem:s29], [sflag:$0x1], $0x80, v4, vm0, $0xb8;
	[tilespmem:$0x10500] =	vst v63  }
0x101: {  	_ = 	snop  }
0x102: {  	[hbm4b:s4+s3] =	stream.indirect_vreg.scatter [tilespmem:s30], [sflag:$0x1], $0x80, v3, vm0, $0xb8;
	[tilespmem:$0x10500] =	vst v63  }
0x103: {  	_ = 	snop  }
0x104: {  	[hbm4b:s5+s3] =	stream.indirect_vreg.scatter [tilespmem:s31], [sflag:$0x1], $0x80, v3, vm0, $0xb8;
	[tilespmem:$0x10500] =	vst v63  }
0x105: {  	v3 =	vld [tilespmem:$0x4A0];
	_ =	sdelay $0x4  }
0x106: {  	v58 =	vshll.u32 v3, $0x2  }
0x107: {  	v3 =	vand.u32 $0x7, v3;
	v4 =	vand.u32 $0xFFFFFFE0, v58  }
0x108: {  	v3 =	vor.u32 v3, v4  }
0x109: {  	v4 =	vperm.xlane v3, v0;
	_ =	sdelay $0x1  }
0x10a: {  	v4 =	vadd.s32 v1, v4;
	_ =	sdelay $0x1  }
0x10b: {  	v3 =	vperm.xlane v3, v2;
	_ =	sdelay $0x1  }
0x10c: {  	v3 =	vadd.s32 v1, v3  }
0x10d: {  	[hbm4b:s4+s3] =	stream.indirect_vreg.scatter [tilespmem:s1], [sflag:$0x1], $0x80, v4, vm0, $0xb8;
	[tilespmem:$0x10500] =	vst v63  }
0x10e: {  	s1 =	simm.s32 $0x4D00  }
0x10f: {  	[hbm4b:s5+s3] =	stream.indirect_vreg.scatter [tilespmem:s1], [sflag:$0x1], $0x80, v4, vm0, $0xb8;
	[tilespmem:$0x10500] =	vst v63  }
0x110: {  	_ = 	snop  }
0x111: {  	[hbm4b:s4+s3] =	stream.indirect_vreg.scatter [tilespmem:s2], [sflag:$0x1], $0x80, v3, vm0, $0xb8;
	[tilespmem:$0x10500] =	vst v63  }
0x112: {  	_ = 	snop  }
0x113: {  	[hbm4b:s5+s3] =	stream.indirect_vreg.scatter [tilespmem:s8], [sflag:$0x1], $0x80, v3, vm0, $0xb8;
	[tilespmem:$0x10500] =	vst v63  }
0x114: {  	v3 =	vld [tilespmem:$0x4B0];
	_ =	sdelay $0x4  }
0x115: {  	v59 =	vshll.u32 v3, $0x2  }
0x116: {  	v3 =	vand.u32 $0x7, v3;
	v4 =	vand.u32 $0xFFFFFFE0, v59  }
0x117: {  	v3 =	vor.u32 v3, v4  }
0x118: {  	v4 =	vperm.xlane v3, v0;
	_ =	sdelay $0x1  }
0x119: {  	v4 =	vadd.s32 v1, v4;
	_ =	sdelay $0x1  }
0x11a: {  	v3 =	vperm.xlane v3, v2;
	_ =	sdelay $0x1  }
0x11b: {  	v3 =	vadd.s32 v1, v3  }
0x11c: {  	[hbm4b:s4+s3] =	stream.indirect_vreg.scatter [tilespmem:s9], [sflag:$0x1], $0x80, v4, vm0, $0xb8;
	[tilespmem:$0x10500] =	vst v63  }
0x11d: {  	_ = 	snop  }
0x11e: {  	[hbm4b:s5+s3] =	stream.indirect_vreg.scatter [tilespmem:s12], [sflag:$0x1], $0x80, v4, vm0, $0xb8;
	[tilespmem:$0x10500] =	vst v63  }
0x11f: {  	_ = 	snop  }
0x120: {  	[hbm4b:s4+s3] =	stream.indirect_vreg.scatter [tilespmem:s13], [sflag:$0x1], $0x80, v3, vm0, $0xb8;
	[tilespmem:$0x10500] =	vst v63  }
0x121: {  	_ = 	snop  }
0x122: {  	[hbm4b:s5+s3] =	stream.indirect_vreg.scatter [tilespmem:s14], [sflag:$0x1], $0x80, v3, vm0, $0xb8;
	[tilespmem:$0x10500] =	vst v63  }
0x123: {  	v3 =	vld [tilespmem:$0x4C0];
	_ =	sdelay $0x4  }
0x124: {  	v60 =	vshll.u32 v3, $0x2  }
0x125: {  	v3 =	vand.u32 $0x7, v3;
	v4 =	vand.u32 $0xFFFFFFE0, v60  }
0x126: {  	v3 =	vor.u32 v3, v4  }
0x127: {  	v4 =	vperm.xlane v3, v0;
	_ =	sdelay $0x1  }
0x128: {  	v4 =	vadd.s32 v1, v4;
	_ =	sdelay $0x1  }
0x129: {  	v3 =	vperm.xlane v3, v2;
	_ =	sdelay $0x1  }
0x12a: {  	v3 =	vadd.s32 v1, v3  }
0x12b: {  	[hbm4b:s4+s3] =	stream.indirect_vreg.scatter [tilespmem:s15], [sflag:$0x1], $0x80, v4, vm0, $0xb8;
	[tilespmem:$0x10500] =	vst v63  }
0x12c: {  	_ = 	snop  }
0x12d: {  	[hbm4b:s5+s3] =	stream.indirect_vreg.scatter [tilespmem:s16], [sflag:$0x1], $0x80, v4, vm0, $0xb8;
	[tilespmem:$0x10500] =	vst v63  }
0x12e: {  	_ = 	snop  }
0x12f: {  	[hbm4b:s4+s3] =	stream.indirect_vreg.scatter [tilespmem:s17], [sflag:$0x1], $0x80, v3, vm0, $0xb8;
	[tilespmem:$0x10500] =	vst v63  }
0x130: {  	_ = 	snop  }
0x131: {  	[hbm4b:s5+s3] =	stream.indirect_vreg.scatter [tilespmem:s18], [sflag:$0x1], $0x80, v3, vm0, $0xb8;
	[tilespmem:$0x10500] =	vst v63  }
0x132: {  	v3 =	vld [tilespmem:$0x4D0];
	_ =	sdelay $0x4  }
0x133: {  	v61 =	vshll.u32 v3, $0x2  }
0x134: {  	v3 =	vand.u32 $0x7, v3;
	v4 =	vand.u32 $0xFFFFFFE0, v61  }
0x135: {  	v3 =	vor.u32 v3, v4  }
0x136: {  	v4 =	vperm.xlane v3, v0;
	_ =	sdelay $0x1  }
0x137: {  	v4 =	vadd.s32 v1, v4;
	_ =	sdelay $0x1  }
0x138: {  	v3 =	vperm.xlane v3, v2;
	_ =	sdelay $0x1  }
0x139: {  	v3 =	vadd.s32 v1, v3  }
0x13a: {  	[hbm4b:s4+s3] =	stream.indirect_vreg.scatter [tilespmem:s19], [sflag:$0x1], $0x80, v4, vm0, $0xb8;
	[tilespmem:$0x10500] =	vst v63  }
0x13b: {  	_ = 	snop  }
0x13c: {  	[hbm4b:s5+s3] =	stream.indirect_vreg.scatter [tilespmem:s20], [sflag:$0x1], $0x80, v4, vm0, $0xb8;
	[tilespmem:$0x10500] =	vst v63  }
0x13d: {  	_ = 	snop  }
0x13e: {  	[hbm4b:s4+s3] =	stream.indirect_vreg.scatter [tilespmem:s10], [sflag:$0x1], $0x80, v3, vm0, $0xb8;
	[tilespmem:$0x10500] =	vst v63  }
0x13f: {  	_ = 	snop  }
0x140: {  	[hbm4b:s5+s3] =	stream.indirect_vreg.scatter [tilespmem:s23], [sflag:$0x1], $0x80, v3, vm0, $0xb8;
	[tilespmem:$0x10500] =	vst v63  }
0x141: {  	v3 =	vld [tilespmem:$0x4E0];
	_ =	sdelay $0x4  }
0x142: {  	v62 =	vshll.u32 v3, $0x2  }
0x143: {  	v3 =	vand.u32 $0x7, v3;
	v4 =	vand.u32 $0xFFFFFFE0, v62  }
0x144: {  	v3 =	vor.u32 v3, v4  }
0x145: {  	v4 =	vperm.xlane v3, v0;
	_ =	sdelay $0x1  }
0x146: {  	v4 =	vadd.s32 v1, v4;
	_ =	sdelay $0x1  }
0x147: {  	v3 =	vperm.xlane v3, v2;
	_ =	sdelay $0x1  }
0x148: {  	v3 =	vadd.s32 v1, v3  }
0x149: {  	[hbm4b:s4+s3] =	stream.indirect_vreg.scatter [tilespmem:s24], [sflag:$0x1], $0x80, v4, vm0, $0xb8;
	[tilespmem:$0x10500] =	vst v63  }
0x14a: {  	s22 =	simm.s32 $0xCD00  }
0x14b: {  	[hbm4b:s5+s3] =	stream.indirect_vreg.scatter [tilespmem:s22], [sflag:$0x1], $0x80, v4, vm0, $0xb8;
	[tilespmem:$0x10500] =	vst v63  }
0x14c: {  	s23 =	simm.s32 $0xD500  }
0x14d: {  	[hbm4b:s4+s3] =	stream.indirect_vreg.scatter [tilespmem:s23], [sflag:$0x1], $0x80, v3, vm0, $0xb8;
	[tilespmem:$0x10500] =	vst v63  }
0x14e: {  	s1 =	simm.s32 $0xDD00  }
0x14f: {  	[hbm4b:s5+s3] =	stream.indirect_vreg.scatter [tilespmem:s1], [sflag:$0x1], $0x80, v3, vm0, $0xb8;
	[tilespmem:$0x10500] =	vst v63  }
0x150: {  	v3 =	vld [tilespmem:$0x4F0];
	_ =	sdelay $0x4  }
0x151: {  	v63 =	vshll.u32 v3, $0x2  }
0x152: {  	v3 =	vand.u32 $0x7, v3;
	v4 =	vand.u32 $0xFFFFFFE0, v63  }
0x153: {  	v3 =	vor.u32 v3, v4  }
0x154: {  	v4 =	vperm.xlane v3, v0;
	_ =	sdelay $0x1  }
0x155: {  	v4 =	vadd.s32 v1, v4;
	_ =	sdelay $0x1  }
0x156: {  	v3 =	vperm.xlane v3, v2;
	_ =	sdelay $0x1  }
0x157: {  	s2 =	simm.s32 $0xE500;
	v3 =	vadd.s32 v1, v3  }
0x158: {  	[hbm4b:s4+s3] =	stream.indirect_vreg.scatter [tilespmem:s2], [sflag:$0x1], $0x80, v4, vm0, $0xb8;
	[tilespmem:$0x10500] =	vst v63  }
0x159: {  	s22 =	simm.s32 $0xED00  }
0x15a: {  	[hbm4b:s5+s3] =	stream.indirect_vreg.scatter [tilespmem:s22], [sflag:$0x1], $0x80, v4, vm0, $0xb8;
	[tilespmem:$0x10500] =	vst v63  }
0x15b: {  	s23 =	simm.s32 $0xF500  }
0x15c: {  	[hbm4b:s4+s3] =	stream.indirect_vreg.scatter [tilespmem:s23], [sflag:$0x1], $0x80, v3, vm0, $0xb8;
	[tilespmem:$0x10500] =	vst v63  }
0x15d: {  	s1 =	simm.s32 $0xFD00  }
0x15e: {  	[hbm4b:s5+s3] =	stream.indirect_vreg.scatter [tilespmem:s1], [sflag:$0x1], $0x80, v3, vm0, $0xb8;
	[tilespmem:$0x10500] =	vst v63  }
0x15f: {  	s0 =	simm.s32 $0x400;
	s2 =	simm.s32 $0x300;
	s22 =	rddreg [dreg:$0x2]  }
0x160: {  	[hbm4b:s22+s11] =	stream.indirect.scatter [tilespmem:s2], [sflag:$0x1], $0x1, s0, s11, $0xb8;
	[tilespmem:$0x10500] =	vst v63  }
0x161: {  	s23 =	simm.s32 $0x380;
	s1 =	simm.s32 $0x480  }
0x162: {  	[hbm4b:s22+s11] =	stream.indirect.scatter [tilespmem:s23], [sflag:$0x1], $0x1, s1, s11, $0xb8;
	[tilespmem:$0x10500] =	vst v63  }
0x163: {  	_ =	swait.ge [sflag:s21], $0x10000  }
0x164: {  	[sflag:s21] =	ssyncset.done $0x0  }
0x165: {  	[sflag:s21] =	ssyncadd.s32 $0xFFFF0000  }
0x166: {  	_ =	swait.ge [sflag:s21], $0x10000  }
0x167: {  	[sflag:s21] =	ssyncset.done $0x0  }
0x168: {  	[sflag:s21] =	ssyncadd.s32 $0xFFFF0000  }
0x169: {  	_ =	swait.ge [sflag:s21], $0x80  }
0x16a: {  	[sflag:s21] =	ssyncset.done $0x0  }
0x16b: {  	[sflag:s21] =	ssyncadd.s32 $0xFFFFFF80  }
0x16c: {  	_ =	swait.ge [sflag:s21], $0x80  }
0x16d: {  	[sflag:s21] =	ssyncset.done $0x0  }
0x16e: {  	s2 =	rddreg [dreg:$0xc];
	[sflag:s21] =	ssyncadd.s32 $0xFFFFFF80  }
0x16f: {  	[hbm4b:s2+s3] =	stream.linear.scatter [tilespmem:s0], [sflag:$0x2], $0x80, $0x38;
	[tilespmem:$0x10500] =	vst v63  }
0x170: {  	_ =	swait.ge [sflag:s7], $0x80  }
0x171: {  	p0 =	sne.s32 s6, $0x1;
	[sflag:s7] =	ssyncset.done $0x0  }
.Ltmp0:
0x172: {  	s23 =	rddreg [dreg:$0xd];
	[sflag:s7] =	ssyncadd.s32 $0xFFFFFF80;
	(pc) =	sbr.rel @p0 .LBB2_1-.Ltmp0, $4  }
0x173: {  	[hbm4b:s23+s3] =	stream.linear.scatter [tilespmem:s1], [sflag:$0x2], $0x80, $0x38;
	[tilespmem:$0x10500] =	vst v63  }
0x174: {  	_ =	swait.ge [sflag:s7], $0x80  }
0x175: {  	[sflag:s7] =	ssyncset.done $0x0  }
0x176: {  	s6 =	sadd.s32 $0xFFFFFFFF, s6;
	[sflag:s7] =	ssyncadd.s32 $0xFFFFFF80  }
0x177: {  	_ =	sfence.sel $0x180000  }
0x178: {  	[bflag:$0x0] =	sbarrier.arrive $0xFFFF  }
0x179: {  	_ =	strace $0x90000047  }
0x17a: {  	s0 =	stileid.u32;
	[bflag:$0x2] =	sbarrier.arrive $0xFFFF  }
0x17b: {  	p0 =	sne.s32 s0, $0x0;
	s0 =	rddreg [dreg:$0x3]  }
0x17c: {  	s0 =	sadd.s32 @!p0 $0x100000, s0  }
0x17d: {  	[sflag:s0] =	ssyncadd.tile.s32 @!p0 $0x1;
	_ =	shalt  }
.Lfunc_end2:
_tile_overlayer_lowered:
.L_overlay_start_2:
0x17e: {  	(tag) =	ssettag $0x2  }
0x17f: {  	s0 =	rddreg [dreg:$0x0];
	s2 =	stileid.u32  }
0x180: {  	s1 =	rddreg [dreg:$0x1];
	p0 =	sne.s32 s2, $0x0  }
0x181: {  	s3 =	rddreg [dreg:$0x2];
	[bflag:$0x3] =	sbarrier.arrive $0xFFFF;
	s2 =	simm.s32 @!p0 $0x1C02  }
0x182: {  	[timem:s3], [sflag:s2] =	dma.local @!p0 [hbm:s0], s1  }
0x183: {  	s0 =	simm.s32 @!p0 $0x2  }
0x184: {  	_ =	swait.ge @!p0 [sflag:s0], s1  }
0x185: {  	s1 =	ssub.s32 @!p0 $0x0, s1;
	[sflag:s0] =	ssyncset.done @!p0 $0x0  }
0x186: {  	[sflag:s0] =	ssyncadd.s32 @!p0 s1  }
0x187: {  	[bflag:$0x3] =	sbarrier.arrive $0xFFFF  }
0x188: {  	_ =	shalt  }

// kernel: kernel.9.cloned.1.call-start
scs
__scs_entry_jumppad:
0x0: {  	(pc) =	sbr.rel $0x88, $3  }
0x1: {  	(tag) =	ssettag $0x0;
	lr =	simm.s32 $0x1  }
0x2: {  	[smem:$0x3F95] =	sst lr;
	_ =	strace $0xD0000000  }
0x3: {  	_ = 	snop  }
0x4: {  	_ = 	snop  }
0x5: {  	_ = 	snop  }
0x6: {  	_ = 	snop  }
0x7: {  	_ = 	snop  }
__scs_overlays_trampoline_lowered:
0x8: {  	[smem:$0x3FA4] =	sst s0  }
0x9: {  	[smem:$0x3FA5] =	sst s1  }
0xa: {  	[smem:$0x3FA6] =	sst s2  }
0xb: {  	[smem:$0x3FA7] =	sst s3  }
0xc: {  	[smem:$0x3FA8] =	sst s4  }
0xd: {  	[smem:$0x3FA9] =	sst s5  }
0xe: {  	[smem:$0x3FAA] =	sst s6  }
0xf: {  	[smem:$0x3FAB] =	sst s7  }
0x10: {  	[smem:$0x3FAC] =	sst s8  }
0x11: {  	[smem:$0x3FAD] =	sst s9;
	s0 =	simm.s32 @!p0 $0x0  }
0x12: {  	s1 =	sld [smem:$0x3F93];
	s0 =	simm.s32 @p0 $0x1  }
0x13: {  	[smem:$0x3FAE] =	sst s0;
	s0 =	simm.s32 @!p1 $0x0  }
0x14: {  	s2 =	sld [smem:$0x3F92];
	s0 =	simm.s32 @p1 $0x1  }
0x15: {  	[smem:$0x3FAF] =	sst s0;
	s0 =	simm.s32 @!p2 $0x0  }
0x16: {  	s3 =	sld [smem:$0x3FDB];
	s0 =	simm.s32 @p2 $0x1  }
0x17: {  	s4 =	simm.s32 $0x1BF5;
	[smem:$0x3FB1] =	sst s0  }
0x18: {  	s0 =	sld [smem:$0x3F94];
	_ =	swait.ge [sflag:s4], $0x0  }
0x19: {  	s7 =	sld [smem:$0x3F95]  }
0x1a: {  	s8 =	sadd.s32 $0xFFFFE003, lr  }
0x1b: {  	s9 =	sadd.s32 $0xFFFFFEF7, lr;
	s5 =	simm.s32 $0xFFFFFFFF;
	p2 =	slt.u32 s8, $0xFFFFF086  }
0x1c: {  	p1 =	slt.u32 s9, $0xF7A;
	s5 =	simm.s32 @!p2 $0x0  }
0x1d: {  	s5 =	simm.s32 @p1 $0x1;
	p0 =	seq.s32 s7, s2  }
0x1e: {  	s7 =	smul.u32 @!p0 $0xF7A, s2;
	p2 =	seq.s32 @!p0 s5, $0x0  }
0x1f: {  	s9 =	smul.u32 $0xF7A, s1;
	s8 =	simm.s32 @!p0 $0x1BF5;
	p2 =	por !p2, p0  }
0x20: {  	[sflag:s8] =	ssyncset.s32 @!p0 $0xFFFFF086;
	s6 =	sadd.s32 @!p0 s3, s7;
	s7 =	simm.s32 @!p0 $0x108  }
0x21: {  	s3 =	sadd.s32 s3, s9;
	s6 =	sadd.s32 @!p0 $0x88, s6;
	s7 =	simm.s32 @p2 $0x1082  }
0x22: {  	[simem:s7], [sflag:s8] =	dma.local @!p0 [hbm:s6], $0xF7A  }
0x23: {  	s9 =	sor.u32 $0xD0000000, s2;
	s6 =	simm.s32 $0x108;
	_ =	swait.ge @!p0 [sflag:s8], $0x0  }
0x24: {  	s3 =	sadd.s32 $0x88, s3;
	s6 =	simm.s32 @!p1 $0x1082;
	[sflag:s4] =	ssyncset.s32 $0xFFFFF086  }
0x25: {  	[simem:s6], [sflag:s4] =	dma.local [hbm:s3], $0xF7A  }
0x26: {  	[smem:$0x3F95] =	sst s1;
	(tag) =	ssettag s2;
	_ =	strace s9  }
0x27: {  	s1 =	sld [smem:$0x3FA5]  }
0x28: {  	s2 =	sld [smem:$0x3FA6]  }
0x29: {  	s4 =	sld [smem:$0x3FA8]  }
0x2a: {  	p0 =	seq.s32 s5, $0x0;
	s5 =	sld [smem:$0x3FA9]  }
0x2b: {  	s6 =	sld [smem:$0x3FAA]  }
0x2c: {  	s7 =	sld [smem:$0x3FAB]  }
0x2d: {  	s3 =	simm.s32 $0x108;
	s8 =	sld [smem:$0x3FAC]  }
0x2e: {  	s3 =	simm.s32 @!p0 $0x1082;
	s9 =	sld [smem:$0x3FAD]  }
0x2f: {  	lr =	sadd.s32 s0, s3;
	s0 =	sld [smem:$0x3FA4]  }
0x30: {  	s3 =	sld [smem:$0x3FA7]  }
0x31: {  	[smem:$0x3FB0] =	sst s10  }
0x32: {  	s10 =	sld [smem:$0x3FAE];
	_ =	sdelay $0x3  }
0x33: {  	p0 =	seq.s32 s10, $0x1;
	s10 =	sld [smem:$0x3FB0];
	_ =	sdelay $0x3  }
0x34: {  	[smem:$0x3FB0] =	sst s10  }
0x35: {  	s10 =	sld [smem:$0x3FAF];
	_ =	sdelay $0x3  }
0x36: {  	p1 =	seq.s32 s10, $0x1;
	s10 =	sld [smem:$0x3FB0];
	_ =	sdelay $0x3  }
0x37: {  	[smem:$0x3FB0] =	sst s10  }
0x38: {  	s10 =	sld [smem:$0x3FB1]  }
0x39: {  	_ = 	snop;
	(pc) =	sbr.ind lr, $3  }
0x3a: {  	_ = 	snop  }
0x3b: {  	_ = 	snop  }
0x3c: {  	p2 =	seq.s32 s10, $0x1;
	s10 =	sld [smem:$0x3FB0]  }
0x3d: {  	_ =	shalt  }
0x3e: {  	_ =	shalt  }
0x3f: {  	_ =	shalt  }
0x40: {  	_ =	shalt  }
0x41: {  	_ =	shalt  }
0x42: {  	_ =	shalt  }
0x43: {  	_ =	shalt  }
0x44: {  	_ =	shalt  }
0x45: {  	_ =	shalt  }
0x46: {  	_ =	shalt  }
0x47: {  	_ =	shalt  }
0x48: {  	_ =	shalt  }
0x49: {  	_ =	shalt  }
0x4a: {  	_ =	shalt  }
0x4b: {  	_ =	shalt  }
0x4c: {  	_ =	shalt  }
0x4d: {  	_ =	shalt  }
0x4e: {  	_ =	shalt  }
0x4f: {  	_ =	shalt  }
0x50: {  	_ =	shalt  }
0x51: {  	_ =	shalt  }
0x52: {  	_ =	shalt  }
0x53: {  	_ =	shalt  }
0x54: {  	_ =	shalt  }
0x55: {  	_ =	shalt  }
0x56: {  	_ =	shalt  }
0x57: {  	_ =	shalt  }
0x58: {  	_ =	shalt  }
0x59: {  	_ =	shalt  }
0x5a: {  	_ =	shalt  }
0x5b: {  	_ =	shalt  }
0x5c: {  	_ =	shalt  }
0x5d: {  	_ =	shalt  }
0x5e: {  	_ =	shalt  }
0x5f: {  	_ =	shalt  }
0x60: {  	_ =	shalt  }
0x61: {  	_ =	shalt  }
0x62: {  	_ =	shalt  }
0x63: {  	_ =	shalt  }
0x64: {  	_ =	shalt  }
0x65: {  	_ =	shalt  }
0x66: {  	_ =	shalt  }
0x67: {  	_ =	shalt  }
0x68: {  	_ =	shalt  }
0x69: {  	_ =	shalt  }
0x6a: {  	_ =	shalt  }
0x6b: {  	_ =	shalt  }
0x6c: {  	_ =	shalt  }
0x6d: {  	_ =	shalt  }
0x6e: {  	_ =	shalt  }
0x6f: {  	_ =	shalt  }
0x70: {  	_ =	shalt  }
0x71: {  	_ =	shalt  }
0x72: {  	_ =	shalt  }
0x73: {  	_ =	shalt  }
0x74: {  	_ =	shalt  }
0x75: {  	_ =	shalt  }
0x76: {  	_ =	shalt  }
0x77: {  	_ =	shalt  }
0x78: {  	_ =	shalt  }
0x79: {  	_ =	shalt  }
0x7a: {  	_ =	shalt  }
0x7b: {  	_ =	shalt  }
0x7c: {  	_ =	shalt  }
0x7d: {  	_ =	shalt  }
0x7e: {  	_ =	shalt  }
0x7f: {  	_ =	shalt  }
0x80: {  	_ =	shalt  }
0x81: {  	_ =	shalt  }
0x82: {  	_ =	shalt  }
0x83: {  	_ =	shalt  }
0x84: {  	_ =	shalt  }
0x85: {  	_ =	shalt  }
0x86: {  	_ =	shalt  }
0x87: {  	_ =	shalt  }
.Lfunc_end0:
.L_simem_size_0:
called_computation.3_lowered:
.L_overlay_start_0:
0x88: {  	s2 =	sld [smem:$0x3FD9]  }
0x89: {  	s3 =	sld [smem:$0x3FFE];
	_ =	sdelay $0x1  }
0x8a: {  	s1 =	srdreg.scid  }
0x8b: {  	s0 =	sand.u32 $0x1, s1  }
0x8c: {  	s14 =	sshll.u32 s0, $0xA;
	s2 =	sadd.s32 s3, s2  }
0x8d: {  	s2 =	sadd.s32 s2, s14  }
0x8e: {  	[smem:$0x3FBC] =	sst s2  }
0x8f: {  	_ = 	snop  }
0x90: {  	s2 =	sld [smem:$0x3FD0];
	_ =	sdelay $0x2  }
0x91: {  	s15 =	simm.s32 $0xA;
	s4 =	simm.s32 $0x10  }
0x92: {  	[smem:s4], [sflag:s15] =	dma.local [hbm:s2], $0x1  }
0x93: {  	_ =	swait.eq [sflag:s15], $0x1  }
0x94: {  	[sflag:s15] =	ssyncset.done $0x0  }
0x95: {  	[sflag:s15] =	ssyncadd.s32 $0xFFFFFFFF  }
0x96: {  	s16 =	sld [smem:$0x10];
	(tm) =	ssettm $0x1  }
0x97: {  	s17 =	sld [smem:$0x3FFB];
	_ =	sdelay $0x3  }
0x98: {  	_ =	strace s17  }
0x99: {  	s3 =	sld [smem:$0x3FFC];
	_ =	sdelay $0x3  }
0x9a: {  	_ =	strace s3  }
0x9b: {  	s3 =	sld [smem:$0x3FFD];
	_ =	sdelay $0x3  }
0x9c: {  	_ =	strace s3  }
0x9d: {  	_ =	strace $0x8FFFFFFF  }
0x9e: {  	s18 =	sld [smem:$0x3FDB];
	_ =	sdelay $0x1  }
0x9f: {  	s19 =	simm.s32 $_scs_section_size  }
0xa0: {  	s5 =	simm.s32 $_size__tile_overlayer_lowered;
	s6 =	simm.s32 $_tile_overlayer_lowered  }
0xa1: {  	s22 =	simm.s32 $0x1BFF;
	s21 =	sshll.u32 s6, $0x1;
	s3 =	sadd.s32 s19, s18  }
0xa2: {  	s7 =	simm.s32 $0x0;
	s20 =	sshll.u32 s5, $0x1;
	s5 =	sadd.s32 s21, s3  }
0xa3: {  	[timem:s7], [sflag:s22] =	dma.local [hbm:s5], s20  }
0xa4: {  	_ =	swait.ge [sflag:s22], s20  }
0xa5: {  	s4 =	ssub.s32 $0x0, s20;
	[sflag:s22] =	ssyncset.done $0x0  }
0xa6: {  	[sflag:s22] =	ssyncadd.s32 s4;
	_ =	sdelay $0x1  }
0xa7: {  	s23 =	simm.s32 $0x1B8B  }
0xa8: {  	_ =	swait.ge [sflag:s23], $0x1  }
0xa9: {  	[sflag:s23] =	ssyncset.done $0x0  }
0xaa: {  	s25 =	simm.s32 $0x1B8E;
	s24 =	sld [smem:$0x3FFE];
	[sflag:s23] =	ssyncadd.s32 $0xFFFFFFFF  }
0xab: {  	s26 =	simm.s32 $execute0_lowered;
	[smem:$0x3FD2] =	sst s25  }
0xac: {  	s5 =	sshll.u32 s26, $0x1;
	_ =	strace $0x8000004F;
	[dreg:$0x1] =	wrdreg $0xFFFFFFFF  }
0xad: {  	s28 =	simm.s32 $_size_execute0_lowered;
	s3 =	sadd.s32 s3, s5;
	[dreg:$0x0] =	wrdreg $0x0  }
0xae: {  	s5 =	sshll.u32 s28, $0x1;
	[dreg:$0x2] =	wrdreg s3  }
0xaf: {  	[dreg:$0x3] =	wrdreg s5  }
0xb0: {  	[dreg:$0x4] =	wrdreg $0xC0  }
0xb1: {  	_ =	task [dreg:s7], $0x5FFFF  }
0xb2: {  	[dreg:$0x1] =	wrdreg $0xFFFFFFFF  }
0xb3: {  	[dreg:$0x0] =	wrdreg $0x60  }
0xb4: {  	[dreg:$0x2] =	wrdreg s24  }
0xb5: {  	[dreg:$0x3] =	wrdreg s16  }
0xb6: {  	[dreg:$0x4] =	wrdreg $0x9  }
0xb7: {  	_ =	task.clear_ibuf [dreg:s7], $0x5FFFF;
	_ =	strace $0x9000004F  }
0xb8: {  	s29 =	simm.s32 $0x9;
	_ =	strace $0x80000051  }
0xb9: {  	_ =	swait.ge [sflag:s29], $0x1  }
0xba: {  	[sflag:s29] =	ssyncadd.s32 $0xFFFFFFFF  }
0xbb: {  	_ =	strace $0x90000051  }
0xbc: {  	_ =	sfence  }
0xbd: {  	s30 =	sld [smem:$0x0];
	_ =	sdelay $0x2  }
0xbe: {  	s31 =	sshll.u32 s1, $0xD;
	s1 =	sshrl.u32 s1, $0x2  }
0xbf: {  	s3 =	sand.u32 $0x4000, s31;
	s1 =	sadd.s32 s1, s30  }
0xc0: {  	s0 =	sor.u32 s3, s0;
	s1 =	sshll.u32 s1, $0x11  }
0xc1: {  	s0 =	sor.u32 s1, s0  }
0xc2: {  	s0 =	sadd.s32 $0x8F2B, s0  }
0xc3: {  	[sflag:s0] =	ssyncadd.remote.s32 $0x1  }
0xc4: {  	_ =	sfence.sel $0xFFFF  }
0xc5: {  	[dreg:$0x0] =	wrdreg $0xFFFFFFFF;
	(pc) =	sbr.abs _section_cstart, $3  }
0xc6: {  	[dreg:$0x1] =	wrdreg $0xFFFFFFFF  }
0xc7: {  	_ =	task.clear_ibuf [dreg:s7], $0x2FFFF;
	_ =	strace $0x9FFFFFFF  }
0xc8: {  	(tm) =	ssettm $0x7FFFFFFF  }
0xc9: {  	_ =	shalt  }
tec
execute0_lowered:
.L_overlay_start_1:
0x0: {  	(tag) =	ssettag $0x1  }
0x1: {  	s0 =	rddreg [dreg:$0x0]  }
0x2: {  	s1 =	rddreg [dreg:$0x1]  }
0x3: {  	s3 =	srdreg.scid;
	s4 =	stileid.u32;
	s2 =	simm.s32 $0x0  }
0x4: {  	s16 =	simm.s32 $0x3;
	s3 =	sand.u32 $0x1, s3;
	s4 =	sshll.u32 s4, $0x1  }
0x5: {  	s28 =	simm.s32 $0x2100;
	s29 =	simm.s32 $0x2900;
	s4 =	sor.u32 s3, s4  }
0x6: {  	s30 =	simm.s32 $0x3100;
	s5 =	sshll.u32 s4, $0x4;
	s4 =	sshll.u32 s4, $0xD  }
0x7: {  	[smem:$0x7FF] =	sst s2;
	s5 =	sadd.s32 s5, s0;
	s20 =	sadd.s32 s1, s4  }
0x8: {  	_ =	strace $0x80000050;
	s19 =	sadd.s32 $0xB1A00, s5;
	[dreg:$0x5] =	wrdreg s20  }
0x9: {  	s31 =	simm.s32 $0x3900;
	s5 =	sadd.s32 $0xB1C00, s5;
	[dreg:$0x3] =	wrdreg s19  }
0xa: {  	s17 =	simm.s32 $0x7100;
	s1 =	sadd.s32 $0x400, s20;
	[dreg:$0x4] =	wrdreg s5  }
0xb: {  	s8 =	simm.s32 $0x2;
	s21 =	sadd.s32 $0x800, s20;
	[dreg:$0x6] =	wrdreg s1  }
0xc: {  	s6 =	ssub.s32 $0x2, s3;
	s22 =	sadd.s32 $0xC00, s20;
	[dreg:$0x7] =	wrdreg s21  }
0xd: {  	s3 =	sadd.s32 $0x10E00, s0;
	s23 =	sadd.s32 $0x1000, s20;
	[dreg:$0x8] =	wrdreg s22  }
0xe: {  	s7 =	sshrl.u32 s6, $0x1;
	s24 =	sadd.s32 $0x1400, s20;
	[dreg:$0x9] =	wrdreg s23  }
0xf: {  	s7 =	ssub.s32 s6, s7;
	s25 =	sadd.s32 $0x1800, s20;
	[dreg:$0xa] =	wrdreg s24  }
0x10: {  	s6 =	sadd.s32 $0x10F00, s0;
	s0 =	sadd.s32 $0x1C00, s20;
	[dreg:$0xb] =	wrdreg s25  }
0x11: {  	s9 =	simm.s32 $0x0;
	s26 =	smax.u32 s7, $0x1;
	[dreg:$0xc] =	wrdreg s0  }
0x12: {  	s4 =	simm.s32 $0x7900;
	s20 =	simm.s32 $0x1100;
	[dreg:$0xd] =	wrdreg s26  }
0x13: {  	v2 =	vlaneseq.u32;
	s21 =	simm.s32 $0x1900;
	s22 =	simm.s32 $0x4100;
	s23 =	simm.s32 $0x4900  }
0x14: {  	vm0 =	vmmov $0xffff;
	v1 =	vshrl.u32 v2, $0x3;
	s24 =	simm.s32 $0x5100;
	s25 =	simm.s32 $0x5900;
	s26 =	simm.s32 $0x1  }
0x15: {  	v0 =	vand.u32 $0x7, v2;
	v2 =	vor.u32 $0x8, v2;
	v1 =	vmul.u32 $0x8, v1;
	s0 =	simm.s32 $0x6100;
	s1 =	simm.s32 $0x6900;
	s5 =	simm.s32 $0x8100  }
.LBB2_1:
0x16: {  	s7 =	rddreg [dreg:$0x3]  }
0x17: {  	[tilespmem:s2], [sflag:$0x3] =	stream.linear.gather [hbm4b:s7+s2], $0x80, $0x38;
	[tilespmem:$0xA100] =	vst v63  }
0x18: {  	_ =	swait.ge [sflag:s16], $0x80  }
0x19: {  	[sflag:s16] =	ssyncset.done $0x0  }
0x1a: {  	s10 =	simm.s32 $0x80;
	s15 =	rddreg [dreg:$0x4];
	[sflag:s16] =	ssyncadd.s32 $0xFFFFFF80  }
0x1b: {  	[tilespmem:s10], [sflag:$0x3] =	stream.linear.gather [hbm4b:s15+s2], $0x80, $0x38;
	[tilespmem:$0xA100] =	vst v63  }
0x1c: {  	_ =	swait.ge [sflag:s16], $0x80  }
0x1d: {  	[sflag:s16] =	ssyncset.done $0x0  }
0x1e: {  	[sflag:s16] =	ssyncadd.s32 $0xFFFFFF80  }
0x1f: {  	v3 =	vld [tilespmem:$0x0];
	_ =	sdelay $0x4  }
0x20: {  	v4 =	vshll.u32 v3, $0x2  }
0x21: {  	v3 =	vand.u32 $0x7, v3;
	v4 =	vand.u32 $0xFFFFFFE0, v4  }
0x22: {  	v3 =	vor.u32 v3, v4  }
0x23: {  	v4 =	vperm.xlane v3, v0;
	_ =	sdelay $0x1  }
0x24: {  	v4 =	vadd.s32 v1, v4;
	_ =	sdelay $0x1  }
0x25: {  	v3 =	vperm.xlane v3, v2;
	_ =	sdelay $0x1  }
0x26: {  	s18 =	simm.s32 $0x100;
	v3 =	vadd.s32 v1, v3  }
0x27: {  	[tilespmem:s18], [sflag:$0x1] =	stream.indirect_vreg.gather [hbm4b:s3+s2], $0x80, v4, vm0, $0xb8;
	[tilespmem:$0xA100] =	vst v63  }
0x28: {  	s19 =	simm.s32 $0x900  }
0x29: {  	[tilespmem:s19], [sflag:$0x1] =	stream.indirect_vreg.gather [hbm4b:s6+s2], $0x80, v4, vm0, $0xb8;
	[tilespmem:$0xA100] =	vst v63  }
0x2a: {  	_ = 	snop  }
0x2b: {  	[tilespmem:s20], [sflag:$0x1] =	stream.indirect_vreg.gather [hbm4b:s3+s2], $0x80, v3, vm0, $0xb8;
	[tilespmem:$0xA100] =	vst v63  }
0x2c: {  	_ = 	snop  }
0x2d: {  	[tilespmem:s21], [sflag:$0x1] =	stream.indirect_vreg.gather [hbm4b:s6+s2], $0x80, v3, vm0, $0xb8;
	[tilespmem:$0xA100] =	vst v63  }
0x2e: {  	v3 =	vld [tilespmem:$0x80];
	_ =	sdelay $0x4  }
0x2f: {  	v61 =	vshll.u32 v3, $0x2  }
0x30: {  	v3 =	vand.u32 $0x7, v3;
	v4 =	vand.u32 $0xFFFFFFE0, v61  }
0x31: {  	v3 =	vor.u32 v3, v4  }
0x32: {  	v4 =	vperm.xlane v3, v0;
	_ =	sdelay $0x1  }
0x33: {  	v4 =	vadd.s32 v1, v4;
	_ =	sdelay $0x1  }
0x34: {  	v3 =	vperm.xlane v3, v2;
	_ =	sdelay $0x1  }
0x35: {  	v3 =	vadd.s32 v1, v3  }
0x36: {  	[tilespmem:s22], [sflag:$0x1] =	stream.indirect_vreg.gather [hbm4b:s3+s2], $0x80, v4, vm0, $0xb8;
	[tilespmem:$0xA100] =	vst v63  }
0x37: {  	_ = 	snop  }
0x38: {  	[tilespmem:s23], [sflag:$0x1] =	stream.indirect_vreg.gather [hbm4b:s6+s2], $0x80, v4, vm0, $0xb8;
	[tilespmem:$0xA100] =	vst v63  }
0x39: {  	_ = 	snop  }
0x3a: {  	[tilespmem:s24], [sflag:$0x1] =	stream.indirect_vreg.gather [hbm4b:s3+s2], $0x80, v3, vm0, $0xb8;
	[tilespmem:$0xA100] =	vst v63  }
0x3b: {  	_ = 	snop  }
0x3c: {  	[tilespmem:s25], [sflag:$0x1] =	stream.indirect_vreg.gather [hbm4b:s6+s2], $0x80, v3, vm0, $0xb8;
	[tilespmem:$0xA100] =	vst v63  }
0x3d: {  	_ =	swait.ge [sflag:s26], $0x2000  }
0x3e: {  	[sflag:s26] =	ssyncset.done $0x0  }
0x3f: {  	[sflag:s26] =	ssyncadd.s32 $0xFFFFE000  }
0x40: {  	_ =	swait.ge [sflag:s26], $0x2000  }
0x41: {  	[sflag:s26] =	ssyncset.done $0x0  }
0x42: {  	[sflag:s26] =	ssyncadd.s32 $0xFFFFE000  }
0x43: {  	v3 =	vld [tilespmem:$0x10];
	_ =	sdelay $0x4  }
0x44: {  	v62 =	vshll.u32 v3, $0x2  }
0x45: {  	v3 =	vand.u32 $0x7, v3;
	v4 =	vand.u32 $0xFFFFFFE0, v62  }
0x46: {  	v3 =	vor.u32 v3, v4  }
0x47: {  	v4 =	vperm.xlane v3, v0;
	_ =	sdelay $0x1  }
0x48: {  	v4 =	vadd.s32 v1, v4;
	_ =	sdelay $0x1  }
0x49: {  	v3 =	vperm.xlane v3, v2;
	_ =	sdelay $0x1  }
0x4a: {  	v3 =	vadd.s32 v1, v3  }
0x4b: {  	[tilespmem:s28], [sflag:$0x2] =	stream.indirect_vreg.gather [hbm4b:s3+s2], $0x80, v4, vm0, $0xb8;
	[tilespmem:$0xA100] =	vst v63  }
0x4c: {  	_ = 	snop  }
0x4d: {  	[tilespmem:s29], [sflag:$0x2] =	stream.indirect_vreg.gather [hbm4b:s6+s2], $0x80, v4, vm0, $0xb8;
	[tilespmem:$0xA100] =	vst v63  }
0x4e: {  	_ = 	snop  }
0x4f: {  	[tilespmem:s30], [sflag:$0x2] =	stream.indirect_vreg.gather [hbm4b:s3+s2], $0x80, v3, vm0, $0xb8;
	[tilespmem:$0xA100] =	vst v63  }
0x50: {  	_ = 	snop  }
0x51: {  	[tilespmem:s31], [sflag:$0x2] =	stream.indirect_vreg.gather [hbm4b:s6+s2], $0x80, v3, vm0, $0xb8;
	[tilespmem:$0xA100] =	vst v63  }
0x52: {  	v3 =	vld [tilespmem:$0x90];
	_ =	sdelay $0x4  }
0x53: {  	v63 =	vshll.u32 v3, $0x2  }
0x54: {  	v3 =	vand.u32 $0x7, v3;
	v4 =	vand.u32 $0xFFFFFFE0, v63  }
0x55: {  	v3 =	vor.u32 v3, v4  }
0x56: {  	v4 =	vperm.xlane v3, v0;
	_ =	sdelay $0x1  }
0x57: {  	v4 =	vadd.s32 v1, v4;
	_ =	sdelay $0x1  }
0x58: {  	v3 =	vperm.xlane v3, v2;
	_ =	sdelay $0x1  }
0x59: {  	v3 =	vadd.s32 v1, v3  }
0x5a: {  	[tilespmem:s0], [sflag:$0x2] =	stream.indirect_vreg.gather [hbm4b:s3+s2], $0x80, v4, vm0, $0xb8;
	[tilespmem:$0xA100] =	vst v63  }
0x5b: {  	_ = 	snop  }
0x5c: {  	[tilespmem:s1], [sflag:$0x2] =	stream.indirect_vreg.gather [hbm4b:s6+s2], $0x80, v4, vm0, $0xb8;
	[tilespmem:$0xA100] =	vst v63  }
0x5d: {  	_ = 	snop  }
0x5e: {  	[tilespmem:s17], [sflag:$0x2] =	stream.indirect_vreg.gather [hbm4b:s3+s2], $0x80, v3, vm0, $0xb8;
	[tilespmem:$0xA100] =	vst v63  }
0x5f: {  	s10 =	simm.s32 $0x0  }
0x60: {  	[tilespmem:s4], [sflag:$0x2] =	stream.indirect_vreg.gather [hbm4b:s6+s2], $0x80, v3, vm0, $0xb8;
	[tilespmem:$0xA100] =	vst v63  }
.LBB2_2:
0x61: {  	s7 =	sshll.u32 s10, $0x9;
	s11 =	sshll.u32 s10, $0x7  }
0x62: {  	s13 =	simm.s32 $0x0;
	s7 =	sand.u32 $0x1000, s7;
	s11 =	sand.u32 $0x380, s11  }
0x63: {  	s15 =	sand.u32 $0x40, s13;
	s12 =	sor.u32 s7, s11  }
0x64: {  	s18 =	sand.u32 $0xC00, s13;
	s7 =	sor.u32 s15, s12  }
0x65: {  	s11 =	sor.u32 s18, s7  }
0x66: {  	v8 =	vld [tilespmem:s11+$0x130]  }
0x67: {  	v9 =	vld [tilespmem:s11+$0x4130]  }
0x68: {  	v4 =	vld [tilespmem:s11+$0x100]  }
0x69: {  	v5 =	vld [tilespmem:s11+$0x4100]  }
0x6a: {  	s19 =	simm.s32 $0x40;
	v3 =	vld [tilespmem:s11+$0x110]  }
0x6b: {  	s13 =	simm.s32 $0x200;
	s7 =	sand.u32 $0x40, s19;
	v6 =	vld [tilespmem:s11+$0x4110]  }
0x6c: {  	s14 =	simm.s32 $0x80;
	s15 =	sand.u32 $0xC00, s13;
	s7 =	sor.u32 s7, s12;
	v7 =	vld [tilespmem:s11+$0x120];
	v8 =	vadd.bf16 v9, v8  }
.LBB2_3:
0x6d: {  	p0 =	sne.s32 s14, $0x1C0;
	v9 =	vld [tilespmem:s11+$0x4120];
	s18 =	smov.u32 s11;
	s11 =	sor.u32 s15, s7  }
0x6e: {  	v10 =	vld [tilespmem:s11+$0x130];
	v5 =	vadd.bf16 v5, v4;
	[tilespmem:s18+$0x8130] =	vst v8  }
0x6f: {  	v8 =	vld [tilespmem:s11+$0x4130]  }
.Ltmp0:
0x70: {  	v4 =	vld [tilespmem:s11+$0x100];
	[tilespmem:s18+$0x8100] =	vst v5;
	v6 =	vadd.bf16 v6, v3;
	(pc) =	sbr.rel @p0 .LBB2_3-.Ltmp0, $4  }
0x71: {  	v5 =	vld [tilespmem:s11+$0x4100]  }
0x72: {  	v3 =	vld [tilespmem:s11+$0x110];
	[tilespmem:s18+$0x8110] =	vst v6;
	v9 =	vadd.bf16 v9, v7  }
0x73: {  	s7 =	sand.u32 $0x40, s14;
	s13 =	sadd.s32 $0x200, s13;
	v6 =	vld [tilespmem:s11+$0x4110]  }
0x74: {  	s14 =	sadd.s32 $0x40, s14;
	s15 =	sand.u32 $0xC00, s13;
	s7 =	sor.u32 s7, s12;
	v7 =	vld [tilespmem:s11+$0x120];
	v8 =	vadd.bf16 v8, v10;
	[tilespmem:s18+$0x8120] =	vst v9  }
0x75: {  	s7 =	sor.u32 s15, s7;
	v9 =	vld [tilespmem:s11+$0x4120]  }
0x76: {  	v10 =	vld [tilespmem:s7+$0x130];
	[tilespmem:s11+$0x8130] =	vst v8;
	v4 =	vadd.bf16 v5, v4  }
0x77: {  	v59 =	vld [tilespmem:s7+$0x4130]  }
0x78: {  	v8 =	vld [tilespmem:s7+$0x100];
	[tilespmem:s11+$0x8100] =	vst v4;
	v3 =	vadd.bf16 v6, v3  }
0x79: {  	v4 =	vld [tilespmem:s7+$0x4100]  }
0x7a: {  	v60 =	vld [tilespmem:s7+$0x110];
	[tilespmem:s11+$0x8110] =	vst v3;
	v3 =	vadd.bf16 v9, v7  }
0x7b: {  	v61 =	vld [tilespmem:s7+$0x4110]  }
0x7c: {  	v62 =	vld [tilespmem:s7+$0x120];
	[tilespmem:s11+$0x8120] =	vst v3  }
0x7d: {  	v3 =	vld [tilespmem:s7+$0x4120]  }
0x7e: {  	s10 =	sadd.s32 $0x1, s10  }
0x7f: {  	p0 =	sne.s32 s10, $0x10;
	v5 =	vadd.bf16 v59, v10  }
.Ltmp1:
0x80: {  	v4 =	vadd.bf16 v4, v8;
	(pc) =	sbr.rel @p0 .LBB2_2-.Ltmp1, $4  }
0x81: {  	[tilespmem:s7+$0x8130] =	vst v5;
	v63 =	vadd.bf16 v61, v60  }
0x82: {  	[tilespmem:s7+$0x8100] =	vst v4;
	v3 =	vadd.bf16 v3, v62  }
0x83: {  	[tilespmem:s7+$0x8110] =	vst v63  }
0x84: {  	[tilespmem:s7+$0x8120] =	vst v3  }
0x85: {  	s7 =	simm.s32 $0x0;
	s10 =	rddreg [dreg:$0x5]  }
0x86: {  	[hbm4b:s10+s7] =	stream.linear.scatter [tilespmem:s5], [sflag:$0x3], $0x2000, $0x38;
	[tilespmem:$0xA100] =	vst v63  }
0x87: {  	_ =	swait.ge [sflag:s16], $0x2000  }
0x88: {  	[sflag:s16] =	ssyncset.done $0x0  }
0x89: {  	[sflag:s16] =	ssyncadd.s32 $0xFFFFE000  }
0x8a: {  	_ =	swait.ge [sflag:s8], $0x2000  }
0x8b: {  	[sflag:s8] =	ssyncset.done $0x0  }
0x8c: {  	[sflag:s8] =	ssyncadd.s32 $0xFFFFE000  }
0x8d: {  	_ =	swait.ge [sflag:s8], $0x2000  }
0x8e: {  	[sflag:s8] =	ssyncset.done $0x0  }
0x8f: {  	[sflag:s8] =	ssyncadd.s32 $0xFFFFE000  }
0x90: {  	v3 =	vld [tilespmem:$0x20];
	_ =	sdelay $0x4  }
0x91: {  	v4 =	vshll.u32 v3, $0x2  }
0x92: {  	v3 =	vand.u32 $0x7, v3;
	v4 =	vand.u32 $0xFFFFFFE0, v4  }
0x93: {  	v3 =	vor.u32 v3, v4  }
0x94: {  	v4 =	vperm.xlane v3, v0;
	_ =	sdelay $0x1  }
0x95: {  	v4 =	vadd.s32 v1, v4;
	_ =	sdelay $0x1  }
0x96: {  	v3 =	vperm.xlane v3, v2;
	_ =	sdelay $0x1  }
0x97: {  	s14 =	simm.s32 $0x100;
	v3 =	vadd.s32 v1, v3  }
0x98: {  	[tilespmem:s14], [sflag:$0x1] =	stream.indirect_vreg.gather [hbm4b:s3+s7], $0x80, v4, vm0, $0xb8;
	[tilespmem:$0xA100] =	vst v63  }
0x99: {  	s15 =	simm.s32 $0x900  }
0x9a: {  	[tilespmem:s15], [sflag:$0x1] =	stream.indirect_vreg.gather [hbm4b:s6+s7], $0x80, v4, vm0, $0xb8;
	[tilespmem:$0xA100] =	vst v63  }
0x9b: {  	_ = 	snop  }
0x9c: {  	[tilespmem:s20], [sflag:$0x1] =	stream.indirect_vreg.gather [hbm4b:s3+s7], $0x80, v3, vm0, $0xb8;
	[tilespmem:$0xA100] =	vst v63  }
0x9d: {  	_ = 	snop  }
0x9e: {  	[tilespmem:s21], [sflag:$0x1] =	stream.indirect_vreg.gather [hbm4b:s6+s7], $0x80, v3, vm0, $0xb8;
	[tilespmem:$0xA100] =	vst v63  }
0x9f: {  	v3 =	vld [tilespmem:$0xA0];
	_ =	sdelay $0x4  }
0xa0: {  	v4 =	vshll.u32 v3, $0x2  }
0xa1: {  	v3 =	vand.u32 $0x7, v3;
	v4 =	vand.u32 $0xFFFFFFE0, v4  }
0xa2: {  	v3 =	vor.u32 v3, v4  }
0xa3: {  	v4 =	vperm.xlane v3, v0;
	_ =	sdelay $0x1  }
0xa4: {  	v4 =	vadd.s32 v1, v4;
	_ =	sdelay $0x1  }
0xa5: {  	v3 =	vperm.xlane v3, v2;
	_ =	sdelay $0x1  }
0xa6: {  	v3 =	vadd.s32 v1, v3  }
0xa7: {  	[tilespmem:s22], [sflag:$0x1] =	stream.indirect_vreg.gather [hbm4b:s3+s7], $0x80, v4, vm0, $0xb8;
	[tilespmem:$0xA100] =	vst v63  }
0xa8: {  	_ = 	snop  }
0xa9: {  	[tilespmem:s23], [sflag:$0x1] =	stream.indirect_vreg.gather [hbm4b:s6+s7], $0x80, v4, vm0, $0xb8;
	[tilespmem:$0xA100] =	vst v63  }
0xaa: {  	_ = 	snop  }
0xab: {  	[tilespmem:s24], [sflag:$0x1] =	stream.indirect_vreg.gather [hbm4b:s3+s7], $0x80, v3, vm0, $0xb8;
	[tilespmem:$0xA100] =	vst v63  }
0xac: {  	_ = 	snop  }
0xad: {  	[tilespmem:s25], [sflag:$0x1] =	stream.indirect_vreg.gather [hbm4b:s6+s7], $0x80, v3, vm0, $0xb8;
	[tilespmem:$0xA100] =	vst v63  }
0xae: {  	s18 =	sand.u32 $0x1000, s7;
	s7 =	sand.u32 $0x380, s7  }
0xaf: {  	s10 =	sor.u32 s7, s18  }
0xb0: {  	v3 =	vld [tilespmem:s10+$0x2D70]  }
0xb1: {  	v4 =	vld [tilespmem:s10+$0x6D70]  }
0xb2: {  	v5 =	vld [tilespmem:s10+$0x2100]  }
0xb3: {  	v6 =	vld [tilespmem:s10+$0x6100]  }
0xb4: {  	v7 =	vld [tilespmem:s10+$0x2110]  }
0xb5: {  	v8 =	vld [tilespmem:s10+$0x6110]  }
0xb6: {  	v9 =	vld [tilespmem:s10+$0x2120]  }
0xb7: {  	v10 =	vld [tilespmem:s10+$0x2130]  }
0xb8: {  	v11 =	vld [tilespmem:s10+$0x6D30];
	v3 =	vadd.bf16 v4, v3  }
0xb9: {  	v4 =	vld [tilespmem:s10+$0x6120]  }
0xba: {  	v5 =	vadd.bf16 v6, v5;
	[tilespmem:s10+$0x8D70] =	vst v3;
	v3 =	vld [tilespmem:s10+$0x6130]  }
0xbb: {  	v6 =	vld [tilespmem:s10+$0x2140]  }
0xbc: {  	[tilespmem:s10+$0x8100] =	vst v5;
	v5 =	vadd.bf16 v8, v7;
	v7 =	vld [tilespmem:s10+$0x6140]  }
0xbd: {  	v8 =	vld [tilespmem:s10+$0x6150]  }
0xbe: {  	[tilespmem:s10+$0x8110] =	vst v5;
	v5 =	vld [tilespmem:s10+$0x2150];
	v4 =	vadd.bf16 v4, v9  }
0xbf: {  	v9 =	vld [tilespmem:s10+$0x6160];
	v3 =	vadd.bf16 v3, v10  }
0xc0: {  	[tilespmem:s10+$0x8120] =	vst v4;
	v4 =	vld [tilespmem:s10+$0x2160]  }
0xc1: {  	[tilespmem:s10+$0x8130] =	vst v3;
	v3 =	vadd.bf16 v7, v6;
	v6 =	vld [tilespmem:s10+$0x2170]  }
0xc2: {  	v7 =	vld [tilespmem:s10+$0x6170]  }
0xc3: {  	[tilespmem:s10+$0x8140] =	vst v3;
	v3 =	vadd.bf16 v8, v5;
	v5 =	vld [tilespmem:s10+$0x2500]  }
0xc4: {  	v8 =	vld [tilespmem:s10+$0x6500]  }
0xc5: {  	[tilespmem:s10+$0x8150] =	vst v3;
	v3 =	vadd.bf16 v9, v4;
	v4 =	vld [tilespmem:s10+$0x2510]  }
0xc6: {  	v9 =	vld [tilespmem:s10+$0x6510]  }
0xc7: {  	[tilespmem:s10+$0x8160] =	vst v3;
	v3 =	vadd.bf16 v7, v6;
	v6 =	vld [tilespmem:s10+$0x2520]  }
0xc8: {  	v7 =	vld [tilespmem:s10+$0x6520]  }
0xc9: {  	[tilespmem:s10+$0x8170] =	vst v3;
	v3 =	vadd.bf16 v8, v5;
	v5 =	vld [tilespmem:s10+$0x2530]  }
0xca: {  	v8 =	vld [tilespmem:s10+$0x6530]  }
0xcb: {  	[tilespmem:s10+$0x8500] =	vst v3;
	v3 =	vadd.bf16 v9, v4;
	v4 =	vld [tilespmem:s10+$0x2540]  }
0xcc: {  	v9 =	vld [tilespmem:s10+$0x6540]  }
0xcd: {  	[tilespmem:s10+$0x8510] =	vst v3;
	v3 =	vadd.bf16 v7, v6;
	v6 =	vld [tilespmem:s10+$0x2550]  }
0xce: {  	v7 =	vld [tilespmem:s10+$0x6550]  }
0xcf: {  	[tilespmem:s10+$0x8520] =	vst v3;
	v3 =	vadd.bf16 v8, v5;
	v5 =	vld [tilespmem:s10+$0x2560]  }
0xd0: {  	v8 =	vld [tilespmem:s10+$0x6560]  }
0xd1: {  	[tilespmem:s10+$0x8530] =	vst v3;
	v3 =	vadd.bf16 v9, v4;
	v4 =	vld [tilespmem:s10+$0x2570]  }
0xd2: {  	v9 =	vld [tilespmem:s10+$0x6570]  }
0xd3: {  	[tilespmem:s10+$0x8540] =	vst v3;
	v3 =	vadd.bf16 v7, v6;
	v6 =	vld [tilespmem:s10+$0x2900]  }
0xd4: {  	v7 =	vld [tilespmem:s10+$0x6900]  }
0xd5: {  	[tilespmem:s10+$0x8550] =	vst v3;
	v3 =	vadd.bf16 v8, v5;
	v5 =	vld [tilespmem:s10+$0x2910]  }
0xd6: {  	v8 =	vld [tilespmem:s10+$0x6910]  }
0xd7: {  	[tilespmem:s10+$0x8560] =	vst v3;
	v3 =	vadd.bf16 v9, v4;
	v4 =	vld [tilespmem:s10+$0x2920]  }
0xd8: {  	v9 =	vld [tilespmem:s10+$0x6920]  }
0xd9: {  	[tilespmem:s10+$0x8570] =	vst v3;
	v3 =	vadd.bf16 v7, v6;
	v6 =	vld [tilespmem:s10+$0x2930]  }
0xda: {  	v7 =	vld [tilespmem:s10+$0x6930]  }
0xdb: {  	[tilespmem:s10+$0x8900] =	vst v3;
	v3 =	vadd.bf16 v8, v5;
	v5 =	vld [tilespmem:s10+$0x2940]  }
0xdc: {  	v8 =	vld [tilespmem:s10+$0x6940]  }
0xdd: {  	[tilespmem:s10+$0x8910] =	vst v3;
	v3 =	vadd.bf16 v9, v4;
	v4 =	vld [tilespmem:s10+$0x2950]  }
0xde: {  	v9 =	vld [tilespmem:s10+$0x6950]  }
0xdf: {  	[tilespmem:s10+$0x8920] =	vst v3;
	v3 =	vadd.bf16 v7, v6;
	v6 =	vld [tilespmem:s10+$0x2960]  }
0xe0: {  	v7 =	vld [tilespmem:s10+$0x6960]  }
0xe1: {  	[tilespmem:s10+$0x8930] =	vst v3;
	v3 =	vadd.bf16 v8, v5;
	v5 =	vld [tilespmem:s10+$0x2970]  }
0xe2: {  	v8 =	vld [tilespmem:s10+$0x6970]  }
0xe3: {  	[tilespmem:s10+$0x8940] =	vst v3;
	v3 =	vadd.bf16 v9, v4;
	v4 =	vld [tilespmem:s10+$0x2D00]  }
0xe4: {  	v9 =	vld [tilespmem:s10+$0x6D00]  }
0xe5: {  	[tilespmem:s10+$0x8950] =	vst v3;
	v3 =	vadd.bf16 v7, v6;
	v6 =	vld [tilespmem:s10+$0x2D10]  }
0xe6: {  	v7 =	vld [tilespmem:s10+$0x6D10]  }
0xe7: {  	v10 =	vld [tilespmem:s10+$0x6D20];
	[tilespmem:s10+$0x8960] =	vst v3;
	v3 =	vadd.bf16 v8, v5  }
0xe8: {  	v8 =	vld [tilespmem:s10+$0x2D20]  }
0xe9: {  	[tilespmem:s10+$0x8970] =	vst v3;
	v3 =	vadd.bf16 v9, v4;
	v9 =	vld [tilespmem:s10+$0x2D30]  }
0xea: {  	v5 =	vld [tilespmem:s10+$0x6D40]  }
0xeb: {  	v4 =	vadd.bf16 v7, v6;
	[tilespmem:s10+$0x8D00] =	vst v3;
	v3 =	vld [tilespmem:s10+$0x2D40]  }
0xec: {  	v6 =	vld [tilespmem:s10+$0x6D50]  }
0xed: {  	s19 =	simm.s32 $0x200;
	s11 =	simm.s32 $0x80;
	[tilespmem:s10+$0x8D10] =	vst v4;
	v7 =	vadd.bf16 v10, v8;
	v4 =	vld [tilespmem:s10+$0x2D50]  }
0xee: {  	s12 =	sand.u32 $0x380, s11;
	s7 =	sand.u32 $0x1000, s19;
	v8 =	vld [tilespmem:s10+$0x6D60];
	v9 =	vadd.bf16 v11, v9  }
0xef: {  	s13 =	sor.u32 s12, s7;
	s12 =	simm.s32 $0x400;
	[tilespmem:s10+$0x8D20] =	vst v7;
	v7 =	vld [tilespmem:s10+$0x2D60]  }
.LBB2_6:
0xf0: {  	p0 =	sne.s32 s12, $0x1E00;
	v10 =	vld [tilespmem:s13+$0x2D70];
	[tilespmem:s10+$0x8D30] =	vst v9;
	v3 =	vadd.bf16 v5, v3  }
0xf1: {  	v5 =	vld [tilespmem:s13+$0x6D70]  }
0xf2: {  	v9 =	vld [tilespmem:s13+$0x2100];
	[tilespmem:s10+$0x8D40] =	vst v3;
	v3 =	vadd.bf16 v6, v4  }
0xf3: {  	v4 =	vld [tilespmem:s13+$0x6100]  }
0xf4: {  	v6 =	vld [tilespmem:s13+$0x2110];
	[tilespmem:s10+$0x8D50] =	vst v3;
	v3 =	vadd.bf16 v8, v7  }
0xf5: {  	v7 =	vld [tilespmem:s13+$0x6110]  }
0xf6: {  	v8 =	vld [tilespmem:s13+$0x2120];
	v5 =	vadd.bf16 v5, v10;
	[tilespmem:s10+$0x8D60] =	vst v3;
	s10 =	smov.u32 s13  }
0xf7: {  	v3 =	vld [tilespmem:s10+$0x6120]  }
0xf8: {  	v4 =	vadd.bf16 v4, v9;
	v9 =	vld [tilespmem:s10+$0x2130];
	[tilespmem:s10+$0x8D70] =	vst v5  }
0xf9: {  	v5 =	vld [tilespmem:s10+$0x6130]  }
0xfa: {  	[tilespmem:s10+$0x8100] =	vst v4;
	v4 =	vadd.bf16 v7, v6;
	v6 =	vld [tilespmem:s10+$0x2140]  }
0xfb: {  	v7 =	vld [tilespmem:s10+$0x6140]  }
0xfc: {  	[tilespmem:s10+$0x8110] =	vst v4;
	v3 =	vadd.bf16 v3, v8;
	v4 =	vld [tilespmem:s10+$0x2150]  }
0xfd: {  	v8 =	vld [tilespmem:s10+$0x6150]  }
0xfe: {  	[tilespmem:s10+$0x8120] =	vst v3;
	v3 =	vadd.bf16 v5, v9;
	v5 =	vld [tilespmem:s10+$0x2160]  }
0xff: {  	v9 =	vld [tilespmem:s10+$0x6160]  }
0x100: {  	[tilespmem:s10+$0x8130] =	vst v3;
	v3 =	vadd.bf16 v7, v6;
	v6 =	vld [tilespmem:s10+$0x2170]  }
0x101: {  	v7 =	vld [tilespmem:s10+$0x6170]  }
0x102: {  	[tilespmem:s10+$0x8140] =	vst v3;
	v3 =	vadd.bf16 v8, v4;
	v4 =	vld [tilespmem:s10+$0x2500]  }
0x103: {  	v8 =	vld [tilespmem:s10+$0x6500]  }
0x104: {  	[tilespmem:s10+$0x8150] =	vst v3;
	v3 =	vadd.bf16 v9, v5;
	v5 =	vld [tilespmem:s10+$0x2510]  }
0x105: {  	v9 =	vld [tilespmem:s10+$0x6510]  }
0x106: {  	[tilespmem:s10+$0x8160] =	vst v3;
	v3 =	vadd.bf16 v7, v6;
	v6 =	vld [tilespmem:s10+$0x2520]  }
0x107: {  	v7 =	vld [tilespmem:s10+$0x6520]  }
0x108: {  	[tilespmem:s10+$0x8170] =	vst v3;
	v3 =	vadd.bf16 v8, v4;
	v4 =	vld [tilespmem:s10+$0x2530]  }
0x109: {  	v8 =	vld [tilespmem:s10+$0x6530]  }
0x10a: {  	[tilespmem:s10+$0x8500] =	vst v3;
	v3 =	vadd.bf16 v9, v5;
	v5 =	vld [tilespmem:s10+$0x2540]  }
0x10b: {  	v9 =	vld [tilespmem:s10+$0x6540]  }
0x10c: {  	[tilespmem:s10+$0x8510] =	vst v3;
	v3 =	vadd.bf16 v7, v6;
	v6 =	vld [tilespmem:s10+$0x2550]  }
0x10d: {  	v7 =	vld [tilespmem:s10+$0x6550]  }
0x10e: {  	[tilespmem:s10+$0x8520] =	vst v3;
	v3 =	vadd.bf16 v8, v4;
	v4 =	vld [tilespmem:s10+$0x2560]  }
0x10f: {  	v8 =	vld [tilespmem:s10+$0x6560]  }
0x110: {  	[tilespmem:s10+$0x8530] =	vst v3;
	v3 =	vadd.bf16 v9, v5;
	v5 =	vld [tilespmem:s10+$0x2570]  }
0x111: {  	v9 =	vld [tilespmem:s10+$0x6570]  }
0x112: {  	[tilespmem:s10+$0x8540] =	vst v3;
	v3 =	vadd.bf16 v7, v6;
	v6 =	vld [tilespmem:s10+$0x2900]  }
0x113: {  	v7 =	vld [tilespmem:s10+$0x6900]  }
0x114: {  	[tilespmem:s10+$0x8550] =	vst v3;
	v3 =	vadd.bf16 v8, v4;
	v4 =	vld [tilespmem:s10+$0x2910]  }
0x115: {  	v8 =	vld [tilespmem:s10+$0x6910]  }
0x116: {  	[tilespmem:s10+$0x8560] =	vst v3;
	v3 =	vadd.bf16 v9, v5;
	v5 =	vld [tilespmem:s10+$0x2920]  }
0x117: {  	v9 =	vld [tilespmem:s10+$0x6920]  }
0x118: {  	[tilespmem:s10+$0x8570] =	vst v3;
	v3 =	vadd.bf16 v7, v6;
	v6 =	vld [tilespmem:s10+$0x2930]  }
0x119: {  	v7 =	vld [tilespmem:s10+$0x6930]  }
0x11a: {  	[tilespmem:s10+$0x8900] =	vst v3;
	v3 =	vadd.bf16 v8, v4;
	v4 =	vld [tilespmem:s10+$0x2940]  }
0x11b: {  	v8 =	vld [tilespmem:s10+$0x6940]  }
0x11c: {  	[tilespmem:s10+$0x8910] =	vst v3;
	v3 =	vadd.bf16 v9, v5;
	v5 =	vld [tilespmem:s10+$0x2950]  }
0x11d: {  	v9 =	vld [tilespmem:s10+$0x6950]  }
0x11e: {  	[tilespmem:s10+$0x8920] =	vst v3;
	v3 =	vadd.bf16 v7, v6;
	v6 =	vld [tilespmem:s10+$0x2960]  }
0x11f: {  	v7 =	vld [tilespmem:s10+$0x6960]  }
0x120: {  	[tilespmem:s10+$0x8930] =	vst v3;
	v3 =	vadd.bf16 v8, v4;
	v4 =	vld [tilespmem:s10+$0x2970]  }
0x121: {  	v8 =	vld [tilespmem:s10+$0x6970]  }
0x122: {  	[tilespmem:s10+$0x8940] =	vst v3;
	v3 =	vadd.bf16 v9, v5;
	v5 =	vld [tilespmem:s10+$0x2D00]  }
0x123: {  	v9 =	vld [tilespmem:s10+$0x6D00]  }
0x124: {  	[tilespmem:s10+$0x8950] =	vst v3;
	v3 =	vadd.bf16 v7, v6;
	v6 =	vld [tilespmem:s10+$0x2D10]  }
0x125: {  	v7 =	vld [tilespmem:s10+$0x6D10]  }
0x126: {  	[tilespmem:s10+$0x8960] =	vst v3;
	v3 =	vadd.bf16 v8, v4;
	v4 =	vld [tilespmem:s10+$0x2D20]  }
0x127: {  	v8 =	vld [tilespmem:s10+$0x6D20]  }
0x128: {  	[tilespmem:s10+$0x8970] =	vst v3;
	v3 =	vadd.bf16 v9, v5;
	v9 =	vld [tilespmem:s10+$0x2D30]  }
0x129: {  	v10 =	vld [tilespmem:s10+$0x6D30]  }
0x12a: {  	[tilespmem:s10+$0x8D00] =	vst v3;
	v6 =	vadd.bf16 v7, v6;
	v3 =	vld [tilespmem:s10+$0x2D40]  }
.Ltmp2:
0x12b: {  	v5 =	vld [tilespmem:s10+$0x6D40];
	(pc) =	sbr.rel @p0 .LBB2_6-.Ltmp2, $4  }
0x12c: {  	[tilespmem:s10+$0x8D10] =	vst v6;
	v7 =	vadd.bf16 v8, v4;
	v4 =	vld [tilespmem:s10+$0x2D50]  }
0x12d: {  	s11 =	sadd.s32 $0x80, s11;
	v6 =	vld [tilespmem:s10+$0x6D50]  }
0x12e: {  	s7 =	sand.u32 $0x1000, s12;
	s13 =	sand.u32 $0x380, s11;
	[tilespmem:s10+$0x8D20] =	vst v7;
	v9 =	vadd.bf16 v10, v9;
	v7 =	vld [tilespmem:s10+$0x2D60]  }
0x12f: {  	s12 =	sadd.s32 $0x200, s12;
	s13 =	sor.u32 s13, s7;
	v8 =	vld [tilespmem:s10+$0x6D60]  }
0x130: {  	v10 =	vld [tilespmem:s13+$0x2D70];
	[tilespmem:s10+$0x8D30] =	vst v9;
	v3 =	vadd.bf16 v5, v3  }
0x131: {  	v51 =	vld [tilespmem:s13+$0x6D70]  }
0x132: {  	v9 =	vld [tilespmem:s13+$0x2100];
	[tilespmem:s10+$0x8D40] =	vst v3;
	v3 =	vadd.bf16 v6, v4  }
0x133: {  	v52 =	vld [tilespmem:s13+$0x6100]  }
0x134: {  	v53 =	vld [tilespmem:s13+$0x2110];
	[tilespmem:s10+$0x8D50] =	vst v3;
	v3 =	vadd.bf16 v8, v7  }
0x135: {  	v54 =	vld [tilespmem:s13+$0x6110]  }
0x136: {  	v55 =	vld [tilespmem:s13+$0x2120];
	[tilespmem:s10+$0x8D60] =	vst v3  }
0x137: {  	v56 =	vld [tilespmem:s13+$0x6120]  }
0x138: {  	v3 =	vadd.bf16 v51, v10;
	v57 =	vld [tilespmem:s13+$0x2130]  }
0x139: {  	v59 =	vld [tilespmem:s13+$0x2140]  }
0x13a: {  	[tilespmem:s13+$0x8D70] =	vst v3;
	v3 =	vld [tilespmem:s13+$0x6130]  }
0x13b: {  	v60 =	vld [tilespmem:s13+$0x6140]  }
0x13c: {  	v62 =	vld [tilespmem:s13+$0x2150]  }
0x13d: {  	v63 =	vld [tilespmem:s13+$0x6150]  }
0x13e: {  	v12 =	vld [tilespmem:s13+$0x2160]  }
0x13f: {  	v13 =	vld [tilespmem:s13+$0x6160];
	v3 =	vadd.bf16 v3, v57  }
0x140: {  	v14 =	vld [tilespmem:s13+$0x2170]  }
0x141: {  	v15 =	vld [tilespmem:s13+$0x6170];
	[tilespmem:s13+$0x8130] =	vst v3;
	v3 =	vadd.bf16 v60, v59  }
0x142: {  	v16 =	vld [tilespmem:s13+$0x2500]  }
0x143: {  	v17 =	vld [tilespmem:s13+$0x6500];
	[tilespmem:s13+$0x8140] =	vst v3;
	v3 =	vadd.bf16 v63, v62  }
0x144: {  	v18 =	vld [tilespmem:s13+$0x2510]  }
0x145: {  	v19 =	vld [tilespmem:s13+$0x6510];
	[tilespmem:s13+$0x8150] =	vst v3;
	v3 =	vadd.bf16 v13, v12  }
0x146: {  	v20 =	vld [tilespmem:s13+$0x2520]  }
0x147: {  	v21 =	vld [tilespmem:s13+$0x6520];
	[tilespmem:s13+$0x8160] =	vst v3;
	v3 =	vadd.bf16 v15, v14  }
0x148: {  	v22 =	vld [tilespmem:s13+$0x2530]  }
0x149: {  	v23 =	vld [tilespmem:s13+$0x6530];
	[tilespmem:s13+$0x8170] =	vst v3;
	v3 =	vadd.bf16 v17, v16  }
0x14a: {  	v24 =	vld [tilespmem:s13+$0x2540]  }
0x14b: {  	v25 =	vld [tilespmem:s13+$0x6540];
	[tilespmem:s13+$0x8500] =	vst v3;
	v3 =	vadd.bf16 v19, v18  }
0x14c: {  	v26 =	vld [tilespmem:s13+$0x2550]  }
0x14d: {  	v27 =	vld [tilespmem:s13+$0x6550];
	[tilespmem:s13+$0x8510] =	vst v3;
	v3 =	vadd.bf16 v21, v20  }
0x14e: {  	v28 =	vld [tilespmem:s13+$0x2560]  }
0x14f: {  	v29 =	vld [tilespmem:s13+$0x6560];
	[tilespmem:s13+$0x8520] =	vst v3;
	v3 =	vadd.bf16 v23, v22  }
0x150: {  	v30 =	vld [tilespmem:s13+$0x2570]  }
0x151: {  	v31 =	vld [tilespmem:s13+$0x6570];
	[tilespmem:s13+$0x8530] =	vst v3;
	v3 =	vadd.bf16 v25, v24  }
0x152: {  	v32 =	vld [tilespmem:s13+$0x2900]  }
0x153: {  	v33 =	vld [tilespmem:s13+$0x6900];
	[tilespmem:s13+$0x8540] =	vst v3;
	v3 =	vadd.bf16 v27, v26  }
0x154: {  	v34 =	vld [tilespmem:s13+$0x2910]  }
0x155: {  	v35 =	vld [tilespmem:s13+$0x6910];
	[tilespmem:s13+$0x8550] =	vst v3;
	v3 =	vadd.bf16 v29, v28  }
0x156: {  	v36 =	vld [tilespmem:s13+$0x2920]  }
0x157: {  	v37 =	vld [tilespmem:s13+$0x6920];
	[tilespmem:s13+$0x8560] =	vst v3;
	v3 =	vadd.bf16 v31, v30  }
0x158: {  	v38 =	vld [tilespmem:s13+$0x2930]  }
0x159: {  	v39 =	vld [tilespmem:s13+$0x6930];
	[tilespmem:s13+$0x8570] =	vst v3;
	v3 =	vadd.bf16 v33, v32  }
0x15a: {  	v40 =	vld [tilespmem:s13+$0x2940]  }
0x15b: {  	v41 =	vld [tilespmem:s13+$0x6940];
	[tilespmem:s13+$0x8900] =	vst v3;
	v3 =	vadd.bf16 v35, v34  }
0x15c: {  	v42 =	vld [tilespmem:s13+$0x2950]  }
0x15d: {  	v43 =	vld [tilespmem:s13+$0x6950];
	[tilespmem:s13+$0x8910] =	vst v3;
	v3 =	vadd.bf16 v37, v36  }
0x15e: {  	v44 =	vld [tilespmem:s13+$0x2960]  }
0x15f: {  	v45 =	vld [tilespmem:s13+$0x6960];
	[tilespmem:s13+$0x8920] =	vst v3;
	v3 =	vadd.bf16 v39, v38  }
0x160: {  	v46 =	vld [tilespmem:s13+$0x2970]  }
0x161: {  	v47 =	vld [tilespmem:s13+$0x6970];
	[tilespmem:s13+$0x8930] =	vst v3;
	v3 =	vadd.bf16 v41, v40  }
0x162: {  	v48 =	vld [tilespmem:s13+$0x2D00]  }
0x163: {  	v49 =	vld [tilespmem:s13+$0x6D00];
	[tilespmem:s13+$0x8940] =	vst v3;
	v3 =	vadd.bf16 v43, v42  }
0x164: {  	v50 =	vld [tilespmem:s13+$0x2D10]  }
0x165: {  	v51 =	vld [tilespmem:s13+$0x6D10];
	[tilespmem:s13+$0x8950] =	vst v3;
	v3 =	vadd.bf16 v45, v44  }
0x166: {  	v4 =	vadd.bf16 v52, v9;
	v52 =	vld [tilespmem:s13+$0x2D20]  }
0x167: {  	v58 =	vadd.bf16 v54, v53;
	v53 =	vld [tilespmem:s13+$0x6D20];
	[tilespmem:s13+$0x8960] =	vst v3;
	v3 =	vadd.bf16 v47, v46  }
0x168: {  	v54 =	vld [tilespmem:s13+$0x2D30]  }
0x169: {  	v61 =	vadd.bf16 v56, v55;
	v55 =	vld [tilespmem:s13+$0x6D30];
	[tilespmem:s13+$0x8970] =	vst v3;
	v3 =	vadd.bf16 v49, v48  }
0x16a: {  	[tilespmem:s13+$0x8110] =	vst v58;
	v56 =	vld [tilespmem:s13+$0x2D40]  }
0x16b: {  	v58 =	vld [tilespmem:s13+$0x2D50];
	[tilespmem:s13+$0x8D00] =	vst v3;
	v3 =	vadd.bf16 v51, v50  }
0x16c: {  	v57 =	vld [tilespmem:s13+$0x6D40]  }
0x16d: {  	v59 =	vld [tilespmem:s13+$0x6D50];
	[tilespmem:s13+$0x8D10] =	vst v3;
	v3 =	vadd.bf16 v53, v52  }
0x16e: {  	v60 =	vld [tilespmem:s13+$0x6D60]  }
0x16f: {  	[tilespmem:s13+$0x8D20] =	vst v3;
	v3 =	vld [tilespmem:s13+$0x2D60];
	_ =	sdelay $0x1  }
0x170: {  	[tilespmem:s13+$0x8100] =	vst v4;
	v4 =	vadd.bf16 v55, v54  }
0x171: {  	[tilespmem:s13+$0x8120] =	vst v61;
	v6 =	vadd.bf16 v57, v56  }
0x172: {  	[tilespmem:s13+$0x8D30] =	vst v4;
	v61 =	vadd.bf16 v59, v58  }
0x173: {  	[tilespmem:s13+$0x8D40] =	vst v6;
	v3 =	vadd.bf16 v60, v3  }
0x174: {  	[tilespmem:s13+$0x8D50] =	vst v61  }
0x175: {  	s7 =	rddreg [dreg:$0x6];
	s10 =	simm.s32 $0x0;
	[tilespmem:s13+$0x8D60] =	vst v3  }
0x176: {  	[hbm4b:s7+s10] =	stream.linear.scatter [tilespmem:s5], [sflag:$0x3], $0x2000, $0x38;
	[tilespmem:$0xA100] =	vst v63  }
0x177: {  	_ =	swait.ge [sflag:s16], $0x2000  }
0x178: {  	[sflag:s16] =	ssyncset.done $0x0  }
0x179: {  	[sflag:s16] =	ssyncadd.s32 $0xFFFFE000  }
0x17a: {  	_ =	swait.ge [sflag:s26], $0x2000  }
0x17b: {  	[sflag:s26] =	ssyncset.done $0x0  }
0x17c: {  	[sflag:s26] =	ssyncadd.s32 $0xFFFFE000  }
0x17d: {  	_ =	swait.ge [sflag:s26], $0x2000  }
0x17e: {  	[sflag:s26] =	ssyncset.done $0x0  }
0x17f: {  	[sflag:s26] =	ssyncadd.s32 $0xFFFFE000  }
0x180: {  	v3 =	vld [tilespmem:$0x30];
	_ =	sdelay $0x4  }
0x181: {  	v62 =	vshll.u32 v3, $0x2  }
0x182: {  	v3 =	vand.u32 $0x7, v3;
	v4 =	vand.u32 $0xFFFFFFE0, v62  }
0x183: {  	v3 =	vor.u32 v3, v4  }
0x184: {  	v4 =	vperm.xlane v3, v0;
	_ =	sdelay $0x1  }
0x185: {  	v4 =	vadd.s32 v1, v4;
	_ =	sdelay $0x1  }
0x186: {  	v3 =	vperm.xlane v3, v2;
	_ =	sdelay $0x1  }
0x187: {  	v3 =	vadd.s32 v1, v3  }
0x188: {  	[tilespmem:s28], [sflag:$0x2] =	stream.indirect_vreg.gather [hbm4b:s3+s10], $0x80, v4, vm0, $0xb8;
	[tilespmem:$0xA100] =	vst v63  }
0x189: {  	_ = 	snop  }
0x18a: {  	[tilespmem:s29], [sflag:$0x2] =	stream.indirect_vreg.gather [hbm4b:s6+s10], $0x80, v4, vm0, $0xb8;
	[tilespmem:$0xA100] =	vst v63  }
0x18b: {  	_ = 	snop  }
0x18c: {  	[tilespmem:s30], [sflag:$0x2] =	stream.indirect_vreg.gather [hbm4b:s3+s10], $0x80, v3, vm0, $0xb8;
	[tilespmem:$0xA100] =	vst v63  }
0x18d: {  	_ = 	snop  }
0x18e: {  	[tilespmem:s31], [sflag:$0x2] =	stream.indirect_vreg.gather [hbm4b:s6+s10], $0x80, v3, vm0, $0xb8;
	[tilespmem:$0xA100] =	vst v63  }
0x18f: {  	v3 =	vld [tilespmem:$0xB0];
	_ =	sdelay $0x4  }
0x190: {  	v63 =	vshll.u32 v3, $0x2  }
0x191: {  	v3 =	vand.u32 $0x7, v3;
	v4 =	vand.u32 $0xFFFFFFE0, v63  }
0x192: {  	v3 =	vor.u32 v3, v4  }
0x193: {  	v4 =	vperm.xlane v3, v0;
	_ =	sdelay $0x1  }
0x194: {  	v4 =	vadd.s32 v1, v4;
	_ =	sdelay $0x1  }
0x195: {  	v3 =	vperm.xlane v3, v2;
	_ =	sdelay $0x1  }
0x196: {  	v3 =	vadd.s32 v1, v3  }
0x197: {  	[tilespmem:s0], [sflag:$0x2] =	stream.indirect_vreg.gather [hbm4b:s3+s10], $0x80, v4, vm0, $0xb8;
	[tilespmem:$0xA100] =	vst v63  }
0x198: {  	_ = 	snop  }
0x199: {  	[tilespmem:s1], [sflag:$0x2] =	stream.indirect_vreg.gather [hbm4b:s6+s10], $0x80, v4, vm0, $0xb8;
	[tilespmem:$0xA100] =	vst v63  }
0x19a: {  	_ = 	snop  }
0x19b: {  	[tilespmem:s17], [sflag:$0x2] =	stream.indirect_vreg.gather [hbm4b:s3+s10], $0x80, v3, vm0, $0xb8;
	[tilespmem:$0xA100] =	vst v63  }
0x19c: {  	s11 =	simm.s32 $0x0  }
0x19d: {  	[tilespmem:s4], [sflag:$0x2] =	stream.indirect_vreg.gather [hbm4b:s6+s10], $0x80, v3, vm0, $0xb8;
	[tilespmem:$0xA100] =	vst v63  }
.LBB2_8:
0x19e: {  	s7 =	sshll.u32 s11, $0x9;
	s12 =	sshll.u32 s11, $0x7  }
0x19f: {  	s7 =	sand.u32 $0x1000, s7;
	s12 =	sand.u32 $0x380, s12  }
0x1a0: {  	s15 =	sand.u32 $0x40, s10;
	s13 =	sor.u32 s7, s12  }
0x1a1: {  	s18 =	sand.u32 $0xC00, s10;
	s7 =	sor.u32 s15, s13  }
0x1a2: {  	s12 =	sor.u32 s18, s7  }
0x1a3: {  	v8 =	vld [tilespmem:s12+$0x130]  }
0x1a4: {  	v9 =	vld [tilespmem:s12+$0x4130]  }
0x1a5: {  	v4 =	vld [tilespmem:s12+$0x100]  }
0x1a6: {  	v5 =	vld [tilespmem:s12+$0x4100]  }
0x1a7: {  	s19 =	simm.s32 $0x40;
	v3 =	vld [tilespmem:s12+$0x110]  }
0x1a8: {  	s14 =	simm.s32 $0x200;
	s15 =	sand.u32 $0x40, s19;
	v6 =	vld [tilespmem:s12+$0x4110]  }
0x1a9: {  	s7 =	sand.u32 $0xC00, s14;
	s18 =	sor.u32 s15, s13;
	s15 =	simm.s32 $0x80;
	v7 =	vld [tilespmem:s12+$0x120];
	v8 =	vadd.bf16 v9, v8  }
.LBB2_9:
0x1aa: {  	p0 =	sne.s32 s15, $0x1C0;
	v9 =	vld [tilespmem:s12+$0x4120];
	s19 =	smov.u32 s12;
	s12 =	sor.u32 s7, s18  }
0x1ab: {  	v10 =	vld [tilespmem:s12+$0x130];
	v5 =	vadd.bf16 v5, v4;
	[tilespmem:s19+$0x8130] =	vst v8  }
0x1ac: {  	v8 =	vld [tilespmem:s12+$0x4130]  }
.Ltmp3:
0x1ad: {  	v4 =	vld [tilespmem:s12+$0x100];
	[tilespmem:s19+$0x8100] =	vst v5;
	v6 =	vadd.bf16 v6, v3;
	(pc) =	sbr.rel @p0 .LBB2_9-.Ltmp3, $4  }
0x1ae: {  	v5 =	vld [tilespmem:s12+$0x4100]  }
0x1af: {  	v3 =	vld [tilespmem:s12+$0x110];
	[tilespmem:s19+$0x8110] =	vst v6;
	v9 =	vadd.bf16 v9, v7  }
0x1b0: {  	s18 =	sand.u32 $0x40, s15;
	s14 =	sadd.s32 $0x200, s14;
	v6 =	vld [tilespmem:s12+$0x4110]  }
0x1b1: {  	s15 =	sadd.s32 $0x40, s15;
	s7 =	sand.u32 $0xC00, s14;
	s18 =	sor.u32 s18, s13;
	v7 =	vld [tilespmem:s12+$0x120];
	v8 =	vadd.bf16 v8, v10;
	[tilespmem:s19+$0x8120] =	vst v9  }
0x1b2: {  	s7 =	sor.u32 s7, s18;
	v9 =	vld [tilespmem:s12+$0x4120]  }
0x1b3: {  	v10 =	vld [tilespmem:s7+$0x130];
	[tilespmem:s12+$0x8130] =	vst v8;
	v4 =	vadd.bf16 v5, v4  }
0x1b4: {  	v59 =	vld [tilespmem:s7+$0x4130]  }
0x1b5: {  	v8 =	vld [tilespmem:s7+$0x100];
	[tilespmem:s12+$0x8100] =	vst v4;
	v3 =	vadd.bf16 v6, v3  }
0x1b6: {  	v4 =	vld [tilespmem:s7+$0x4100]  }
0x1b7: {  	v60 =	vld [tilespmem:s7+$0x110];
	[tilespmem:s12+$0x8110] =	vst v3;
	v3 =	vadd.bf16 v9, v7  }
0x1b8: {  	v61 =	vld [tilespmem:s7+$0x4110]  }
0x1b9: {  	v62 =	vld [tilespmem:s7+$0x120];
	[tilespmem:s12+$0x8120] =	vst v3  }
0x1ba: {  	v3 =	vld [tilespmem:s7+$0x4120]  }
0x1bb: {  	s11 =	sadd.s32 $0x1, s11  }
0x1bc: {  	p0 =	sne.s32 s11, $0x10;
	v5 =	vadd.bf16 v59, v10  }
.Ltmp4:
0x1bd: {  	v4 =	vadd.bf16 v4, v8;
	(pc) =	sbr.rel @p0 .LBB2_8-.Ltmp4, $4  }
0x1be: {  	[tilespmem:s7+$0x8130] =	vst v5;
	v63 =	vadd.bf16 v61, v60  }
0x1bf: {  	[tilespmem:s7+$0x8100] =	vst v4;
	v3 =	vadd.bf16 v3, v62  }
0x1c0: {  	[tilespmem:s7+$0x8110] =	vst v63  }
0x1c1: {  	[tilespmem:s7+$0x8120] =	vst v3  }
0x1c2: {  	s7 =	simm.s32 $0x0;
	s10 =	rddreg [dreg:$0x7]  }
0x1c3: {  	[hbm4b:s10+s7] =	stream.linear.scatter [tilespmem:s5], [sflag:$0x3], $0x2000, $0x38;
	[tilespmem:$0xA100] =	vst v63  }
0x1c4: {  	_ =	swait.ge [sflag:s16], $0x2000  }
0x1c5: {  	[sflag:s16] =	ssyncset.done $0x0  }
0x1c6: {  	[sflag:s16] =	ssyncadd.s32 $0xFFFFE000  }
0x1c7: {  	_ =	swait.ge [sflag:s8], $0x2000  }
0x1c8: {  	[sflag:s8] =	ssyncset.done $0x0  }
0x1c9: {  	[sflag:s8] =	ssyncadd.s32 $0xFFFFE000  }
0x1ca: {  	_ =	swait.ge [sflag:s8], $0x2000  }
0x1cb: {  	[sflag:s8] =	ssyncset.done $0x0  }
0x1cc: {  	[sflag:s8] =	ssyncadd.s32 $0xFFFFE000  }
0x1cd: {  	v3 =	vld [tilespmem:$0x40];
	_ =	sdelay $0x4  }
0x1ce: {  	v4 =	vshll.u32 v3, $0x2  }
0x1cf: {  	v3 =	vand.u32 $0x7, v3;
	v4 =	vand.u32 $0xFFFFFFE0, v4  }
0x1d0: {  	v3 =	vor.u32 v3, v4  }
0x1d1: {  	v4 =	vperm.xlane v3, v0;
	_ =	sdelay $0x1  }
0x1d2: {  	v4 =	vadd.s32 v1, v4;
	_ =	sdelay $0x1  }
0x1d3: {  	v3 =	vperm.xlane v3, v2;
	_ =	sdelay $0x1  }
0x1d4: {  	s14 =	simm.s32 $0x100;
	v3 =	vadd.s32 v1, v3  }
0x1d5: {  	[tilespmem:s14], [sflag:$0x1] =	stream.indirect_vreg.gather [hbm4b:s3+s7], $0x80, v4, vm0, $0xb8;
	[tilespmem:$0xA100] =	vst v63  }
0x1d6: {  	s15 =	simm.s32 $0x900  }
0x1d7: {  	[tilespmem:s15], [sflag:$0x1] =	stream.indirect_vreg.gather [hbm4b:s6+s7], $0x80, v4, vm0, $0xb8;
	[tilespmem:$0xA100] =	vst v63  }
0x1d8: {  	_ = 	snop  }
0x1d9: {  	[tilespmem:s20], [sflag:$0x1] =	stream.indirect_vreg.gather [hbm4b:s3+s7], $0x80, v3, vm0, $0xb8;
	[tilespmem:$0xA100] =	vst v63  }
0x1da: {  	_ = 	snop  }
0x1db: {  	[tilespmem:s21], [sflag:$0x1] =	stream.indirect_vreg.gather [hbm4b:s6+s7], $0x80, v3, vm0, $0xb8;
	[tilespmem:$0xA100] =	vst v63  }
0x1dc: {  	v3 =	vld [tilespmem:$0xC0];
	_ =	sdelay $0x4  }
0x1dd: {  	v4 =	vshll.u32 v3, $0x2  }
0x1de: {  	v3 =	vand.u32 $0x7, v3;
	v4 =	vand.u32 $0xFFFFFFE0, v4  }
0x1df: {  	v3 =	vor.u32 v3, v4  }
0x1e0: {  	v4 =	vperm.xlane v3, v0;
	_ =	sdelay $0x1  }
0x1e1: {  	v4 =	vadd.s32 v1, v4;
	_ =	sdelay $0x1  }
0x1e2: {  	v3 =	vperm.xlane v3, v2;
	_ =	sdelay $0x1  }
0x1e3: {  	v3 =	vadd.s32 v1, v3  }
0x1e4: {  	[tilespmem:s22], [sflag:$0x1] =	stream.indirect_vreg.gather [hbm4b:s3+s7], $0x80, v4, vm0, $0xb8;
	[tilespmem:$0xA100] =	vst v63  }
0x1e5: {  	_ = 	snop  }
0x1e6: {  	[tilespmem:s23], [sflag:$0x1] =	stream.indirect_vreg.gather [hbm4b:s6+s7], $0x80, v4, vm0, $0xb8;
	[tilespmem:$0xA100] =	vst v63  }
0x1e7: {  	_ = 	snop  }
0x1e8: {  	[tilespmem:s24], [sflag:$0x1] =	stream.indirect_vreg.gather [hbm4b:s3+s7], $0x80, v3, vm0, $0xb8;
	[tilespmem:$0xA100] =	vst v63  }
0x1e9: {  	_ = 	snop  }
0x1ea: {  	[tilespmem:s25], [sflag:$0x1] =	stream.indirect_vreg.gather [hbm4b:s6+s7], $0x80, v3, vm0, $0xb8;
	[tilespmem:$0xA100] =	vst v63  }
0x1eb: {  	s18 =	sand.u32 $0x1000, s7;
	s7 =	sand.u32 $0x380, s7  }
0x1ec: {  	s10 =	sor.u32 s7, s18  }
0x1ed: {  	v3 =	vld [tilespmem:s10+$0x2D70]  }
0x1ee: {  	v4 =	vld [tilespmem:s10+$0x6D70]  }
0x1ef: {  	v5 =	vld [tilespmem:s10+$0x2100]  }
0x1f0: {  	v6 =	vld [tilespmem:s10+$0x6100]  }
0x1f1: {  	v7 =	vld [tilespmem:s10+$0x2110]  }
0x1f2: {  	v8 =	vld [tilespmem:s10+$0x6110]  }
0x1f3: {  	v9 =	vld [tilespmem:s10+$0x2120]  }
0x1f4: {  	v10 =	vld [tilespmem:s10+$0x2130]  }
0x1f5: {  	v11 =	vld [tilespmem:s10+$0x6D30];
	v3 =	vadd.bf16 v4, v3  }
0x1f6: {  	v4 =	vld [tilespmem:s10+$0x6120]  }
0x1f7: {  	v5 =	vadd.bf16 v6, v5;
	[tilespmem:s10+$0x8D70] =	vst v3;
	v3 =	vld [tilespmem:s10+$0x6130]  }
0x1f8: {  	v6 =	vld [tilespmem:s10+$0x2140]  }
0x1f9: {  	[tilespmem:s10+$0x8100] =	vst v5;
	v5 =	vadd.bf16 v8, v7;
	v7 =	vld [tilespmem:s10+$0x6140]  }
0x1fa: {  	v8 =	vld [tilespmem:s10+$0x6150]  }
0x1fb: {  	[tilespmem:s10+$0x8110] =	vst v5;
	v5 =	vld [tilespmem:s10+$0x2150];
	v4 =	vadd.bf16 v4, v9  }
0x1fc: {  	v9 =	vld [tilespmem:s10+$0x6160];
	v3 =	vadd.bf16 v3, v10  }
0x1fd: {  	[tilespmem:s10+$0x8120] =	vst v4;
	v4 =	vld [tilespmem:s10+$0x2160]  }
0x1fe: {  	[tilespmem:s10+$0x8130] =	vst v3;
	v3 =	vadd.bf16 v7, v6;
	v6 =	vld [tilespmem:s10+$0x2170]  }
0x1ff: {  	v7 =	vld [tilespmem:s10+$0x6170]  }
0x200: {  	[tilespmem:s10+$0x8140] =	vst v3;
	v3 =	vadd.bf16 v8, v5;
	v5 =	vld [tilespmem:s10+$0x2500]  }
0x201: {  	v8 =	vld [tilespmem:s10+$0x6500]  }
0x202: {  	[tilespmem:s10+$0x8150] =	vst v3;
	v3 =	vadd.bf16 v9, v4;
	v4 =	vld [tilespmem:s10+$0x2510]  }
0x203: {  	v9 =	vld [tilespmem:s10+$0x6510]  }
0x204: {  	[tilespmem:s10+$0x8160] =	vst v3;
	v3 =	vadd.bf16 v7, v6;
	v6 =	vld [tilespmem:s10+$0x2520]  }
0x205: {  	v7 =	vld [tilespmem:s10+$0x6520]  }
0x206: {  	[tilespmem:s10+$0x8170] =	vst v3;
	v3 =	vadd.bf16 v8, v5;
	v5 =	vld [tilespmem:s10+$0x2530]  }
0x207: {  	v8 =	vld [tilespmem:s10+$0x6530]  }
0x208: {  	[tilespmem:s10+$0x8500] =	vst v3;
	v3 =	vadd.bf16 v9, v4;
	v4 =	vld [tilespmem:s10+$0x2540]  }
0x209: {  	v9 =	vld [tilespmem:s10+$0x6540]  }
0x20a: {  	[tilespmem:s10+$0x8510] =	vst v3;
	v3 =	vadd.bf16 v7, v6;
	v6 =	vld [tilespmem:s10+$0x2550]  }
0x20b: {  	v7 =	vld [tilespmem:s10+$0x6550]  }
0x20c: {  	[tilespmem:s10+$0x8520] =	vst v3;
	v3 =	vadd.bf16 v8, v5;
	v5 =	vld [tilespmem:s10+$0x2560]  }
0x20d: {  	v8 =	vld [tilespmem:s10+$0x6560]  }
0x20e: {  	[tilespmem:s10+$0x8530] =	vst v3;
	v3 =	vadd.bf16 v9, v4;
	v4 =	vld [tilespmem:s10+$0x2570]  }
0x20f: {  	v9 =	vld [tilespmem:s10+$0x6570]  }
0x210: {  	[tilespmem:s10+$0x8540] =	vst v3;
	v3 =	vadd.bf16 v7, v6;
	v6 =	vld [tilespmem:s10+$0x2900]  }
0x211: {  	v7 =	vld [tilespmem:s10+$0x6900]  }
0x212: {  	[tilespmem:s10+$0x8550] =	vst v3;
	v3 =	vadd.bf16 v8, v5;
	v5 =	vld [tilespmem:s10+$0x2910]  }
0x213: {  	v8 =	vld [tilespmem:s10+$0x6910]  }
0x214: {  	[tilespmem:s10+$0x8560] =	vst v3;
	v3 =	vadd.bf16 v9, v4;
	v4 =	vld [tilespmem:s10+$0x2920]  }
0x215: {  	v9 =	vld [tilespmem:s10+$0x6920]  }
0x216: {  	[tilespmem:s10+$0x8570] =	vst v3;
	v3 =	vadd.bf16 v7, v6;
	v6 =	vld [tilespmem:s10+$0x2930]  }
0x217: {  	v7 =	vld [tilespmem:s10+$0x6930]  }
0x218: {  	[tilespmem:s10+$0x8900] =	vst v3;
	v3 =	vadd.bf16 v8, v5;
	v5 =	vld [tilespmem:s10+$0x2940]  }
0x219: {  	v8 =	vld [tilespmem:s10+$0x6940]  }
0x21a: {  	[tilespmem:s10+$0x8910] =	vst v3;
	v3 =	vadd.bf16 v9, v4;
	v4 =	vld [tilespmem:s10+$0x2950]  }
0x21b: {  	v9 =	vld [tilespmem:s10+$0x6950]  }
0x21c: {  	[tilespmem:s10+$0x8920] =	vst v3;
	v3 =	vadd.bf16 v7, v6;
	v6 =	vld [tilespmem:s10+$0x2960]  }
0x21d: {  	v7 =	vld [tilespmem:s10+$0x6960]  }
0x21e: {  	[tilespmem:s10+$0x8930] =	vst v3;
	v3 =	vadd.bf16 v8, v5;
	v5 =	vld [tilespmem:s10+$0x2970]  }
0x21f: {  	v8 =	vld [tilespmem:s10+$0x6970]  }
0x220: {  	[tilespmem:s10+$0x8940] =	vst v3;
	v3 =	vadd.bf16 v9, v4;
	v4 =	vld [tilespmem:s10+$0x2D00]  }
0x221: {  	v9 =	vld [tilespmem:s10+$0x6D00]  }
0x222: {  	[tilespmem:s10+$0x8950] =	vst v3;
	v3 =	vadd.bf16 v7, v6;
	v6 =	vld [tilespmem:s10+$0x2D10]  }
0x223: {  	v7 =	vld [tilespmem:s10+$0x6D10]  }
0x224: {  	v10 =	vld [tilespmem:s10+$0x6D20];
	[tilespmem:s10+$0x8960] =	vst v3;
	v3 =	vadd.bf16 v8, v5  }
0x225: {  	v8 =	vld [tilespmem:s10+$0x2D20]  }
0x226: {  	[tilespmem:s10+$0x8970] =	vst v3;
	v3 =	vadd.bf16 v9, v4;
	v9 =	vld [tilespmem:s10+$0x2D30]  }
0x227: {  	v5 =	vld [tilespmem:s10+$0x6D40]  }
0x228: {  	v4 =	vadd.bf16 v7, v6;
	[tilespmem:s10+$0x8D00] =	vst v3;
	v3 =	vld [tilespmem:s10+$0x2D40]  }
0x229: {  	v6 =	vld [tilespmem:s10+$0x6D50]  }
0x22a: {  	s19 =	simm.s32 $0x200;
	s11 =	simm.s32 $0x80;
	[tilespmem:s10+$0x8D10] =	vst v4;
	v7 =	vadd.bf16 v10, v8;
	v4 =	vld [tilespmem:s10+$0x2D50]  }
0x22b: {  	s12 =	sand.u32 $0x380, s11;
	s7 =	sand.u32 $0x1000, s19;
	v8 =	vld [tilespmem:s10+$0x6D60];
	v9 =	vadd.bf16 v11, v9  }
0x22c: {  	s13 =	sor.u32 s12, s7;
	s12 =	simm.s32 $0x400;
	[tilespmem:s10+$0x8D20] =	vst v7;
	v7 =	vld [tilespmem:s10+$0x2D60]  }
.LBB2_12:
0x22d: {  	p0 =	sne.s32 s12, $0x1E00;
	v10 =	vld [tilespmem:s13+$0x2D70];
	[tilespmem:s10+$0x8D30] =	vst v9;
	v3 =	vadd.bf16 v5, v3  }
0x22e: {  	v5 =	vld [tilespmem:s13+$0x6D70]  }
0x22f: {  	v9 =	vld [tilespmem:s13+$0x2100];
	[tilespmem:s10+$0x8D40] =	vst v3;
	v3 =	vadd.bf16 v6, v4  }
0x230: {  	v4 =	vld [tilespmem:s13+$0x6100]  }
0x231: {  	v6 =	vld [tilespmem:s13+$0x2110];
	[tilespmem:s10+$0x8D50] =	vst v3;
	v3 =	vadd.bf16 v8, v7  }
0x232: {  	v7 =	vld [tilespmem:s13+$0x6110]  }
0x233: {  	v8 =	vld [tilespmem:s13+$0x2120];
	v5 =	vadd.bf16 v5, v10;
	[tilespmem:s10+$0x8D60] =	vst v3;
	s10 =	smov.u32 s13  }
0x234: {  	v3 =	vld [tilespmem:s10+$0x6120]  }
0x235: {  	v4 =	vadd.bf16 v4, v9;
	v9 =	vld [tilespmem:s10+$0x2130];
	[tilespmem:s10+$0x8D70] =	vst v5  }
0x236: {  	v5 =	vld [tilespmem:s10+$0x6130]  }
0x237: {  	[tilespmem:s10+$0x8100] =	vst v4;
	v4 =	vadd.bf16 v7, v6;
	v6 =	vld [tilespmem:s10+$0x2140]  }
0x238: {  	v7 =	vld [tilespmem:s10+$0x6140]  }
0x239: {  	[tilespmem:s10+$0x8110] =	vst v4;
	v3 =	vadd.bf16 v3, v8;
	v4 =	vld [tilespmem:s10+$0x2150]  }
0x23a: {  	v8 =	vld [tilespmem:s10+$0x6150]  }
0x23b: {  	[tilespmem:s10+$0x8120] =	vst v3;
	v3 =	vadd.bf16 v5, v9;
	v5 =	vld [tilespmem:s10+$0x2160]  }
0x23c: {  	v9 =	vld [tilespmem:s10+$0x6160]  }
0x23d: {  	[tilespmem:s10+$0x8130] =	vst v3;
	v3 =	vadd.bf16 v7, v6;
	v6 =	vld [tilespmem:s10+$0x2170]  }
0x23e: {  	v7 =	vld [tilespmem:s10+$0x6170]  }
0x23f: {  	[tilespmem:s10+$0x8140] =	vst v3;
	v3 =	vadd.bf16 v8, v4;
	v4 =	vld [tilespmem:s10+$0x2500]  }
0x240: {  	v8 =	vld [tilespmem:s10+$0x6500]  }
0x241: {  	[tilespmem:s10+$0x8150] =	vst v3;
	v3 =	vadd.bf16 v9, v5;
	v5 =	vld [tilespmem:s10+$0x2510]  }
0x242: {  	v9 =	vld [tilespmem:s10+$0x6510]  }
0x243: {  	[tilespmem:s10+$0x8160] =	vst v3;
	v3 =	vadd.bf16 v7, v6;
	v6 =	vld [tilespmem:s10+$0x2520]  }
0x244: {  	v7 =	vld [tilespmem:s10+$0x6520]  }
0x245: {  	[tilespmem:s10+$0x8170] =	vst v3;
	v3 =	vadd.bf16 v8, v4;
	v4 =	vld [tilespmem:s10+$0x2530]  }
0x246: {  	v8 =	vld [tilespmem:s10+$0x6530]  }
0x247: {  	[tilespmem:s10+$0x8500] =	vst v3;
	v3 =	vadd.bf16 v9, v5;
	v5 =	vld [tilespmem:s10+$0x2540]  }
0x248: {  	v9 =	vld [tilespmem:s10+$0x6540]  }
0x249: {  	[tilespmem:s10+$0x8510] =	vst v3;
	v3 =	vadd.bf16 v7, v6;
	v6 =	vld [tilespmem:s10+$0x2550]  }
0x24a: {  	v7 =	vld [tilespmem:s10+$0x6550]  }
0x24b: {  	[tilespmem:s10+$0x8520] =	vst v3;
	v3 =	vadd.bf16 v8, v4;
	v4 =	vld [tilespmem:s10+$0x2560]  }
0x24c: {  	v8 =	vld [tilespmem:s10+$0x6560]  }
0x24d: {  	[tilespmem:s10+$0x8530] =	vst v3;
	v3 =	vadd.bf16 v9, v5;
	v5 =	vld [tilespmem:s10+$0x2570]  }
0x24e: {  	v9 =	vld [tilespmem:s10+$0x6570]  }
0x24f: {  	[tilespmem:s10+$0x8540] =	vst v3;
	v3 =	vadd.bf16 v7, v6;
	v6 =	vld [tilespmem:s10+$0x2900]  }
0x250: {  	v7 =	vld [tilespmem:s10+$0x6900]  }
0x251: {  	[tilespmem:s10+$0x8550] =	vst v3;
	v3 =	vadd.bf16 v8, v4;
	v4 =	vld [tilespmem:s10+$0x2910]  }
0x252: {  	v8 =	vld [tilespmem:s10+$0x6910]  }
0x253: {  	[tilespmem:s10+$0x8560] =	vst v3;
	v3 =	vadd.bf16 v9, v5;
	v5 =	vld [tilespmem:s10+$0x2920]  }
0x254: {  	v9 =	vld [tilespmem:s10+$0x6920]  }
0x255: {  	[tilespmem:s10+$0x8570] =	vst v3;
	v3 =	vadd.bf16 v7, v6;
	v6 =	vld [tilespmem:s10+$0x2930]  }
0x256: {  	v7 =	vld [tilespmem:s10+$0x6930]  }
0x257: {  	[tilespmem:s10+$0x8900] =	vst v3;
	v3 =	vadd.bf16 v8, v4;
	v4 =	vld [tilespmem:s10+$0x2940]  }
0x258: {  	v8 =	vld [tilespmem:s10+$0x6940]  }
0x259: {  	[tilespmem:s10+$0x8910] =	vst v3;
	v3 =	vadd.bf16 v9, v5;
	v5 =	vld [tilespmem:s10+$0x2950]  }
0x25a: {  	v9 =	vld [tilespmem:s10+$0x6950]  }
0x25b: {  	[tilespmem:s10+$0x8920] =	vst v3;
	v3 =	vadd.bf16 v7, v6;
	v6 =	vld [tilespmem:s10+$0x2960]  }
0x25c: {  	v7 =	vld [tilespmem:s10+$0x6960]  }
0x25d: {  	[tilespmem:s10+$0x8930] =	vst v3;
	v3 =	vadd.bf16 v8, v4;
	v4 =	vld [tilespmem:s10+$0x2970]  }
0x25e: {  	v8 =	vld [tilespmem:s10+$0x6970]  }
0x25f: {  	[tilespmem:s10+$0x8940] =	vst v3;
	v3 =	vadd.bf16 v9, v5;
	v5 =	vld [tilespmem:s10+$0x2D00]  }
0x260: {  	v9 =	vld [tilespmem:s10+$0x6D00]  }
0x261: {  	[tilespmem:s10+$0x8950] =	vst v3;
	v3 =	vadd.bf16 v7, v6;
	v6 =	vld [tilespmem:s10+$0x2D10]  }
0x262: {  	v7 =	vld [tilespmem:s10+$0x6D10]  }
0x263: {  	[tilespmem:s10+$0x8960] =	vst v3;
	v3 =	vadd.bf16 v8, v4;
	v4 =	vld [tilespmem:s10+$0x2D20]  }
0x264: {  	v8 =	vld [tilespmem:s10+$0x6D20]  }
0x265: {  	[tilespmem:s10+$0x8970] =	vst v3;
	v3 =	vadd.bf16 v9, v5;
	v9 =	vld [tilespmem:s10+$0x2D30]  }
0x266: {  	v10 =	vld [tilespmem:s10+$0x6D30]  }
0x267: {  	[tilespmem:s10+$0x8D00] =	vst v3;
	v6 =	vadd.bf16 v7, v6;
	v3 =	vld [tilespmem:s10+$0x2D40]  }
.Ltmp5:
0x268: {  	v5 =	vld [tilespmem:s10+$0x6D40];
	(pc) =	sbr.rel @p0 .LBB2_12-.Ltmp5, $4  }
0x269: {  	[tilespmem:s10+$0x8D10] =	vst v6;
	v7 =	vadd.bf16 v8, v4;
	v4 =	vld [tilespmem:s10+$0x2D50]  }
0x26a: {  	s11 =	sadd.s32 $0x80, s11;
	v6 =	vld [tilespmem:s10+$0x6D50]  }
0x26b: {  	s7 =	sand.u32 $0x1000, s12;
	s13 =	sand.u32 $0x380, s11;
	[tilespmem:s10+$0x8D20] =	vst v7;
	v9 =	vadd.bf16 v10, v9;
	v7 =	vld [tilespmem:s10+$0x2D60]  }
0x26c: {  	s12 =	sadd.s32 $0x200, s12;
	s13 =	sor.u32 s13, s7;
	v8 =	vld [tilespmem:s10+$0x6D60]  }
0x26d: {  	v10 =	vld [tilespmem:s13+$0x2D70];
	[tilespmem:s10+$0x8D30] =	vst v9;
	v3 =	vadd.bf16 v5, v3  }
0x26e: {  	v51 =	vld [tilespmem:s13+$0x6D70]  }
0x26f: {  	v9 =	vld [tilespmem:s13+$0x2100];
	[tilespmem:s10+$0x8D40] =	vst v3;
	v3 =	vadd.bf16 v6, v4  }
0x270: {  	v52 =	vld [tilespmem:s13+$0x6100]  }
0x271: {  	v53 =	vld [tilespmem:s13+$0x2110];
	[tilespmem:s10+$0x8D50] =	vst v3;
	v3 =	vadd.bf16 v8, v7  }
0x272: {  	v54 =	vld [tilespmem:s13+$0x6110]  }
0x273: {  	v55 =	vld [tilespmem:s13+$0x2120];
	[tilespmem:s10+$0x8D60] =	vst v3  }
0x274: {  	v56 =	vld [tilespmem:s13+$0x6120]  }
0x275: {  	v3 =	vadd.bf16 v51, v10;
	v57 =	vld [tilespmem:s13+$0x2130]  }
0x276: {  	v59 =	vld [tilespmem:s13+$0x2140]  }
0x277: {  	[tilespmem:s13+$0x8D70] =	vst v3;
	v3 =	vld [tilespmem:s13+$0x6130]  }
0x278: {  	v60 =	vld [tilespmem:s13+$0x6140]  }
0x279: {  	v62 =	vld [tilespmem:s13+$0x2150]  }
0x27a: {  	v63 =	vld [tilespmem:s13+$0x6150]  }
0x27b: {  	v12 =	vld [tilespmem:s13+$0x2160]  }
0x27c: {  	v13 =	vld [tilespmem:s13+$0x6160];
	v3 =	vadd.bf16 v3, v57  }
0x27d: {  	v14 =	vld [tilespmem:s13+$0x2170]  }
0x27e: {  	v15 =	vld [tilespmem:s13+$0x6170];
	[tilespmem:s13+$0x8130] =	vst v3;
	v3 =	vadd.bf16 v60, v59  }
0x27f: {  	v16 =	vld [tilespmem:s13+$0x2500]  }
0x280: {  	v17 =	vld [tilespmem:s13+$0x6500];
	[tilespmem:s13+$0x8140] =	vst v3;
	v3 =	vadd.bf16 v63, v62  }
0x281: {  	v18 =	vld [tilespmem:s13+$0x2510]  }
0x282: {  	v19 =	vld [tilespmem:s13+$0x6510];
	[tilespmem:s13+$0x8150] =	vst v3;
	v3 =	vadd.bf16 v13, v12  }
0x283: {  	v20 =	vld [tilespmem:s13+$0x2520]  }
0x284: {  	v21 =	vld [tilespmem:s13+$0x6520];
	[tilespmem:s13+$0x8160] =	vst v3;
	v3 =	vadd.bf16 v15, v14  }
0x285: {  	v22 =	vld [tilespmem:s13+$0x2530]  }
0x286: {  	v23 =	vld [tilespmem:s13+$0x6530];
	[tilespmem:s13+$0x8170] =	vst v3;
	v3 =	vadd.bf16 v17, v16  }
0x287: {  	v24 =	vld [tilespmem:s13+$0x2540]  }
0x288: {  	v25 =	vld [tilespmem:s13+$0x6540];
	[tilespmem:s13+$0x8500] =	vst v3;
	v3 =	vadd.bf16 v19, v18  }
0x289: {  	v26 =	vld [tilespmem:s13+$0x2550]  }
0x28a: {  	v27 =	vld [tilespmem:s13+$0x6550];
	[tilespmem:s13+$0x8510] =	vst v3;
	v3 =	vadd.bf16 v21, v20  }
0x28b: {  	v28 =	vld [tilespmem:s13+$0x2560]  }
0x28c: {  	v29 =	vld [tilespmem:s13+$0x6560];
	[tilespmem:s13+$0x8520] =	vst v3;
	v3 =	vadd.bf16 v23, v22  }
0x28d: {  	v30 =	vld [tilespmem:s13+$0x2570]  }
0x28e: {  	v31 =	vld [tilespmem:s13+$0x6570];
	[tilespmem:s13+$0x8530] =	vst v3;
	v3 =	vadd.bf16 v25, v24  }
0x28f: {  	v32 =	vld [tilespmem:s13+$0x2900]  }
0x290: {  	v33 =	vld [tilespmem:s13+$0x6900];
	[tilespmem:s13+$0x8540] =	vst v3;
	v3 =	vadd.bf16 v27, v26  }
0x291: {  	v34 =	vld [tilespmem:s13+$0x2910]  }
0x292: {  	v35 =	vld [tilespmem:s13+$0x6910];
	[tilespmem:s13+$0x8550] =	vst v3;
	v3 =	vadd.bf16 v29, v28  }
0x293: {  	v36 =	vld [tilespmem:s13+$0x2920]  }
0x294: {  	v37 =	vld [tilespmem:s13+$0x6920];
	[tilespmem:s13+$0x8560] =	vst v3;
	v3 =	vadd.bf16 v31, v30  }
0x295: {  	v38 =	vld [tilespmem:s13+$0x2930]  }
0x296: {  	v39 =	vld [tilespmem:s13+$0x6930];
	[tilespmem:s13+$0x8570] =	vst v3;
	v3 =	vadd.bf16 v33, v32  }
0x297: {  	v40 =	vld [tilespmem:s13+$0x2940]  }
0x298: {  	v41 =	vld [tilespmem:s13+$0x6940];
	[tilespmem:s13+$0x8900] =	vst v3;
	v3 =	vadd.bf16 v35, v34  }
0x299: {  	v42 =	vld [tilespmem:s13+$0x2950]  }
0x29a: {  	v43 =	vld [tilespmem:s13+$0x6950];
	[tilespmem:s13+$0x8910] =	vst v3;
	v3 =	vadd.bf16 v37, v36  }
0x29b: {  	v44 =	vld [tilespmem:s13+$0x2960]  }
0x29c: {  	v45 =	vld [tilespmem:s13+$0x6960];
	[tilespmem:s13+$0x8920] =	vst v3;
	v3 =	vadd.bf16 v39, v38  }
0x29d: {  	v46 =	vld [tilespmem:s13+$0x2970]  }
0x29e: {  	v47 =	vld [tilespmem:s13+$0x6970];
	[tilespmem:s13+$0x8930] =	vst v3;
	v3 =	vadd.bf16 v41, v40  }
0x29f: {  	v48 =	vld [tilespmem:s13+$0x2D00]  }
0x2a0: {  	v49 =	vld [tilespmem:s13+$0x6D00];
	[tilespmem:s13+$0x8940] =	vst v3;
	v3 =	vadd.bf16 v43, v42  }
0x2a1: {  	v50 =	vld [tilespmem:s13+$0x2D10]  }
0x2a2: {  	v51 =	vld [tilespmem:s13+$0x6D10];
	[tilespmem:s13+$0x8950] =	vst v3;
	v3 =	vadd.bf16 v45, v44  }
0x2a3: {  	v4 =	vadd.bf16 v52, v9;
	v52 =	vld [tilespmem:s13+$0x2D20]  }
0x2a4: {  	v58 =	vadd.bf16 v54, v53;
	v53 =	vld [tilespmem:s13+$0x6D20];
	[tilespmem:s13+$0x8960] =	vst v3;
	v3 =	vadd.bf16 v47, v46  }
0x2a5: {  	v54 =	vld [tilespmem:s13+$0x2D30]  }
0x2a6: {  	v61 =	vadd.bf16 v56, v55;
	v55 =	vld [tilespmem:s13+$0x6D30];
	[tilespmem:s13+$0x8970] =	vst v3;
	v3 =	vadd.bf16 v49, v48  }
0x2a7: {  	[tilespmem:s13+$0x8110] =	vst v58;
	v56 =	vld [tilespmem:s13+$0x2D40]  }
0x2a8: {  	v58 =	vld [tilespmem:s13+$0x2D50];
	[tilespmem:s13+$0x8D00] =	vst v3;
	v3 =	vadd.bf16 v51, v50  }
0x2a9: {  	v57 =	vld [tilespmem:s13+$0x6D40]  }
0x2aa: {  	v59 =	vld [tilespmem:s13+$0x6D50];
	[tilespmem:s13+$0x8D10] =	vst v3;
	v3 =	vadd.bf16 v53, v52  }
0x2ab: {  	v60 =	vld [tilespmem:s13+$0x6D60]  }
0x2ac: {  	[tilespmem:s13+$0x8D20] =	vst v3;
	v3 =	vld [tilespmem:s13+$0x2D60];
	_ =	sdelay $0x1  }
0x2ad: {  	[tilespmem:s13+$0x8100] =	vst v4;
	v4 =	vadd.bf16 v55, v54  }
0x2ae: {  	[tilespmem:s13+$0x8120] =	vst v61;
	v6 =	vadd.bf16 v57, v56  }
0x2af: {  	[tilespmem:s13+$0x8D30] =	vst v4;
	v61 =	vadd.bf16 v59, v58  }
0x2b0: {  	[tilespmem:s13+$0x8D40] =	vst v6;
	v3 =	vadd.bf16 v60, v3  }
0x2b1: {  	[tilespmem:s13+$0x8D50] =	vst v61  }
0x2b2: {  	s7 =	rddreg [dreg:$0x8];
	s10 =	simm.s32 $0x0;
	[tilespmem:s13+$0x8D60] =	vst v3  }
0x2b3: {  	[hbm4b:s7+s10] =	stream.linear.scatter [tilespmem:s5], [sflag:$0x3], $0x2000, $0x38;
	[tilespmem:$0xA100] =	vst v63  }
0x2b4: {  	_ =	swait.ge [sflag:s16], $0x2000  }
0x2b5: {  	[sflag:s16] =	ssyncset.done $0x0  }
0x2b6: {  	[sflag:s16] =	ssyncadd.s32 $0xFFFFE000  }
0x2b7: {  	_ =	swait.ge [sflag:s26], $0x2000  }
0x2b8: {  	[sflag:s26] =	ssyncset.done $0x0  }
0x2b9: {  	[sflag:s26] =	ssyncadd.s32 $0xFFFFE000  }
0x2ba: {  	_ =	swait.ge [sflag:s26], $0x2000  }
0x2bb: {  	[sflag:s26] =	ssyncset.done $0x0  }
0x2bc: {  	[sflag:s26] =	ssyncadd.s32 $0xFFFFE000  }
0x2bd: {  	v3 =	vld [tilespmem:$0x50];
	_ =	sdelay $0x4  }
0x2be: {  	v62 =	vshll.u32 v3, $0x2  }
0x2bf: {  	v3 =	vand.u32 $0x7, v3;
	v4 =	vand.u32 $0xFFFFFFE0, v62  }
0x2c0: {  	v3 =	vor.u32 v3, v4  }
0x2c1: {  	v4 =	vperm.xlane v3, v0;
	_ =	sdelay $0x1  }
0x2c2: {  	v4 =	vadd.s32 v1, v4;
	_ =	sdelay $0x1  }
0x2c3: {  	v3 =	vperm.xlane v3, v2;
	_ =	sdelay $0x1  }
0x2c4: {  	v3 =	vadd.s32 v1, v3  }
0x2c5: {  	[tilespmem:s28], [sflag:$0x2] =	stream.indirect_vreg.gather [hbm4b:s3+s10], $0x80, v4, vm0, $0xb8;
	[tilespmem:$0xA100] =	vst v63  }
0x2c6: {  	_ = 	snop  }
0x2c7: {  	[tilespmem:s29], [sflag:$0x2] =	stream.indirect_vreg.gather [hbm4b:s6+s10], $0x80, v4, vm0, $0xb8;
	[tilespmem:$0xA100] =	vst v63  }
0x2c8: {  	_ = 	snop  }
0x2c9: {  	[tilespmem:s30], [sflag:$0x2] =	stream.indirect_vreg.gather [hbm4b:s3+s10], $0x80, v3, vm0, $0xb8;
	[tilespmem:$0xA100] =	vst v63  }
0x2ca: {  	_ = 	snop  }
0x2cb: {  	[tilespmem:s31], [sflag:$0x2] =	stream.indirect_vreg.gather [hbm4b:s6+s10], $0x80, v3, vm0, $0xb8;
	[tilespmem:$0xA100] =	vst v63  }
0x2cc: {  	v3 =	vld [tilespmem:$0xD0];
	_ =	sdelay $0x4  }
0x2cd: {  	v63 =	vshll.u32 v3, $0x2  }
0x2ce: {  	v3 =	vand.u32 $0x7, v3;
	v4 =	vand.u32 $0xFFFFFFE0, v63  }
0x2cf: {  	v3 =	vor.u32 v3, v4  }
0x2d0: {  	v4 =	vperm.xlane v3, v0;
	_ =	sdelay $0x1  }
0x2d1: {  	v4 =	vadd.s32 v1, v4;
	_ =	sdelay $0x1  }
0x2d2: {  	v3 =	vperm.xlane v3, v2;
	_ =	sdelay $0x1  }
0x2d3: {  	v3 =	vadd.s32 v1, v3  }
0x2d4: {  	[tilespmem:s0], [sflag:$0x2] =	stream.indirect_vreg.gather [hbm4b:s3+s10], $0x80, v4, vm0, $0xb8;
	[tilespmem:$0xA100] =	vst v63  }
0x2d5: {  	_ = 	snop  }
0x2d6: {  	[tilespmem:s1], [sflag:$0x2] =	stream.indirect_vreg.gather [hbm4b:s6+s10], $0x80, v4, vm0, $0xb8;
	[tilespmem:$0xA100] =	vst v63  }
0x2d7: {  	_ = 	snop  }
0x2d8: {  	[tilespmem:s17], [sflag:$0x2] =	stream.indirect_vreg.gather [hbm4b:s3+s10], $0x80, v3, vm0, $0xb8;
	[tilespmem:$0xA100] =	vst v63  }
0x2d9: {  	s11 =	simm.s32 $0x0  }
0x2da: {  	[tilespmem:s4], [sflag:$0x2] =	stream.indirect_vreg.gather [hbm4b:s6+s10], $0x80, v3, vm0, $0xb8;
	[tilespmem:$0xA100] =	vst v63  }
.LBB2_14:
0x2db: {  	s7 =	sshll.u32 s11, $0x9;
	s12 =	sshll.u32 s11, $0x7  }
0x2dc: {  	s7 =	sand.u32 $0x1000, s7;
	s12 =	sand.u32 $0x380, s12  }
0x2dd: {  	s15 =	sand.u32 $0x40, s10;
	s13 =	sor.u32 s7, s12  }
0x2de: {  	s18 =	sand.u32 $0xC00, s10;
	s7 =	sor.u32 s15, s13  }
0x2df: {  	s12 =	sor.u32 s18, s7  }
0x2e0: {  	v8 =	vld [tilespmem:s12+$0x130]  }
0x2e1: {  	v9 =	vld [tilespmem:s12+$0x4130]  }
0x2e2: {  	v4 =	vld [tilespmem:s12+$0x100]  }
0x2e3: {  	v5 =	vld [tilespmem:s12+$0x4100]  }
0x2e4: {  	s19 =	simm.s32 $0x40;
	v3 =	vld [tilespmem:s12+$0x110]  }
0x2e5: {  	s14 =	simm.s32 $0x200;
	s15 =	sand.u32 $0x40, s19;
	v6 =	vld [tilespmem:s12+$0x4110]  }
0x2e6: {  	s7 =	sand.u32 $0xC00, s14;
	s18 =	sor.u32 s15, s13;
	s15 =	simm.s32 $0x80;
	v7 =	vld [tilespmem:s12+$0x120];
	v8 =	vadd.bf16 v9, v8  }
.LBB2_15:
0x2e7: {  	p0 =	sne.s32 s15, $0x1C0;
	v9 =	vld [tilespmem:s12+$0x4120];
	s19 =	smov.u32 s12;
	s12 =	sor.u32 s7, s18  }
0x2e8: {  	v10 =	vld [tilespmem:s12+$0x130];
	v5 =	vadd.bf16 v5, v4;
	[tilespmem:s19+$0x8130] =	vst v8  }
0x2e9: {  	v8 =	vld [tilespmem:s12+$0x4130]  }
.Ltmp6:
0x2ea: {  	v4 =	vld [tilespmem:s12+$0x100];
	[tilespmem:s19+$0x8100] =	vst v5;
	v6 =	vadd.bf16 v6, v3;
	(pc) =	sbr.rel @p0 .LBB2_15-.Ltmp6, $4  }
0x2eb: {  	v5 =	vld [tilespmem:s12+$0x4100]  }
0x2ec: {  	v3 =	vld [tilespmem:s12+$0x110];
	[tilespmem:s19+$0x8110] =	vst v6;
	v9 =	vadd.bf16 v9, v7  }
0x2ed: {  	s18 =	sand.u32 $0x40, s15;
	s14 =	sadd.s32 $0x200, s14;
	v6 =	vld [tilespmem:s12+$0x4110]  }
0x2ee: {  	s15 =	sadd.s32 $0x40, s15;
	s7 =	sand.u32 $0xC00, s14;
	s18 =	sor.u32 s18, s13;
	v7 =	vld [tilespmem:s12+$0x120];
	v8 =	vadd.bf16 v8, v10;
	[tilespmem:s19+$0x8120] =	vst v9  }
0x2ef: {  	s7 =	sor.u32 s7, s18;
	v9 =	vld [tilespmem:s12+$0x4120]  }
0x2f0: {  	v10 =	vld [tilespmem:s7+$0x130];
	[tilespmem:s12+$0x8130] =	vst v8;
	v4 =	vadd.bf16 v5, v4  }
0x2f1: {  	v59 =	vld [tilespmem:s7+$0x4130]  }
0x2f2: {  	v8 =	vld [tilespmem:s7+$0x100];
	[tilespmem:s12+$0x8100] =	vst v4;
	v3 =	vadd.bf16 v6, v3  }
0x2f3: {  	v4 =	vld [tilespmem:s7+$0x4100]  }
0x2f4: {  	v60 =	vld [tilespmem:s7+$0x110];
	[tilespmem:s12+$0x8110] =	vst v3;
	v3 =	vadd.bf16 v9, v7  }
0x2f5: {  	v61 =	vld [tilespmem:s7+$0x4110]  }
0x2f6: {  	v62 =	vld [tilespmem:s7+$0x120];
	[tilespmem:s12+$0x8120] =	vst v3  }
0x2f7: {  	v3 =	vld [tilespmem:s7+$0x4120]  }
0x2f8: {  	s11 =	sadd.s32 $0x1, s11  }
0x2f9: {  	p0 =	sne.s32 s11, $0x10;
	v5 =	vadd.bf16 v59, v10  }
.Ltmp7:
0x2fa: {  	v4 =	vadd.bf16 v4, v8;
	(pc) =	sbr.rel @p0 .LBB2_14-.Ltmp7, $4  }
0x2fb: {  	[tilespmem:s7+$0x8130] =	vst v5;
	v63 =	vadd.bf16 v61, v60  }
0x2fc: {  	[tilespmem:s7+$0x8100] =	vst v4;
	v3 =	vadd.bf16 v3, v62  }
0x2fd: {  	[tilespmem:s7+$0x8110] =	vst v63  }
0x2fe: {  	[tilespmem:s7+$0x8120] =	vst v3  }
0x2ff: {  	s7 =	simm.s32 $0x0;
	s10 =	rddreg [dreg:$0x9]  }
0x300: {  	[hbm4b:s10+s7] =	stream.linear.scatter [tilespmem:s5], [sflag:$0x3], $0x2000, $0x38;
	[tilespmem:$0xA100] =	vst v63  }
0x301: {  	_ =	swait.ge [sflag:s16], $0x2000  }
0x302: {  	[sflag:s16] =	ssyncset.done $0x0  }
0x303: {  	[sflag:s16] =	ssyncadd.s32 $0xFFFFE000  }
0x304: {  	_ =	swait.ge [sflag:s8], $0x2000  }
0x305: {  	[sflag:s8] =	ssyncset.done $0x0  }
0x306: {  	[sflag:s8] =	ssyncadd.s32 $0xFFFFE000  }
0x307: {  	_ =	swait.ge [sflag:s8], $0x2000  }
0x308: {  	[sflag:s8] =	ssyncset.done $0x0  }
0x309: {  	[sflag:s8] =	ssyncadd.s32 $0xFFFFE000  }
0x30a: {  	v3 =	vld [tilespmem:$0x60];
	_ =	sdelay $0x4  }
0x30b: {  	v4 =	vshll.u32 v3, $0x2  }
0x30c: {  	v3 =	vand.u32 $0x7, v3;
	v4 =	vand.u32 $0xFFFFFFE0, v4  }
0x30d: {  	v3 =	vor.u32 v3, v4  }
0x30e: {  	v4 =	vperm.xlane v3, v0;
	_ =	sdelay $0x1  }
0x30f: {  	v4 =	vadd.s32 v1, v4;
	_ =	sdelay $0x1  }
0x310: {  	v3 =	vperm.xlane v3, v2;
	_ =	sdelay $0x1  }
0x311: {  	s14 =	simm.s32 $0x100;
	v3 =	vadd.s32 v1, v3  }
0x312: {  	[tilespmem:s14], [sflag:$0x1] =	stream.indirect_vreg.gather [hbm4b:s3+s7], $0x80, v4, vm0, $0xb8;
	[tilespmem:$0xA100] =	vst v63  }
0x313: {  	s15 =	simm.s32 $0x900  }
0x314: {  	[tilespmem:s15], [sflag:$0x1] =	stream.indirect_vreg.gather [hbm4b:s6+s7], $0x80, v4, vm0, $0xb8;
	[tilespmem:$0xA100] =	vst v63  }
0x315: {  	_ = 	snop  }
0x316: {  	[tilespmem:s20], [sflag:$0x1] =	stream.indirect_vreg.gather [hbm4b:s3+s7], $0x80, v3, vm0, $0xb8;
	[tilespmem:$0xA100] =	vst v63  }
0x317: {  	_ = 	snop  }
0x318: {  	[tilespmem:s21], [sflag:$0x1] =	stream.indirect_vreg.gather [hbm4b:s6+s7], $0x80, v3, vm0, $0xb8;
	[tilespmem:$0xA100] =	vst v63  }
0x319: {  	v3 =	vld [tilespmem:$0xE0];
	_ =	sdelay $0x4  }
0x31a: {  	v4 =	vshll.u32 v3, $0x2  }
0x31b: {  	v3 =	vand.u32 $0x7, v3;
	v4 =	vand.u32 $0xFFFFFFE0, v4  }
0x31c: {  	v3 =	vor.u32 v3, v4  }
0x31d: {  	v4 =	vperm.xlane v3, v0;
	_ =	sdelay $0x1  }
0x31e: {  	v4 =	vadd.s32 v1, v4;
	_ =	sdelay $0x1  }
0x31f: {  	v3 =	vperm.xlane v3, v2;
	_ =	sdelay $0x1  }
0x320: {  	v3 =	vadd.s32 v1, v3  }
0x321: {  	[tilespmem:s22], [sflag:$0x1] =	stream.indirect_vreg.gather [hbm4b:s3+s7], $0x80, v4, vm0, $0xb8;
	[tilespmem:$0xA100] =	vst v63  }
0x322: {  	_ = 	snop  }
0x323: {  	[tilespmem:s23], [sflag:$0x1] =	stream.indirect_vreg.gather [hbm4b:s6+s7], $0x80, v4, vm0, $0xb8;
	[tilespmem:$0xA100] =	vst v63  }
0x324: {  	_ = 	snop  }
0x325: {  	[tilespmem:s24], [sflag:$0x1] =	stream.indirect_vreg.gather [hbm4b:s3+s7], $0x80, v3, vm0, $0xb8;
	[tilespmem:$0xA100] =	vst v63  }
0x326: {  	_ = 	snop  }
0x327: {  	[tilespmem:s25], [sflag:$0x1] =	stream.indirect_vreg.gather [hbm4b:s6+s7], $0x80, v3, vm0, $0xb8;
	[tilespmem:$0xA100] =	vst v63  }
0x328: {  	s18 =	sand.u32 $0x1000, s7;
	s7 =	sand.u32 $0x380, s7  }
0x329: {  	s10 =	sor.u32 s7, s18  }
0x32a: {  	v3 =	vld [tilespmem:s10+$0x2D70]  }
0x32b: {  	v4 =	vld [tilespmem:s10+$0x6D70]  }
0x32c: {  	v5 =	vld [tilespmem:s10+$0x2100]  }
0x32d: {  	v6 =	vld [tilespmem:s10+$0x6100]  }
0x32e: {  	v7 =	vld [tilespmem:s10+$0x2110]  }
0x32f: {  	v8 =	vld [tilespmem:s10+$0x6110]  }
0x330: {  	v9 =	vld [tilespmem:s10+$0x2120]  }
0x331: {  	v10 =	vld [tilespmem:s10+$0x2130]  }
0x332: {  	v11 =	vld [tilespmem:s10+$0x6D30];
	v3 =	vadd.bf16 v4, v3  }
0x333: {  	v4 =	vld [tilespmem:s10+$0x6120]  }
0x334: {  	v5 =	vadd.bf16 v6, v5;
	[tilespmem:s10+$0x8D70] =	vst v3;
	v3 =	vld [tilespmem:s10+$0x6130]  }
0x335: {  	v6 =	vld [tilespmem:s10+$0x2140]  }
0x336: {  	[tilespmem:s10+$0x8100] =	vst v5;
	v5 =	vadd.bf16 v8, v7;
	v7 =	vld [tilespmem:s10+$0x6140]  }
0x337: {  	v8 =	vld [tilespmem:s10+$0x6150]  }
0x338: {  	[tilespmem:s10+$0x8110] =	vst v5;
	v5 =	vld [tilespmem:s10+$0x2150];
	v4 =	vadd.bf16 v4, v9  }
0x339: {  	v9 =	vld [tilespmem:s10+$0x6160];
	v3 =	vadd.bf16 v3, v10  }
0x33a: {  	[tilespmem:s10+$0x8120] =	vst v4;
	v4 =	vld [tilespmem:s10+$0x2160]  }
0x33b: {  	[tilespmem:s10+$0x8130] =	vst v3;
	v3 =	vadd.bf16 v7, v6;
	v6 =	vld [tilespmem:s10+$0x2170]  }
0x33c: {  	v7 =	vld [tilespmem:s10+$0x6170]  }
0x33d: {  	[tilespmem:s10+$0x8140] =	vst v3;
	v3 =	vadd.bf16 v8, v5;
	v5 =	vld [tilespmem:s10+$0x2500]  }
0x33e: {  	v8 =	vld [tilespmem:s10+$0x6500]  }
0x33f: {  	[tilespmem:s10+$0x8150] =	vst v3;
	v3 =	vadd.bf16 v9, v4;
	v4 =	vld [tilespmem:s10+$0x2510]  }
0x340: {  	v9 =	vld [tilespmem:s10+$0x6510]  }
0x341: {  	[tilespmem:s10+$0x8160] =	vst v3;
	v3 =	vadd.bf16 v7, v6;
	v6 =	vld [tilespmem:s10+$0x2520]  }
0x342: {  	v7 =	vld [tilespmem:s10+$0x6520]  }
0x343: {  	[tilespmem:s10+$0x8170] =	vst v3;
	v3 =	vadd.bf16 v8, v5;
	v5 =	vld [tilespmem:s10+$0x2530]  }
0x344: {  	v8 =	vld [tilespmem:s10+$0x6530]  }
0x345: {  	[tilespmem:s10+$0x8500] =	vst v3;
	v3 =	vadd.bf16 v9, v4;
	v4 =	vld [tilespmem:s10+$0x2540]  }
0x346: {  	v9 =	vld [tilespmem:s10+$0x6540]  }
0x347: {  	[tilespmem:s10+$0x8510] =	vst v3;
	v3 =	vadd.bf16 v7, v6;
	v6 =	vld [tilespmem:s10+$0x2550]  }
0x348: {  	v7 =	vld [tilespmem:s10+$0x6550]  }
0x349: {  	[tilespmem:s10+$0x8520] =	vst v3;
	v3 =	vadd.bf16 v8, v5;
	v5 =	vld [tilespmem:s10+$0x2560]  }
0x34a: {  	v8 =	vld [tilespmem:s10+$0x6560]  }
0x34b: {  	[tilespmem:s10+$0x8530] =	vst v3;
	v3 =	vadd.bf16 v9, v4;
	v4 =	vld [tilespmem:s10+$0x2570]  }
0x34c: {  	v9 =	vld [tilespmem:s10+$0x6570]  }
0x34d: {  	[tilespmem:s10+$0x8540] =	vst v3;
	v3 =	vadd.bf16 v7, v6;
	v6 =	vld [tilespmem:s10+$0x2900]  }
0x34e: {  	v7 =	vld [tilespmem:s10+$0x6900]  }
0x34f: {  	[tilespmem:s10+$0x8550] =	vst v3;
	v3 =	vadd.bf16 v8, v5;
	v5 =	vld [tilespmem:s10+$0x2910]  }
0x350: {  	v8 =	vld [tilespmem:s10+$0x6910]  }
0x351: {  	[tilespmem:s10+$0x8560] =	vst v3;
	v3 =	vadd.bf16 v9, v4;
	v4 =	vld [tilespmem:s10+$0x2920]  }
0x352: {  	v9 =	vld [tilespmem:s10+$0x6920]  }
0x353: {  	[tilespmem:s10+$0x8570] =	vst v3;
	v3 =	vadd.bf16 v7, v6;
	v6 =	vld [tilespmem:s10+$0x2930]  }
0x354: {  	v7 =	vld [tilespmem:s10+$0x6930]  }
0x355: {  	[tilespmem:s10+$0x8900] =	vst v3;
	v3 =	vadd.bf16 v8, v5;
	v5 =	vld [tilespmem:s10+$0x2940]  }
0x356: {  	v8 =	vld [tilespmem:s10+$0x6940]  }
0x357: {  	[tilespmem:s10+$0x8910] =	vst v3;
	v3 =	vadd.bf16 v9, v4;
	v4 =	vld [tilespmem:s10+$0x2950]  }
0x358: {  	v9 =	vld [tilespmem:s10+$0x6950]  }
0x359: {  	[tilespmem:s10+$0x8920] =	vst v3;
	v3 =	vadd.bf16 v7, v6;
	v6 =	vld [tilespmem:s10+$0x2960]  }
0x35a: {  	v7 =	vld [tilespmem:s10+$0x6960]  }
0x35b: {  	[tilespmem:s10+$0x8930] =	vst v3;
	v3 =	vadd.bf16 v8, v5;
	v5 =	vld [tilespmem:s10+$0x2970]  }
0x35c: {  	v8 =	vld [tilespmem:s10+$0x6970]  }
0x35d: {  	[tilespmem:s10+$0x8940] =	vst v3;
	v3 =	vadd.bf16 v9, v4;
	v4 =	vld [tilespmem:s10+$0x2D00]  }
0x35e: {  	v9 =	vld [tilespmem:s10+$0x6D00]  }
0x35f: {  	[tilespmem:s10+$0x8950] =	vst v3;
	v3 =	vadd.bf16 v7, v6;
	v6 =	vld [tilespmem:s10+$0x2D10]  }
0x360: {  	v7 =	vld [tilespmem:s10+$0x6D10]  }
0x361: {  	v10 =	vld [tilespmem:s10+$0x6D20];
	[tilespmem:s10+$0x8960] =	vst v3;
	v3 =	vadd.bf16 v8, v5  }
0x362: {  	v8 =	vld [tilespmem:s10+$0x2D20]  }
0x363: {  	[tilespmem:s10+$0x8970] =	vst v3;
	v3 =	vadd.bf16 v9, v4;
	v9 =	vld [tilespmem:s10+$0x2D30]  }
0x364: {  	v5 =	vld [tilespmem:s10+$0x6D40]  }
0x365: {  	v4 =	vadd.bf16 v7, v6;
	[tilespmem:s10+$0x8D00] =	vst v3;
	v3 =	vld [tilespmem:s10+$0x2D40]  }
0x366: {  	v6 =	vld [tilespmem:s10+$0x6D50]  }
0x367: {  	s19 =	simm.s32 $0x200;
	s11 =	simm.s32 $0x80;
	[tilespmem:s10+$0x8D10] =	vst v4;
	v7 =	vadd.bf16 v10, v8;
	v4 =	vld [tilespmem:s10+$0x2D50]  }
0x368: {  	s12 =	sand.u32 $0x380, s11;
	s7 =	sand.u32 $0x1000, s19;
	v8 =	vld [tilespmem:s10+$0x6D60];
	v9 =	vadd.bf16 v11, v9  }
0x369: {  	s13 =	sor.u32 s12, s7;
	s12 =	simm.s32 $0x400;
	[tilespmem:s10+$0x8D20] =	vst v7;
	v7 =	vld [tilespmem:s10+$0x2D60]  }
.LBB2_18:
0x36a: {  	p0 =	sne.s32 s12, $0x1E00;
	v10 =	vld [tilespmem:s13+$0x2D70];
	[tilespmem:s10+$0x8D30] =	vst v9;
	v3 =	vadd.bf16 v5, v3  }
0x36b: {  	v5 =	vld [tilespmem:s13+$0x6D70]  }
0x36c: {  	v9 =	vld [tilespmem:s13+$0x2100];
	[tilespmem:s10+$0x8D40] =	vst v3;
	v3 =	vadd.bf16 v6, v4  }
0x36d: {  	v4 =	vld [tilespmem:s13+$0x6100]  }
0x36e: {  	v6 =	vld [tilespmem:s13+$0x2110];
	[tilespmem:s10+$0x8D50] =	vst v3;
	v3 =	vadd.bf16 v8, v7  }
0x36f: {  	v7 =	vld [tilespmem:s13+$0x6110]  }
0x370: {  	v8 =	vld [tilespmem:s13+$0x2120];
	v5 =	vadd.bf16 v5, v10;
	[tilespmem:s10+$0x8D60] =	vst v3;
	s10 =	smov.u32 s13  }
0x371: {  	v3 =	vld [tilespmem:s10+$0x6120]  }
0x372: {  	v4 =	vadd.bf16 v4, v9;
	v9 =	vld [tilespmem:s10+$0x2130];
	[tilespmem:s10+$0x8D70] =	vst v5  }
0x373: {  	v5 =	vld [tilespmem:s10+$0x6130]  }
0x374: {  	[tilespmem:s10+$0x8100] =	vst v4;
	v4 =	vadd.bf16 v7, v6;
	v6 =	vld [tilespmem:s10+$0x2140]  }
0x375: {  	v7 =	vld [tilespmem:s10+$0x6140]  }
0x376: {  	[tilespmem:s10+$0x8110] =	vst v4;
	v3 =	vadd.bf16 v3, v8;
	v4 =	vld [tilespmem:s10+$0x2150]  }
0x377: {  	v8 =	vld [tilespmem:s10+$0x6150]  }
0x378: {  	[tilespmem:s10+$0x8120] =	vst v3;
	v3 =	vadd.bf16 v5, v9;
	v5 =	vld [tilespmem:s10+$0x2160]  }
0x379: {  	v9 =	vld [tilespmem:s10+$0x6160]  }
0x37a: {  	[tilespmem:s10+$0x8130] =	vst v3;
	v3 =	vadd.bf16 v7, v6;
	v6 =	vld [tilespmem:s10+$0x2170]  }
0x37b: {  	v7 =	vld [tilespmem:s10+$0x6170]  }
0x37c: {  	[tilespmem:s10+$0x8140] =	vst v3;
	v3 =	vadd.bf16 v8, v4;
	v4 =	vld [tilespmem:s10+$0x2500]  }
0x37d: {  	v8 =	vld [tilespmem:s10+$0x6500]  }
0x37e: {  	[tilespmem:s10+$0x8150] =	vst v3;
	v3 =	vadd.bf16 v9, v5;
	v5 =	vld [tilespmem:s10+$0x2510]  }
0x37f: {  	v9 =	vld [tilespmem:s10+$0x6510]  }
0x380: {  	[tilespmem:s10+$0x8160] =	vst v3;
	v3 =	vadd.bf16 v7, v6;
	v6 =	vld [tilespmem:s10+$0x2520]  }
0x381: {  	v7 =	vld [tilespmem:s10+$0x6520]  }
0x382: {  	[tilespmem:s10+$0x8170] =	vst v3;
	v3 =	vadd.bf16 v8, v4;
	v4 =	vld [tilespmem:s10+$0x2530]  }
0x383: {  	v8 =	vld [tilespmem:s10+$0x6530]  }
0x384: {  	[tilespmem:s10+$0x8500] =	vst v3;
	v3 =	vadd.bf16 v9, v5;
	v5 =	vld [tilespmem:s10+$0x2540]  }
0x385: {  	v9 =	vld [tilespmem:s10+$0x6540]  }
0x386: {  	[tilespmem:s10+$0x8510] =	vst v3;
	v3 =	vadd.bf16 v7, v6;
	v6 =	vld [tilespmem:s10+$0x2550]  }
0x387: {  	v7 =	vld [tilespmem:s10+$0x6550]  }
0x388: {  	[tilespmem:s10+$0x8520] =	vst v3;
	v3 =	vadd.bf16 v8, v4;
	v4 =	vld [tilespmem:s10+$0x2560]  }
0x389: {  	v8 =	vld [tilespmem:s10+$0x6560]  }
0x38a: {  	[tilespmem:s10+$0x8530] =	vst v3;
	v3 =	vadd.bf16 v9, v5;
	v5 =	vld [tilespmem:s10+$0x2570]  }
0x38b: {  	v9 =	vld [tilespmem:s10+$0x6570]  }
0x38c: {  	[tilespmem:s10+$0x8540] =	vst v3;
	v3 =	vadd.bf16 v7, v6;
	v6 =	vld [tilespmem:s10+$0x2900]  }
0x38d: {  	v7 =	vld [tilespmem:s10+$0x6900]  }
0x38e: {  	[tilespmem:s10+$0x8550] =	vst v3;
	v3 =	vadd.bf16 v8, v4;
	v4 =	vld [tilespmem:s10+$0x2910]  }
0x38f: {  	v8 =	vld [tilespmem:s10+$0x6910]  }
0x390: {  	[tilespmem:s10+$0x8560] =	vst v3;
	v3 =	vadd.bf16 v9, v5;
	v5 =	vld [tilespmem:s10+$0x2920]  }
0x391: {  	v9 =	vld [tilespmem:s10+$0x6920]  }
0x392: {  	[tilespmem:s10+$0x8570] =	vst v3;
	v3 =	vadd.bf16 v7, v6;
	v6 =	vld [tilespmem:s10+$0x2930]  }
0x393: {  	v7 =	vld [tilespmem:s10+$0x6930]  }
0x394: {  	[tilespmem:s10+$0x8900] =	vst v3;
	v3 =	vadd.bf16 v8, v4;
	v4 =	vld [tilespmem:s10+$0x2940]  }
0x395: {  	v8 =	vld [tilespmem:s10+$0x6940]  }
0x396: {  	[tilespmem:s10+$0x8910] =	vst v3;
	v3 =	vadd.bf16 v9, v5;
	v5 =	vld [tilespmem:s10+$0x2950]  }
0x397: {  	v9 =	vld [tilespmem:s10+$0x6950]  }
0x398: {  	[tilespmem:s10+$0x8920] =	vst v3;
	v3 =	vadd.bf16 v7, v6;
	v6 =	vld [tilespmem:s10+$0x2960]  }
0x399: {  	v7 =	vld [tilespmem:s10+$0x6960]  }
0x39a: {  	[tilespmem:s10+$0x8930] =	vst v3;
	v3 =	vadd.bf16 v8, v4;
	v4 =	vld [tilespmem:s10+$0x2970]  }
0x39b: {  	v8 =	vld [tilespmem:s10+$0x6970]  }
0x39c: {  	[tilespmem:s10+$0x8940] =	vst v3;
	v3 =	vadd.bf16 v9, v5;
	v5 =	vld [tilespmem:s10+$0x2D00]  }
0x39d: {  	v9 =	vld [tilespmem:s10+$0x6D00]  }
0x39e: {  	[tilespmem:s10+$0x8950] =	vst v3;
	v3 =	vadd.bf16 v7, v6;
	v6 =	vld [tilespmem:s10+$0x2D10]  }
0x39f: {  	v7 =	vld [tilespmem:s10+$0x6D10]  }
0x3a0: {  	[tilespmem:s10+$0x8960] =	vst v3;
	v3 =	vadd.bf16 v8, v4;
	v4 =	vld [tilespmem:s10+$0x2D20]  }
0x3a1: {  	v8 =	vld [tilespmem:s10+$0x6D20]  }
0x3a2: {  	[tilespmem:s10+$0x8970] =	vst v3;
	v3 =	vadd.bf16 v9, v5;
	v9 =	vld [tilespmem:s10+$0x2D30]  }
0x3a3: {  	v10 =	vld [tilespmem:s10+$0x6D30]  }
0x3a4: {  	[tilespmem:s10+$0x8D00] =	vst v3;
	v6 =	vadd.bf16 v7, v6;
	v3 =	vld [tilespmem:s10+$0x2D40]  }
.Ltmp8:
0x3a5: {  	v5 =	vld [tilespmem:s10+$0x6D40];
	(pc) =	sbr.rel @p0 .LBB2_18-.Ltmp8, $4  }
0x3a6: {  	[tilespmem:s10+$0x8D10] =	vst v6;
	v7 =	vadd.bf16 v8, v4;
	v4 =	vld [tilespmem:s10+$0x2D50]  }
0x3a7: {  	s11 =	sadd.s32 $0x80, s11;
	v6 =	vld [tilespmem:s10+$0x6D50]  }
0x3a8: {  	s7 =	sand.u32 $0x1000, s12;
	s13 =	sand.u32 $0x380, s11;
	[tilespmem:s10+$0x8D20] =	vst v7;
	v9 =	vadd.bf16 v10, v9;
	v7 =	vld [tilespmem:s10+$0x2D60]  }
0x3a9: {  	s12 =	sadd.s32 $0x200, s12;
	s13 =	sor.u32 s13, s7;
	v8 =	vld [tilespmem:s10+$0x6D60]  }
0x3aa: {  	v10 =	vld [tilespmem:s13+$0x2D70];
	[tilespmem:s10+$0x8D30] =	vst v9;
	v3 =	vadd.bf16 v5, v3  }
0x3ab: {  	v51 =	vld [tilespmem:s13+$0x6D70]  }
0x3ac: {  	v9 =	vld [tilespmem:s13+$0x2100];
	[tilespmem:s10+$0x8D40] =	vst v3;
	v3 =	vadd.bf16 v6, v4  }
0x3ad: {  	v52 =	vld [tilespmem:s13+$0x6100]  }
0x3ae: {  	v53 =	vld [tilespmem:s13+$0x2110];
	[tilespmem:s10+$0x8D50] =	vst v3;
	v3 =	vadd.bf16 v8, v7  }
0x3af: {  	v54 =	vld [tilespmem:s13+$0x6110]  }
0x3b0: {  	v55 =	vld [tilespmem:s13+$0x2120];
	[tilespmem:s10+$0x8D60] =	vst v3  }
0x3b1: {  	v56 =	vld [tilespmem:s13+$0x6120]  }
0x3b2: {  	v3 =	vadd.bf16 v51, v10;
	v57 =	vld [tilespmem:s13+$0x2130]  }
0x3b3: {  	v59 =	vld [tilespmem:s13+$0x2140]  }
0x3b4: {  	[tilespmem:s13+$0x8D70] =	vst v3;
	v3 =	vld [tilespmem:s13+$0x6130]  }
0x3b5: {  	v60 =	vld [tilespmem:s13+$0x6140]  }
0x3b6: {  	v62 =	vld [tilespmem:s13+$0x2150]  }
0x3b7: {  	v63 =	vld [tilespmem:s13+$0x6150]  }
0x3b8: {  	v12 =	vld [tilespmem:s13+$0x2160]  }
0x3b9: {  	v13 =	vld [tilespmem:s13+$0x6160];
	v3 =	vadd.bf16 v3, v57  }
0x3ba: {  	v14 =	vld [tilespmem:s13+$0x2170]  }
0x3bb: {  	v15 =	vld [tilespmem:s13+$0x6170];
	[tilespmem:s13+$0x8130] =	vst v3;
	v3 =	vadd.bf16 v60, v59  }
0x3bc: {  	v16 =	vld [tilespmem:s13+$0x2500]  }
0x3bd: {  	v17 =	vld [tilespmem:s13+$0x6500];
	[tilespmem:s13+$0x8140] =	vst v3;
	v3 =	vadd.bf16 v63, v62  }
0x3be: {  	v18 =	vld [tilespmem:s13+$0x2510]  }
0x3bf: {  	v19 =	vld [tilespmem:s13+$0x6510];
	[tilespmem:s13+$0x8150] =	vst v3;
	v3 =	vadd.bf16 v13, v12  }
0x3c0: {  	v20 =	vld [tilespmem:s13+$0x2520]  }
0x3c1: {  	v21 =	vld [tilespmem:s13+$0x6520];
	[tilespmem:s13+$0x8160] =	vst v3;
	v3 =	vadd.bf16 v15, v14  }
0x3c2: {  	v22 =	vld [tilespmem:s13+$0x2530]  }
0x3c3: {  	v23 =	vld [tilespmem:s13+$0x6530];
	[tilespmem:s13+$0x8170] =	vst v3;
	v3 =	vadd.bf16 v17, v16  }
0x3c4: {  	v24 =	vld [tilespmem:s13+$0x2540]  }
0x3c5: {  	v25 =	vld [tilespmem:s13+$0x6540];
	[tilespmem:s13+$0x8500] =	vst v3;
	v3 =	vadd.bf16 v19, v18  }
0x3c6: {  	v26 =	vld [tilespmem:s13+$0x2550]  }
0x3c7: {  	v27 =	vld [tilespmem:s13+$0x6550];
	[tilespmem:s13+$0x8510] =	vst v3;
	v3 =	vadd.bf16 v21, v20  }
0x3c8: {  	v28 =	vld [tilespmem:s13+$0x2560]  }
0x3c9: {  	v29 =	vld [tilespmem:s13+$0x6560];
	[tilespmem:s13+$0x8520] =	vst v3;
	v3 =	vadd.bf16 v23, v22  }
0x3ca: {  	v30 =	vld [tilespmem:s13+$0x2570]  }
0x3cb: {  	v31 =	vld [tilespmem:s13+$0x6570];
	[tilespmem:s13+$0x8530] =	vst v3;
	v3 =	vadd.bf16 v25, v24  }
0x3cc: {  	v32 =	vld [tilespmem:s13+$0x2900]  }
0x3cd: {  	v33 =	vld [tilespmem:s13+$0x6900];
	[tilespmem:s13+$0x8540] =	vst v3;
	v3 =	vadd.bf16 v27, v26  }
0x3ce: {  	v34 =	vld [tilespmem:s13+$0x2910]  }
0x3cf: {  	v35 =	vld [tilespmem:s13+$0x6910];
	[tilespmem:s13+$0x8550] =	vst v3;
	v3 =	vadd.bf16 v29, v28  }
0x3d0: {  	v36 =	vld [tilespmem:s13+$0x2920]  }
0x3d1: {  	v37 =	vld [tilespmem:s13+$0x6920];
	[tilespmem:s13+$0x8560] =	vst v3;
	v3 =	vadd.bf16 v31, v30  }
0x3d2: {  	v38 =	vld [tilespmem:s13+$0x2930]  }
0x3d3: {  	v39 =	vld [tilespmem:s13+$0x6930];
	[tilespmem:s13+$0x8570] =	vst v3;
	v3 =	vadd.bf16 v33, v32  }
0x3d4: {  	v40 =	vld [tilespmem:s13+$0x2940]  }
0x3d5: {  	v41 =	vld [tilespmem:s13+$0x6940];
	[tilespmem:s13+$0x8900] =	vst v3;
	v3 =	vadd.bf16 v35, v34  }
0x3d6: {  	v42 =	vld [tilespmem:s13+$0x2950]  }
0x3d7: {  	v43 =	vld [tilespmem:s13+$0x6950];
	[tilespmem:s13+$0x8910] =	vst v3;
	v3 =	vadd.bf16 v37, v36  }
0x3d8: {  	v44 =	vld [tilespmem:s13+$0x2960]  }
0x3d9: {  	v45 =	vld [tilespmem:s13+$0x6960];
	[tilespmem:s13+$0x8920] =	vst v3;
	v3 =	vadd.bf16 v39, v38  }
0x3da: {  	v46 =	vld [tilespmem:s13+$0x2970]  }
0x3db: {  	v47 =	vld [tilespmem:s13+$0x6970];
	[tilespmem:s13+$0x8930] =	vst v3;
	v3 =	vadd.bf16 v41, v40  }
0x3dc: {  	v48 =	vld [tilespmem:s13+$0x2D00]  }
0x3dd: {  	v49 =	vld [tilespmem:s13+$0x6D00];
	[tilespmem:s13+$0x8940] =	vst v3;
	v3 =	vadd.bf16 v43, v42  }
0x3de: {  	v50 =	vld [tilespmem:s13+$0x2D10]  }
0x3df: {  	v51 =	vld [tilespmem:s13+$0x6D10];
	[tilespmem:s13+$0x8950] =	vst v3;
	v3 =	vadd.bf16 v45, v44  }
0x3e0: {  	v4 =	vadd.bf16 v52, v9;
	v52 =	vld [tilespmem:s13+$0x2D20]  }
0x3e1: {  	v58 =	vadd.bf16 v54, v53;
	v53 =	vld [tilespmem:s13+$0x6D20];
	[tilespmem:s13+$0x8960] =	vst v3;
	v3 =	vadd.bf16 v47, v46  }
0x3e2: {  	v54 =	vld [tilespmem:s13+$0x2D30]  }
0x3e3: {  	v61 =	vadd.bf16 v56, v55;
	v55 =	vld [tilespmem:s13+$0x6D30];
	[tilespmem:s13+$0x8970] =	vst v3;
	v3 =	vadd.bf16 v49, v48  }
0x3e4: {  	[tilespmem:s13+$0x8110] =	vst v58;
	v56 =	vld [tilespmem:s13+$0x2D40]  }
0x3e5: {  	v58 =	vld [tilespmem:s13+$0x2D50];
	[tilespmem:s13+$0x8D00] =	vst v3;
	v3 =	vadd.bf16 v51, v50  }
0x3e6: {  	v57 =	vld [tilespmem:s13+$0x6D40]  }
0x3e7: {  	v59 =	vld [tilespmem:s13+$0x6D50];
	[tilespmem:s13+$0x8D10] =	vst v3;
	v3 =	vadd.bf16 v53, v52  }
0x3e8: {  	v60 =	vld [tilespmem:s13+$0x6D60]  }
0x3e9: {  	[tilespmem:s13+$0x8D20] =	vst v3;
	v3 =	vld [tilespmem:s13+$0x2D60];
	_ =	sdelay $0x1  }
0x3ea: {  	[tilespmem:s13+$0x8100] =	vst v4;
	v4 =	vadd.bf16 v55, v54  }
0x3eb: {  	[tilespmem:s13+$0x8120] =	vst v61;
	v6 =	vadd.bf16 v57, v56  }
0x3ec: {  	[tilespmem:s13+$0x8D30] =	vst v4;
	v61 =	vadd.bf16 v59, v58  }
0x3ed: {  	[tilespmem:s13+$0x8D40] =	vst v6;
	v3 =	vadd.bf16 v60, v3  }
0x3ee: {  	[tilespmem:s13+$0x8D50] =	vst v61  }
0x3ef: {  	s7 =	rddreg [dreg:$0xa];
	s10 =	simm.s32 $0x0;
	[tilespmem:s13+$0x8D60] =	vst v3  }
0x3f0: {  	[hbm4b:s7+s10] =	stream.linear.scatter [tilespmem:s5], [sflag:$0x3], $0x2000, $0x38;
	[tilespmem:$0xA100] =	vst v63  }
0x3f1: {  	_ =	swait.ge [sflag:s16], $0x2000  }
0x3f2: {  	[sflag:s16] =	ssyncset.done $0x0  }
0x3f3: {  	[sflag:s16] =	ssyncadd.s32 $0xFFFFE000  }
0x3f4: {  	_ =	swait.ge [sflag:s26], $0x2000  }
0x3f5: {  	[sflag:s26] =	ssyncset.done $0x0  }
0x3f6: {  	[sflag:s26] =	ssyncadd.s32 $0xFFFFE000  }
0x3f7: {  	_ =	swait.ge [sflag:s26], $0x2000  }
0x3f8: {  	[sflag:s26] =	ssyncset.done $0x0  }
0x3f9: {  	[sflag:s26] =	ssyncadd.s32 $0xFFFFE000  }
0x3fa: {  	v3 =	vld [tilespmem:$0x70];
	_ =	sdelay $0x4  }
0x3fb: {  	v62 =	vshll.u32 v3, $0x2  }
0x3fc: {  	v3 =	vand.u32 $0x7, v3;
	v4 =	vand.u32 $0xFFFFFFE0, v62  }
0x3fd: {  	v3 =	vor.u32 v3, v4  }
0x3fe: {  	v4 =	vperm.xlane v3, v0;
	_ =	sdelay $0x1  }
0x3ff: {  	v4 =	vadd.s32 v1, v4;
	_ =	sdelay $0x1  }
0x400: {  	v3 =	vperm.xlane v3, v2;
	_ =	sdelay $0x1  }
0x401: {  	v3 =	vadd.s32 v1, v3  }
0x402: {  	[tilespmem:s28], [sflag:$0x2] =	stream.indirect_vreg.gather [hbm4b:s3+s10], $0x80, v4, vm0, $0xb8;
	[tilespmem:$0xA100] =	vst v63  }
0x403: {  	_ = 	snop  }
0x404: {  	[tilespmem:s29], [sflag:$0x2] =	stream.indirect_vreg.gather [hbm4b:s6+s10], $0x80, v4, vm0, $0xb8;
	[tilespmem:$0xA100] =	vst v63  }
0x405: {  	_ = 	snop  }
0x406: {  	[tilespmem:s30], [sflag:$0x2] =	stream.indirect_vreg.gather [hbm4b:s3+s10], $0x80, v3, vm0, $0xb8;
	[tilespmem:$0xA100] =	vst v63  }
0x407: {  	_ = 	snop  }
0x408: {  	[tilespmem:s31], [sflag:$0x2] =	stream.indirect_vreg.gather [hbm4b:s6+s10], $0x80, v3, vm0, $0xb8;
	[tilespmem:$0xA100] =	vst v63  }
0x409: {  	v3 =	vld [tilespmem:$0xF0];
	_ =	sdelay $0x4  }
0x40a: {  	v63 =	vshll.u32 v3, $0x2  }
0x40b: {  	v3 =	vand.u32 $0x7, v3;
	v4 =	vand.u32 $0xFFFFFFE0, v63  }
0x40c: {  	v3 =	vor.u32 v3, v4  }
0x40d: {  	v4 =	vperm.xlane v3, v0;
	_ =	sdelay $0x1  }
0x40e: {  	v4 =	vadd.s32 v1, v4;
	_ =	sdelay $0x1  }
0x40f: {  	v3 =	vperm.xlane v3, v2;
	_ =	sdelay $0x1  }
0x410: {  	v3 =	vadd.s32 v1, v3  }
0x411: {  	[tilespmem:s0], [sflag:$0x2] =	stream.indirect_vreg.gather [hbm4b:s3+s10], $0x80, v4, vm0, $0xb8;
	[tilespmem:$0xA100] =	vst v63  }
0x412: {  	_ = 	snop  }
0x413: {  	[tilespmem:s1], [sflag:$0x2] =	stream.indirect_vreg.gather [hbm4b:s6+s10], $0x80, v4, vm0, $0xb8;
	[tilespmem:$0xA100] =	vst v63  }
0x414: {  	_ = 	snop  }
0x415: {  	[tilespmem:s17], [sflag:$0x2] =	stream.indirect_vreg.gather [hbm4b:s3+s10], $0x80, v3, vm0, $0xb8;
	[tilespmem:$0xA100] =	vst v63  }
0x416: {  	s11 =	simm.s32 $0x0  }
0x417: {  	[tilespmem:s4], [sflag:$0x2] =	stream.indirect_vreg.gather [hbm4b:s6+s10], $0x80, v3, vm0, $0xb8;
	[tilespmem:$0xA100] =	vst v63  }
.LBB2_20:
0x418: {  	s7 =	sshll.u32 s11, $0x9;
	s12 =	sshll.u32 s11, $0x7  }
0x419: {  	s7 =	sand.u32 $0x1000, s7;
	s12 =	sand.u32 $0x380, s12  }
0x41a: {  	s15 =	sand.u32 $0x40, s10;
	s13 =	sor.u32 s7, s12  }
0x41b: {  	s18 =	sand.u32 $0xC00, s10;
	s7 =	sor.u32 s15, s13  }
0x41c: {  	s12 =	sor.u32 s18, s7  }
0x41d: {  	v8 =	vld [tilespmem:s12+$0x130]  }
0x41e: {  	v9 =	vld [tilespmem:s12+$0x4130]  }
0x41f: {  	v4 =	vld [tilespmem:s12+$0x100]  }
0x420: {  	v5 =	vld [tilespmem:s12+$0x4100]  }
0x421: {  	s19 =	simm.s32 $0x40;
	v3 =	vld [tilespmem:s12+$0x110]  }
0x422: {  	s14 =	simm.s32 $0x200;
	s15 =	sand.u32 $0x40, s19;
	v6 =	vld [tilespmem:s12+$0x4110]  }
0x423: {  	s7 =	sand.u32 $0xC00, s14;
	s18 =	sor.u32 s15, s13;
	s15 =	simm.s32 $0x80;
	v7 =	vld [tilespmem:s12+$0x120];
	v8 =	vadd.bf16 v9, v8  }
.LBB2_21:
0x424: {  	p0 =	sne.s32 s15, $0x1C0;
	v9 =	vld [tilespmem:s12+$0x4120];
	s19 =	smov.u32 s12;
	s12 =	sor.u32 s7, s18  }
0x425: {  	v10 =	vld [tilespmem:s12+$0x130];
	v5 =	vadd.bf16 v5, v4;
	[tilespmem:s19+$0x8130] =	vst v8  }
0x426: {  	v8 =	vld [tilespmem:s12+$0x4130]  }
.Ltmp9:
0x427: {  	v4 =	vld [tilespmem:s12+$0x100];
	[tilespmem:s19+$0x8100] =	vst v5;
	v6 =	vadd.bf16 v6, v3;
	(pc) =	sbr.rel @p0 .LBB2_21-.Ltmp9, $4  }
0x428: {  	v5 =	vld [tilespmem:s12+$0x4100]  }
0x429: {  	v3 =	vld [tilespmem:s12+$0x110];
	[tilespmem:s19+$0x8110] =	vst v6;
	v9 =	vadd.bf16 v9, v7  }
0x42a: {  	s18 =	sand.u32 $0x40, s15;
	s14 =	sadd.s32 $0x200, s14;
	v6 =	vld [tilespmem:s12+$0x4110]  }
0x42b: {  	s15 =	sadd.s32 $0x40, s15;
	s7 =	sand.u32 $0xC00, s14;
	s18 =	sor.u32 s18, s13;
	v7 =	vld [tilespmem:s12+$0x120];
	v8 =	vadd.bf16 v8, v10;
	[tilespmem:s19+$0x8120] =	vst v9  }
0x42c: {  	s7 =	sor.u32 s7, s18;
	v9 =	vld [tilespmem:s12+$0x4120]  }
0x42d: {  	v10 =	vld [tilespmem:s7+$0x130];
	[tilespmem:s12+$0x8130] =	vst v8;
	v4 =	vadd.bf16 v5, v4  }
0x42e: {  	v59 =	vld [tilespmem:s7+$0x4130]  }
0x42f: {  	v8 =	vld [tilespmem:s7+$0x100];
	[tilespmem:s12+$0x8100] =	vst v4;
	v3 =	vadd.bf16 v6, v3  }
0x430: {  	v4 =	vld [tilespmem:s7+$0x4100]  }
0x431: {  	v60 =	vld [tilespmem:s7+$0x110];
	[tilespmem:s12+$0x8110] =	vst v3;
	v3 =	vadd.bf16 v9, v7  }
0x432: {  	v61 =	vld [tilespmem:s7+$0x4110]  }
0x433: {  	v62 =	vld [tilespmem:s7+$0x120];
	[tilespmem:s12+$0x8120] =	vst v3  }
0x434: {  	v3 =	vld [tilespmem:s7+$0x4120]  }
0x435: {  	s11 =	sadd.s32 $0x1, s11  }
0x436: {  	p0 =	sne.s32 s11, $0x10;
	v5 =	vadd.bf16 v59, v10  }
.Ltmp10:
0x437: {  	v4 =	vadd.bf16 v4, v8;
	(pc) =	sbr.rel @p0 .LBB2_20-.Ltmp10, $4  }
0x438: {  	[tilespmem:s7+$0x8130] =	vst v5;
	v63 =	vadd.bf16 v61, v60  }
0x439: {  	[tilespmem:s7+$0x8100] =	vst v4;
	v3 =	vadd.bf16 v3, v62  }
0x43a: {  	[tilespmem:s7+$0x8110] =	vst v63  }
0x43b: {  	[tilespmem:s7+$0x8120] =	vst v3  }
0x43c: {  	s7 =	simm.s32 $0x0;
	s10 =	rddreg [dreg:$0xb]  }
0x43d: {  	[hbm4b:s10+s7] =	stream.linear.scatter [tilespmem:s5], [sflag:$0x3], $0x2000, $0x38;
	[tilespmem:$0xA100] =	vst v63  }
0x43e: {  	_ =	swait.ge [sflag:s16], $0x2000  }
0x43f: {  	[sflag:s16] =	ssyncset.done $0x0  }
0x440: {  	[sflag:s16] =	ssyncadd.s32 $0xFFFFE000  }
0x441: {  	_ =	swait.ge [sflag:s8], $0x2000  }
0x442: {  	[sflag:s8] =	ssyncset.done $0x0  }
0x443: {  	[sflag:s8] =	ssyncadd.s32 $0xFFFFE000  }
0x444: {  	_ =	swait.ge [sflag:s8], $0x2000  }
0x445: {  	s18 =	sand.u32 $0x1000, s7;
	s7 =	sand.u32 $0x380, s7;
	[sflag:s8] =	ssyncset.done $0x0  }
0x446: {  	s10 =	sor.u32 s7, s18;
	[sflag:s8] =	ssyncadd.s32 $0xFFFFE000  }
0x447: {  	v3 =	vld [tilespmem:s10+$0x2D70]  }
0x448: {  	v4 =	vld [tilespmem:s10+$0x6D70]  }
0x449: {  	v5 =	vld [tilespmem:s10+$0x2100]  }
0x44a: {  	v6 =	vld [tilespmem:s10+$0x6100]  }
0x44b: {  	v7 =	vld [tilespmem:s10+$0x2110]  }
0x44c: {  	v8 =	vld [tilespmem:s10+$0x6110]  }
0x44d: {  	v9 =	vld [tilespmem:s10+$0x2120]  }
0x44e: {  	v10 =	vld [tilespmem:s10+$0x2130]  }
0x44f: {  	v11 =	vld [tilespmem:s10+$0x6D30];
	v3 =	vadd.bf16 v4, v3  }
0x450: {  	v4 =	vld [tilespmem:s10+$0x6120]  }
0x451: {  	v5 =	vadd.bf16 v6, v5;
	[tilespmem:s10+$0x8D70] =	vst v3;
	v3 =	vld [tilespmem:s10+$0x6130]  }
0x452: {  	v6 =	vld [tilespmem:s10+$0x2140]  }
0x453: {  	[tilespmem:s10+$0x8100] =	vst v5;
	v5 =	vadd.bf16 v8, v7;
	v7 =	vld [tilespmem:s10+$0x6140]  }
0x454: {  	v8 =	vld [tilespmem:s10+$0x6150]  }
0x455: {  	[tilespmem:s10+$0x8110] =	vst v5;
	v5 =	vld [tilespmem:s10+$0x2150];
	v4 =	vadd.bf16 v4, v9  }
0x456: {  	v9 =	vld [tilespmem:s10+$0x6160];
	v3 =	vadd.bf16 v3, v10  }
0x457: {  	[tilespmem:s10+$0x8120] =	vst v4;
	v4 =	vld [tilespmem:s10+$0x2160]  }
0x458: {  	[tilespmem:s10+$0x8130] =	vst v3;
	v3 =	vadd.bf16 v7, v6;
	v6 =	vld [tilespmem:s10+$0x2170]  }
0x459: {  	v7 =	vld [tilespmem:s10+$0x6170]  }
0x45a: {  	[tilespmem:s10+$0x8140] =	vst v3;
	v3 =	vadd.bf16 v8, v5;
	v5 =	vld [tilespmem:s10+$0x2500]  }
0x45b: {  	v8 =	vld [tilespmem:s10+$0x6500]  }
0x45c: {  	[tilespmem:s10+$0x8150] =	vst v3;
	v3 =	vadd.bf16 v9, v4;
	v4 =	vld [tilespmem:s10+$0x2510]  }
0x45d: {  	v9 =	vld [tilespmem:s10+$0x6510]  }
0x45e: {  	[tilespmem:s10+$0x8160] =	vst v3;
	v3 =	vadd.bf16 v7, v6;
	v6 =	vld [tilespmem:s10+$0x2520]  }
0x45f: {  	v7 =	vld [tilespmem:s10+$0x6520]  }
0x460: {  	[tilespmem:s10+$0x8170] =	vst v3;
	v3 =	vadd.bf16 v8, v5;
	v5 =	vld [tilespmem:s10+$0x2530]  }
0x461: {  	v8 =	vld [tilespmem:s10+$0x6530]  }
0x462: {  	[tilespmem:s10+$0x8500] =	vst v3;
	v3 =	vadd.bf16 v9, v4;
	v4 =	vld [tilespmem:s10+$0x2540]  }
0x463: {  	v9 =	vld [tilespmem:s10+$0x6540]  }
0x464: {  	[tilespmem:s10+$0x8510] =	vst v3;
	v3 =	vadd.bf16 v7, v6;
	v6 =	vld [tilespmem:s10+$0x2550]  }
0x465: {  	v7 =	vld [tilespmem:s10+$0x6550]  }
0x466: {  	[tilespmem:s10+$0x8520] =	vst v3;
	v3 =	vadd.bf16 v8, v5;
	v5 =	vld [tilespmem:s10+$0x2560]  }
0x467: {  	v8 =	vld [tilespmem:s10+$0x6560]  }
0x468: {  	[tilespmem:s10+$0x8530] =	vst v3;
	v3 =	vadd.bf16 v9, v4;
	v4 =	vld [tilespmem:s10+$0x2570]  }
0x469: {  	v9 =	vld [tilespmem:s10+$0x6570]  }
0x46a: {  	[tilespmem:s10+$0x8540] =	vst v3;
	v3 =	vadd.bf16 v7, v6;
	v6 =	vld [tilespmem:s10+$0x2900]  }
0x46b: {  	v7 =	vld [tilespmem:s10+$0x6900]  }
0x46c: {  	[tilespmem:s10+$0x8550] =	vst v3;
	v3 =	vadd.bf16 v8, v5;
	v5 =	vld [tilespmem:s10+$0x2910]  }
0x46d: {  	v8 =	vld [tilespmem:s10+$0x6910]  }
0x46e: {  	[tilespmem:s10+$0x8560] =	vst v3;
	v3 =	vadd.bf16 v9, v4;
	v4 =	vld [tilespmem:s10+$0x2920]  }
0x46f: {  	v9 =	vld [tilespmem:s10+$0x6920]  }
0x470: {  	[tilespmem:s10+$0x8570] =	vst v3;
	v3 =	vadd.bf16 v7, v6;
	v6 =	vld [tilespmem:s10+$0x2930]  }
0x471: {  	v7 =	vld [tilespmem:s10+$0x6930]  }
0x472: {  	[tilespmem:s10+$0x8900] =	vst v3;
	v3 =	vadd.bf16 v8, v5;
	v5 =	vld [tilespmem:s10+$0x2940]  }
0x473: {  	v8 =	vld [tilespmem:s10+$0x6940]  }
0x474: {  	[tilespmem:s10+$0x8910] =	vst v3;
	v3 =	vadd.bf16 v9, v4;
	v4 =	vld [tilespmem:s10+$0x2950]  }
0x475: {  	v9 =	vld [tilespmem:s10+$0x6950]  }
0x476: {  	[tilespmem:s10+$0x8920] =	vst v3;
	v3 =	vadd.bf16 v7, v6;
	v6 =	vld [tilespmem:s10+$0x2960]  }
0x477: {  	v7 =	vld [tilespmem:s10+$0x6960]  }
0x478: {  	[tilespmem:s10+$0x8930] =	vst v3;
	v3 =	vadd.bf16 v8, v5;
	v5 =	vld [tilespmem:s10+$0x2970]  }
0x479: {  	v8 =	vld [tilespmem:s10+$0x6970]  }
0x47a: {  	[tilespmem:s10+$0x8940] =	vst v3;
	v3 =	vadd.bf16 v9, v4;
	v4 =	vld [tilespmem:s10+$0x2D00]  }
0x47b: {  	v9 =	vld [tilespmem:s10+$0x6D00]  }
0x47c: {  	[tilespmem:s10+$0x8950] =	vst v3;
	v3 =	vadd.bf16 v7, v6;
	v6 =	vld [tilespmem:s10+$0x2D10]  }
0x47d: {  	v7 =	vld [tilespmem:s10+$0x6D10]  }
0x47e: {  	v10 =	vld [tilespmem:s10+$0x6D20];
	[tilespmem:s10+$0x8960] =	vst v3;
	v3 =	vadd.bf16 v8, v5  }
0x47f: {  	v8 =	vld [tilespmem:s10+$0x2D20]  }
0x480: {  	[tilespmem:s10+$0x8970] =	vst v3;
	v3 =	vadd.bf16 v9, v4;
	v9 =	vld [tilespmem:s10+$0x2D30]  }
0x481: {  	v5 =	vld [tilespmem:s10+$0x6D40]  }
0x482: {  	v4 =	vadd.bf16 v7, v6;
	[tilespmem:s10+$0x8D00] =	vst v3;
	v3 =	vld [tilespmem:s10+$0x2D40]  }
0x483: {  	v6 =	vld [tilespmem:s10+$0x6D50]  }
0x484: {  	s19 =	simm.s32 $0x200;
	s11 =	simm.s32 $0x80;
	[tilespmem:s10+$0x8D10] =	vst v4;
	v7 =	vadd.bf16 v10, v8;
	v4 =	vld [tilespmem:s10+$0x2D50]  }
0x485: {  	s12 =	sand.u32 $0x380, s11;
	s7 =	sand.u32 $0x1000, s19;
	v8 =	vld [tilespmem:s10+$0x6D60];
	v9 =	vadd.bf16 v11, v9  }
0x486: {  	s13 =	sor.u32 s12, s7;
	s12 =	simm.s32 $0x400;
	[tilespmem:s10+$0x8D20] =	vst v7;
	v7 =	vld [tilespmem:s10+$0x2D60]  }
.LBB2_24:
0x487: {  	p0 =	sne.s32 s12, $0x1E00;
	v10 =	vld [tilespmem:s13+$0x2D70];
	[tilespmem:s10+$0x8D30] =	vst v9;
	v3 =	vadd.bf16 v5, v3  }
0x488: {  	v5 =	vld [tilespmem:s13+$0x6D70]  }
0x489: {  	v9 =	vld [tilespmem:s13+$0x2100];
	[tilespmem:s10+$0x8D40] =	vst v3;
	v3 =	vadd.bf16 v6, v4  }
0x48a: {  	v4 =	vld [tilespmem:s13+$0x6100]  }
0x48b: {  	v6 =	vld [tilespmem:s13+$0x2110];
	[tilespmem:s10+$0x8D50] =	vst v3;
	v3 =	vadd.bf16 v8, v7  }
0x48c: {  	v7 =	vld [tilespmem:s13+$0x6110]  }
0x48d: {  	v8 =	vld [tilespmem:s13+$0x2120];
	v5 =	vadd.bf16 v5, v10;
	[tilespmem:s10+$0x8D60] =	vst v3;
	s10 =	smov.u32 s13  }
0x48e: {  	v3 =	vld [tilespmem:s10+$0x6120]  }
0x48f: {  	v4 =	vadd.bf16 v4, v9;
	v9 =	vld [tilespmem:s10+$0x2130];
	[tilespmem:s10+$0x8D70] =	vst v5  }
0x490: {  	v5 =	vld [tilespmem:s10+$0x6130]  }
0x491: {  	[tilespmem:s10+$0x8100] =	vst v4;
	v4 =	vadd.bf16 v7, v6;
	v6 =	vld [tilespmem:s10+$0x2140]  }
0x492: {  	v7 =	vld [tilespmem:s10+$0x6140]  }
0x493: {  	[tilespmem:s10+$0x8110] =	vst v4;
	v3 =	vadd.bf16 v3, v8;
	v4 =	vld [tilespmem:s10+$0x2150]  }
0x494: {  	v8 =	vld [tilespmem:s10+$0x6150]  }
0x495: {  	[tilespmem:s10+$0x8120] =	vst v3;
	v3 =	vadd.bf16 v5, v9;
	v5 =	vld [tilespmem:s10+$0x2160]  }
0x496: {  	v9 =	vld [tilespmem:s10+$0x6160]  }
0x497: {  	[tilespmem:s10+$0x8130] =	vst v3;
	v3 =	vadd.bf16 v7, v6;
	v6 =	vld [tilespmem:s10+$0x2170]  }
0x498: {  	v7 =	vld [tilespmem:s10+$0x6170]  }
0x499: {  	[tilespmem:s10+$0x8140] =	vst v3;
	v3 =	vadd.bf16 v8, v4;
	v4 =	vld [tilespmem:s10+$0x2500]  }
0x49a: {  	v8 =	vld [tilespmem:s10+$0x6500]  }
0x49b: {  	[tilespmem:s10+$0x8150] =	vst v3;
	v3 =	vadd.bf16 v9, v5;
	v5 =	vld [tilespmem:s10+$0x2510]  }
0x49c: {  	v9 =	vld [tilespmem:s10+$0x6510]  }
0x49d: {  	[tilespmem:s10+$0x8160] =	vst v3;
	v3 =	vadd.bf16 v7, v6;
	v6 =	vld [tilespmem:s10+$0x2520]  }
0x49e: {  	v7 =	vld [tilespmem:s10+$0x6520]  }
0x49f: {  	[tilespmem:s10+$0x8170] =	vst v3;
	v3 =	vadd.bf16 v8, v4;
	v4 =	vld [tilespmem:s10+$0x2530]  }
0x4a0: {  	v8 =	vld [tilespmem:s10+$0x6530]  }
0x4a1: {  	[tilespmem:s10+$0x8500] =	vst v3;
	v3 =	vadd.bf16 v9, v5;
	v5 =	vld [tilespmem:s10+$0x2540]  }
0x4a2: {  	v9 =	vld [tilespmem:s10+$0x6540]  }
0x4a3: {  	[tilespmem:s10+$0x8510] =	vst v3;
	v3 =	vadd.bf16 v7, v6;
	v6 =	vld [tilespmem:s10+$0x2550]  }
0x4a4: {  	v7 =	vld [tilespmem:s10+$0x6550]  }
0x4a5: {  	[tilespmem:s10+$0x8520] =	vst v3;
	v3 =	vadd.bf16 v8, v4;
	v4 =	vld [tilespmem:s10+$0x2560]  }
0x4a6: {  	v8 =	vld [tilespmem:s10+$0x6560]  }
0x4a7: {  	[tilespmem:s10+$0x8530] =	vst v3;
	v3 =	vadd.bf16 v9, v5;
	v5 =	vld [tilespmem:s10+$0x2570]  }
0x4a8: {  	v9 =	vld [tilespmem:s10+$0x6570]  }
0x4a9: {  	[tilespmem:s10+$0x8540] =	vst v3;
	v3 =	vadd.bf16 v7, v6;
	v6 =	vld [tilespmem:s10+$0x2900]  }
0x4aa: {  	v7 =	vld [tilespmem:s10+$0x6900]  }
0x4ab: {  	[tilespmem:s10+$0x8550] =	vst v3;
	v3 =	vadd.bf16 v8, v4;
	v4 =	vld [tilespmem:s10+$0x2910]  }
0x4ac: {  	v8 =	vld [tilespmem:s10+$0x6910]  }
0x4ad: {  	[tilespmem:s10+$0x8560] =	vst v3;
	v3 =	vadd.bf16 v9, v5;
	v5 =	vld [tilespmem:s10+$0x2920]  }
0x4ae: {  	v9 =	vld [tilespmem:s10+$0x6920]  }
0x4af: {  	[tilespmem:s10+$0x8570] =	vst v3;
	v3 =	vadd.bf16 v7, v6;
	v6 =	vld [tilespmem:s10+$0x2930]  }
0x4b0: {  	v7 =	vld [tilespmem:s10+$0x6930]  }
0x4b1: {  	[tilespmem:s10+$0x8900] =	vst v3;
	v3 =	vadd.bf16 v8, v4;
	v4 =	vld [tilespmem:s10+$0x2940]  }
0x4b2: {  	v8 =	vld [tilespmem:s10+$0x6940]  }
0x4b3: {  	[tilespmem:s10+$0x8910] =	vst v3;
	v3 =	vadd.bf16 v9, v5;
	v5 =	vld [tilespmem:s10+$0x2950]  }
0x4b4: {  	v9 =	vld [tilespmem:s10+$0x6950]  }
0x4b5: {  	[tilespmem:s10+$0x8920] =	vst v3;
	v3 =	vadd.bf16 v7, v6;
	v6 =	vld [tilespmem:s10+$0x2960]  }
0x4b6: {  	v7 =	vld [tilespmem:s10+$0x6960]  }
0x4b7: {  	[tilespmem:s10+$0x8930] =	vst v3;
	v3 =	vadd.bf16 v8, v4;
	v4 =	vld [tilespmem:s10+$0x2970]  }
0x4b8: {  	v8 =	vld [tilespmem:s10+$0x6970]  }
0x4b9: {  	[tilespmem:s10+$0x8940] =	vst v3;
	v3 =	vadd.bf16 v9, v5;
	v5 =	vld [tilespmem:s10+$0x2D00]  }
0x4ba: {  	v9 =	vld [tilespmem:s10+$0x6D00]  }
0x4bb: {  	[tilespmem:s10+$0x8950] =	vst v3;
	v3 =	vadd.bf16 v7, v6;
	v6 =	vld [tilespmem:s10+$0x2D10]  }
0x4bc: {  	v7 =	vld [tilespmem:s10+$0x6D10]  }
0x4bd: {  	[tilespmem:s10+$0x8960] =	vst v3;
	v3 =	vadd.bf16 v8, v4;
	v4 =	vld [tilespmem:s10+$0x2D20]  }
0x4be: {  	v8 =	vld [tilespmem:s10+$0x6D20]  }
0x4bf: {  	[tilespmem:s10+$0x8970] =	vst v3;
	v3 =	vadd.bf16 v9, v5;
	v9 =	vld [tilespmem:s10+$0x2D30]  }
0x4c0: {  	v10 =	vld [tilespmem:s10+$0x6D30]  }
0x4c1: {  	[tilespmem:s10+$0x8D00] =	vst v3;
	v6 =	vadd.bf16 v7, v6;
	v3 =	vld [tilespmem:s10+$0x2D40]  }
.Ltmp11:
0x4c2: {  	v5 =	vld [tilespmem:s10+$0x6D40];
	(pc) =	sbr.rel @p0 .LBB2_24-.Ltmp11, $4  }
0x4c3: {  	[tilespmem:s10+$0x8D10] =	vst v6;
	v7 =	vadd.bf16 v8, v4;
	v4 =	vld [tilespmem:s10+$0x2D50]  }
0x4c4: {  	s11 =	sadd.s32 $0x80, s11;
	v6 =	vld [tilespmem:s10+$0x6D50]  }
0x4c5: {  	s7 =	sand.u32 $0x1000, s12;
	s13 =	sand.u32 $0x380, s11;
	[tilespmem:s10+$0x8D20] =	vst v7;
	v9 =	vadd.bf16 v10, v9;
	v7 =	vld [tilespmem:s10+$0x2D60]  }
0x4c6: {  	s12 =	sadd.s32 $0x200, s12;
	s13 =	sor.u32 s13, s7;
	v8 =	vld [tilespmem:s10+$0x6D60]  }
0x4c7: {  	v10 =	vld [tilespmem:s13+$0x2D70];
	[tilespmem:s10+$0x8D30] =	vst v9;
	v3 =	vadd.bf16 v5, v3  }
0x4c8: {  	v53 =	vld [tilespmem:s13+$0x6D70]  }
0x4c9: {  	v9 =	vld [tilespmem:s13+$0x2100];
	[tilespmem:s10+$0x8D40] =	vst v3;
	v3 =	vadd.bf16 v6, v4  }
0x4ca: {  	v54 =	vld [tilespmem:s13+$0x6100]  }
0x4cb: {  	v55 =	vld [tilespmem:s13+$0x2110];
	[tilespmem:s10+$0x8D50] =	vst v3;
	v3 =	vadd.bf16 v8, v7  }
0x4cc: {  	v56 =	vld [tilespmem:s13+$0x6110]  }
0x4cd: {  	v57 =	vld [tilespmem:s13+$0x2120];
	[tilespmem:s10+$0x8D60] =	vst v3  }
0x4ce: {  	v58 =	vld [tilespmem:s13+$0x6120]  }
0x4cf: {  	v3 =	vadd.bf16 v53, v10;
	v59 =	vld [tilespmem:s13+$0x2130]  }
0x4d0: {  	v61 =	vld [tilespmem:s13+$0x2140]  }
0x4d1: {  	[tilespmem:s13+$0x8D70] =	vst v3;
	v3 =	vld [tilespmem:s13+$0x6130]  }
0x4d2: {  	v62 =	vld [tilespmem:s13+$0x6140]  }
0x4d3: {  	v12 =	vld [tilespmem:s13+$0x2150]  }
0x4d4: {  	v13 =	vld [tilespmem:s13+$0x6150]  }
0x4d5: {  	v14 =	vld [tilespmem:s13+$0x2160]  }
0x4d6: {  	v15 =	vld [tilespmem:s13+$0x6160];
	v3 =	vadd.bf16 v3, v59  }
0x4d7: {  	v16 =	vld [tilespmem:s13+$0x2170]  }
0x4d8: {  	v17 =	vld [tilespmem:s13+$0x6170];
	[tilespmem:s13+$0x8130] =	vst v3;
	v3 =	vadd.bf16 v62, v61  }
0x4d9: {  	v18 =	vld [tilespmem:s13+$0x2500]  }
0x4da: {  	v19 =	vld [tilespmem:s13+$0x6500];
	[tilespmem:s13+$0x8140] =	vst v3;
	v3 =	vadd.bf16 v13, v12  }
0x4db: {  	v20 =	vld [tilespmem:s13+$0x2510]  }
0x4dc: {  	v21 =	vld [tilespmem:s13+$0x6510];
	[tilespmem:s13+$0x8150] =	vst v3;
	v3 =	vadd.bf16 v15, v14  }
0x4dd: {  	v22 =	vld [tilespmem:s13+$0x2520]  }
0x4de: {  	v23 =	vld [tilespmem:s13+$0x6520];
	[tilespmem:s13+$0x8160] =	vst v3;
	v3 =	vadd.bf16 v17, v16  }
0x4df: {  	v24 =	vld [tilespmem:s13+$0x2530]  }
0x4e0: {  	v25 =	vld [tilespmem:s13+$0x6530];
	[tilespmem:s13+$0x8170] =	vst v3;
	v3 =	vadd.bf16 v19, v18  }
0x4e1: {  	v26 =	vld [tilespmem:s13+$0x2540]  }
0x4e2: {  	v27 =	vld [tilespmem:s13+$0x6540];
	[tilespmem:s13+$0x8500] =	vst v3;
	v3 =	vadd.bf16 v21, v20  }
0x4e3: {  	v28 =	vld [tilespmem:s13+$0x2550]  }
0x4e4: {  	v29 =	vld [tilespmem:s13+$0x6550];
	[tilespmem:s13+$0x8510] =	vst v3;
	v3 =	vadd.bf16 v23, v22  }
0x4e5: {  	v30 =	vld [tilespmem:s13+$0x2560]  }
0x4e6: {  	v31 =	vld [tilespmem:s13+$0x6560];
	[tilespmem:s13+$0x8520] =	vst v3;
	v3 =	vadd.bf16 v25, v24  }
0x4e7: {  	v32 =	vld [tilespmem:s13+$0x2570]  }
0x4e8: {  	v33 =	vld [tilespmem:s13+$0x6570];
	[tilespmem:s13+$0x8530] =	vst v3;
	v3 =	vadd.bf16 v27, v26  }
0x4e9: {  	v34 =	vld [tilespmem:s13+$0x2900]  }
0x4ea: {  	v35 =	vld [tilespmem:s13+$0x6900];
	[tilespmem:s13+$0x8540] =	vst v3;
	v3 =	vadd.bf16 v29, v28  }
0x4eb: {  	v36 =	vld [tilespmem:s13+$0x2910]  }
0x4ec: {  	v37 =	vld [tilespmem:s13+$0x6910];
	[tilespmem:s13+$0x8550] =	vst v3;
	v3 =	vadd.bf16 v31, v30  }
0x4ed: {  	v38 =	vld [tilespmem:s13+$0x2920]  }
0x4ee: {  	v39 =	vld [tilespmem:s13+$0x6920];
	[tilespmem:s13+$0x8560] =	vst v3;
	v3 =	vadd.bf16 v33, v32  }
0x4ef: {  	v40 =	vld [tilespmem:s13+$0x2930]  }
0x4f0: {  	v41 =	vld [tilespmem:s13+$0x6930];
	[tilespmem:s13+$0x8570] =	vst v3;
	v3 =	vadd.bf16 v35, v34  }
0x4f1: {  	v42 =	vld [tilespmem:s13+$0x2940]  }
0x4f2: {  	v43 =	vld [tilespmem:s13+$0x6940];
	[tilespmem:s13+$0x8900] =	vst v3;
	v3 =	vadd.bf16 v37, v36  }
0x4f3: {  	v44 =	vld [tilespmem:s13+$0x2950]  }
0x4f4: {  	v45 =	vld [tilespmem:s13+$0x6950];
	[tilespmem:s13+$0x8910] =	vst v3;
	v3 =	vadd.bf16 v39, v38  }
0x4f5: {  	v46 =	vld [tilespmem:s13+$0x2960]  }
0x4f6: {  	v47 =	vld [tilespmem:s13+$0x6960];
	[tilespmem:s13+$0x8920] =	vst v3;
	v3 =	vadd.bf16 v41, v40  }
0x4f7: {  	v48 =	vld [tilespmem:s13+$0x2970]  }
0x4f8: {  	v49 =	vld [tilespmem:s13+$0x6970];
	[tilespmem:s13+$0x8930] =	vst v3;
	v3 =	vadd.bf16 v43, v42  }
0x4f9: {  	v50 =	vld [tilespmem:s13+$0x2D00]  }
0x4fa: {  	v51 =	vld [tilespmem:s13+$0x6D00];
	[tilespmem:s13+$0x8940] =	vst v3;
	v3 =	vadd.bf16 v45, v44  }
0x4fb: {  	v52 =	vld [tilespmem:s13+$0x2D10]  }
0x4fc: {  	v53 =	vld [tilespmem:s13+$0x6D10];
	[tilespmem:s13+$0x8950] =	vst v3;
	v3 =	vadd.bf16 v47, v46  }
0x4fd: {  	v4 =	vadd.bf16 v54, v9;
	v54 =	vld [tilespmem:s13+$0x2D20]  }
0x4fe: {  	v60 =	vadd.bf16 v56, v55;
	v55 =	vld [tilespmem:s13+$0x6D20];
	[tilespmem:s13+$0x8960] =	vst v3;
	v3 =	vadd.bf16 v49, v48  }
0x4ff: {  	v56 =	vld [tilespmem:s13+$0x2D30]  }
0x500: {  	v63 =	vadd.bf16 v58, v57;
	v57 =	vld [tilespmem:s13+$0x6D30];
	[tilespmem:s13+$0x8970] =	vst v3;
	v3 =	vadd.bf16 v51, v50  }
0x501: {  	[tilespmem:s13+$0x8110] =	vst v60;
	v58 =	vld [tilespmem:s13+$0x2D40]  }
0x502: {  	v60 =	vld [tilespmem:s13+$0x2D50];
	[tilespmem:s13+$0x8D00] =	vst v3;
	v3 =	vadd.bf16 v53, v52  }
0x503: {  	v59 =	vld [tilespmem:s13+$0x6D40]  }
0x504: {  	v61 =	vld [tilespmem:s13+$0x6D50];
	[tilespmem:s13+$0x8D10] =	vst v3;
	v3 =	vadd.bf16 v55, v54  }
0x505: {  	v62 =	vld [tilespmem:s13+$0x6D60]  }
0x506: {  	[tilespmem:s13+$0x8D20] =	vst v3;
	v3 =	vld [tilespmem:s13+$0x2D60];
	_ =	sdelay $0x1  }
0x507: {  	[tilespmem:s13+$0x8100] =	vst v4;
	v4 =	vadd.bf16 v57, v56  }
0x508: {  	[tilespmem:s13+$0x8120] =	vst v63;
	v6 =	vadd.bf16 v59, v58  }
0x509: {  	[tilespmem:s13+$0x8D30] =	vst v4;
	v63 =	vadd.bf16 v61, v60  }
0x50a: {  	[tilespmem:s13+$0x8D40] =	vst v6;
	v3 =	vadd.bf16 v62, v3  }
0x50b: {  	[tilespmem:s13+$0x8D50] =	vst v63  }
0x50c: {  	s7 =	rddreg [dreg:$0xc];
	[tilespmem:s13+$0x8D60] =	vst v3  }
0x50d: {  	[hbm4b:s7+s2] =	stream.linear.scatter [tilespmem:s5], [sflag:$0x3], $0x2000, $0x38;
	[tilespmem:$0xA100] =	vst v63  }
0x50e: {  	_ =	swait.ge [sflag:s16], $0x2000  }
0x50f: {  	s9 =	sadd.s32 $0x1, s9;
	s19 =	rddreg [dreg:$0xd]  }
0x510: {  	p0 =	sne.s32 s9, s19  }
.Ltmp12:
0x511: {  	_ = 	snop;
	(pc) =	sbr.rel @p0 .LBB2_1-.Ltmp12, $3  }
0x512: {  	_ =	sdelay $0x1  }
0x513: {  	[sflag:s16] =	ssyncset.done $0x0  }
0x514: {  	[sflag:s16] =	ssyncadd.s32 $0xFFFFE000  }
0x515: {  	_ =	sfence.sel $0x180000  }
0x516: {  	[bflag:$0x0] =	sbarrier.arrive $0xFFFF  }
0x517: {  	_ =	strace $0x90000050  }
0x518: {  	s0 =	stileid.u32;
	[bflag:$0x2] =	sbarrier.arrive $0xFFFF  }
0x519: {  	p0 =	sne.s32 s0, $0x0;
	s0 =	rddreg [dreg:$0x2]  }
0x51a: {  	s0 =	sadd.s32 @!p0 $0x100000, s0  }
0x51b: {  	[sflag:s0] =	ssyncadd.tile.s32 @!p0 $0x1;
	_ =	shalt  }
.Lfunc_end2:
_tile_overlayer_lowered:
.L_overlay_start_2:
0x51c: {  	(tag) =	ssettag $0x2  }
0x51d: {  	s0 =	rddreg [dreg:$0x0];
	s2 =	stileid.u32  }
0x51e: {  	s1 =	rddreg [dreg:$0x1];
	p0 =	sne.s32 s2, $0x0  }
0x51f: {  	s3 =	rddreg [dreg:$0x2];
	[bflag:$0x3] =	sbarrier.arrive $0xFFFF;
	s2 =	simm.s32 @!p0 $0x1C03  }
0x520: {  	[timem:s3], [sflag:s2] =	dma.local @!p0 [hbm:s0], s1  }
0x521: {  	s0 =	simm.s32 @!p0 $0x3  }
0x522: {  	_ =	swait.ge @!p0 [sflag:s0], s1  }
0x523: {  	s1 =	ssub.s32 @!p0 $0x0, s1;
	[sflag:s0] =	ssyncset.done @!p0 $0x0  }
0x524: {  	[sflag:s0] =	ssyncadd.s32 @!p0 s1  }
0x525: {  	[bflag:$0x3] =	sbarrier.arrive $0xFFFF  }
0x526: {  	_ =	shalt  }

// kernel: sparse-core-data-format-call.1.cloned.1.call-start
scs
called_computation.1_lowered:
.L_overlay_start_0:
0x0: {  	s1 =	sld [smem:$0x3FD9]  }
0x1: {  	s2 =	sld [smem:$0x3FFE];
	_ =	sdelay $0x1  }
0x2: {  	s3 =	srdreg.scid  }
0x3: {  	s0 =	sand.u32 $0x1, s3  }
0x4: {  	s17 =	sshll.u32 s0, $0xA;
	s1 =	sadd.s32 s2, s1  }
0x5: {  	s1 =	sadd.s32 s1, s17  }
0x6: {  	[smem:$0x3FBC] =	sst s1  }
0x7: {  	_ = 	snop  }
0x8: {  	(tm) =	ssettm $0x1  }
0x9: {  	s18 =	sld [smem:$0x3FFB];
	_ =	sdelay $0x3  }
0xa: {  	_ =	strace s18  }
0xb: {  	s1 =	sld [smem:$0x3FFC];
	_ =	sdelay $0x3  }
0xc: {  	_ =	strace s1  }
0xd: {  	s1 =	sld [smem:$0x3FFD];
	_ =	sdelay $0x3  }
0xe: {  	_ =	strace s1  }
0xf: {  	_ =	strace $0x8FFFFFFF  }
0x10: {  	s19 =	sld [smem:$0x3FDB];
	_ =	sdelay $0x1  }
0x11: {  	s20 =	simm.s32 $_scs_section_size  }
0x12: {  	s4 =	simm.s32 $_size__tile_overlayer_lowered;
	s5 =	simm.s32 $_tile_overlayer_lowered  }
0x13: {  	s23 =	simm.s32 $0x1BFF;
	s22 =	sshll.u32 s5, $0x1;
	s1 =	sadd.s32 s20, s19  }
0x14: {  	s6 =	simm.s32 $0x0;
	s21 =	sshll.u32 s4, $0x1;
	s4 =	sadd.s32 s22, s1  }
0x15: {  	[timem:s6], [sflag:s23] =	dma.local [hbm:s4], s21  }
0x16: {  	_ =	swait.ge [sflag:s23], s21  }
0x17: {  	s2 =	ssub.s32 $0x0, s21;
	[sflag:s23] =	ssyncset.done $0x0  }
0x18: {  	[sflag:s23] =	ssyncadd.s32 s2;
	_ =	sdelay $0x1  }
0x19: {  	s24 =	simm.s32 $0x1B8B  }
0x1a: {  	_ =	swait.ge [sflag:s24], $0x1  }
0x1b: {  	[sflag:s24] =	ssyncset.done $0x0  }
0x1c: {  	s26 =	simm.s32 $0x1B8E;
	s25 =	sld [smem:$0x3FFE];
	[sflag:s24] =	ssyncadd.s32 $0xFFFFFFFF  }
0x1d: {  	s27 =	simm.s32 $execute0_lowered;
	[smem:$0x3FD2] =	sst s26  }
0x1e: {  	s4 =	sshll.u32 s27, $0x1;
	_ =	strace $0x80000049;
	[dreg:$0x1] =	wrdreg $0xFFFFFFFF  }
0x1f: {  	s28 =	simm.s32 $_size_execute0_lowered;
	s1 =	sadd.s32 s1, s4;
	[dreg:$0x0] =	wrdreg $0x0  }
0x20: {  	s4 =	sshll.u32 s28, $0x1;
	[dreg:$0x2] =	wrdreg s1  }
0x21: {  	[dreg:$0x3] =	wrdreg s4  }
0x22: {  	[dreg:$0x4] =	wrdreg $0xC0  }
0x23: {  	_ =	task [dreg:s6], $0x5FFFF  }
0x24: {  	[dreg:$0x1] =	wrdreg $0xFFFFFFFF  }
0x25: {  	[dreg:$0x0] =	wrdreg $0x60  }
0x26: {  	[dreg:$0x2] =	wrdreg s25  }
0x27: {  	[dreg:$0x3] =	wrdreg $0x9  }
0x28: {  	_ =	task.clear_ibuf [dreg:s6], $0x4FFFF;
	_ =	strace $0x90000049  }
0x29: {  	s29 =	simm.s32 $0x9;
	_ =	strace $0x8000004B  }
0x2a: {  	_ =	swait.ge [sflag:s29], $0x1  }
0x2b: {  	[sflag:s29] =	ssyncadd.s32 $0xFFFFFFFF  }
0x2c: {  	_ =	strace $0x9000004B  }
0x2d: {  	_ =	sfence  }
0x2e: {  	s30 =	sld [smem:$0x0];
	_ =	sdelay $0x2  }
0x2f: {  	s31 =	sshll.u32 s3, $0xD;
	s3 =	sshrl.u32 s3, $0x2  }
0x30: {  	s2 =	sand.u32 $0x4000, s31;
	s1 =	sadd.s32 s3, s30  }
0x31: {  	s0 =	sor.u32 s2, s0;
	s1 =	sshll.u32 s1, $0x11  }
0x32: {  	s0 =	sor.u32 s1, s0  }
0x33: {  	s0 =	sadd.s32 $0x8F2B, s0  }
0x34: {  	[sflag:s0] =	ssyncadd.remote.s32 $0x1  }
0x35: {  	_ =	sfence.sel $0xFFFF  }
0x36: {  	[dreg:$0x0] =	wrdreg $0xFFFFFFFF;
	(pc) =	sbr.abs _section_cstart, $3  }
0x37: {  	[dreg:$0x1] =	wrdreg $0xFFFFFFFF  }
0x38: {  	_ =	task.clear_ibuf [dreg:s6], $0x2FFFF;
	_ =	strace $0x9FFFFFFF  }
0x39: {  	(tm) =	ssettm $0x7FFFFFFF  }
tec
execute0_lowered:
.L_overlay_start_1:
0x0: {  	(tag) =	ssettag $0x1  }
0x1: {  	s0 =	stileid.u32;
	s1 =	srdreg.scid  }
0x2: {  	s7 =	rddreg [dreg:$0x0];
	s31 =	simm.s32 $0x2;
	s14 =	simm.s32 $0x0  }
0x3: {  	s13 =	simm.s32 $0x0;
	s12 =	simm.s32 $0x0;
	s2 =	sshll.u32 s0, $0x7  }
0x4: {  	s3 =	sshll.u32 s0, $0x4;
	s1 =	sshll.u32 s1, $0x8;
	s2 =	sand.u32 $0x380, s2  }
0x5: {  	s3 =	sor.u32 s3, s1;
	s1 =	rddreg [dreg:$0x1];
	_ =	strace $0x8000004A  }
0x6: {  	s3 =	sand.u32 $0x180, s3;
	s4 =	ssub.s32 $0x400, s2;
	s11 =	smov.u32 s2  }
0x7: {  	s5 =	sand.u32 $0x380, s4;
	s6 =	ssub.s32 $0x2800, s3;
	s9 =	sshrl.u32 s4, $0xA  }
0x8: {  	p0 =	sne.s32 s5, $0x0;
	s5 =	simm.s32 $0x1;
	s8 =	sand.u32 $0x180, s6  }
0x9: {  	s5 =	simm.s32 @!p0 $0x0;
	p0 =	sne.s32 s8, $0x0;
	s8 =	simm.s32 $0x1  }
.Ltmp0:
0xa: {  	s6 =	sshrl.u32 s6, $0x9;
	s8 =	simm.s32 @!p0 $0x0;
	(pc) =	sbr.rel .LBB1_1-.Ltmp0, $4  }
0xb: {  	s4 =	simm.s32 $0x1;
	s5 =	sadd.s32 s5, s9;
	s6 =	sadd.s32 s8, s6  }
0xc: {  	s10 =	smov.u32 s3;
	[sflag:s4] =	ssyncpa.u1 $0x0;
	s5 =	smul.u32 s5, s6  }
0xd: {  	[sflag:s31] =	ssyncpa.u1 $0x0;
	p0 =	por $0x0, $0x0;
	s9 =	simm.s32 $0x2000  }
0xe: {  	s6 =	sadd.s32 $0x1F1E00, s7;
	s7 =	sadd.s32 $0xB1E00, s7;
	s8 =	sadd.s32 $0x1, s5  }
.LBB1_4:
0xf: {  	v5 =	vld [tilespmem:s18+$0xFFFFFFD0];
	[tilespmem:s17+$0x2040 ss:$0x81] =	vst.msk $0xffff, v4;
	s20 =	sshll.u32 s14, $0xA;
	s21 =	sshll.u32 s13, $0x3  }
0x10: {  	v58 =	vld [tilespmem:s18+$0xFFFFFFE0];
	[tilespmem:s17+$0x2850 ss:$0x81] =	vst.msk $0xffff, v3;
	s20 =	sand.u32 $0xFFFFE000, s20;
	s21 =	sand.u32 $0xFFFFFC00, s21  }
0x11: {  	s19 =	sshra.s32 s19, $0x2;
	v59 =	vld [tilespmem:s18+$0xFFFFFFF0];
	[tilespmem:s17+$0x3060 ss:$0x81] =	vst.msk $0xffff, v2;
	s20 =	sadd.s32 s21, s20  }
0x12: {  	v60 =	vld [tilespmem:s18+$0x0];
	[tilespmem:s17+$0x0 ss:$0x81] =	vst.msk $0xffff, v0;
	s16 =	sadd.s32 s19, s16;
	s26 =	sshrl.u32 s20, $0xA  }
0x13: {  	v61 =	vld [tilespmem:s18+$0x10];
	[tilespmem:s16+$0x3870 ss:$0x81] =	vst.msk $0xffff, v1;
	s27 =	smulhi.u32 $0xCCCCD, s26  }
0x14: {  	v62 =	vld [tilespmem:s18+$0x20];
	[tilespmem:s16+$0x810 ss:$0x81] =	vst.msk $0xffff, v5  }
0x15: {  	v63 =	vld [tilespmem:s18+$0xFFFFFFC0];
	s28 =	sshll.u32 s14, $0x7;
	[tilespmem:s16+$0x1020 ss:$0x81] =	vst.msk $0xffff, v58;
	s29 =	sshrl.u32 s27, $0x1  }
0x16: {  	s30 =	sand.u32 $0x78, s13;
	s14 =	sand.u32 $0x380, s28;
	[tilespmem:s16+$0x1830 ss:$0x81] =	vst.msk $0xffff, v59;
	s18 =	smul.u32 $0x2800, s29  }
0x17: {  	s14 =	sor.u32 s30, s14;
	[tilespmem:s16+$0x2040 ss:$0x81] =	vst.msk $0xffff, v60  }
0x18: {  	s31 =	sand.u32 $0x7, s13;
	s14 =	sshrl.u32 s14, $0x3;
	[tilespmem:s16+$0x2850 ss:$0x81] =	vst.msk $0xffff, v61;
	s17 =	ssub.s32 s26, s18  }
0x19: {  	s13 =	sshll.u32 s31, $0x12;
	s14 =	sadd.s32 s7, s14;
	[tilespmem:s16+$0x3060 ss:$0x81] =	vst.msk $0xffff, v62;
	s17 =	sshll.u32 s17, $0x7  }
0x1a: {  	s13 =	sor.u32 $0x400, s13;
	[tilespmem:s16+$0x0 ss:$0x81] =	vst.msk $0xffff, v63;
	s14 =	sadd.s32 s17, s14  }
0x1b: {  	[hbm4b:s14+s13] =	stream.strided.scatter [tilespmem:s15], [sflag:$0x2], $0x4000, s9, s13, $0x20;
	[tilespmem:$0x10100] =	vst v63  }
.LBB1_5:
0x1c: {  	s15 =	sadd.s32 $0x200, s10  }
0x1d: {  	s13 =	sadd.s32 $0x400, s11;
	s17 =	smov.u32 s11;
	p2 =	sgt.s32 s15, $0x27FF  }
0x1e: {  	s17 =	smov.u32 @p2 s13  }
0x1f: {  	s15 =	smov.u32 @p2 s3;
	p2 =	sgt.s32 s17, $0x3FF  }
0x20: {  	s17 =	smov.u32 @p2 s2;
	p2 =	sne.s32 s12, s8  }
.Ltmp1:
0x21: {  	p1 =	slt.u32 s12, $0x2;
	(pc) =	sbr.rel @!p2 .LBB1_6-.Ltmp1, $4  }
0x22: {  	s16 =	simm.s32 @!p1 $0x2  }
0x23: {  	s14 =	smov.u32 s10;
	p0 =	por !p0, !p0;
	_ =	swait.ge @!p1 [sflag:s16], $0x4000  }
0x24: {  	s13 =	smov.u32 s11;
	[sflag:s16] =	ssyncset.done @!p1 $0x0;
	s10 =	smov.u32 s15  }
0x25: {  	s12 =	sadd.s32 $0x1, s12;
	[sflag:s16] =	ssyncadd.s32 @!p1 $0xFFFFC000;
	s11 =	smov.u32 s17  }
.LBB1_1:
0x26: {  	p1 =	sge.u32 s12, s5  }
0x27: {  	s15 =	sshrl.u32 @!p1 s11, $0x3  }
0x28: {  	s16 =	sshll.u32 @!p1 s10, $0x3;
	s17 =	sshll.u32 @!p1 s11, $0x7;
	s15 =	smul.u32 @!p1 $0x14000, s15  }
0x29: {  	s18 =	sand.u32 @!p1 $0x7F, s10;
	s16 =	sand.u32 @!p1 $0xFFFFFC00, s16;
	s17 =	sand.u32 @!p1 $0x380, s17  }
0x2a: {  	s15 =	sadd.s32 @!p1 s15, s16;
	s16 =	sor.u32 @!p1 s18, s17  }
0x2b: {  	s16 =	sor.u32 @!p1 s15, s16  }
0x2c: {  	s17 =	smulhi.u32 @!p1 $0xCCCCCCCD, s16;
	_ =	sdelay $0x1  }
0x2d: {  	s15 =	smulhi.u32 @!p1 $0xCCCCCCCD, s15;
	s17 =	sshrl.u32 @!p1 s17, $0xD  }
0x2e: {  	s17 =	smul.u32 @!p1 $0x2800, s17  }
0x2f: {  	s31 =	sadd.s32 $0xFFFFFFFF, s12;
	s18 =	sxor.u32 @!p1 $0xFFFFFFFF, s12;
	s15 =	sshrl.u32 @!p1 s15, $0xD  }
0x30: {  	s18 =	sshll.u32 @!p1 s18, $0xE;
	s15 =	sand.u32 @!p1 $0x3FF, s15;
	s16 =	ssub.s32 @!p1 s16, s17  }
0x31: {  	s15 =	smul.u32 @!p1 $0x500, s15;
	s17 =	sshrl.u32 @!p1 s16, $0x3;
	s16 =	sand.u32 @!p1 $0x7, s16  }
0x32: {  	s18 =	sand.u32 @!p1 $0x4000, s18;
	s17 =	sadd.s32 @!p1 s6, s17;
	s16 =	sshll.u32 @!p1 s16, $0x12  }
0x33: {  	s15 =	sadd.s32 @!p1 s15, s17;
	s16 =	sor.u32 @!p1 $0x400, s16;
	s17 =	simm.s32 @!p1 $0x14000  }
0x34: {  	[tilespmem:s18], [sflag:$0x1] =	stream.strided.gather @!p1 [hbm4b:s15+s16], $0x4000, s17, s16, $0x38;
	[tilespmem:$0x10100] =	vst v63  }
0x35: {  	p1 =	sge.u32 s31, s5  }
.Ltmp2:
0x36: {  	_ = 	snop;
	(pc) =	sbr.rel @p1 .LBB1_5-.Ltmp2, $1  }
0x37: {  	_ =	sdelay $0x3  }
0x38: {  	s15 =	simm.s32 $0x1  }
0x39: {  	_ =	swait.ge [sflag:s4], $0x4000;
	s15 =	simm.s32 @!p0 $0x0  }
0x3a: {  	[sflag:s4] =	ssyncset.done $0x0;
	s16 =	sshll.u32 s15, $0xE  }
0x3b: {  	[sflag:s4] =	ssyncadd.s32 $0xFFFFC000;
	s18 =	sor.u32 $0x40, s16  }
0x3c: {  	s15 =	smul.u32 $0x10200, s15;
	v0 =	vld [tilespmem:s18+$0x30]  }
0x3d: {  	v1 =	vld [tilespmem:s18+$0xFFFFFFD0]  }
0x3e: {  	s15 =	sshrl.u32 s15, $0x2;
	v5 =	vld [tilespmem:s18+$0xFFFFFFE0]  }
0x3f: {  	v6 =	vld [tilespmem:s18+$0xFFFFFFF0];
	s16 =	sor.u32 $0x8000, s15  }
0x40: {  	s31 =	sand.u32 $0x1, s12;
	v4 =	vld [tilespmem:s18+$0x0];
	s17 =	sadd.s32 $0x0, s16  }
0x41: {  	v3 =	vld [tilespmem:s18+$0x10];
	s15 =	smul.u32 $0x10200, s31;
	[tilespmem:s17+$0x3870 ss:$0x81] =	vst.msk $0xffff, v0  }
0x42: {  	v2 =	vld [tilespmem:s18+$0x20];
	[tilespmem:s17+$0x810 ss:$0x81] =	vst.msk $0xffff, v1  }
0x43: {  	s15 =	sshrl.u32 s15, $0x2;
	v0 =	vld [tilespmem:s18+$0xFFFFFFC0];
	[tilespmem:s17+$0x1020 ss:$0x81] =	vst.msk $0xffff, v5;
	s18 =	sadd.s32 $0x80, s18  }
0x44: {  	s19 =	simm.s32 $0x4;
	s20 =	simm.s32 $0x8;
	s15 =	sor.u32 $0x8000, s15;
	[tilespmem:s17+$0x1830 ss:$0x81] =	vst.msk $0xffff, v6;
	v1 =	vld [tilespmem:s18+$0x30]  }
.LBB1_3:
0x45: {  	p1 =	sne.s32 s20, $0x1FC;
	v5 =	vld [tilespmem:s18+$0xFFFFFFD0];
	[tilespmem:s17+$0x2040 ss:$0x81] =	vst.msk $0xffff, v4  }
0x46: {  	v6 =	vld [tilespmem:s18+$0xFFFFFFE0];
	[tilespmem:s17+$0x2850 ss:$0x81] =	vst.msk $0xffff, v3  }
0x47: {  	s21 =	sshra.s32 s19, $0x2;
	s19 =	smov.u32 s20;
	v7 =	vld [tilespmem:s18+$0xFFFFFFF0];
	[tilespmem:s17+$0x3060 ss:$0x81] =	vst.msk $0xffff, v2  }
.Ltmp3:
0x48: {  	v4 =	vld [tilespmem:s18+$0x0];
	[tilespmem:s17+$0x0 ss:$0x81] =	vst.msk $0xffff, v0;
	s17 =	sadd.s32 s21, s16;
	(pc) =	sbr.rel @p1 .LBB1_3-.Ltmp3, $4  }
0x49: {  	v3 =	vld [tilespmem:s18+$0x10];
	[tilespmem:s17+$0x3870 ss:$0x81] =	vst.msk $0xffff, v1  }
0x4a: {  	[tilespmem:s17+$0x810 ss:$0x81] =	vst.msk $0xffff, v5;
	v2 =	vld [tilespmem:s18+$0x20]  }
0x4b: {  	v0 =	vld [tilespmem:s18+$0xFFFFFFC0];
	[tilespmem:s17+$0x1020 ss:$0x81] =	vst.msk $0xffff, v6;
	s18 =	sadd.s32 $0x80, s18  }
0x4c: {  	s20 =	sadd.s32 $0x4, s20;
	v1 =	vld [tilespmem:s18+$0x30];
	[tilespmem:s17+$0x1830 ss:$0x81] =	vst.msk $0xffff, v7  }
.Ltmp4:
0x4d: {  	_ = 	snop;
	(pc) =	sbr.rel .LBB1_4-.Ltmp4, $1  }
0x4e: {  	_ =	sdelay $0x3  }
.LBB1_6:
0x4f: {  	_ =	sfence.sel $0x180000  }
0x50: {  	s2 =	simm.s32 $0x1;
	[bflag:$0x0] =	sbarrier.arrive $0xFFFF  }
0x51: {  	s31 =	simm.s32 $0x2;
	[sflag:s2] =	ssyncpa.u1 $0x1  }
0x52: {  	[sflag:s31] =	ssyncpa.u1 $0x1  }
0x53: {  	p0 =	sne.s32 s0, $0x0;
	_ =	strace $0x9000004A  }
0x54: {  	s0 =	sadd.s32 @!p0 $0x100000, s1;
	[bflag:$0x2] =	sbarrier.arrive $0xFFFF  }
0x55: {  	[sflag:s0] =	ssyncadd.tile.s32 @!p0 $0x1;
	_ =	shalt  }
.Lfunc_end1:
_tile_overlayer_lowered:
.L_overlay_start_2:
0x56: {  	(tag) =	ssettag $0x2  }
0x57: {  	s0 =	rddreg [dreg:$0x0];
	s2 =	stileid.u32  }
0x58: {  	s1 =	rddreg [dreg:$0x1];
	p0 =	sne.s32 s2, $0x0  }
0x59: {  	s3 =	rddreg [dreg:$0x2];
	[bflag:$0x3] =	sbarrier.arrive $0xFFFF;
	s2 =	simm.s32 @!p0 $0x1C01  }
0x5a: {  	[timem:s3], [sflag:s2] =	dma.local @!p0 [hbm:s0], s1  }
0x5b: {  	s0 =	simm.s32 @!p0 $0x1  }
0x5c: {  	_ =	swait.ge @!p0 [sflag:s0], s1  }
0x5d: {  	s1 =	ssub.s32 @!p0 $0x0, s1;
	[sflag:s0] =	ssyncset.done @!p0 $0x0  }
0x5e: {  	[sflag:s0] =	ssyncadd.s32 @!p0 s1  }
0x5f: {  	[bflag:$0x3] =	sbarrier.arrive $0xFFFF  }
0x60: {  	_ =	shalt  }

// kernel: sparse-core-data-format-call.cloned.1.call-start
scs
called_computation_lowered:
.L_overlay_start_0:
0x0: {  	s1 =	sld [smem:$0x3FD9]  }
0x1: {  	s2 =	sld [smem:$0x3FFE];
	_ =	sdelay $0x1  }
0x2: {  	s3 =	srdreg.scid  }
0x3: {  	s0 =	sand.u32 $0x1, s3  }
0x4: {  	s17 =	sshll.u32 s0, $0xA;
	s1 =	sadd.s32 s2, s1  }
0x5: {  	s1 =	sadd.s32 s1, s17  }
0x6: {  	[smem:$0x3FBC] =	sst s1  }
0x7: {  	_ = 	snop  }
0x8: {  	(tm) =	ssettm $0x1  }
0x9: {  	s18 =	sld [smem:$0x3FFB];
	_ =	sdelay $0x3  }
0xa: {  	_ =	strace s18  }
0xb: {  	s1 =	sld [smem:$0x3FFC];
	_ =	sdelay $0x3  }
0xc: {  	_ =	strace s1  }
0xd: {  	s1 =	sld [smem:$0x3FFD];
	_ =	sdelay $0x3  }
0xe: {  	_ =	strace s1  }
0xf: {  	_ =	strace $0x8FFFFFFF  }
0x10: {  	s19 =	sld [smem:$0x3FDB];
	_ =	sdelay $0x1  }
0x11: {  	s20 =	simm.s32 $_scs_section_size  }
0x12: {  	s4 =	simm.s32 $_size__tile_overlayer_lowered;
	s5 =	simm.s32 $_tile_overlayer_lowered  }
0x13: {  	s23 =	simm.s32 $0x1BFF;
	s22 =	sshll.u32 s5, $0x1;
	s1 =	sadd.s32 s20, s19  }
0x14: {  	s6 =	simm.s32 $0x0;
	s21 =	sshll.u32 s4, $0x1;
	s4 =	sadd.s32 s22, s1  }
0x15: {  	[timem:s6], [sflag:s23] =	dma.local [hbm:s4], s21  }
0x16: {  	_ =	swait.ge [sflag:s23], s21  }
0x17: {  	s2 =	ssub.s32 $0x0, s21;
	[sflag:s23] =	ssyncset.done $0x0  }
0x18: {  	[sflag:s23] =	ssyncadd.s32 s2;
	_ =	sdelay $0x1  }
0x19: {  	s24 =	simm.s32 $0x1B8B  }
0x1a: {  	_ =	swait.ge [sflag:s24], $0x1  }
0x1b: {  	[sflag:s24] =	ssyncset.done $0x0  }
0x1c: {  	s26 =	simm.s32 $0x1B8E;
	s25 =	sld [smem:$0x3FFE];
	[sflag:s24] =	ssyncadd.s32 $0xFFFFFFFF  }
0x1d: {  	s27 =	simm.s32 $execute0_lowered;
	[smem:$0x3FD2] =	sst s26  }
0x1e: {  	s4 =	sshll.u32 s27, $0x1;
	_ =	strace $0x8000004C;
	[dreg:$0x1] =	wrdreg $0xFFFFFFFF  }
0x1f: {  	s28 =	simm.s32 $_size_execute0_lowered;
	s1 =	sadd.s32 s1, s4;
	[dreg:$0x0] =	wrdreg $0x0  }
0x20: {  	s4 =	sshll.u32 s28, $0x1;
	[dreg:$0x2] =	wrdreg s1  }
0x21: {  	[dreg:$0x3] =	wrdreg s4  }
0x22: {  	[dreg:$0x4] =	wrdreg $0xC0  }
0x23: {  	_ =	task [dreg:s6], $0x5FFFF  }
0x24: {  	[dreg:$0x1] =	wrdreg $0xFFFFFFFF  }
0x25: {  	[dreg:$0x0] =	wrdreg $0x60  }
0x26: {  	[dreg:$0x2] =	wrdreg s25  }
0x27: {  	[dreg:$0x3] =	wrdreg $0x9  }
0x28: {  	_ =	task.clear_ibuf [dreg:s6], $0x4FFFF;
	_ =	strace $0x9000004C  }
0x29: {  	s29 =	simm.s32 $0x9;
	_ =	strace $0x8000004E  }
0x2a: {  	_ =	swait.ge [sflag:s29], $0x1  }
0x2b: {  	[sflag:s29] =	ssyncadd.s32 $0xFFFFFFFF  }
0x2c: {  	_ =	strace $0x9000004E  }
0x2d: {  	_ =	sfence  }
0x2e: {  	s30 =	sld [smem:$0x0];
	_ =	sdelay $0x2  }
0x2f: {  	s31 =	sshll.u32 s3, $0xD;
	s3 =	sshrl.u32 s3, $0x2  }
0x30: {  	s2 =	sand.u32 $0x4000, s31;
	s1 =	sadd.s32 s3, s30  }
0x31: {  	s0 =	sor.u32 s2, s0;
	s1 =	sshll.u32 s1, $0x11  }
0x32: {  	s0 =	sor.u32 s1, s0  }
0x33: {  	s0 =	sadd.s32 $0x8F2B, s0  }
0x34: {  	[sflag:s0] =	ssyncadd.remote.s32 $0x1  }
0x35: {  	_ =	sfence.sel $0xFFFF  }
0x36: {  	[dreg:$0x0] =	wrdreg $0xFFFFFFFF;
	(pc) =	sbr.abs _section_cstart, $3  }
0x37: {  	[dreg:$0x1] =	wrdreg $0xFFFFFFFF  }
0x38: {  	_ =	task.clear_ibuf [dreg:s6], $0x2FFFF;
	_ =	strace $0x9FFFFFFF  }
0x39: {  	(tm) =	ssettm $0x7FFFFFFF  }
tec
execute0_lowered:
.L_overlay_start_1:
0x0: {  	(tag) =	ssettag $0x1  }
0x1: {  	s0 =	srdreg.scid;
	s7 =	rddreg [dreg:$0x0];
	s31 =	simm.s32 $0x2  }
0x2: {  	s14 =	simm.s32 $0x0;
	s13 =	simm.s32 $0x0;
	s1 =	sshll.u32 s0, $0x4  }
0x3: {  	s12 =	simm.s32 $0x0;
	s0 =	stileid.u32;
	s1 =	sand.u32 $0x10, s1  }
0x4: {  	s4 =	sadd.s32 $0x151E00, s7;
	s2 =	sshll.u32 s0, $0x7;
	s8 =	sor.u32 s0, s1  }
0x5: {  	s1 =	rddreg [dreg:$0x1];
	s2 =	sand.u32 $0x180, s2;
	s3 =	sshll.u32 s8, $0x5  }
0x6: {  	_ =	strace $0x8000004D;
	s5 =	ssub.s32 $0x2800, s2;
	s3 =	sand.u32 $0x380, s3  }
0x7: {  	s6 =	sand.u32 $0x180, s5;
	s11 =	sshrl.u32 s5, $0x9;
	s9 =	ssub.s32 $0x400, s3  }
0x8: {  	p0 =	sne.s32 s6, $0x0;
	s6 =	simm.s32 $0x1;
	s10 =	sand.u32 $0x380, s9  }
0x9: {  	s6 =	simm.s32 @!p0 $0x0;
	p0 =	sne.s32 s10, $0x0;
	s10 =	simm.s32 $0x1  }
.Ltmp0:
0xa: {  	s9 =	sshrl.u32 s9, $0xA;
	s10 =	simm.s32 @!p0 $0x0;
	(pc) =	sbr.rel .LBB1_1-.Ltmp0, $4  }
0xb: {  	s5 =	simm.s32 $0x1;
	s6 =	sadd.s32 s6, s11;
	s9 =	sadd.s32 s10, s9  }
0xc: {  	s7 =	sadd.s32 $0x291E00, s7;
	[sflag:s5] =	ssyncpa.u1 $0x0;
	s6 =	smul.u32 s6, s9  }
0xd: {  	s8 =	sshll.u32 s8, $0x8;
	[sflag:s31] =	ssyncpa.u1 $0x0;
	s11 =	smov.u32 s2  }
0xe: {  	p0 =	por $0x0, $0x0;
	s10 =	simm.s32 $0x14000;
	s9 =	sadd.s32 $0x1, s6  }
.LBB1_4:
0xf: {  	s14 =	sshrl.u32 s14, $0x3  }
0x10: {  	s20 =	sshll.u32 s13, $0x3;
	s14 =	smul.u32 $0x14000, s14  }
0x11: {  	v5 =	vld [tilespmem:s18+$0xFFFFFFD0];
	[tilespmem:s17+$0x2040 ss:$0x81] =	vst.msk $0xffff, v4;
	s20 =	sand.u32 $0xFFFFFC00, s20  }
0x12: {  	v58 =	vld [tilespmem:s18+$0xFFFFFFE0];
	[tilespmem:s17+$0x2850 ss:$0x81] =	vst.msk $0xffff, v3;
	s30 =	sand.u32 $0x7F, s13;
	s14 =	sadd.s32 s20, s14  }
0x13: {  	s19 =	sshra.s32 s19, $0x2;
	v59 =	vld [tilespmem:s18+$0xFFFFFFF0];
	[tilespmem:s17+$0x3060 ss:$0x81] =	vst.msk $0xffff, v2;
	s13 =	sor.u32 s30, s14  }
0x14: {  	v60 =	vld [tilespmem:s18+$0x0];
	[tilespmem:s17+$0x0 ss:$0x81] =	vst.msk $0xffff, v0;
	s16 =	sadd.s32 s19, s16;
	s31 =	smulhi.u32 $0xCCCCCCCD, s13  }
0x15: {  	v61 =	vld [tilespmem:s18+$0x10];
	[tilespmem:s16+$0x3870 ss:$0x81] =	vst.msk $0xffff, v1  }
0x16: {  	v62 =	vld [tilespmem:s18+$0x20];
	s14 =	smulhi.u32 $0xCCCCCCCD, s14;
	[tilespmem:s16+$0x810 ss:$0x81] =	vst.msk $0xffff, v5;
	s17 =	sshrl.u32 s31, $0xD  }
0x17: {  	v63 =	vld [tilespmem:s18+$0xFFFFFFC0];
	[tilespmem:s16+$0x1020 ss:$0x81] =	vst.msk $0xffff, v58;
	s17 =	smul.u32 $0x2800, s17  }
0x18: {  	[tilespmem:s16+$0x1830 ss:$0x81] =	vst.msk $0xffff, v59;
	s14 =	sshrl.u32 s14, $0xD  }
0x19: {  	[tilespmem:s16+$0x2040 ss:$0x81] =	vst.msk $0xffff, v60;
	s14 =	sand.u32 $0x3FF, s14;
	s13 =	ssub.s32 s13, s17  }
0x1a: {  	[tilespmem:s16+$0x2850 ss:$0x81] =	vst.msk $0xffff, v61;
	s14 =	smul.u32 $0x500, s14;
	s17 =	sshrl.u32 s13, $0x3;
	s13 =	sand.u32 $0x7, s13  }
0x1b: {  	[tilespmem:s16+$0x3060 ss:$0x81] =	vst.msk $0xffff, v62;
	s17 =	sadd.s32 s7, s17;
	s13 =	sshll.u32 s13, $0x12  }
0x1c: {  	[tilespmem:s16+$0x0 ss:$0x81] =	vst.msk $0xffff, v63;
	s14 =	sadd.s32 s14, s17;
	s13 =	sor.u32 $0x400, s13  }
0x1d: {  	[hbm4b:s14+s13] =	stream.strided.scatter [tilespmem:s15], [sflag:$0x2], $0x4000, s10, s13, $0x20;
	[tilespmem:$0x10100] =	vst v63  }
.LBB1_5:
0x1e: {  	s15 =	sadd.s32 $0x200, s11  }
0x1f: {  	p2 =	sgt.s32 s15, $0x27FF  }
0x20: {  	s15 =	smov.u32 @p2 s2;
	p2 =	sne.s32 s12, s9  }
.Ltmp1:
0x21: {  	p1 =	slt.u32 s12, $0x2;
	(pc) =	sbr.rel @!p2 .LBB1_6-.Ltmp1, $4  }
0x22: {  	s14 =	simm.s32 @!p1 $0x2  }
0x23: {  	s16 =	sadd.s32 $0x1, s12;
	s13 =	smov.u32 s11;
	_ =	swait.ge @!p1 [sflag:s14], $0x4000  }
0x24: {  	p0 =	por !p0, !p0;
	s12 =	smov.u32 s16;
	[sflag:s14] =	ssyncset.done @!p1 $0x0  }
0x25: {  	s11 =	smov.u32 s15;
	[sflag:s14] =	ssyncadd.s32 @!p1 $0xFFFFC000;
	s14 =	smov.u32 s3  }
.LBB1_1:
0x26: {  	p1 =	sge.u32 s12, s6  }
0x27: {  	s15 =	sshll.u32 @!p1 s11, $0xA  }
0x28: {  	s15 =	sand.u32 @!p1 $0xFFFFE000, s15  }
0x29: {  	s15 =	sor.u32 @!p1 s8, s15  }
0x2a: {  	s15 =	sshrl.u32 @!p1 s15, $0xA  }
0x2b: {  	s16 =	smulhi.u32 @!p1 $0xCCCCD, s15;
	_ =	sdelay $0x1  }
0x2c: {  	s16 =	sshrl.u32 @!p1 s16, $0x1  }
0x2d: {  	s16 =	smul.u32 @!p1 $0x2800, s16  }
0x2e: {  	s31 =	sadd.s32 $0xFFFFFFFF, s12;
	s17 =	sxor.u32 @!p1 $0xFFFFFFFF, s12;
	s18 =	sshll.u32 @!p1 s11, $0x4  }
0x2f: {  	s17 =	sshll.u32 @!p1 s17, $0xE;
	s15 =	ssub.s32 @!p1 s15, s16;
	s16 =	sand.u32 @!p1 $0x70, s18  }
0x30: {  	s17 =	sand.u32 @!p1 $0x4000, s17;
	s15 =	sshll.u32 @!p1 s15, $0x7;
	s16 =	sadd.s32 @!p1 s4, s16  }
0x31: {  	s18 =	simm.s32 @!p1 $0x2000;
	s15 =	sadd.s32 @!p1 s15, s16;
	s16 =	simm.s32 @!p1 $0x400  }
0x32: {  	[tilespmem:s17], [sflag:$0x1] =	stream.strided.gather @!p1 [hbm4b:s15+s16], $0x4000, s18, s16, $0x38;
	[tilespmem:$0x10100] =	vst v63  }
0x33: {  	p1 =	sge.u32 s31, s6  }
.Ltmp2:
0x34: {  	_ = 	snop;
	(pc) =	sbr.rel @p1 .LBB1_5-.Ltmp2, $1  }
0x35: {  	_ =	sdelay $0x3  }
0x36: {  	s15 =	simm.s32 $0x1  }
0x37: {  	_ =	swait.ge [sflag:s5], $0x4000;
	s15 =	simm.s32 @!p0 $0x0  }
0x38: {  	[sflag:s5] =	ssyncset.done $0x0;
	s16 =	sshll.u32 s15, $0xE  }
0x39: {  	[sflag:s5] =	ssyncadd.s32 $0xFFFFC000;
	s18 =	sor.u32 $0x40, s16  }
0x3a: {  	s15 =	smul.u32 $0x10200, s15;
	v0 =	vld [tilespmem:s18+$0x30]  }
0x3b: {  	v1 =	vld [tilespmem:s18+$0xFFFFFFD0]  }
0x3c: {  	s15 =	sshrl.u32 s15, $0x2;
	v5 =	vld [tilespmem:s18+$0xFFFFFFE0]  }
0x3d: {  	v6 =	vld [tilespmem:s18+$0xFFFFFFF0];
	s16 =	sor.u32 $0x8000, s15  }
0x3e: {  	s31 =	sand.u32 $0x1, s12;
	v4 =	vld [tilespmem:s18+$0x0];
	s17 =	sadd.s32 $0x0, s16  }
0x3f: {  	v3 =	vld [tilespmem:s18+$0x10];
	s15 =	smul.u32 $0x10200, s31;
	[tilespmem:s17+$0x3870 ss:$0x81] =	vst.msk $0xffff, v0  }
0x40: {  	v2 =	vld [tilespmem:s18+$0x20];
	[tilespmem:s17+$0x810 ss:$0x81] =	vst.msk $0xffff, v1  }
0x41: {  	s15 =	sshrl.u32 s15, $0x2;
	v0 =	vld [tilespmem:s18+$0xFFFFFFC0];
	[tilespmem:s17+$0x1020 ss:$0x81] =	vst.msk $0xffff, v5;
	s18 =	sadd.s32 $0x80, s18  }
0x42: {  	s19 =	simm.s32 $0x4;
	s20 =	simm.s32 $0x8;
	s15 =	sor.u32 $0x8000, s15;
	[tilespmem:s17+$0x1830 ss:$0x81] =	vst.msk $0xffff, v6;
	v1 =	vld [tilespmem:s18+$0x30]  }
.LBB1_3:
0x43: {  	p1 =	sne.s32 s20, $0x1FC;
	v5 =	vld [tilespmem:s18+$0xFFFFFFD0];
	[tilespmem:s17+$0x2040 ss:$0x81] =	vst.msk $0xffff, v4  }
0x44: {  	v6 =	vld [tilespmem:s18+$0xFFFFFFE0];
	[tilespmem:s17+$0x2850 ss:$0x81] =	vst.msk $0xffff, v3  }
0x45: {  	s21 =	sshra.s32 s19, $0x2;
	s19 =	smov.u32 s20;
	v7 =	vld [tilespmem:s18+$0xFFFFFFF0];
	[tilespmem:s17+$0x3060 ss:$0x81] =	vst.msk $0xffff, v2  }
.Ltmp3:
0x46: {  	v4 =	vld [tilespmem:s18+$0x0];
	[tilespmem:s17+$0x0 ss:$0x81] =	vst.msk $0xffff, v0;
	s17 =	sadd.s32 s21, s16;
	(pc) =	sbr.rel @p1 .LBB1_3-.Ltmp3, $4  }
0x47: {  	v3 =	vld [tilespmem:s18+$0x10];
	[tilespmem:s17+$0x3870 ss:$0x81] =	vst.msk $0xffff, v1  }
0x48: {  	[tilespmem:s17+$0x810 ss:$0x81] =	vst.msk $0xffff, v5;
	v2 =	vld [tilespmem:s18+$0x20]  }
0x49: {  	v0 =	vld [tilespmem:s18+$0xFFFFFFC0];
	[tilespmem:s17+$0x1020 ss:$0x81] =	vst.msk $0xffff, v6;
	s18 =	sadd.s32 $0x80, s18  }
0x4a: {  	s20 =	sadd.s32 $0x4, s20;
	v1 =	vld [tilespmem:s18+$0x30];
	[tilespmem:s17+$0x1830 ss:$0x81] =	vst.msk $0xffff, v7  }
.Ltmp4:
0x4b: {  	_ = 	snop;
	(pc) =	sbr.rel .LBB1_4-.Ltmp4, $1  }
0x4c: {  	_ =	sdelay $0x3  }
.LBB1_6:
0x4d: {  	_ =	sfence.sel $0x180000  }
0x4e: {  	s2 =	simm.s32 $0x1;
	[bflag:$0x0] =	sbarrier.arrive $0xFFFF  }
0x4f: {  	s31 =	simm.s32 $0x2;
	[sflag:s2] =	ssyncpa.u1 $0x1  }
0x50: {  	[sflag:s31] =	ssyncpa.u1 $0x1  }
0x51: {  	p0 =	sne.s32 s0, $0x0;
	_ =	strace $0x9000004D  }
0x52: {  	s0 =	sadd.s32 @!p0 $0x100000, s1;
	[bflag:$0x2] =	sbarrier.arrive $0xFFFF  }
0x53: {  	[sflag:s0] =	ssyncadd.tile.s32 @!p0 $0x1;
	_ =	shalt  }
.Lfunc_end1:
_tile_overlayer_lowered:
.L_overlay_start_2:
0x54: {  	(tag) =	ssettag $0x2  }
0x55: {  	s0 =	rddreg [dreg:$0x0];
	s2 =	stileid.u32  }
0x56: {  	s1 =	rddreg [dreg:$0x1];
	p0 =	sne.s32 s2, $0x0  }
0x57: {  	s3 =	rddreg [dreg:$0x2];
	[bflag:$0x3] =	sbarrier.arrive $0xFFFF;
	s2 =	simm.s32 @!p0 $0x1C01  }
0x58: {  	[timem:s3], [sflag:s2] =	dma.local @!p0 [hbm:s0], s1  }
0x59: {  	s0 =	simm.s32 @!p0 $0x1  }
0x5a: {  	_ =	swait.ge @!p0 [sflag:s0], s1  }
0x5b: {  	s1 =	ssub.s32 @!p0 $0x0, s1;
	[sflag:s0] =	ssyncset.done @!p0 $0x0  }
0x5c: {  	[sflag:s0] =	ssyncadd.s32 @!p0 s1  }
0x5d: {  	[bflag:$0x3] =	sbarrier.arrive $0xFFFF  }
0x5e: {  	_ =	shalt  }

</sc_bundles>
